<compile_context>
chip_gen: v7x
topology: tpu7x:2x2x1
jax: 0.10.2.dev20260603
libtpu: 0.0.44.dev20260713+nightly
codegen_flags: <defaults>
</compile_context>

<pallas_src>
import functools

import jax
import jax.numpy as jnp
import numpy as np
from jax import lax
from jax.experimental import pallas as pl
from jax.experimental.pallas import tpu as pltpu
from jax.experimental.pallas import tpu_sc as plsc

IMG_H = 64
IMG_W = 64
STRIDE = 16.0
MIN_SIZE = 16.0
PRE_NMS = 6000
POST_NMS = 300
NMS_THRES = 0.7
N_ANCH = 9
NPIX = IMG_H * IMG_W
NBOX = NPIX * N_ANCH
ROWS = NBOX // 128

CROWS = 48
CCAP = CROWS * 128
NMSROWS = 47
ATOTAL = CCAP + NBOX
SC_W = 18
RT = ROWS // SC_W


def _make_anchor_planes():
    xs = np.arange(0.5, IMG_W + 0.5, 1.0, dtype=np.float32)
    ys = np.arange(0.5, IMG_H + 0.5, 1.0, dtype=np.float32)
    scales = [8.0, 16.0, 32.0]
    ratios = [0.5, 1.0, 2.0]
    hw = np.array([[s * np.sqrt(r), s * (1.0 / np.sqrt(r))] for s in scales for r in ratios],
                  dtype=np.float32)
    Y = np.broadcast_to(ys[None, :, None], (IMG_W, IMG_H, N_ANCH))
    X = np.broadcast_to(xs[:, None, None], (IMG_W, IMG_H, N_ANCH))
    H = np.broadcast_to(hw[None, None, :, 0], (IMG_W, IMG_H, N_ANCH))
    W = np.broadcast_to(hw[None, None, :, 1], (IMG_W, IMG_H, N_ANCH))
    anch = np.stack([Y, X, H, W], axis=-1).reshape(-1, 4).astype(np.float32) * STRIDE
    a = anch.reshape(NPIX, N_ANCH, 4)
    ap = np.zeros((NPIX, 64), np.float32)
    for k in range(4):
        ap[:, 16 * k:16 * k + N_ANCH] = a[:, :, k]
    return ap


_AP = _make_anchor_planes()

_NEG = -3.0


def _trunk_kernel(xp_ref, wk_ref, w2_ref, b2_ref, ap_ref,
                  gam_ref, bet_ref, mu_ref, var_ref,
                  conv1_ref, r_ref):
    i = pl.program_id(0)
    acc = jnp.zeros((512, 512), jnp.float32)
    for dy in range(3):
        for dx in range(3):
            sl = xp_ref[pl.ds(8 * i + dy, 8), dx:dx + 64, :]
            sl = sl.reshape(512, 256)
            acc = acc + jnp.dot(sl, wk_ref[3 * dy + dx],
                                preferred_element_type=jnp.float32)
    c = (acc - mu_ref[...]) * jax.lax.rsqrt(var_ref[...] + 1e-5) * gam_ref[...] + bet_ref[...]
    conv1 = jnp.where(c >= 0, c, 0.1 * c)
    conv1_ref[...] = conv1
    h2 = jnp.dot(conv1, w2_ref[...], preferred_element_type=jnp.float32) + b2_ref[...]
    b_y = h2[:, 0:16]
    b_x = h2[:, 16:32]
    b_h = h2[:, 32:48]
    b_w = h2[:, 48:64]
    c0 = h2[:, 64:80]
    c1 = h2[:, 80:96]
    m = jnp.maximum(c0, c1)
    e0 = jnp.exp(c0 - m)
    e1 = jnp.exp(c1 - m)
    den = e0 + e1
    p0 = e0 / den
    p1 = e1 / den
    a_y = ap_ref[:, 0:16]
    a_x = ap_ref[:, 16:32]
    a_h = ap_ref[:, 32:48]
    a_w = ap_ref[:, 48:64]
    r_y = b_y * a_h + a_y
    r_x = b_x * a_w + a_x
    r_h = jnp.exp(b_h) * a_h
    r_w = jnp.exp(b_w) * a_w
    y1 = r_y - r_h / 2.0
    x1 = r_x - r_w / 2.0
    y2 = r_y + r_h / 2.0
    x2 = r_x + r_w / 2.0
    hi = jnp.float32(IMG_H * STRIDE)
    y1 = jnp.clip(y1, 0.0, hi)
    x1 = jnp.clip(x1, 0.0, hi)
    y2 = jnp.clip(y2, 0.0, hi)
    x2 = jnp.clip(x2, 0.0, hi)
    cy = (y1 + y2) / 2.0
    cx = (x1 + x2) / 2.0
    hh = y2 - y1
    ww = x2 - x1
    valid = (hh >= MIN_SIZE) & (ww >= MIN_SIZE)
    s = jnp.where(valid, p1, -1.0)
    Y1 = cy - hh / 2.0
    X1 = cx - ww / 2.0
    Y2 = cy + hh / 2.0
    X2 = cx + ww / 2.0
    zeros = jnp.zeros((512, 80), jnp.float32)
    r_ref[...] = jnp.concatenate(
        [b_y, b_x, b_h, b_w, p0, p1, Y1, X1, Y2, X2, s, zeros], axis=1)


def _prep_kernel(s_ref, pos_ref, meta_ref):
    s = s_ref[...]
    key = jnp.where(s > -0.5, jax.lax.bitcast_convert_type(s, jnp.int32),
                    jnp.int32(-1))
    nvalid = jnp.sum((key >= 0).astype(jnp.int32))

    def bs_body(_, lohi):
        lo, hi = lohi
        mid = lo + (hi - lo + 1) // 2
        cnt = jnp.sum((key >= mid).astype(jnp.int32))
        take = cnt >= PRE_NMS
        return (jnp.where(take, mid, lo), jnp.where(take, hi, mid - 1))

    lo, _ = jax.lax.fori_loop(0, 32, bs_body,
                              (jnp.int32(0), jnp.int32(0x7F800000)))
    teff = jnp.where(nvalid < PRE_NMS, jnp.int32(0), lo)

    keep = key >= teff
    kf = keep.astype(jnp.float32)

    rl = jax.lax.broadcasted_iota(jnp.int32, (128, 128), 0)
    cl = jax.lax.broadcasted_iota(jnp.int32, (128, 128), 1)
    U = (rl <= cl).astype(jnp.float32)
    p = jnp.dot(kf, U, preferred_element_type=jnp.float32)

    rtot = jnp.broadcast_to(p[:, 127:128], (ROWS, 128))
    ri = jax.lax.broadcasted_iota(jnp.int32, (ROWS, ROWS), 0)
    ci = jax.lax.broadcasted_iota(jnp.int32, (ROWS, ROWS), 1)
    tril = (ci < ri).astype(jnp.float32)
    base = jnp.dot(tril, rtot, preferred_element_type=jnp.float32)

    pos = (base + p - kf).astype(jnp.int32)
    pos = jnp.minimum(pos, jnp.int32(CCAP - 1))
    lin = (jax.lax.broadcasted_iota(jnp.int32, (ROWS, 128), 0) * 128
           + jax.lax.broadcasted_iota(jnp.int32, (ROWS, 128), 1))
    pos_ref[...] = jnp.where(keep, pos, jnp.int32(CCAP) + lin)
    total = jnp.sum(keep.astype(jnp.int32))
    meta_ref[...] = jnp.zeros((1, 128), jnp.int32) + total


CH = CCAP // 6


def _scatidx_kernel(pos_h, lin_h, src_h, pv, lv, sem):
    w = lax.axis_index("c") * 16 + lax.axis_index("s")

    @pl.when(w < SC_W)
    def _():
        base = w * RT
        pltpu.sync_copy(pos_h.at[pl.ds(base, RT)], pv)
        pltpu.sync_copy(lin_h.at[pl.ds(base, RT)], lv)
        cps = [pltpu.async_copy(lv.at[r], src_h.at[pv.at[r]], sem)
               for r in range(RT)]
        for c in cps:
            c.wait()


def _gather_kernel(src_h, s_h, y1_h, x1_h, y2_h, x2_h,
                   os_h, oy1_h, ox1_h, oy2_h, ox2_h, iv, gv, sem):
    w = lax.axis_index("c") * 16 + lax.axis_index("s")
    planes = ((s_h, os_h), (y1_h, oy1_h), (x1_h, ox1_h),
              (y2_h, oy2_h), (x2_h, ox2_h))
    for pi, (ih, oh) in enumerate(planes):

        @pl.when((w >= 6 * pi) & (w < 6 * pi + 6))
        def _(ih=ih, oh=oh, pi=pi):
            off = (w - 6 * pi) * CH
            pltpu.sync_copy(src_h.at[pl.ds(off, CH)], iv)
            for k in range(CH // 16):
                t = iv[pl.ds(16 * k, 16)]
                iv[pl.ds(16 * k, 16)] = jnp.minimum(
                    jnp.maximum(t, jnp.int32(0)), jnp.int32(NBOX - 1))
            pltpu.async_copy(ih.at[iv], gv, sem).wait()
            pltpu.sync_copy(gv, oh.at[pl.ds(off, CH)])


def _nms_kernel(y1_ref, x1_ref, y2_ref, x2_ref, s_ref, cnt_ref, b0_ref,
                out_ref):
    s = s_ref[...]
    y1 = y1_ref[...]
    x1 = x1_ref[...]
    y2 = y2_ref[...]
    x2 = x2_ref[...]
    area = (y2 - y1) * (x2 - x1)
    lin = (jax.lax.broadcasted_iota(jnp.int32, (NMSROWS, 128), 0) * 128
           + jax.lax.broadcasted_iota(jnp.int32, (NMSROWS, 128), 1))
    cio = jax.lax.broadcasted_iota(jnp.int32, (1, 128), 1)

    total = jnp.sum(cnt_ref[...][:, 0:1])
    active = lin < total
    ms0 = jnp.where(active, s, _NEG)

    def pickrow(ref, r, col):
        row = ref[pl.ds(r, 1), :]
        return jnp.sum(jnp.where(cio == col, row, 0.0))

    have = total > 0
    gmax = jnp.max(ms0)
    gidx = jnp.min(jnp.where(ms0 == gmax, lin, jnp.int32(2 ** 30)))
    b0y1 = jnp.sum(jnp.where(cio == 0, b0_ref[0:1, :], 0.0))
    b0x1 = jnp.sum(jnp.where(cio == 0, b0_ref[1:2, :], 0.0))
    b0y2 = jnp.sum(jnp.where(cio == 0, b0_ref[2:3, :], 0.0))
    b0x2 = jnp.sum(jnp.where(cio == 0, b0_ref[3:4, :], 0.0))

    def body(k, ms):
        mmax = jnp.max(ms)
        empty = mmax < -2.0
        idx0 = jnp.min(jnp.where(ms == mmax, lin, jnp.int32(2 ** 30)))
        idx = jnp.where(empty, gidx, idx0)
        r = idx // 128
        col = idx % 128
        y1i = jnp.where(have, pickrow(y1_ref, r, col), b0y1)
        x1i = jnp.where(have, pickrow(x1_ref, r, col), b0x1)
        y2i = jnp.where(have, pickrow(y2_ref, r, col), b0y2)
        x2i = jnp.where(have, pickrow(x2_ref, r, col), b0x2)
        ai = (y2i - y1i) * (x2i - x1i)
        yy1 = jnp.maximum(y1i, y1)
        xx1 = jnp.maximum(x1i, x1)
        yy2 = jnp.minimum(y2i, y2)
        xx2 = jnp.minimum(x2i, x2)
        inter = jnp.maximum(yy2 - yy1, 0.0) * jnp.maximum(xx2 - xx1, 0.0)
        iou = inter / (ai + area - inter + 1e-9)
        ms = jnp.where((iou <= NMS_THRES) & (lin != idx), ms, _NEG)
        outrow = jnp.where(cio == 0, y1i,
                 jnp.where(cio == 1, x1i,
                 jnp.where(cio == 2, y2i,
                 jnp.where(cio == 3, x2i, 0.0))))
        out_ref[pl.ds(k, 1), :] = outrow
        return ms

    jax.lax.fori_loop(0, POST_NMS, body, ms0)


@functools.partial(jax.jit)
def kernel(x, conv_w, bn_gamma, bn_beta, bn_mean, bn_var,
           rpn_bnd_w, rpn_bnd_b, rpn_class_w, rpn_class_b):
    f32 = jnp.float32
    xh = jnp.transpose(x[0], (1, 2, 0))
    xp = jnp.pad(xh, ((1, 1), (1, 1), (0, 0)))
    wk = jnp.transpose(conv_w, (2, 3, 1, 0)).reshape(9, 256, 512)

    wb4 = jnp.transpose(rpn_bnd_w.reshape(N_ANCH, 4, 512), (1, 0, 2))
    wc2 = jnp.transpose(rpn_class_w.reshape(N_ANCH, 2, 512), (1, 0, 2))

    def col_block(wrows):
        return jnp.pad(jnp.transpose(wrows), ((0, 0), (0, 16 - N_ANCH)))

    w2 = jnp.concatenate([col_block(wb4[0]), col_block(wb4[1]),
                          col_block(wb4[2]), col_block(wb4[3]),
                          col_block(wc2[0]), col_block(wc2[1]),
                          jnp.zeros((512, 32), f32)], axis=1)

    def bias_block(brows):
        return jnp.pad(brows, (0, 16 - N_ANCH))

    bb = jnp.transpose(rpn_bnd_b.reshape(N_ANCH, 4))
    cb = jnp.transpose(rpn_class_b.reshape(N_ANCH, 2))
    b2 = jnp.concatenate([bias_block(bb[0]), bias_block(bb[1]),
                          bias_block(bb[2]), bias_block(bb[3]),
                          bias_block(cb[0]), bias_block(cb[1]),
                          jnp.zeros((32,), f32)])[None, :]

    conv1_flat, R = pl.pallas_call(
        _trunk_kernel,
        grid=(8,),
        in_specs=[
            pl.BlockSpec((66, 66, 256), lambda i: (0, 0, 0)),
            pl.BlockSpec((9, 256, 512), lambda i: (0, 0, 0)),
            pl.BlockSpec((512, 128), lambda i: (0, 0)),
            pl.BlockSpec((1, 128), lambda i: (0, 0)),
            pl.BlockSpec((512, 64), lambda i: (i, 0)),
            pl.BlockSpec((1, 512), lambda i: (0, 0)),
            pl.BlockSpec((1, 512), lambda i: (0, 0)),
            pl.BlockSpec((1, 512), lambda i: (0, 0)),
            pl.BlockSpec((1, 512), lambda i: (0, 0)),
        ],
        out_specs=[
            pl.BlockSpec((512, 512), lambda i: (i, 0)),
            pl.BlockSpec((512, 256), lambda i: (i, 0)),
        ],
        out_shape=[
            jax.ShapeDtypeStruct((NPIX, 512), f32),
            jax.ShapeDtypeStruct((NPIX, 256), f32),
        ],
    )(xp, wk, w2, b2, jnp.asarray(_AP),
      bn_gamma[None, :], bn_beta[None, :], bn_mean[None, :], bn_var[None, :])

    conv1 = jnp.transpose(conv1_flat.reshape(IMG_H, IMG_W, 512), (2, 0, 1))[None]
    rpn_bnds = jnp.stack([R[:, 0:9], R[:, 16:25], R[:, 32:41], R[:, 48:57]],
                         axis=-1).reshape(1, NBOX, 4)
    rpn_class = jnp.stack([R[:, 64:73], R[:, 80:89]], axis=-1).reshape(1, NBOX, 2)

    def plane(lo):
        return R[:, lo:lo + 9].reshape(ROWS, 128)

    y1_pl, x1_pl, y2_pl, x2_pl, s_pl = (plane(96), plane(112), plane(128),
                                        plane(144), plane(160))

    pos, meta = pl.pallas_call(
        _prep_kernel,
        out_shape=[jax.ShapeDtypeStruct((ROWS, 128), jnp.int32),
                   jax.ShapeDtypeStruct((1, 128), jnp.int32)],
    )(s_pl)

    mesh = plsc.VectorSubcoreMesh(core_axis_name="c", subcore_axis_name="s")
    scat = pl.kernel(
        _scatidx_kernel,
        mesh=mesh,
        out_type=[jax.ShapeDtypeStruct((ATOTAL,), jnp.int32)],
        scratch_types=[pltpu.VMEM((RT, 128), jnp.int32),
                       pltpu.VMEM((RT, 128), jnp.int32),
                       pltpu.SemaphoreType.DMA],
    )
    lin_pl = jnp.arange(NBOX, dtype=jnp.int32).reshape(ROWS, 128)
    (src,) = scat(pos, lin_pl)

    gath = pl.kernel(
        _gather_kernel,
        mesh=mesh,
        out_type=[jax.ShapeDtypeStruct((CCAP,), f32)] * 5,
        scratch_types=[pltpu.VMEM((CH,), jnp.int32),
                       pltpu.VMEM((CH,), f32),
                       pltpu.SemaphoreType.DMA],
    )
    cs, cy1, cx1, cy2, cx2 = gath(src[0:CCAP], s_pl.reshape(NBOX),
                                  y1_pl.reshape(NBOX), x1_pl.reshape(NBOX),
                                  y2_pl.reshape(NBOX), x2_pl.reshape(NBOX))

    def cplane(a):
        return a[0:NMSROWS * 128].reshape(NMSROWS, 128)

    b0row = jnp.concatenate([y1_pl[0:1], x1_pl[0:1], y2_pl[0:1], x2_pl[0:1]],
                            axis=0)

    out = pl.pallas_call(
        _nms_kernel,
        out_shape=jax.ShapeDtypeStruct((POST_NMS, 128), f32),
    )(cplane(cy1), cplane(cx1), cplane(cy2), cplane(cx2), cplane(cs),
      meta, b0row)

    proposal_rois = out[:, :4]
    return (conv1, proposal_rois, rpn_bnds, rpn_class)

# --- scband reference (transcript-rebuilt; emitter-appended) ---
"""Pipeline reference for scband-rpn-network-81922206204093 (READ-ONLY COPY).

The authoritative reference and input builder live on the scoring server;
editing this copy changes nothing except your own understanding.
"""

import jax, jax.numpy as jnp
import numpy as np

IMG_H = 64
IMG_W = 64
STRIDE = 16.0
MIN_SIZE = 16.0
PRE_NMS = 6000
POST_NMS = 300
NMS_THRES = 0.7
N_ANCHORS = 9


def make_anchors():
    xs = np.arange(0.5, IMG_W + 0.5, 1.0, dtype=np.float32)
    ys = np.arange(0.5, IMG_H + 0.5, 1.0, dtype=np.float32)
    scales = [8.0, 16.0, 32.0]
    ratios = [0.5, 1.0, 2.0]
    hw = np.array([[s * np.sqrt(r), s * (1.0 / np.sqrt(r))] for s in scales for r in ratios], dtype=np.float32)
    # original loops: for x in ctr_x: for y in ctr_y: for scale: for ratio: [y, x, h, w]
    Y = np.broadcast_to(ys[None, :, None], (IMG_W, IMG_H, N_ANCHORS))
    X = np.broadcast_to(xs[:, None, None], (IMG_W, IMG_H, N_ANCHORS))
    H = np.broadcast_to(hw[None, None, :, 0], (IMG_W, IMG_H, N_ANCHORS))
    W = np.broadcast_to(hw[None, None, :, 1], (IMG_W, IMG_H, N_ANCHORS))
    anch = np.stack([Y, X, H, W], axis=-1).reshape(-1, 4).astype(np.float32) * STRIDE
    return jnp.asarray(anch)


def cxcy_to_corners(b):
    return jnp.stack([b[:, 0] - b[:, 2] / 2.0, b[:, 1] - b[:, 3] / 2.0, b[:, 0] + b[:, 2] / 2.0, b[:, 1] + b[:, 3] / 2.0], axis=1)


def corners_to_cxcy(b):
    return jnp.stack([(b[:, 0] + b[:, 2]) / 2.0, (b[:, 1] + b[:, 3]) / 2.0, b[:, 2] - b[:, 0], b[:, 3] - b[:, 1]], axis=1)


def conv2d(x, w):
    return jax.lax.conv_general_dilated(x, w, (1, 1), 'SAME', dimension_numbers=('NCHW', 'OIHW', 'NCHW'))


def nms(boxes, scores, keep, thr):
    n = boxes.shape[0]
    area = (boxes[:, 2] - boxes[:, 0]) * (boxes[:, 3] - boxes[:, 1])
    v = scores > -0.5
    sel = []
    for _ in range(keep):
        masked = jnp.where(v, scores, -jnp.inf)
        i = jnp.argmax(masked)
        sel.append(i)
        y1 = jnp.maximum(boxes[i, 0], boxes[:, 0])
        x1 = jnp.maximum(boxes[i, 1], boxes[:, 1])
        y2 = jnp.minimum(boxes[i, 2], boxes[:, 2])
        x2 = jnp.minimum(boxes[i, 3], boxes[:, 3])
        inter = jnp.maximum(y2 - y1, 0.0) * jnp.maximum(x2 - x1, 0.0)
        iou = inter / (area[i] + area - inter + 1e-9)
        v = v & (iou <= thr)
        v = v.at[i].set(False)
    return boxes[jnp.stack(sel)]


def setup_inputs(seed: int = 0):
    key = jax.random.key(seed)
    ks = jax.random.split(key, 4)
    x = jax.random.normal(ks[0], (1, 256, IMG_H, IMG_W), dtype=jnp.float32)
    conv_w = jax.random.normal(ks[1], (512, 256, 3, 3), dtype=jnp.float32) * 0.02
    bn_gamma = jnp.ones((512,), jnp.float32)
    bn_beta = jnp.zeros((512,), jnp.float32)
    bn_mean = jnp.zeros((512,), jnp.float32)
    bn_var = jnp.ones((512,), jnp.float32)
    rpn_bnd_w = jax.random.normal(ks[2], (N_ANCHORS * 4, 512, 1, 1), dtype=jnp.float32) * 0.01
    rpn_bnd_b = jnp.zeros((N_ANCHORS * 4,), jnp.float32)
    rpn_class_w = jax.random.normal(ks[3], (N_ANCHORS * 2, 512, 1, 1), dtype=jnp.float32) * 0.01
    rpn_class_b = jnp.zeros((N_ANCHORS * 2,), jnp.float32)
    return {"x": x, "conv_w": conv_w, "bn_gamma": bn_gamma, "bn_beta": bn_beta, "bn_mean": bn_mean, "bn_var": bn_var, "rpn_bnd_w": rpn_bnd_w, "rpn_bnd_b": rpn_bnd_b, "rpn_class_w": rpn_class_w, "rpn_class_b": rpn_class_b}


def reference(x, conv_w, bn_gamma, bn_beta, bn_mean, bn_var, rpn_bnd_w, rpn_bnd_b, rpn_class_w, rpn_class_b):
    anchors = make_anchors()
    c = conv2d(x, conv_w)
    c = (c - bn_mean[None, :, None, None]) * jax.lax.rsqrt(bn_var[None, :, None, None] + 1e-5) * bn_gamma[None, :, None, None] + bn_beta[None, :, None, None]
    conv1 = jnp.where(c >= 0, c, 0.1 * c)
    rpn_bnds = conv2d(conv1, rpn_bnd_w) + rpn_bnd_b[None, :, None, None]
    rpn_bnds = jnp.transpose(rpn_bnds, (0, 2, 3, 1)).reshape(1, -1, 4)
    rpn_class = conv2d(conv1, rpn_class_w) + rpn_class_b[None, :, None, None]
    rpn_class = jnp.transpose(rpn_class, (0, 2, 3, 1)).reshape(1, -1, 2)
    rpn_class = jax.nn.softmax(rpn_class, axis=2)
    obj_scores = rpn_class.reshape(1, IMG_H, IMG_W, N_ANCHORS, 2)[:, :, :, :, 1].reshape(1, -1)
    b = rpn_bnds[0]
    s = obj_scores[0]
    rois_y = b[:, 0] * anchors[:, 2] + anchors[:, 0]
    rois_x = b[:, 1] * anchors[:, 3] + anchors[:, 1]
    rois_h = jnp.exp(b[:, 2]) * anchors[:, 2]
    rois_w = jnp.exp(b[:, 3]) * anchors[:, 3]
    rois = jnp.stack([rois_y, rois_x, rois_h, rois_w], axis=1)
    rois = cxcy_to_corners(rois)
    rois = jnp.clip(rois, 0.0, IMG_H * STRIDE)
    rois = corners_to_cxcy(rois)
    valid = (rois[:, 2] >= MIN_SIZE) & (rois[:, 3] >= MIN_SIZE)
    s = jnp.where(valid, s, -1.0)
    rois = cxcy_to_corners(rois)
    order = jnp.argsort(-s)
    s = s[order][:PRE_NMS]
    rois = rois[order][:PRE_NMS]
    proposal_rois = nms(rois, s, POST_NMS, NMS_THRES)
    return (conv1, proposal_rois, rpn_bnds, rpn_class)

if __name__ == "__main__":
    import jax
    _d = setup_inputs()
    print(jax.jit(kernel)(*tuple(_d.values())))

</pallas_src>

<mosaic_0001>
#map = affine_map<(d0, d1) -> (0, 0)>
#map1 = affine_map<(d0, d1) -> (0)>
module attributes {stable_mosaic.version = 14 : i64} {
  func.func @_scatidx_kernel(%arg0: i32, %arg1: i32, %arg2: memref<288x128xi32, #tpu.memory_space<hbm>>, %arg3: memref<288x128xi32, #tpu.memory_space<hbm>>, %arg4: memref<43008xi32, #tpu.memory_space<hbm>>, %arg5: memref<16x128xi32, #tpu.memory_space<vmem>>, %arg6: memref<16x128xi32, #tpu.memory_space<vmem>>, %arg7: memref<!tpu.dma_semaphore, #tpu.memory_space<semaphore_mem>>) attributes {dimension_semantics = [#tpu.dimension_semantics<core_parallel>, #tpu.dimension_semantics<subcore_parallel>], iteration_bounds = array<i64: 2, 16>, scalar_prefetch = 0 : i64, scratch_operands = 3 : i64, tpu.core_type = #tpu.core_type<sc_vector_subcore>, window_params = [{transform_indices = #map}, {transform_indices = #map}, {transform_indices = #map1}]} {
    %mul3A = arith.constant 16 : i32
    %mul3A_0 = arith.muli %arg0, %mul3A : i32
    %add3A = arith.addi %mul3A_0, %arg1 : i32
    %lt3A = arith.constant 18 : i32
    %lt3A_1 = arith.cmpi slt, %add3A, %lt3A : i32
    %convert_element_type3A = arith.extui %lt3A_1 : i1 to i32
    %cond3A = arith.constant 0 : i32
    %cond3A_2 = arith.cmpi ne, %convert_element_type3A, %cond3A : i32
    scf.if %cond3A_2 {
      %mul3A_3 = arith.constant 16 : i32
      %mul3A_4 = arith.muli %add3A, %mul3A_3 : i32
      "tpu.region"() ({
        %run_scoped3A = tpu.sem_alloc : memref<!tpu.dma_semaphore, #tpu.memory_space<semaphore_mem>>
        %dma_start3A_323 = arith.constant 0 : i32
        %dma_start3A_324 = tpu.memref_slice %arg2[%mul3A_4, %dma_start3A_323] : memref<288x128xi32, #tpu.memory_space<hbm>> -> memref<16x128xi32, #tpu.memory_space<hbm>>
        %dma_start3A_325 = arith.constant 0 : i32
        %dma_start3A_326 = tpu.memref_slice %arg2[%mul3A_4, %dma_start3A_325] : memref<288x128xi32, #tpu.memory_space<hbm>> -> memref<16x128xi32, #tpu.memory_space<hbm>>
        tpu.enqueue_dma source(%dma_start3A_326 : memref<16x128xi32, #tpu.memory_space<hbm>>) target(%arg5 : memref<16x128xi32, #tpu.memory_space<vmem>>) target_semaphore(%run_scoped3A : memref<!tpu.dma_semaphore, #tpu.memory_space<semaphore_mem>>)
        %dma_wait3A_327 = arith.constant 0 : i32
        %dma_wait3A_328 = tpu.memref_slice %arg2[%mul3A_4, %dma_wait3A_327] : memref<288x128xi32, #tpu.memory_space<hbm>> -> memref<16x128xi32, #tpu.memory_space<hbm>>
        %dma_wait3A_329 = arith.constant 0 : i32
        %dma_wait3A_330 = tpu.memref_slice %arg2[%mul3A_4, %dma_wait3A_329] : memref<288x128xi32, #tpu.memory_space<hbm>> -> memref<16x128xi32, #tpu.memory_space<hbm>>
        tpu.wait_dma2 semaphore(%run_scoped3A : memref<!tpu.dma_semaphore, #tpu.memory_space<semaphore_mem>>) src(%dma_wait3A_330 : memref<16x128xi32, #tpu.memory_space<hbm>>) dst(%arg5 : memref<16x128xi32, #tpu.memory_space<vmem>>)
        tpu.yield
      }) : () -> ()
      "tpu.region"() ({
        %run_scoped3A = tpu.sem_alloc : memref<!tpu.dma_semaphore, #tpu.memory_space<semaphore_mem>>
        %dma_start3A_323 = arith.constant 0 : i32
        %dma_start3A_324 = tpu.memref_slice %arg3[%mul3A_4, %dma_start3A_323] : memref<288x128xi32, #tpu.memory_space<hbm>> -> memref<16x128xi32, #tpu.memory_space<hbm>>
        %dma_start3A_325 = arith.constant 0 : i32
        %dma_start3A_326 = tpu.memref_slice %arg3[%mul3A_4, %dma_start3A_325] : memref<288x128xi32, #tpu.memory_space<hbm>> -> memref<16x128xi32, #tpu.memory_space<hbm>>
        tpu.enqueue_dma source(%dma_start3A_326 : memref<16x128xi32, #tpu.memory_space<hbm>>) target(%arg6 : memref<16x128xi32, #tpu.memory_space<vmem>>) target_semaphore(%run_scoped3A : memref<!tpu.dma_semaphore, #tpu.memory_space<semaphore_mem>>)
        %dma_wait3A_327 = arith.constant 0 : i32
        %dma_wait3A_328 = tpu.memref_slice %arg3[%mul3A_4, %dma_wait3A_327] : memref<288x128xi32, #tpu.memory_space<hbm>> -> memref<16x128xi32, #tpu.memory_space<hbm>>
        %dma_wait3A_329 = arith.constant 0 : i32
        %dma_wait3A_330 = tpu.memref_slice %arg3[%mul3A_4, %dma_wait3A_329] : memref<288x128xi32, #tpu.memory_space<hbm>> -> memref<16x128xi32, #tpu.memory_space<hbm>>
        tpu.wait_dma2 semaphore(%run_scoped3A : memref<!tpu.dma_semaphore, #tpu.memory_space<semaphore_mem>>) src(%dma_wait3A_330 : memref<16x128xi32, #tpu.memory_space<hbm>>) dst(%arg6 : memref<16x128xi32, #tpu.memory_space<vmem>>)
        tpu.yield
      }) : () -> ()
      %dma_start3A = arith.constant 0 : i32
      %dma_start3A_5 = arith.constant 0 : i32
      %dma_start3A_6 = arith.constant 0 : i32
      %dma_start3A_7 = tpu.memref_slice %arg6[%dma_start3A, %dma_start3A_6] : memref<16x128xi32, #tpu.memory_space<vmem>> -> memref<1x128xi32, #tpu.memory_space<vmem>>
      %dma_start3A_8 = tpu.memref_squeeze %dma_start3A_7 : memref<1x128xi32, #tpu.memory_space<vmem>> -> memref<128xi32, #tpu.memory_space<vmem>>
      %dma_start3A_9 = arith.constant 0 : i32
      %dma_start3A_10 = tpu.memref_slice %arg5[%dma_start3A_5, %dma_start3A_9] : memref<16x128xi32, #tpu.memory_space<vmem>> -> memref<1x128xi32, #tpu.memory_space<vmem>>
      %dma_start3A_11 = tpu.memref_squeeze %dma_start3A_10 : memref<1x128xi32, #tpu.memory_space<vmem>> -> memref<128xi32, #tpu.memory_space<vmem>>
      %dma_start3A_12 = arith.constant 0 : i32
      %dma_start3A_13 = tpu.memref_slice %arg4[%dma_start3A_12] : memref<43008xi32, #tpu.memory_space<hbm>> -> memref<43008xi32, #tpu.memory_space<hbm>>
      tpu.enqueue_indirect_dma source(%dma_start3A_8 : memref<128xi32, #tpu.memory_space<vmem>>) target(%dma_start3A_13 : memref<43008xi32, #tpu.memory_space<hbm>>) offsets(%dma_start3A_11 : memref<128xi32, #tpu.memory_space<vmem>>) semaphore(%arg7 : memref<!tpu.dma_semaphore, #tpu.memory_space<semaphore_mem>>)
      %dma_start3A_14 = arith.constant 1 : i32
      %dma_start3A_15 = arith.constant 1 : i32
      %dma_start3A_16 = arith.constant 0 : i32
      %dma_start3A_17 = tpu.memref_slice %arg6[%dma_start3A_14, %dma_start3A_16] : memref<16x128xi32, #tpu.memory_space<vmem>> -> memref<1x128xi32, #tpu.memory_space<vmem>>
      %dma_start3A_18 = tpu.memref_squeeze %dma_start3A_17 : memref<1x128xi32, #tpu.memory_space<vmem>> -> memref<128xi32, #tpu.memory_space<vmem>>
      %dma_start3A_19 = arith.constant 0 : i32
      %dma_start3A_20 = tpu.memref_slice %arg5[%dma_start3A_15, %dma_start3A_19] : memref<16x128xi32, #tpu.memory_space<vmem>> -> memref<1x128xi32, #tpu.memory_space<vmem>>
      %dma_start3A_21 = tpu.memref_squeeze %dma_start3A_20 : memref<1x128xi32, #tpu.memory_space<vmem>> -> memref<128xi32, #tpu.memory_space<vmem>>
      %dma_start3A_22 = arith.constant 0 : i32
      %dma_start3A_23 = tpu.memref_slice %arg4[%dma_start3A_22] : memref<43008xi32, #tpu.memory_space<hbm>> -> memref<43008xi32, #tpu.memory_space<hbm>>
      tpu.enqueue_indirect_dma source(%dma_start3A_18 : memref<128xi32, #tpu.memory_space<vmem>>) target(%dma_start3A_23 : memref<43008xi32, #tpu.memory_space<hbm>>) offsets(%dma_start3A_21 : memref<128xi32, #tpu.memory_space<vmem>>) semaphore(%arg7 : memref<!tpu.dma_semaphore, #tpu.memory_space<semaphore_mem>>)
      %dma_start3A_24 = arith.constant 2 : i32
      %dma_start3A_25 = arith.constant 2 : i32
      %dma_start3A_26 = arith.constant 0 : i32
      %dma_start3A_27 = tpu.memref_slice %arg6[%dma_start3A_24, %dma_start3A_26] : memref<16x128xi32, #tpu.memory_space<vmem>> -> memref<1x128xi32, #tpu.memory_space<vmem>>
      %dma_start3A_28 = tpu.memref_squeeze %dma_start3A_27 : memref<1x128xi32, #tpu.memory_space<vmem>> -> memref<128xi32, #tpu.memory_space<vmem>>
      %dma_start3A_29 = arith.constant 0 : i32
      %dma_start3A_30 = tpu.memref_slice %arg5[%dma_start3A_25, %dma_start3A_29] : memref<16x128xi32, #tpu.memory_space<vmem>> -> memref<1x128xi32, #tpu.memory_space<vmem>>
      %dma_start3A_31 = tpu.memref_squeeze %dma_start3A_30 : memref<1x128xi32, #tpu.memory_space<vmem>> -> memref<128xi32, #tpu.memory_space<vmem>>
      %dma_start3A_32 = arith.constant 0 : i32
      %dma_start3A_33 = tpu.memref_slice %arg4[%dma_start3A_32] : memref<43008xi32, #tpu.memory_space<hbm>> -> memref<43008xi32, #tpu.memory_space<hbm>>
      tpu.enqueue_indirect_dma source(%dma_start3A_28 : memref<128xi32, #tpu.memory_space<vmem>>) target(%dma_start3A_33 : memref<43008xi32, #tpu.memory_space<hbm>>) offsets(%dma_start3A_31 : memref<128xi32, #tpu.memory_space<vmem>>) semaphore(%arg7 : memref<!tpu.dma_semaphore, #tpu.memory_space<semaphore_mem>>)
      %dma_start3A_34 = arith.constant 3 : i32
      %dma_start3A_35 = arith.constant 3 : i32
      %dma_start3A_36 = arith.constant 0 : i32
      %dma_start3A_37 = tpu.memref_slice %arg6[%dma_start3A_34, %dma_start3A_36] : memref<16x128xi32, #tpu.memory_space<vmem>> -> memref<1x128xi32, #tpu.memory_space<vmem>>
      %dma_start3A_38 = tpu.memref_squeeze %dma_start3A_37 : memref<1x128xi32, #tpu.memory_space<vmem>> -> memref<128xi32, #tpu.memory_space<vmem>>
      %dma_start3A_39 = arith.constant 0 : i32
      %dma_start3A_40 = tpu.memref_slice %arg5[%dma_start3A_35, %dma_start3A_39] : memref<16x128xi32, #tpu.memory_space<vmem>> -> memref<1x128xi32, #tpu.memory_space<vmem>>
      %dma_start3A_41 = tpu.memref_squeeze %dma_start3A_40 : memref<1x128xi32, #tpu.memory_space<vmem>> -> memref<128xi32, #tpu.memory_space<vmem>>
      %dma_start3A_42 = arith.constant 0 : i32
      %dma_start3A_43 = tpu.memref_slice %arg4[%dma_start3A_42] : memref<43008xi32, #tpu.memory_space<hbm>> -> memref<43008xi32, #tpu.memory_space<hbm>>
      tpu.enqueue_indirect_dma source(%dma_start3A_38 : memref<128xi32, #tpu.memory_space<vmem>>) target(%dma_start3A_43 : memref<43008xi32, #tpu.memory_space<hbm>>) offsets(%dma_start3A_41 : memref<128xi32, #tpu.memory_space<vmem>>) semaphore(%arg7 : memref<!tpu.dma_semaphore, #tpu.memory_space<semaphore_mem>>)
      %dma_start3A_44 = arith.constant 4 : i32
      %dma_start3A_45 = arith.constant 4 : i32
      %dma_start3A_46 = arith.constant 0 : i32
      %dma_start3A_47 = tpu.memref_slice %arg6[%dma_start3A_44, %dma_start3A_46] : memref<16x128xi32, #tpu.memory_space<vmem>> -> memref<1x128xi32, #tpu.memory_space<vmem>>
      %dma_start3A_48 = tpu.memref_squeeze %dma_start3A_47 : memref<1x128xi32, #tpu.memory_space<vmem>> -> memref<128xi32, #tpu.memory_space<vmem>>
      %dma_start3A_49 = arith.constant 0 : i32
      %dma_start3A_50 = tpu.memref_slice %arg5[%dma_start3A_45, %dma_start3A_49] : memref<16x128xi32, #tpu.memory_space<vmem>> -> memref<1x128xi32, #tpu.memory_space<vmem>>
      %dma_start3A_51 = tpu.memref_squeeze %dma_start3A_50 : memref<1x128xi32, #tpu.memory_space<vmem>> -> memref<128xi32, #tpu.memory_space<vmem>>
      %dma_start3A_52 = arith.constant 0 : i32
      %dma_start3A_53 = tpu.memref_slice %arg4[%dma_start3A_52] : memref<43008xi32, #tpu.memory_space<hbm>> -> memref<43008xi32, #tpu.memory_space<hbm>>
      tpu.enqueue_indirect_dma source(%dma_start3A_48 : memref<128xi32, #tpu.memory_space<vmem>>) target(%dma_start3A_53 : memref<43008xi32, #tpu.memory_space<hbm>>) offsets(%dma_start3A_51 : memref<128xi32, #tpu.memory_space<vmem>>) semaphore(%arg7 : memref<!tpu.dma_semaphore, #tpu.memory_space<semaphore_mem>>)
      %dma_start3A_54 = arith.constant 5 : i32
      %dma_start3A_55 = arith.constant 5 : i32
      %dma_start3A_56 = arith.constant 0 : i32
      %dma_start3A_57 = tpu.memref_slice %arg6[%dma_start3A_54, %dma_start3A_56] : memref<16x128xi32, #tpu.memory_space<vmem>> -> memref<1x128xi32, #tpu.memory_space<vmem>>
      %dma_start3A_58 = tpu.memref_squeeze %dma_start3A_57 : memref<1x128xi32, #tpu.memory_space<vmem>> -> memref<128xi32, #tpu.memory_space<vmem>>
      %dma_start3A_59 = arith.constant 0 : i32
      %dma_start3A_60 = tpu.memref_slice %arg5[%dma_start3A_55, %dma_start3A_59] : memref<16x128xi32, #tpu.memory_space<vmem>> -> memref<1x128xi32, #tpu.memory_space<vmem>>
      %dma_start3A_61 = tpu.memref_squeeze %dma_start3A_60 : memref<1x128xi32, #tpu.memory_space<vmem>> -> memref<128xi32, #tpu.memory_space<vmem>>
      %dma_start3A_62 = arith.constant 0 : i32
      %dma_start3A_63 = tpu.memref_slice %arg4[%dma_start3A_62] : memref<43008xi32, #tpu.memory_space<hbm>> -> memref<43008xi32, #tpu.memory_space<hbm>>
      tpu.enqueue_indirect_dma source(%dma_start3A_58 : memref<128xi32, #tpu.memory_space<vmem>>) target(%dma_start3A_63 : memref<43008xi32, #tpu.memory_space<hbm>>) offsets(%dma_start3A_61 : memref<128xi32, #tpu.memory_space<vmem>>) semaphore(%arg7 : memref<!tpu.dma_semaphore, #tpu.memory_space<semaphore_mem>>)
      %dma_start3A_64 = arith.constant 6 : i32
      %dma_start3A_65 = arith.constant 6 : i32
      %dma_start3A_66 = arith.constant 0 : i32
      %dma_start3A_67 = tpu.memref_slice %arg6[%dma_start3A_64, %dma_start3A_66] : memref<16x128xi32, #tpu.memory_space<vmem>> -> memref<1x128xi32, #tpu.memory_space<vmem>>
      %dma_start3A_68 = tpu.memref_squeeze %dma_start3A_67 : memref<1x128xi32, #tpu.memory_space<vmem>> -> memref<128xi32, #tpu.memory_space<vmem>>
      %dma_start3A_69 = arith.constant 0 : i32
      %dma_start3A_70 = tpu.memref_slice %arg5[%dma_start3A_65, %dma_start3A_69] : memref<16x128xi32, #tpu.memory_space<vmem>> -> memref<1x128xi32, #tpu.memory_space<vmem>>
      %dma_start3A_71 = tpu.memref_squeeze %dma_start3A_70 : memref<1x128xi32, #tpu.memory_space<vmem>> -> memref<128xi32, #tpu.memory_space<vmem>>
      %dma_start3A_72 = arith.constant 0 : i32
      %dma_start3A_73 = tpu.memref_slice %arg4[%dma_start3A_72] : memref<43008xi32, #tpu.memory_space<hbm>> -> memref<43008xi32, #tpu.memory_space<hbm>>
      tpu.enqueue_indirect_dma source(%dma_start3A_68 : memref<128xi32, #tpu.memory_space<vmem>>) target(%dma_start3A_73 : memref<43008xi32, #tpu.memory_space<hbm>>) offsets(%dma_start3A_71 : memref<128xi32, #tpu.memory_space<vmem>>) semaphore(%arg7 : memref<!tpu.dma_semaphore, #tpu.memory_space<semaphore_mem>>)
      %dma_start3A_74 = arith.constant 7 : i32
      %dma_start3A_75 = arith.constant 7 : i32
      %dma_start3A_76 = arith.constant 0 : i32
      %dma_start3A_77 = tpu.memref_slice %arg6[%dma_start3A_74, %dma_start3A_76] : memref<16x128xi32, #tpu.memory_space<vmem>> -> memref<1x128xi32, #tpu.memory_space<vmem>>
      %dma_start3A_78 = tpu.memref_squeeze %dma_start3A_77 : memref<1x128xi32, #tpu.memory_space<vmem>> -> memref<128xi32, #tpu.memory_space<vmem>>
      %dma_start3A_79 = arith.constant 0 : i32
      %dma_start3A_80 = tpu.memref_slice %arg5[%dma_start3A_75, %dma_start3A_79] : memref<16x128xi32, #tpu.memory_space<vmem>> -> memref<1x128xi32, #tpu.memory_space<vmem>>
      %dma_start3A_81 = tpu.memref_squeeze %dma_start3A_80 : memref<1x128xi32, #tpu.memory_space<vmem>> -> memref<128xi32, #tpu.memory_space<vmem>>
      %dma_start3A_82 = arith.constant 0 : i32
      %dma_start3A_83 = tpu.memref_slice %arg4[%dma_start3A_82] : memref<43008xi32, #tpu.memory_space<hbm>> -> memref<43008xi32, #tpu.memory_space<hbm>>
      tpu.enqueue_indirect_dma source(%dma_start3A_78 : memref<128xi32, #tpu.memory_space<vmem>>) target(%dma_start3A_83 : memref<43008xi32, #tpu.memory_space<hbm>>) offsets(%dma_start3A_81 : memref<128xi32, #tpu.memory_space<vmem>>) semaphore(%arg7 : memref<!tpu.dma_semaphore, #tpu.memory_space<semaphore_mem>>)
      %dma_start3A_84 = arith.constant 8 : i32
      %dma_start3A_85 = arith.constant 8 : i32
      %dma_start3A_86 = arith.constant 0 : i32
      %dma_start3A_87 = tpu.memref_slice %arg6[%dma_start3A_84, %dma_start3A_86] : memref<16x128xi32, #tpu.memory_space<vmem>> -> memref<1x128xi32, #tpu.memory_space<vmem>>
      %dma_start3A_88 = tpu.memref_squeeze %dma_start3A_87 : memref<1x128xi32, #tpu.memory_space<vmem>> -> memref<128xi32, #tpu.memory_space<vmem>>
      %dma_start3A_89 = arith.constant 0 : i32
      %dma_start3A_90 = tpu.memref_slice %arg5[%dma_start3A_85, %dma_start3A_89] : memref<16x128xi32, #tpu.memory_space<vmem>> -> memref<1x128xi32, #tpu.memory_space<vmem>>
      %dma_start3A_91 = tpu.memref_squeeze %dma_start3A_90 : memref<1x128xi32, #tpu.memory_space<vmem>> -> memref<128xi32, #tpu.memory_space<vmem>>
      %dma_start3A_92 = arith.constant 0 : i32
      %dma_start3A_93 = tpu.memref_slice %arg4[%dma_start3A_92] : memref<43008xi32, #tpu.memory_space<hbm>> -> memref<43008xi32, #tpu.memory_space<hbm>>
      tpu.enqueue_indirect_dma source(%dma_start3A_88 : memref<128xi32, #tpu.memory_space<vmem>>) target(%dma_start3A_93 : memref<43008xi32, #tpu.memory_space<hbm>>) offsets(%dma_start3A_91 : memref<128xi32, #tpu.memory_space<vmem>>) semaphore(%arg7 : memref<!tpu.dma_semaphore, #tpu.memory_space<semaphore_mem>>)
      %dma_start3A_94 = arith.constant 9 : i32
      %dma_start3A_95 = arith.constant 9 : i32
      %dma_start3A_96 = arith.constant 0 : i32
      %dma_start3A_97 = tpu.memref_slice %arg6[%dma_start3A_94, %dma_start3A_96] : memref<16x128xi32, #tpu.memory_space<vmem>> -> memref<1x128xi32, #tpu.memory_space<vmem>>
      %dma_start3A_98 = tpu.memref_squeeze %dma_start3A_97 : memref<1x128xi32, #tpu.memory_space<vmem>> -> memref<128xi32, #tpu.memory_space<vmem>>
      %dma_start3A_99 = arith.constant 0 : i32
      %dma_start3A_100 = tpu.memref_slice %arg5[%dma_start3A_95, %dma_start3A_99] : memref<16x128xi32, #tpu.memory_space<vmem>> -> memref<1x128xi32, #tpu.memory_space<vmem>>
      %dma_start3A_101 = tpu.memref_squeeze %dma_start3A_100 : memref<1x128xi32, #tpu.memory_space<vmem>> -> memref<128xi32, #tpu.memory_space<vmem>>
      %dma_start3A_102 = arith.constant 0 : i32
      %dma_start3A_103 = tpu.memref_slice %arg4[%dma_start3A_102] : memref<43008xi32, #tpu.memory_space<hbm>> -> memref<43008xi32, #tpu.memory_space<hbm>>
      tpu.enqueue_indirect_dma source(%dma_start3A_98 : memref<128xi32, #tpu.memory_space<vmem>>) target(%dma_start3A_103 : memref<43008xi32, #tpu.memory_space<hbm>>) offsets(%dma_start3A_101 : memref<128xi32, #tpu.memory_space<vmem>>) semaphore(%arg7 : memref<!tpu.dma_semaphore, #tpu.memory_space<semaphore_mem>>)
      %dma_start3A_104 = arith.constant 10 : i32
      %dma_start3A_105 = arith.constant 10 : i32
      %dma_start3A_106 = arith.constant 0 : i32
      %dma_start3A_107 = tpu.memref_slice %arg6[%dma_start3A_104, %dma_start3A_106] : memref<16x128xi32, #tpu.memory_space<vmem>> -> memref<1x128xi32, #tpu.memory_space<vmem>>
      %dma_start3A_108 = tpu.memref_squeeze %dma_start3A_107 : memref<1x128xi32, #tpu.memory_space<vmem>> -> memref<128xi32, #tpu.memory_space<vmem>>
      %dma_start3A_109 = arith.constant 0 : i32
      %dma_start3A_110 = tpu.memref_slice %arg5[%dma_start3A_105, %dma_start3A_109] : memref<16x128xi32, #tpu.memory_space<vmem>> -> memref<1x128xi32, #tpu.memory_space<vmem>>
      %dma_start3A_111 = tpu.memref_squeeze %dma_start3A_110 : memref<1x128xi32, #tpu.memory_space<vmem>> -> memref<128xi32, #tpu.memory_space<vmem>>
      %dma_start3A_112 = arith.constant 0 : i32
      %dma_start3A_113 = tpu.memref_slice %arg4[%dma_start3A_112] : memref<43008xi32, #tpu.memory_space<hbm>> -> memref<43008xi32, #tpu.memory_space<hbm>>
      tpu.enqueue_indirect_dma source(%dma_start3A_108 : memref<128xi32, #tpu.memory_space<vmem>>) target(%dma_start3A_113 : memref<43008xi32, #tpu.memory_space<hbm>>) offsets(%dma_start3A_111 : memref<128xi32, #tpu.memory_space<vmem>>) semaphore(%arg7 : memref<!tpu.dma_semaphore, #tpu.memory_space<semaphore_mem>>)
      %dma_start3A_114 = arith.constant 11 : i32
      %dma_start3A_115 = arith.constant 11 : i32
      %dma_start3A_116 = arith.constant 0 : i32
      %dma_start3A_117 = tpu.memref_slice %arg6[%dma_start3A_114, %dma_start3A_116] : memref<16x128xi32, #tpu.memory_space<vmem>> -> memref<1x128xi32, #tpu.memory_space<vmem>>
      %dma_start3A_118 = tpu.memref_squeeze %dma_start3A_117 : memref<1x128xi32, #tpu.memory_space<vmem>> -> memref<128xi32, #tpu.memory_space<vmem>>
      %dma_start3A_119 = arith.constant 0 : i32
      %dma_start3A_120 = tpu.memref_slice %arg5[%dma_start3A_115, %dma_start3A_119] : memref<16x128xi32, #tpu.memory_space<vmem>> -> memref<1x128xi32, #tpu.memory_space<vmem>>
      %dma_start3A_121 = tpu.memref_squeeze %dma_start3A_120 : memref<1x128xi32, #tpu.memory_space<vmem>> -> memref<128xi32, #tpu.memory_space<vmem>>
      %dma_start3A_122 = arith.constant 0 : i32
      %dma_start3A_123 = tpu.memref_slice %arg4[%dma_start3A_122] : memref<43008xi32, #tpu.memory_space<hbm>> -> memref<43008xi32, #tpu.memory_space<hbm>>
      tpu.enqueue_indirect_dma source(%dma_start3A_118 : memref<128xi32, #tpu.memory_space<vmem>>) target(%dma_start3A_123 : memref<43008xi32, #tpu.memory_space<hbm>>) offsets(%dma_start3A_121 : memref<128xi32, #tpu.memory_space<vmem>>) semaphore(%arg7 : memref<!tpu.dma_semaphore, #tpu.memory_space<semaphore_mem>>)
      %dma_start3A_124 = arith.constant 12 : i32
      %dma_start3A_125 = arith.constant 12 : i32
      %dma_start3A_126 = arith.constant 0 : i32
      %dma_start3A_127 = tpu.memref_slice %arg6[%dma_start3A_124, %dma_start3A_126] : memref<16x128xi32, #tpu.memory_space<vmem>> -> memref<1x128xi32, #tpu.memory_space<vmem>>
      %dma_start3A_128 = tpu.memref_squeeze %dma_start3A_127 : memref<1x128xi32, #tpu.memory_space<vmem>> -> memref<128xi32, #tpu.memory_space<vmem>>
      %dma_start3A_129 = arith.constant 0 : i32
      %dma_start3A_130 = tpu.memref_slice %arg5[%dma_start3A_125, %dma_start3A_129] : memref<16x128xi32, #tpu.memory_space<vmem>> -> memref<1x128xi32, #tpu.memory_space<vmem>>
      %dma_start3A_131 = tpu.memref_squeeze %dma_start3A_130 : memref<1x128xi32, #tpu.memory_space<vmem>> -> memref<128xi32, #tpu.memory_space<vmem>>
      %dma_start3A_132 = arith.constant 0 : i32
      %dma_start3A_133 = tpu.memref_slice %arg4[%dma_start3A_132] : memref<43008xi32, #tpu.memory_space<hbm>> -> memref<43008xi32, #tpu.memory_space<hbm>>
      tpu.enqueue_indirect_dma source(%dma_start3A_128 : memref<128xi32, #tpu.memory_space<vmem>>) target(%dma_start3A_133 : memref<43008xi32, #tpu.memory_space<hbm>>) offsets(%dma_start3A_131 : memref<128xi32, #tpu.memory_space<vmem>>) semaphore(%arg7 : memref<!tpu.dma_semaphore, #tpu.memory_space<semaphore_mem>>)
      %dma_start3A_134 = arith.constant 13 : i32
      %dma_start3A_135 = arith.constant 13 : i32
      %dma_start3A_136 = arith.constant 0 : i32
      %dma_start3A_137 = tpu.memref_slice %arg6[%dma_start3A_134, %dma_start3A_136] : memref<16x128xi32, #tpu.memory_space<vmem>> -> memref<1x128xi32, #tpu.memory_space<vmem>>
      %dma_start3A_138 = tpu.memref_squeeze %dma_start3A_137 : memref<1x128xi32, #tpu.memory_space<vmem>> -> memref<128xi32, #tpu.memory_space<vmem>>
      %dma_start3A_139 = arith.constant 0 : i32
      %dma_start3A_140 = tpu.memref_slice %arg5[%dma_start3A_135, %dma_start3A_139] : memref<16x128xi32, #tpu.memory_space<vmem>> -> memref<1x128xi32, #tpu.memory_space<vmem>>
      %dma_start3A_141 = tpu.memref_squeeze %dma_start3A_140 : memref<1x128xi32, #tpu.memory_space<vmem>> -> memref<128xi32, #tpu.memory_space<vmem>>
      %dma_start3A_142 = arith.constant 0 : i32
      %dma_start3A_143 = tpu.memref_slice %arg4[%dma_start3A_142] : memref<43008xi32, #tpu.memory_space<hbm>> -> memref<43008xi32, #tpu.memory_space<hbm>>
      tpu.enqueue_indirect_dma source(%dma_start3A_138 : memref<128xi32, #tpu.memory_space<vmem>>) target(%dma_start3A_143 : memref<43008xi32, #tpu.memory_space<hbm>>) offsets(%dma_start3A_141 : memref<128xi32, #tpu.memory_space<vmem>>) semaphore(%arg7 : memref<!tpu.dma_semaphore, #tpu.memory_space<semaphore_mem>>)
      %dma_start3A_144 = arith.constant 14 : i32
      %dma_start3A_145 = arith.constant 14 : i32
      %dma_start3A_146 = arith.constant 0 : i32
      %dma_start3A_147 = tpu.memref_slice %arg6[%dma_start3A_144, %dma_start3A_146] : memref<16x128xi32, #tpu.memory_space<vmem>> -> memref<1x128xi32, #tpu.memory_space<vmem>>
      %dma_start3A_148 = tpu.memref_squeeze %dma_start3A_147 : memref<1x128xi32, #tpu.memory_space<vmem>> -> memref<128xi32, #tpu.memory_space<vmem>>
      %dma_start3A_149 = arith.constant 0 : i32
      %dma_start3A_150 = tpu.memref_slice %arg5[%dma_start3A_145, %dma_start3A_149] : memref<16x128xi32, #tpu.memory_space<vmem>> -> memref<1x128xi32, #tpu.memory_space<vmem>>
      %dma_start3A_151 = tpu.memref_squeeze %dma_start3A_150 : memref<1x128xi32, #tpu.memory_space<vmem>> -> memref<128xi32, #tpu.memory_space<vmem>>
      %dma_start3A_152 = arith.constant 0 : i32
      %dma_start3A_153 = tpu.memref_slice %arg4[%dma_start3A_152] : memref<43008xi32, #tpu.memory_space<hbm>> -> memref<43008xi32, #tpu.memory_space<hbm>>
      tpu.enqueue_indirect_dma source(%dma_start3A_148 : memref<128xi32, #tpu.memory_space<vmem>>) target(%dma_start3A_153 : memref<43008xi32, #tpu.memory_space<hbm>>) offsets(%dma_start3A_151 : memref<128xi32, #tpu.memory_space<vmem>>) semaphore(%arg7 : memref<!tpu.dma_semaphore, #tpu.memory_space<semaphore_mem>>)
      %dma_start3A_154 = arith.constant 15 : i32
      %dma_start3A_155 = arith.constant 15 : i32
      %dma_start3A_156 = arith.constant 0 : i32
      %dma_start3A_157 = tpu.memref_slice %arg6[%dma_start3A_154, %dma_start3A_156] : memref<16x128xi32, #tpu.memory_space<vmem>> -> memref<1x128xi32, #tpu.memory_space<vmem>>
      %dma_start3A_158 = tpu.memref_squeeze %dma_start3A_157 : memref<1x128xi32, #tpu.memory_space<vmem>> -> memref<128xi32, #tpu.memory_space<vmem>>
      %dma_start3A_159 = arith.constant 0 : i32
      %dma_start3A_160 = tpu.memref_slice %arg5[%dma_start3A_155, %dma_start3A_159] : memref<16x128xi32, #tpu.memory_space<vmem>> -> memref<1x128xi32, #tpu.memory_space<vmem>>
      %dma_start3A_161 = tpu.memref_squeeze %dma_start3A_160 : memref<1x128xi32, #tpu.memory_space<vmem>> -> memref<128xi32, #tpu.memory_space<vmem>>
      %dma_start3A_162 = arith.constant 0 : i32
      %dma_start3A_163 = tpu.memref_slice %arg4[%dma_start3A_162] : memref<43008xi32, #tpu.memory_space<hbm>> -> memref<43008xi32, #tpu.memory_space<hbm>>
      tpu.enqueue_indirect_dma source(%dma_start3A_158 : memref<128xi32, #tpu.memory_space<vmem>>) target(%dma_start3A_163 : memref<43008xi32, #tpu.memory_space<hbm>>) offsets(%dma_start3A_161 : memref<128xi32, #tpu.memory_space<vmem>>) semaphore(%arg7 : memref<!tpu.dma_semaphore, #tpu.memory_space<semaphore_mem>>)
      %dma_wait3A = arith.constant 0 : i32
      %dma_wait3A_164 = arith.constant 0 : i32
      %dma_wait3A_165 = arith.constant 0 : i32
      %dma_wait3A_166 = tpu.memref_slice %arg6[%dma_wait3A, %dma_wait3A_165] : memref<16x128xi32, #tpu.memory_space<vmem>> -> memref<1x128xi32, #tpu.memory_space<vmem>>
      %dma_wait3A_167 = tpu.memref_squeeze %dma_wait3A_166 : memref<1x128xi32, #tpu.memory_space<vmem>> -> memref<128xi32, #tpu.memory_space<vmem>>
      %dma_wait3A_168 = arith.constant 0 : i32
      %dma_wait3A_169 = tpu.memref_slice %arg5[%dma_wait3A_164, %dma_wait3A_168] : memref<16x128xi32, #tpu.memory_space<vmem>> -> memref<1x128xi32, #tpu.memory_space<vmem>>
      %dma_wait3A_170 = tpu.memref_squeeze %dma_wait3A_169 : memref<1x128xi32, #tpu.memory_space<vmem>> -> memref<128xi32, #tpu.memory_space<vmem>>
      %dma_wait3A_171 = arith.constant 0 : i32
      %dma_wait3A_172 = tpu.memref_slice %arg4[%dma_wait3A_171] : memref<43008xi32, #tpu.memory_space<hbm>> -> memref<43008xi32, #tpu.memory_space<hbm>>
      tpu.wait_indirect_dma semaphore(%arg7 : memref<!tpu.dma_semaphore, #tpu.memory_space<semaphore_mem>>) src(%dma_wait3A_167 : memref<128xi32, #tpu.memory_space<vmem>>) dst(%dma_wait3A_172 : memref<43008xi32, #tpu.memory_space<hbm>>)
      %dma_wait3A_173 = arith.constant 1 : i32
      %dma_wait3A_174 = arith.constant 1 : i32
      %dma_wait3A_175 = arith.constant 0 : i32
      %dma_wait3A_176 = tpu.memref_slice %arg6[%dma_wait3A_173, %dma_wait3A_175] : memref<16x128xi32, #tpu.memory_space<vmem>> -> memref<1x128xi32, #tpu.memory_space<vmem>>
      %dma_wait3A_177 = tpu.memref_squeeze %dma_wait3A_176 : memref<1x128xi32, #tpu.memory_space<vmem>> -> memref<128xi32, #tpu.memory_space<vmem>>
      %dma_wait3A_178 = arith.constant 0 : i32
      %dma_wait3A_179 = tpu.memref_slice %arg5[%dma_wait3A_174, %dma_wait3A_178] : memref<16x128xi32, #tpu.memory_space<vmem>> -> memref<1x128xi32, #tpu.memory_space<vmem>>
      %dma_wait3A_180 = tpu.memref_squeeze %dma_wait3A_179 : memref<1x128xi32, #tpu.memory_space<vmem>> -> memref<128xi32, #tpu.memory_space<vmem>>
      %dma_wait3A_181 = arith.constant 0 : i32
      %dma_wait3A_182 = tpu.memref_slice %arg4[%dma_wait3A_181] : memref<43008xi32, #tpu.memory_space<hbm>> -> memref<43008xi32, #tpu.memory_space<hbm>>
      tpu.wait_indirect_dma semaphore(%arg7 : memref<!tpu.dma_semaphore, #tpu.memory_space<semaphore_mem>>) src(%dma_wait3A_177 : memref<128xi32, #tpu.memory_space<vmem>>) dst(%dma_wait3A_182 : memref<43008xi32, #tpu.memory_space<hbm>>)
      %dma_wait3A_183 = arith.constant 2 : i32
      %dma_wait3A_184 = arith.constant 2 : i32
      %dma_wait3A_185 = arith.constant 0 : i32
      %dma_wait3A_186 = tpu.memref_slice %arg6[%dma_wait3A_183, %dma_wait3A_185] : memref<16x128xi32, #tpu.memory_space<vmem>> -> memref<1x128xi32, #tpu.memory_space<vmem>>
      %dma_wait3A_187 = tpu.memref_squeeze %dma_wait3A_186 : memref<1x128xi32, #tpu.memory_space<vmem>> -> memref<128xi32, #tpu.memory_space<vmem>>
      %dma_wait3A_188 = arith.constant 0 : i32
      %dma_wait3A_189 = tpu.memref_slice %arg5[%dma_wait3A_184, %dma_wait3A_188] : memref<16x128xi32, #tpu.memory_space<vmem>> -> memref<1x128xi32, #tpu.memory_space<vmem>>
      %dma_wait3A_190 = tpu.memref_squeeze %dma_wait3A_189 : memref<1x128xi32, #tpu.memory_space<vmem>> -> memref<128xi32, #tpu.memory_space<vmem>>
      %dma_wait3A_191 = arith.constant 0 : i32
      %dma_wait3A_192 = tpu.memref_slice %arg4[%dma_wait3A_191] : memref<43008xi32, #tpu.memory_space<hbm>> -> memref<43008xi32, #tpu.memory_space<hbm>>
      tpu.wait_indirect_dma semaphore(%arg7 : memref<!tpu.dma_semaphore, #tpu.memory_space<semaphore_mem>>) src(%dma_wait3A_187 : memref<128xi32, #tpu.memory_space<vmem>>) dst(%dma_wait3A_192 : memref<43008xi32, #tpu.memory_space<hbm>>)
      %dma_wait3A_193 = arith.constant 3 : i32
      %dma_wait3A_194 = arith.constant 3 : i32
      %dma_wait3A_195 = arith.constant 0 : i32
      %dma_wait3A_196 = tpu.memref_slice %arg6[%dma_wait3A_193, %dma_wait3A_195] : memref<16x128xi32, #tpu.memory_space<vmem>> -> memref<1x128xi32, #tpu.memory_space<vmem>>
      %dma_wait3A_197 = tpu.memref_squeeze %dma_wait3A_196 : memref<1x128xi32, #tpu.memory_space<vmem>> -> memref<128xi32, #tpu.memory_space<vmem>>
      %dma_wait3A_198 = arith.constant 0 : i32
      %dma_wait3A_199 = tpu.memref_slice %arg5[%dma_wait3A_194, %dma_wait3A_198] : memref<16x128xi32, #tpu.memory_space<vmem>> -> memref<1x128xi32, #tpu.memory_space<vmem>>
      %dma_wait3A_200 = tpu.memref_squeeze %dma_wait3A_199 : memref<1x128xi32, #tpu.memory_space<vmem>> -> memref<128xi32, #tpu.memory_space<vmem>>
      %dma_wait3A_201 = arith.constant 0 : i32
      %dma_wait3A_202 = tpu.memref_slice %arg4[%dma_wait3A_201] : memref<43008xi32, #tpu.memory_space<hbm>> -> memref<43008xi32, #tpu.memory_space<hbm>>
      tpu.wait_indirect_dma semaphore(%arg7 : memref<!tpu.dma_semaphore, #tpu.memory_space<semaphore_mem>>) src(%dma_wait3A_197 : memref<128xi32, #tpu.memory_space<vmem>>) dst(%dma_wait3A_202 : memref<43008xi32, #tpu.memory_space<hbm>>)
      %dma_wait3A_203 = arith.constant 4 : i32
      %dma_wait3A_204 = arith.constant 4 : i32
      %dma_wait3A_205 = arith.constant 0 : i32
      %dma_wait3A_206 = tpu.memref_slice %arg6[%dma_wait3A_203, %dma_wait3A_205] : memref<16x128xi32, #tpu.memory_space<vmem>> -> memref<1x128xi32, #tpu.memory_space<vmem>>
      %dma_wait3A_207 = tpu.memref_squeeze %dma_wait3A_206 : memref<1x128xi32, #tpu.memory_space<vmem>> -> memref<128xi32, #tpu.memory_space<vmem>>
      %dma_wait3A_208 = arith.constant 0 : i32
      %dma_wait3A_209 = tpu.memref_slice %arg5[%dma_wait3A_204, %dma_wait3A_208] : memref<16x128xi32, #tpu.memory_space<vmem>> -> memref<1x128xi32, #tpu.memory_space<vmem>>
      %dma_wait3A_210 = tpu.memref_squeeze %dma_wait3A_209 : memref<1x128xi32, #tpu.memory_space<vmem>> -> memref<128xi32, #tpu.memory_space<vmem>>
      %dma_wait3A_211 = arith.constant 0 : i32
      %dma_wait3A_212 = tpu.memref_slice %arg4[%dma_wait3A_211] : memref<43008xi32, #tpu.memory_space<hbm>> -> memref<43008xi32, #tpu.memory_space<hbm>>
      tpu.wait_indirect_dma semaphore(%arg7 : memref<!tpu.dma_semaphore, #tpu.memory_space<semaphore_mem>>) src(%dma_wait3A_207 : memref<128xi32, #tpu.memory_space<vmem>>) dst(%dma_wait3A_212 : memref<43008xi32, #tpu.memory_space<hbm>>)
      %dma_wait3A_213 = arith.constant 5 : i32
      %dma_wait3A_214 = arith.constant 5 : i32
      %dma_wait3A_215 = arith.constant 0 : i32
      %dma_wait3A_216 = tpu.memref_slice %arg6[%dma_wait3A_213, %dma_wait3A_215] : memref<16x128xi32, #tpu.memory_space<vmem>> -> memref<1x128xi32, #tpu.memory_space<vmem>>
      %dma_wait3A_217 = tpu.memref_squeeze %dma_wait3A_216 : memref<1x128xi32, #tpu.memory_space<vmem>> -> memref<128xi32, #tpu.memory_space<vmem>>
      %dma_wait3A_218 = arith.constant 0 : i32
      %dma_wait3A_219 = tpu.memref_slice %arg5[%dma_wait3A_214, %dma_wait3A_218] : memref<16x128xi32, #tpu.memory_space<vmem>> -> memref<1x128xi32, #tpu.memory_space<vmem>>
      %dma_wait3A_220 = tpu.memref_squeeze %dma_wait3A_219 : memref<1x128xi32, #tpu.memory_space<vmem>> -> memref<128xi32, #tpu.memory_space<vmem>>
      %dma_wait3A_221 = arith.constant 0 : i32
      %dma_wait3A_222 = tpu.memref_slice %arg4[%dma_wait3A_221] : memref<43008xi32, #tpu.memory_space<hbm>> -> memref<43008xi32, #tpu.memory_space<hbm>>
      tpu.wait_indirect_dma semaphore(%arg7 : memref<!tpu.dma_semaphore, #tpu.memory_space<semaphore_mem>>) src(%dma_wait3A_217 : memref<128xi32, #tpu.memory_space<vmem>>) dst(%dma_wait3A_222 : memref<43008xi32, #tpu.memory_space<hbm>>)
      %dma_wait3A_223 = arith.constant 6 : i32
      %dma_wait3A_224 = arith.constant 6 : i32
      %dma_wait3A_225 = arith.constant 0 : i32
      %dma_wait3A_226 = tpu.memref_slice %arg6[%dma_wait3A_223, %dma_wait3A_225] : memref<16x128xi32, #tpu.memory_space<vmem>> -> memref<1x128xi32, #tpu.memory_space<vmem>>
      %dma_wait3A_227 = tpu.memref_squeeze %dma_wait3A_226 : memref<1x128xi32, #tpu.memory_space<vmem>> -> memref<128xi32, #tpu.memory_space<vmem>>
      %dma_wait3A_228 = arith.constant 0 : i32
      %dma_wait3A_229 = tpu.memref_slice %arg5[%dma_wait3A_224, %dma_wait3A_228] : memref<16x128xi32, #tpu.memory_space<vmem>> -> memref<1x128xi32, #tpu.memory_space<vmem>>
      %dma_wait3A_230 = tpu.memref_squeeze %dma_wait3A_229 : memref<1x128xi32, #tpu.memory_space<vmem>> -> memref<128xi32, #tpu.memory_space<vmem>>
      %dma_wait3A_231 = arith.constant 0 : i32
      %dma_wait3A_232 = tpu.memref_slice %arg4[%dma_wait3A_231] : memref<43008xi32, #tpu.memory_space<hbm>> -> memref<43008xi32, #tpu.memory_space<hbm>>
      tpu.wait_indirect_dma semaphore(%arg7 : memref<!tpu.dma_semaphore, #tpu.memory_space<semaphore_mem>>) src(%dma_wait3A_227 : memref<128xi32, #tpu.memory_space<vmem>>) dst(%dma_wait3A_232 : memref<43008xi32, #tpu.memory_space<hbm>>)
      %dma_wait3A_233 = arith.constant 7 : i32
      %dma_wait3A_234 = arith.constant 7 : i32
      %dma_wait3A_235 = arith.constant 0 : i32
      %dma_wait3A_236 = tpu.memref_slice %arg6[%dma_wait3A_233, %dma_wait3A_235] : memref<16x128xi32, #tpu.memory_space<vmem>> -> memref<1x128xi32, #tpu.memory_space<vmem>>
      %dma_wait3A_237 = tpu.memref_squeeze %dma_wait3A_236 : memref<1x128xi32, #tpu.memory_space<vmem>> -> memref<128xi32, #tpu.memory_space<vmem>>
      %dma_wait3A_238 = arith.constant 0 : i32
      %dma_wait3A_239 = tpu.memref_slice %arg5[%dma_wait3A_234, %dma_wait3A_238] : memref<16x128xi32, #tpu.memory_space<vmem>> -> memref<1x128xi32, #tpu.memory_space<vmem>>
      %dma_wait3A_240 = tpu.memref_squeeze %dma_wait3A_239 : memref<1x128xi32, #tpu.memory_space<vmem>> -> memref<128xi32, #tpu.memory_space<vmem>>
      %dma_wait3A_241 = arith.constant 0 : i32
      %dma_wait3A_242 = tpu.memref_slice %arg4[%dma_wait3A_241] : memref<43008xi32, #tpu.memory_space<hbm>> -> memref<43008xi32, #tpu.memory_space<hbm>>
      tpu.wait_indirect_dma semaphore(%arg7 : memref<!tpu.dma_semaphore, #tpu.memory_space<semaphore_mem>>) src(%dma_wait3A_237 : memref<128xi32, #tpu.memory_space<vmem>>) dst(%dma_wait3A_242 : memref<43008xi32, #tpu.memory_space<hbm>>)
      %dma_wait3A_243 = arith.constant 8 : i32
      %dma_wait3A_244 = arith.constant 8 : i32
      %dma_wait3A_245 = arith.constant 0 : i32
      %dma_wait3A_246 = tpu.memref_slice %arg6[%dma_wait3A_243, %dma_wait3A_245] : memref<16x128xi32, #tpu.memory_space<vmem>> -> memref<1x128xi32, #tpu.memory_space<vmem>>
      %dma_wait3A_247 = tpu.memref_squeeze %dma_wait3A_246 : memref<1x128xi32, #tpu.memory_space<vmem>> -> memref<128xi32, #tpu.memory_space<vmem>>
      %dma_wait3A_248 = arith.constant 0 : i32
      %dma_wait3A_249 = tpu.memref_slice %arg5[%dma_wait3A_244, %dma_wait3A_248] : memref<16x128xi32, #tpu.memory_space<vmem>> -> memref<1x128xi32, #tpu.memory_space<vmem>>
      %dma_wait3A_250 = tpu.memref_squeeze %dma_wait3A_249 : memref<1x128xi32, #tpu.memory_space<vmem>> -> memref<128xi32, #tpu.memory_space<vmem>>
      %dma_wait3A_251 = arith.constant 0 : i32
      %dma_wait3A_252 = tpu.memref_slice %arg4[%dma_wait3A_251] : memref<43008xi32, #tpu.memory_space<hbm>> -> memref<43008xi32, #tpu.memory_space<hbm>>
      tpu.wait_indirect_dma semaphore(%arg7 : memref<!tpu.dma_semaphore, #tpu.memory_space<semaphore_mem>>) src(%dma_wait3A_247 : memref<128xi32, #tpu.memory_space<vmem>>) dst(%dma_wait3A_252 : memref<43008xi32, #tpu.memory_space<hbm>>)
      %dma_wait3A_253 = arith.constant 9 : i32
      %dma_wait3A_254 = arith.constant 9 : i32
      %dma_wait3A_255 = arith.constant 0 : i32
      %dma_wait3A_256 = tpu.memref_slice %arg6[%dma_wait3A_253, %dma_wait3A_255] : memref<16x128xi32, #tpu.memory_space<vmem>> -> memref<1x128xi32, #tpu.memory_space<vmem>>
      %dma_wait3A_257 = tpu.memref_squeeze %dma_wait3A_256 : memref<1x128xi32, #tpu.memory_space<vmem>> -> memref<128xi32, #tpu.memory_space<vmem>>
      %dma_wait3A_258 = arith.constant 0 : i32
      %dma_wait3A_259 = tpu.memref_slice %arg5[%dma_wait3A_254, %dma_wait3A_258] : memref<16x128xi32, #tpu.memory_space<vmem>> -> memref<1x128xi32, #tpu.memory_space<vmem>>
      %dma_wait3A_260 = tpu.memref_squeeze %dma_wait3A_259 : memref<1x128xi32, #tpu.memory_space<vmem>> -> memref<128xi32, #tpu.memory_space<vmem>>
      %dma_wait3A_261 = arith.constant 0 : i32
      %dma_wait3A_262 = tpu.memref_slice %arg4[%dma_wait3A_261] : memref<43008xi32, #tpu.memory_space<hbm>> -> memref<43008xi32, #tpu.memory_space<hbm>>
      tpu.wait_indirect_dma semaphore(%arg7 : memref<!tpu.dma_semaphore, #tpu.memory_space<semaphore_mem>>) src(%dma_wait3A_257 : memref<128xi32, #tpu.memory_space<vmem>>) dst(%dma_wait3A_262 : memref<43008xi32, #tpu.memory_space<hbm>>)
      %dma_wait3A_263 = arith.constant 10 : i32
      %dma_wait3A_264 = arith.constant 10 : i32
      %dma_wait3A_265 = arith.constant 0 : i32
      %dma_wait3A_266 = tpu.memref_slice %arg6[%dma_wait3A_263, %dma_wait3A_265] : memref<16x128xi32, #tpu.memory_space<vmem>> -> memref<1x128xi32, #tpu.memory_space<vmem>>
      %dma_wait3A_267 = tpu.memref_squeeze %dma_wait3A_266 : memref<1x128xi32, #tpu.memory_space<vmem>> -> memref<128xi32, #tpu.memory_space<vmem>>
      %dma_wait3A_268 = arith.constant 0 : i32
      %dma_wait3A_269 = tpu.memref_slice %arg5[%dma_wait3A_264, %dma_wait3A_268] : memref<16x128xi32, #tpu.memory_space<vmem>> -> memref<1x128xi32, #tpu.memory_space<vmem>>
      %dma_wait3A_270 = tpu.memref_squeeze %dma_wait3A_269 : memref<1x128xi32, #tpu.memory_space<vmem>> -> memref<128xi32, #tpu.memory_space<vmem>>
      %dma_wait3A_271 = arith.constant 0 : i32
      %dma_wait3A_272 = tpu.memref_slice %arg4[%dma_wait3A_271] : memref<43008xi32, #tpu.memory_space<hbm>> -> memref<43008xi32, #tpu.memory_space<hbm>>
      tpu.wait_indirect_dma semaphore(%arg7 : memref<!tpu.dma_semaphore, #tpu.memory_space<semaphore_mem>>) src(%dma_wait3A_267 : memref<128xi32, #tpu.memory_space<vmem>>) dst(%dma_wait3A_272 : memref<43008xi32, #tpu.memory_space<hbm>>)
      %dma_wait3A_273 = arith.constant 11 : i32
      %dma_wait3A_274 = arith.constant 11 : i32
      %dma_wait3A_275 = arith.constant 0 : i32
      %dma_wait3A_276 = tpu.memref_slice %arg6[%dma_wait3A_273, %dma_wait3A_275] : memref<16x128xi32, #tpu.memory_space<vmem>> -> memref<1x128xi32, #tpu.memory_space<vmem>>
      %dma_wait3A_277 = tpu.memref_squeeze %dma_wait3A_276 : memref<1x128xi32, #tpu.memory_space<vmem>> -> memref<128xi32, #tpu.memory_space<vmem>>
      %dma_wait3A_278 = arith.constant 0 : i32
      %dma_wait3A_279 = tpu.memref_slice %arg5[%dma_wait3A_274, %dma_wait3A_278] : memref<16x128xi32, #tpu.memory_space<vmem>> -> memref<1x128xi32, #tpu.memory_space<vmem>>
      %dma_wait3A_280 = tpu.memref_squeeze %dma_wait3A_279 : memref<1x128xi32, #tpu.memory_space<vmem>> -> memref<128xi32, #tpu.memory_space<vmem>>
      %dma_wait3A_281 = arith.constant 0 : i32
      %dma_wait3A_282 = tpu.memref_slice %arg4[%dma_wait3A_281] : memref<43008xi32, #tpu.memory_space<hbm>> -> memref<43008xi32, #tpu.memory_space<hbm>>
      tpu.wait_indirect_dma semaphore(%arg7 : memref<!tpu.dma_semaphore, #tpu.memory_space<semaphore_mem>>) src(%dma_wait3A_277 : memref<128xi32, #tpu.memory_space<vmem>>) dst(%dma_wait3A_282 : memref<43008xi32, #tpu.memory_space<hbm>>)
      %dma_wait3A_283 = arith.constant 12 : i32
      %dma_wait3A_284 = arith.constant 12 : i32
      %dma_wait3A_285 = arith.constant 0 : i32
      %dma_wait3A_286 = tpu.memref_slice %arg6[%dma_wait3A_283, %dma_wait3A_285] : memref<16x128xi32, #tpu.memory_space<vmem>> -> memref<1x128xi32, #tpu.memory_space<vmem>>
      %dma_wait3A_287 = tpu.memref_squeeze %dma_wait3A_286 : memref<1x128xi32, #tpu.memory_space<vmem>> -> memref<128xi32, #tpu.memory_space<vmem>>
      %dma_wait3A_288 = arith.constant 0 : i32
      %dma_wait3A_289 = tpu.memref_slice %arg5[%dma_wait3A_284, %dma_wait3A_288] : memref<16x128xi32, #tpu.memory_space<vmem>> -> memref<1x128xi32, #tpu.memory_space<vmem>>
      %dma_wait3A_290 = tpu.memref_squeeze %dma_wait3A_289 : memref<1x128xi32, #tpu.memory_space<vmem>> -> memref<128xi32, #tpu.memory_space<vmem>>
      %dma_wait3A_291 = arith.constant 0 : i32
      %dma_wait3A_292 = tpu.memref_slice %arg4[%dma_wait3A_291] : memref<43008xi32, #tpu.memory_space<hbm>> -> memref<43008xi32, #tpu.memory_space<hbm>>
      tpu.wait_indirect_dma semaphore(%arg7 : memref<!tpu.dma_semaphore, #tpu.memory_space<semaphore_mem>>) src(%dma_wait3A_287 : memref<128xi32, #tpu.memory_space<vmem>>) dst(%dma_wait3A_292 : memref<43008xi32, #tpu.memory_space<hbm>>)
      %dma_wait3A_293 = arith.constant 13 : i32
      %dma_wait3A_294 = arith.constant 13 : i32
      %dma_wait3A_295 = arith.constant 0 : i32
      %dma_wait3A_296 = tpu.memref_slice %arg6[%dma_wait3A_293, %dma_wait3A_295] : memref<16x128xi32, #tpu.memory_space<vmem>> -> memref<1x128xi32, #tpu.memory_space<vmem>>
      %dma_wait3A_297 = tpu.memref_squeeze %dma_wait3A_296 : memref<1x128xi32, #tpu.memory_space<vmem>> -> memref<128xi32, #tpu.memory_space<vmem>>
      %dma_wait3A_298 = arith.constant 0 : i32
      %dma_wait3A_299 = tpu.memref_slice %arg5[%dma_wait3A_294, %dma_wait3A_298] : memref<16x128xi32, #tpu.memory_space<vmem>> -> memref<1x128xi32, #tpu.memory_space<vmem>>
      %dma_wait3A_300 = tpu.memref_squeeze %dma_wait3A_299 : memref<1x128xi32, #tpu.memory_space<vmem>> -> memref<128xi32, #tpu.memory_space<vmem>>
      %dma_wait3A_301 = arith.constant 0 : i32
      %dma_wait3A_302 = tpu.memref_slice %arg4[%dma_wait3A_301] : memref<43008xi32, #tpu.memory_space<hbm>> -> memref<43008xi32, #tpu.memory_space<hbm>>
      tpu.wait_indirect_dma semaphore(%arg7 : memref<!tpu.dma_semaphore, #tpu.memory_space<semaphore_mem>>) src(%dma_wait3A_297 : memref<128xi32, #tpu.memory_space<vmem>>) dst(%dma_wait3A_302 : memref<43008xi32, #tpu.memory_space<hbm>>)
      %dma_wait3A_303 = arith.constant 14 : i32
      %dma_wait3A_304 = arith.constant 14 : i32
      %dma_wait3A_305 = arith.constant 0 : i32
      %dma_wait3A_306 = tpu.memref_slice %arg6[%dma_wait3A_303, %dma_wait3A_305] : memref<16x128xi32, #tpu.memory_space<vmem>> -> memref<1x128xi32, #tpu.memory_space<vmem>>
      %dma_wait3A_307 = tpu.memref_squeeze %dma_wait3A_306 : memref<1x128xi32, #tpu.memory_space<vmem>> -> memref<128xi32, #tpu.memory_space<vmem>>
      %dma_wait3A_308 = arith.constant 0 : i32
      %dma_wait3A_309 = tpu.memref_slice %arg5[%dma_wait3A_304, %dma_wait3A_308] : memref<16x128xi32, #tpu.memory_space<vmem>> -> memref<1x128xi32, #tpu.memory_space<vmem>>
      %dma_wait3A_310 = tpu.memref_squeeze %dma_wait3A_309 : memref<1x128xi32, #tpu.memory_space<vmem>> -> memref<128xi32, #tpu.memory_space<vmem>>
      %dma_wait3A_311 = arith.constant 0 : i32
      %dma_wait3A_312 = tpu.memref_slice %arg4[%dma_wait3A_311] : memref<43008xi32, #tpu.memory_space<hbm>> -> memref<43008xi32, #tpu.memory_space<hbm>>
      tpu.wait_indirect_dma semaphore(%arg7 : memref<!tpu.dma_semaphore, #tpu.memory_space<semaphore_mem>>) src(%dma_wait3A_307 : memref<128xi32, #tpu.memory_space<vmem>>) dst(%dma_wait3A_312 : memref<43008xi32, #tpu.memory_space<hbm>>)
      %dma_wait3A_313 = arith.constant 15 : i32
      %dma_wait3A_314 = arith.constant 15 : i32
      %dma_wait3A_315 = arith.constant 0 : i32
      %dma_wait3A_316 = tpu.memref_slice %arg6[%dma_wait3A_313, %dma_wait3A_315] : memref<16x128xi32, #tpu.memory_space<vmem>> -> memref<1x128xi32, #tpu.memory_space<vmem>>
      %dma_wait3A_317 = tpu.memref_squeeze %dma_wait3A_316 : memref<1x128xi32, #tpu.memory_space<vmem>> -> memref<128xi32, #tpu.memory_space<vmem>>
      %dma_wait3A_318 = arith.constant 0 : i32
      %dma_wait3A_319 = tpu.memref_slice %arg5[%dma_wait3A_314, %dma_wait3A_318] : memref<16x128xi32, #tpu.memory_space<vmem>> -> memref<1x128xi32, #tpu.memory_space<vmem>>
      %dma_wait3A_320 = tpu.memref_squeeze %dma_wait3A_319 : memref<1x128xi32, #tpu.memory_space<vmem>> -> memref<128xi32, #tpu.memory_space<vmem>>
      %dma_wait3A_321 = arith.constant 0 : i32
      %dma_wait3A_322 = tpu.memref_slice %arg4[%dma_wait3A_321] : memref<43008xi32, #tpu.memory_space<hbm>> -> memref<43008xi32, #tpu.memory_space<hbm>>
      tpu.wait_indirect_dma semaphore(%arg7 : memref<!tpu.dma_semaphore, #tpu.memory_space<semaphore_mem>>) src(%dma_wait3A_317 : memref<128xi32, #tpu.memory_space<vmem>>) dst(%dma_wait3A_322 : memref<43008xi32, #tpu.memory_space<hbm>>)
    } else {
    }
    return
  }
}

#map = affine_map<(d0, d1) -> (0)>
module attributes {stable_mosaic.version = 14 : i64} {
  func.func @_gather_kernel(%arg0: i32, %arg1: i32, %arg2: memref<6144xi32, #tpu.memory_space<hbm>>, %arg3: memref<36864xf32, #tpu.memory_space<hbm>>, %arg4: memref<36864xf32, #tpu.memory_space<hbm>>, %arg5: memref<36864xf32, #tpu.memory_space<hbm>>, %arg6: memref<36864xf32, #tpu.memory_space<hbm>>, %arg7: memref<36864xf32, #tpu.memory_space<hbm>>, %arg8: memref<6144xf32, #tpu.memory_space<hbm>>, %arg9: memref<6144xf32, #tpu.memory_space<hbm>>, %arg10: memref<6144xf32, #tpu.memory_space<hbm>>, %arg11: memref<6144xf32, #tpu.memory_space<hbm>>, %arg12: memref<6144xf32, #tpu.memory_space<hbm>>, %arg13: memref<1024xi32, #tpu.memory_space<vmem>>, %arg14: memref<1024xf32, #tpu.memory_space<vmem>>, %arg15: memref<!tpu.dma_semaphore, #tpu.memory_space<semaphore_mem>>) attributes {dimension_semantics = [#tpu.dimension_semantics<core_parallel>, #tpu.dimension_semantics<subcore_parallel>], iteration_bounds = array<i64: 2, 16>, scalar_prefetch = 0 : i64, scratch_operands = 3 : i64, tpu.core_type = #tpu.core_type<sc_vector_subcore>, window_params = [{transform_indices = #map}, {transform_indices = #map}, {transform_indices = #map}, {transform_indices = #map}, {transform_indices = #map}, {transform_indices = #map}, {transform_indices = #map}, {transform_indices = #map}, {transform_indices = #map}, {transform_indices = #map}, {transform_indices = #map}]} {
    %mul3A = arith.constant 16 : i32
    %mul3A_0 = arith.muli %arg0, %mul3A : i32
    %add3A = arith.addi %mul3A_0, %arg1 : i32
    %ge3A = arith.constant 0 : i32
    %ge3A_1 = arith.cmpi sge, %add3A, %ge3A : i32
    %lt3A = arith.constant 6 : i32
    %lt3A_2 = arith.cmpi slt, %add3A, %lt3A : i32
    %and3A = arith.andi %ge3A_1, %lt3A_2 : i1
    %convert_element_type3A = arith.extui %and3A : i1 to i32
    %cond3A = arith.constant 0 : i32
    %cond3A_3 = arith.cmpi ne, %convert_element_type3A, %cond3A : i32
    scf.if %cond3A_3 {
      %sub3A = arith.constant 0 : i32
      %sub3A_36 = arith.subi %add3A, %sub3A : i32
      %mul3A_37 = arith.constant 1024 : i32
      %mul3A_38 = arith.muli %sub3A_36, %mul3A_37 : i32
      "tpu.region"() ({
        %run_scoped3A = tpu.sem_alloc : memref<!tpu.dma_semaphore, #tpu.memory_space<semaphore_mem>>
        %dma_start3A_869 = tpu.memref_slice %arg2[%mul3A_38] : memref<6144xi32, #tpu.memory_space<hbm>> -> memref<1024xi32, #tpu.memory_space<hbm>>
        %dma_start3A_870 = tpu.memref_slice %arg2[%mul3A_38] : memref<6144xi32, #tpu.memory_space<hbm>> -> memref<1024xi32, #tpu.memory_space<hbm>>
        tpu.enqueue_dma source(%dma_start3A_870 : memref<1024xi32, #tpu.memory_space<hbm>>) target(%arg13 : memref<1024xi32, #tpu.memory_space<vmem>>) target_semaphore(%run_scoped3A : memref<!tpu.dma_semaphore, #tpu.memory_space<semaphore_mem>>)
        %dma_wait3A_871 = tpu.memref_slice %arg2[%mul3A_38] : memref<6144xi32, #tpu.memory_space<hbm>> -> memref<1024xi32, #tpu.memory_space<hbm>>
        %dma_wait3A_872 = tpu.memref_slice %arg2[%mul3A_38] : memref<6144xi32, #tpu.memory_space<hbm>> -> memref<1024xi32, #tpu.memory_space<hbm>>
        tpu.wait_dma2 semaphore(%run_scoped3A : memref<!tpu.dma_semaphore, #tpu.memory_space<semaphore_mem>>) src(%dma_wait3A_872 : memref<1024xi32, #tpu.memory_space<hbm>>) dst(%arg13 : memref<1024xi32, #tpu.memory_space<vmem>>)
        tpu.yield
      }) : () -> ()
      %get3A = arith.constant 0 : index
      %get3A_39 = tpu.vector_load %arg13[%get3A] {strides = array<i32>} : memref<1024xi32, #tpu.memory_space<vmem>>, vector<16xi32>,
      %get3A_40 = vector.shape_cast %get3A_39 : vector<16xi32> to vector<16xi32>
      %max3A = arith.constant 0 : i32
      %max3A_41 = vector.broadcast %max3A : i32 to vector<16xi32>
      %max3A_42 = arith.maxsi %get3A_40, %max3A_41 : vector<16xi32>
      %min3A = arith.constant 36863 : i32
      %min3A_43 = vector.broadcast %min3A : i32 to vector<16xi32>
      %min3A_44 = arith.minsi %max3A_42, %min3A_43 : vector<16xi32>
      %swap3A = arith.constant 0 : index
      %swap3A_45 = tpu.vector_load %arg13[%swap3A] {strides = array<i32>} : memref<1024xi32, #tpu.memory_space<vmem>>, vector<16xi32>,
      %swap3A_46 = vector.shape_cast %swap3A_45 : vector<16xi32> to vector<16xi32>
      %swap3A_47 = vector.shape_cast %min3A_44 : vector<16xi32> to vector<16xi32>
      tpu.vector_store %arg13[%swap3A], %swap3A_47 {strides = array<i32>} : memref<1024xi32, #tpu.memory_space<vmem>>, vector<16xi32>,
      %get3A_48 = arith.constant 16 : index
      %get3A_49 = tpu.vector_load %arg13[%get3A_48] {strides = array<i32>} : memref<1024xi32, #tpu.memory_space<vmem>>, vector<16xi32>,
      %get3A_50 = vector.shape_cast %get3A_49 : vector<16xi32> to vector<16xi32>
      %max3A_51 = arith.constant 0 : i32
      %max3A_52 = vector.broadcast %max3A_51 : i32 to vector<16xi32>
      %max3A_53 = arith.maxsi %get3A_50, %max3A_52 : vector<16xi32>
      %min3A_54 = arith.constant 36863 : i32
      %min3A_55 = vector.broadcast %min3A_54 : i32 to vector<16xi32>
      %min3A_56 = arith.minsi %max3A_53, %min3A_55 : vector<16xi32>
      %swap3A_57 = arith.constant 16 : index
      %swap3A_58 = tpu.vector_load %arg13[%swap3A_57] {strides = array<i32>} : memref<1024xi32, #tpu.memory_space<vmem>>, vector<16xi32>,
      %swap3A_59 = vector.shape_cast %swap3A_58 : vector<16xi32> to vector<16xi32>
      %swap3A_60 = vector.shape_cast %min3A_56 : vector<16xi32> to vector<16xi32>
      tpu.vector_store %arg13[%swap3A_57], %swap3A_60 {strides = array<i32>} : memref<1024xi32, #tpu.memory_space<vmem>>, vector<16xi32>,
      %get3A_61 = arith.constant 32 : index
      %get3A_62 = tpu.vector_load %arg13[%get3A_61] {strides = array<i32>} : memref<1024xi32, #tpu.memory_space<vmem>>, vector<16xi32>,
      %get3A_63 = vector.shape_cast %get3A_62 : vector<16xi32> to vector<16xi32>
      %max3A_64 = arith.constant 0 : i32
      %max3A_65 = vector.broadcast %max3A_64 : i32 to vector<16xi32>
      %max3A_66 = arith.maxsi %get3A_63, %max3A_65 : vector<16xi32>
      %min3A_67 = arith.constant 36863 : i32
      %min3A_68 = vector.broadcast %min3A_67 : i32 to vector<16xi32>
      %min3A_69 = arith.minsi %max3A_66, %min3A_68 : vector<16xi32>
      %swap3A_70 = arith.constant 32 : index
      %swap3A_71 = tpu.vector_load %arg13[%swap3A_70] {strides = array<i32>} : memref<1024xi32, #tpu.memory_space<vmem>>, vector<16xi32>,
      %swap3A_72 = vector.shape_cast %swap3A_71 : vector<16xi32> to vector<16xi32>
      %swap3A_73 = vector.shape_cast %min3A_69 : vector<16xi32> to vector<16xi32>
      tpu.vector_store %arg13[%swap3A_70], %swap3A_73 {strides = array<i32>} : memref<1024xi32, #tpu.memory_space<vmem>>, vector<16xi32>,
      %get3A_74 = arith.constant 48 : index
      %get3A_75 = tpu.vector_load %arg13[%get3A_74] {strides = array<i32>} : memref<1024xi32, #tpu.memory_space<vmem>>, vector<16xi32>,
      %get3A_76 = vector.shape_cast %get3A_75 : vector<16xi32> to vector<16xi32>
      %max3A_77 = arith.constant 0 : i32
      %max3A_78 = vector.broadcast %max3A_77 : i32 to vector<16xi32>
      %max3A_79 = arith.maxsi %get3A_76, %max3A_78 : vector<16xi32>
      %min3A_80 = arith.constant 36863 : i32
      %min3A_81 = vector.broadcast %min3A_80 : i32 to vector<16xi32>
      %min3A_82 = arith.minsi %max3A_79, %min3A_81 : vector<16xi32>
      %swap3A_83 = arith.constant 48 : index
      %swap3A_84 = tpu.vector_load %arg13[%swap3A_83] {strides = array<i32>} : memref<1024xi32, #tpu.memory_space<vmem>>, vector<16xi32>,
      %swap3A_85 = vector.shape_cast %swap3A_84 : vector<16xi32> to vector<16xi32>
      %swap3A_86 = vector.shape_cast %min3A_82 : vector<16xi32> to vector<16xi32>
      tpu.vector_store %arg13[%swap3A_83], %swap3A_86 {strides = array<i32>} : memref<1024xi32, #tpu.memory_space<vmem>>, vector<16xi32>,
      %get3A_87 = arith.constant 64 : index
      %get3A_88 = tpu.vector_load %arg13[%get3A_87] {strides = array<i32>} : memref<1024xi32, #tpu.memory_space<vmem>>, vector<16xi32>,
      %get3A_89 = vector.shape_cast %get3A_88 : vector<16xi32> to vector<16xi32>
      %max3A_90 = arith.constant 0 : i32
      %max3A_91 = vector.broadcast %max3A_90 : i32 to vector<16xi32>
      %max3A_92 = arith.maxsi %get3A_89, %max3A_91 : vector<16xi32>
      %min3A_93 = arith.constant 36863 : i32
      %min3A_94 = vector.broadcast %min3A_93 : i32 to vector<16xi32>
      %min3A_95 = arith.minsi %max3A_92, %min3A_94 : vector<16xi32>
      %swap3A_96 = arith.constant 64 : index
      %swap3A_97 = tpu.vector_load %arg13[%swap3A_96] {strides = array<i32>} : memref<1024xi32, #tpu.memory_space<vmem>>, vector<16xi32>,
      %swap3A_98 = vector.shape_cast %swap3A_97 : vector<16xi32> to vector<16xi32>
      %swap3A_99 = vector.shape_cast %min3A_95 : vector<16xi32> to vector<16xi32>
      tpu.vector_store %arg13[%swap3A_96], %swap3A_99 {strides = array<i32>} : memref<1024xi32, #tpu.memory_space<vmem>>, vector<16xi32>,
      %get3A_100 = arith.constant 80 : index
      %get3A_101 = tpu.vector_load %arg13[%get3A_100] {strides = array<i32>} : memref<1024xi32, #tpu.memory_space<vmem>>, vector<16xi32>,
      %get3A_102 = vector.shape_cast %get3A_101 : vector<16xi32> to vector<16xi32>
      %max3A_103 = arith.constant 0 : i32
      %max3A_104 = vector.broadcast %max3A_103 : i32 to vector<16xi32>
      %max3A_105 = arith.maxsi %get3A_102, %max3A_104 : vector<16xi32>
      %min3A_106 = arith.constant 36863 : i32
      %min3A_107 = vector.broadcast %min3A_106 : i32 to vector<16xi32>
      %min3A_108 = arith.minsi %max3A_105, %min3A_107 : vector<16xi32>
      %swap3A_109 = arith.constant 80 : index
      %swap3A_110 = tpu.vector_load %arg13[%swap3A_109] {strides = array<i32>} : memref<1024xi32, #tpu.memory_space<vmem>>, vector<16xi32>,
      %swap3A_111 = vector.shape_cast %swap3A_110 : vector<16xi32> to vector<16xi32>
      %swap3A_112 = vector.shape_cast %min3A_108 : vector<16xi32> to vector<16xi32>
      tpu.vector_store %arg13[%swap3A_109], %swap3A_112 {strides = array<i32>} : memref<1024xi32, #tpu.memory_space<vmem>>, vector<16xi32>,
      %get3A_113 = arith.constant 96 : index
      %get3A_114 = tpu.vector_load %arg13[%get3A_113] {strides = array<i32>} : memref<1024xi32, #tpu.memory_space<vmem>>, vector<16xi32>,
      %get3A_115 = vector.shape_cast %get3A_114 : vector<16xi32> to vector<16xi32>
      %max3A_116 = arith.constant 0 : i32
      %max3A_117 = vector.broadcast %max3A_116 : i32 to vector<16xi32>
      %max3A_118 = arith.maxsi %get3A_115, %max3A_117 : vector<16xi32>
      %min3A_119 = arith.constant 36863 : i32
      %min3A_120 = vector.broadcast %min3A_119 : i32 to vector<16xi32>
      %min3A_121 = arith.minsi %max3A_118, %min3A_120 : vector<16xi32>
      %swap3A_122 = arith.constant 96 : index
      %swap3A_123 = tpu.vector_load %arg13[%swap3A_122] {strides = array<i32>} : memref<1024xi32, #tpu.memory_space<vmem>>, vector<16xi32>,
      %swap3A_124 = vector.shape_cast %swap3A_123 : vector<16xi32> to vector<16xi32>
      %swap3A_125 = vector.shape_cast %min3A_121 : vector<16xi32> to vector<16xi32>
      tpu.vector_store %arg13[%swap3A_122], %swap3A_125 {strides = array<i32>} : memref<1024xi32, #tpu.memory_space<vmem>>, vector<16xi32>,
      %get3A_126 = arith.constant 112 : index
      %get3A_127 = tpu.vector_load %arg13[%get3A_126] {strides = array<i32>} : memref<1024xi32, #tpu.memory_space<vmem>>, vector<16xi32>,
      %get3A_128 = vector.shape_cast %get3A_127 : vector<16xi32> to vector<16xi32>
      %max3A_129 = arith.constant 0 : i32
      %max3A_130 = vector.broadcast %max3A_129 : i32 to vector<16xi32>
      %max3A_131 = arith.maxsi %get3A_128, %max3A_130 : vector<16xi32>
      %min3A_132 = arith.constant 36863 : i32
      %min3A_133 = vector.broadcast %min3A_132 : i32 to vector<16xi32>
      %min3A_134 = arith.minsi %max3A_131, %min3A_133 : vector<16xi32>
      %swap3A_135 = arith.constant 112 : index
      %swap3A_136 = tpu.vector_load %arg13[%swap3A_135] {strides = array<i32>} : memref<1024xi32, #tpu.memory_space<vmem>>, vector<16xi32>,
      %swap3A_137 = vector.shape_cast %swap3A_136 : vector<16xi32> to vector<16xi32>
      %swap3A_138 = vector.shape_cast %min3A_134 : vector<16xi32> to vector<16xi32>
      tpu.vector_store %arg13[%swap3A_135], %swap3A_138 {strides = array<i32>} : memref<1024xi32, #tpu.memory_space<vmem>>, vector<16xi32>,
      %get3A_139 = arith.constant 128 : index
      %get3A_140 = tpu.vector_load %arg13[%get3A_139] {strides = array<i32>} : memref<1024xi32, #tpu.memory_space<vmem>>, vector<16xi32>,
      %get3A_141 = vector.shape_cast %get3A_140 : vector<16xi32> to vector<16xi32>
      %max3A_142 = arith.constant 0 : i32
      %max3A_143 = vector.broadcast %max3A_142 : i32 to vector<16xi32>
      %max3A_144 = arith.maxsi %get3A_141, %max3A_143 : vector<16xi32>
      %min3A_145 = arith.constant 36863 : i32
      %min3A_146 = vector.broadcast %min3A_145 : i32 to vector<16xi32>
      %min3A_147 = arith.minsi %max3A_144, %min3A_146 : vector<16xi32>
      %swap3A_148 = arith.constant 128 : index
      %swap3A_149 = tpu.vector_load %arg13[%swap3A_148] {strides = array<i32>} : memref<1024xi32, #tpu.memory_space<vmem>>, vector<16xi32>,
      %swap3A_150 = vector.shape_cast %swap3A_149 : vector<16xi32> to vector<16xi32>
      %swap3A_151 = vector.shape_cast %min3A_147 : vector<16xi32> to vector<16xi32>
      tpu.vector_store %arg13[%swap3A_148], %swap3A_151 {strides = array<i32>} : memref<1024xi32, #tpu.memory_space<vmem>>, vector<16xi32>,
      %get3A_152 = arith.constant 144 : index
      %get3A_153 = tpu.vector_load %arg13[%get3A_152] {strides = array<i32>} : memref<1024xi32, #tpu.memory_space<vmem>>, vector<16xi32>,
      %get3A_154 = vector.shape_cast %get3A_153 : vector<16xi32> to vector<16xi32>
      %max3A_155 = arith.constant 0 : i32
      %max3A_156 = vector.broadcast %max3A_155 : i32 to vector<16xi32>
      %max3A_157 = arith.maxsi %get3A_154, %max3A_156 : vector<16xi32>
      %min3A_158 = arith.constant 36863 : i32
      %min3A_159 = vector.broadcast %min3A_158 : i32 to vector<16xi32>
      %min3A_160 = arith.minsi %max3A_157, %min3A_159 : vector<16xi32>
      %swap3A_161 = arith.constant 144 : index
      %swap3A_162 = tpu.vector_load %arg13[%swap3A_161] {strides = array<i32>} : memref<1024xi32, #tpu.memory_space<vmem>>, vector<16xi32>,
      %swap3A_163 = vector.shape_cast %swap3A_162 : vector<16xi32> to vector<16xi32>
      %swap3A_164 = vector.shape_cast %min3A_160 : vector<16xi32> to vector<16xi32>
      tpu.vector_store %arg13[%swap3A_161], %swap3A_164 {strides = array<i32>} : memref<1024xi32, #tpu.memory_space<vmem>>, vector<16xi32>,
      %get3A_165 = arith.constant 160 : index
      %get3A_166 = tpu.vector_load %arg13[%get3A_165] {strides = array<i32>} : memref<1024xi32, #tpu.memory_space<vmem>>, vector<16xi32>,
      %get3A_167 = vector.shape_cast %get3A_166 : vector<16xi32> to vector<16xi32>
      %max3A_168 = arith.constant 0 : i32
      %max3A_169 = vector.broadcast %max3A_168 : i32 to vector<16xi32>
      %max3A_170 = arith.maxsi %get3A_167, %max3A_169 : vector<16xi32>
      %min3A_171 = arith.constant 36863 : i32
      %min3A_172 = vector.broadcast %min3A_171 : i32 to vector<16xi32>
      %min3A_173 = arith.minsi %max3A_170, %min3A_172 : vector<16xi32>
      %swap3A_174 = arith.constant 160 : index
      %swap3A_175 = tpu.vector_load %arg13[%swap3A_174] {strides = array<i32>} : memref<1024xi32, #tpu.memory_space<vmem>>, vector<16xi32>,
      %swap3A_176 = vector.shape_cast %swap3A_175 : vector<16xi32> to vector<16xi32>
      %swap3A_177 = vector.shape_cast %min3A_173 : vector<16xi32> to vector<16xi32>
      tpu.vector_store %arg13[%swap3A_174], %swap3A_177 {strides = array<i32>} : memref<1024xi32, #tpu.memory_space<vmem>>, vector<16xi32>,
      %get3A_178 = arith.constant 176 : index
      %get3A_179 = tpu.vector_load %arg13[%get3A_178] {strides = array<i32>} : memref<1024xi32, #tpu.memory_space<vmem>>, vector<16xi32>,
      %get3A_180 = vector.shape_cast %get3A_179 : vector<16xi32> to vector<16xi32>
      %max3A_181 = arith.constant 0 : i32
      %max3A_182 = vector.broadcast %max3A_181 : i32 to vector<16xi32>
      %max3A_183 = arith.maxsi %get3A_180, %max3A_182 : vector<16xi32>
      %min3A_184 = arith.constant 36863 : i32
      %min3A_185 = vector.broadcast %min3A_184 : i32 to vector<16xi32>
      %min3A_186 = arith.minsi %max3A_183, %min3A_185 : vector<16xi32>
      %swap3A_187 = arith.constant 176 : index
      %swap3A_188 = tpu.vector_load %arg13[%swap3A_187] {strides = array<i32>} : memref<1024xi32, #tpu.memory_space<vmem>>, vector<16xi32>,
      %swap3A_189 = vector.shape_cast %swap3A_188 : vector<16xi32> to vector<16xi32>
      %swap3A_190 = vector.shape_cast %min3A_186 : vector<16xi32> to vector<16xi32>
      tpu.vector_store %arg13[%swap3A_187], %swap3A_190 {strides = array<i32>} : memref<1024xi32, #tpu.memory_space<vmem>>, vector<16xi32>,
      %get3A_191 = arith.constant 192 : index
      %get3A_192 = tpu.vector_load %arg13[%get3A_191] {strides = array<i32>} : memref<1024xi32, #tpu.memory_space<vmem>>, vector<16xi32>,
      %get3A_193 = vector.shape_cast %get3A_192 : vector<16xi32> to vector<16xi32>
      %max3A_194 = arith.constant 0 : i32
      %max3A_195 = vector.broadcast %max3A_194 : i32 to vector<16xi32>
      %max3A_196 = arith.maxsi %get3A_193, %max3A_195 : vector<16xi32>
      %min3A_197 = arith.constant 36863 : i32
      %min3A_198 = vector.broadcast %min3A_197 : i32 to vector<16xi32>
      %min3A_199 = arith.minsi %max3A_196, %min3A_198 : vector<16xi32>
      %swap3A_200 = arith.constant 192 : index
      %swap3A_201 = tpu.vector_load %arg13[%swap3A_200] {strides = array<i32>} : memref<1024xi32, #tpu.memory_space<vmem>>, vector<16xi32>,
      %swap3A_202 = vector.shape_cast %swap3A_201 : vector<16xi32> to vector<16xi32>
      %swap3A_203 = vector.shape_cast %min3A_199 : vector<16xi32> to vector<16xi32>
      tpu.vector_store %arg13[%swap3A_200], %swap3A_203 {strides = array<i32>} : memref<1024xi32, #tpu.memory_space<vmem>>, vector<16xi32>,
      %get3A_204 = arith.constant 208 : index
      %get3A_205 = tpu.vector_load %arg13[%get3A_204] {strides = array<i32>} : memref<1024xi32, #tpu.memory_space<vmem>>, vector<16xi32>,
      %get3A_206 = vector.shape_cast %get3A_205 : vector<16xi32> to vector<16xi32>
      %max3A_207 = arith.constant 0 : i32
      %max3A_208 = vector.broadcast %max3A_207 : i32 to vector<16xi32>
      %max3A_209 = arith.maxsi %get3A_206, %max3A_208 : vector<16xi32>
      %min3A_210 = arith.constant 36863 : i32
      %min3A_211 = vector.broadcast %min3A_210 : i32 to vector<16xi32>
      %min3A_212 = arith.minsi %max3A_209, %min3A_211 : vector<16xi32>
      %swap3A_213 = arith.constant 208 : index
      %swap3A_214 = tpu.vector_load %arg13[%swap3A_213] {strides = array<i32>} : memref<1024xi32, #tpu.memory_space<vmem>>, vector<16xi32>,
      %swap3A_215 = vector.shape_cast %swap3A_214 : vector<16xi32> to vector<16xi32>
      %swap3A_216 = vector.shape_cast %min3A_212 : vector<16xi32> to vector<16xi32>
      tpu.vector_store %arg13[%swap3A_213], %swap3A_216 {strides = array<i32>} : memref<1024xi32, #tpu.memory_space<vmem>>, vector<16xi32>,
      %get3A_217 = arith.constant 224 : index
      %get3A_218 = tpu.vector_load %arg13[%get3A_217] {strides = array<i32>} : memref<1024xi32, #tpu.memory_space<vmem>>, vector<16xi32>,
      %get3A_219 = vector.shape_cast %get3A_218 : vector<16xi32> to vector<16xi32>
      %max3A_220 = arith.constant 0 : i32
      %max3A_221 = vector.broadcast %max3A_220 : i32 to vector<16xi32>
      %max3A_222 = arith.maxsi %get3A_219, %max3A_221 : vector<16xi32>
      %min3A_223 = arith.constant 36863 : i32
      %min3A_224 = vector.broadcast %min3A_223 : i32 to vector<16xi32>
      %min3A_225 = arith.minsi %max3A_222, %min3A_224 : vector<16xi32>
      %swap3A_226 = arith.constant 224 : index
      %swap3A_227 = tpu.vector_load %arg13[%swap3A_226] {strides = array<i32>} : memref<1024xi32, #tpu.memory_space<vmem>>, vector<16xi32>,
      %swap3A_228 = vector.shape_cast %swap3A_227 : vector<16xi32> to vector<16xi32>
      %swap3A_229 = vector.shape_cast %min3A_225 : vector<16xi32> to vector<16xi32>
      tpu.vector_store %arg13[%swap3A_226], %swap3A_229 {strides = array<i32>} : memref<1024xi32, #tpu.memory_space<vmem>>, vector<16xi32>,
      %get3A_230 = arith.constant 240 : index
      %get3A_231 = tpu.vector_load %arg13[%get3A_230] {strides = array<i32>} : memref<1024xi32, #tpu.memory_space<vmem>>, vector<16xi32>,
      %get3A_232 = vector.shape_cast %get3A_231 : vector<16xi32> to vector<16xi32>
      %max3A_233 = arith.constant 0 : i32
      %max3A_234 = vector.broadcast %max3A_233 : i32 to vector<16xi32>
      %max3A_235 = arith.maxsi %get3A_232, %max3A_234 : vector<16xi32>
      %min3A_236 = arith.constant 36863 : i32
      %min3A_237 = vector.broadcast %min3A_236 : i32 to vector<16xi32>
      %min3A_238 = arith.minsi %max3A_235, %min3A_237 : vector<16xi32>
      %swap3A_239 = arith.constant 240 : index
      %swap3A_240 = tpu.vector_load %arg13[%swap3A_239] {strides = array<i32>} : memref<1024xi32, #tpu.memory_space<vmem>>, vector<16xi32>,
      %swap3A_241 = vector.shape_cast %swap3A_240 : vector<16xi32> to vector<16xi32>
      %swap3A_242 = vector.shape_cast %min3A_238 : vector<16xi32> to vector<16xi32>
      tpu.vector_store %arg13[%swap3A_239], %swap3A_242 {strides = array<i32>} : memref<1024xi32, #tpu.memory_space<vmem>>, vector<16xi32>,
      %get3A_243 = arith.constant 256 : index
      %get3A_244 = tpu.vector_load %arg13[%get3A_243] {strides = array<i32>} : memref<1024xi32, #tpu.memory_space<vmem>>, vector<16xi32>,
      %get3A_245 = vector.shape_cast %get3A_244 : vector<16xi32> to vector<16xi32>
      %max3A_246 = arith.constant 0 : i32
      %max3A_247 = vector.broadcast %max3A_246 : i32 to vector<16xi32>
      %max3A_248 = arith.maxsi %get3A_245, %max3A_247 : vector<16xi32>
      %min3A_249 = arith.constant 36863 : i32
      %min3A_250 = vector.broadcast %min3A_249 : i32 to vector<16xi32>
      %min3A_251 = arith.minsi %max3A_248, %min3A_250 : vector<16xi32>
      %swap3A_252 = arith.constant 256 : index
      %swap3A_253 = tpu.vector_load %arg13[%swap3A_252] {strides = array<i32>} : memref<1024xi32, #tpu.memory_space<vmem>>, vector<16xi32>,
      %swap3A_254 = vector.shape_cast %swap3A_253 : vector<16xi32> to vector<16xi32>
      %swap3A_255 = vector.shape_cast %min3A_251 : vector<16xi32> to vector<16xi32>
      tpu.vector_store %arg13[%swap3A_252], %swap3A_255 {strides = array<i32>} : memref<1024xi32, #tpu.memory_space<vmem>>, vector<16xi32>,
      %get3A_256 = arith.constant 272 : index
      %get3A_257 = tpu.vector_load %arg13[%get3A_256] {strides = array<i32>} : memref<1024xi32, #tpu.memory_space<vmem>>, vector<16xi32>,
      %get3A_258 = vector.shape_cast %get3A_257 : vector<16xi32> to vector<16xi32>
      %max3A_259 = arith.constant 0 : i32
      %max3A_260 = vector.broadcast %max3A_259 : i32 to vector<16xi32>
      %max3A_261 = arith.maxsi %get3A_258, %max3A_260 : vector<16xi32>
      %min3A_262 = arith.constant 36863 : i32
      %min3A_263 = vector.broadcast %min3A_262 : i32 to vector<16xi32>
      %min3A_264 = arith.minsi %max3A_261, %min3A_263 : vector<16xi32>
      %swap3A_265 = arith.constant 272 : index
      %swap3A_266 = tpu.vector_load %arg13[%swap3A_265] {strides = array<i32>} : memref<1024xi32, #tpu.memory_space<vmem>>, vector<16xi32>,
      %swap3A_267 = vector.shape_cast %swap3A_266 : vector<16xi32> to vector<16xi32>
      %swap3A_268 = vector.shape_cast %min3A_264 : vector<16xi32> to vector<16xi32>
      tpu.vector_store %arg13[%swap3A_265], %swap3A_268 {strides = array<i32>} : memref<1024xi32, #tpu.memory_space<vmem>>, vector<16xi32>,
      %get3A_269 = arith.constant 288 : index
      %get3A_270 = tpu.vector_load %arg13[%get3A_269] {strides = array<i32>} : memref<1024xi32, #tpu.memory_space<vmem>>, vector<16xi32>,
      %get3A_271 = vector.shape_cast %get3A_270 : vector<16xi32> to vector<16xi32>
      %max3A_272 = arith.constant 0 : i32
      %max3A_273 = vector.broadcast %max3A_272 : i32 to vector<16xi32>
      %max3A_274 = arith.maxsi %get3A_271, %max3A_273 : vector<16xi32>
      %min3A_275 = arith.constant 36863 : i32
      %min3A_276 = vector.broadcast %min3A_275 : i32 to vector<16xi32>
      %min3A_277 = arith.minsi %max3A_274, %min3A_276 : vector<16xi32>
      %swap3A_278 = arith.constant 288 : index
      %swap3A_279 = tpu.vector_load %arg13[%swap3A_278] {strides = array<i32>} : memref<1024xi32, #tpu.memory_space<vmem>>, vector<16xi32>,
      %swap3A_280 = vector.shape_cast %swap3A_279 : vector<16xi32> to vector<16xi32>
      %swap3A_281 = vector.shape_cast %min3A_277 : vector<16xi32> to vector<16xi32>
      tpu.vector_store %arg13[%swap3A_278], %swap3A_281 {strides = array<i32>} : memref<1024xi32, #tpu.memory_space<vmem>>, vector<16xi32>,
      %get3A_282 = arith.constant 304 : index
      %get3A_283 = tpu.vector_load %arg13[%get3A_282] {strides = array<i32>} : memref<1024xi32, #tpu.memory_space<vmem>>, vector<16xi32>,
      %get3A_284 = vector.shape_cast %get3A_283 : vector<16xi32> to vector<16xi32>
      %max3A_285 = arith.constant 0 : i32
      %max3A_286 = vector.broadcast %max3A_285 : i32 to vector<16xi32>
      %max3A_287 = arith.maxsi %get3A_284, %max3A_286 : vector<16xi32>
      %min3A_288 = arith.constant 36863 : i32
      %min3A_289 = vector.broadcast %min3A_288 : i32 to vector<16xi32>
      %min3A_290 = arith.minsi %max3A_287, %min3A_289 : vector<16xi32>
      %swap3A_291 = arith.constant 304 : index
      %swap3A_292 = tpu.vector_load %arg13[%swap3A_291] {strides = array<i32>} : memref<1024xi32, #tpu.memory_space<vmem>>, vector<16xi32>,
      %swap3A_293 = vector.shape_cast %swap3A_292 : vector<16xi32> to vector<16xi32>
      %swap3A_294 = vector.shape_cast %min3A_290 : vector<16xi32> to vector<16xi32>
      tpu.vector_store %arg13[%swap3A_291], %swap3A_294 {strides = array<i32>} : memref<1024xi32, #tpu.memory_space<vmem>>, vector<16xi32>,
      %get3A_295 = arith.constant 320 : index
      %get3A_296 = tpu.vector_load %arg13[%get3A_295] {strides = array<i32>} : memref<1024xi32, #tpu.memory_space<vmem>>, vector<16xi32>,
      %get3A_297 = vector.shape_cast %get3A_296 : vector<16xi32> to vector<16xi32>
      %max3A_298 = arith.constant 0 : i32
      %max3A_299 = vector.broadcast %max3A_298 : i32 to vector<16xi32>
      %max3A_300 = arith.maxsi %get3A_297, %max3A_299 : vector<16xi32>
      %min3A_301 = arith.constant 36863 : i32
      %min3A_302 = vector.broadcast %min3A_301 : i32 to vector<16xi32>
      %min3A_303 = arith.minsi %max3A_300, %min3A_302 : vector<16xi32>
      %swap3A_304 = arith.constant 320 : index
      %swap3A_305 = tpu.vector_load %arg13[%swap3A_304] {strides = array<i32>} : memref<1024xi32, #tpu.memory_space<vmem>>, vector<16xi32>,
      %swap3A_306 = vector.shape_cast %swap3A_305 : vector<16xi32> to vector<16xi32>
      %swap3A_307 = vector.shape_cast %min3A_303 : vector<16xi32> to vector<16xi32>
      tpu.vector_store %arg13[%swap3A_304], %swap3A_307 {strides = array<i32>} : memref<1024xi32, #tpu.memory_space<vmem>>, vector<16xi32>,
      %get3A_308 = arith.constant 336 : index
      %get3A_309 = tpu.vector_load %arg13[%get3A_308] {strides = array<i32>} : memref<1024xi32, #tpu.memory_space<vmem>>, vector<16xi32>,
      %get3A_310 = vector.shape_cast %get3A_309 : vector<16xi32> to vector<16xi32>
      %max3A_311 = arith.constant 0 : i32
      %max3A_312 = vector.broadcast %max3A_311 : i32 to vector<16xi32>
      %max3A_313 = arith.maxsi %get3A_310, %max3A_312 : vector<16xi32>
      %min3A_314 = arith.constant 36863 : i32
      %min3A_315 = vector.broadcast %min3A_314 : i32 to vector<16xi32>
      %min3A_316 = arith.minsi %max3A_313, %min3A_315 : vector<16xi32>
      %swap3A_317 = arith.constant 336 : index
      %swap3A_318 = tpu.vector_load %arg13[%swap3A_317] {strides = array<i32>} : memref<1024xi32, #tpu.memory_space<vmem>>, vector<16xi32>,
      %swap3A_319 = vector.shape_cast %swap3A_318 : vector<16xi32> to vector<16xi32>
      %swap3A_320 = vector.shape_cast %min3A_316 : vector<16xi32> to vector<16xi32>
      tpu.vector_store %arg13[%swap3A_317], %swap3A_320 {strides = array<i32>} : memref<1024xi32, #tpu.memory_space<vmem>>, vector<16xi32>,
      %get3A_321 = arith.constant 352 : index
      %get3A_322 = tpu.vector_load %arg13[%get3A_321] {strides = array<i32>} : memref<1024xi32, #tpu.memory_space<vmem>>, vector<16xi32>,
      %get3A_323 = vector.shape_cast %get3A_322 : vector<16xi32> to vector<16xi32>
      %max3A_324 = arith.constant 0 : i32
      %max3A_325 = vector.broadcast %max3A_324 : i32 to vector<16xi32>
      %max3A_326 = arith.maxsi %get3A_323, %max3A_325 : vector<16xi32>
      %min3A_327 = arith.constant 36863 : i32
      %min3A_328 = vector.broadcast %min3A_327 : i32 to vector<16xi32>
      %min3A_329 = arith.minsi %max3A_326, %min3A_328 : vector<16xi32>
      %swap3A_330 = arith.constant 352 : index
      %swap3A_331 = tpu.vector_load %arg13[%swap3A_330] {strides = array<i32>} : memref<1024xi32, #tpu.memory_space<vmem>>, vector<16xi32>,
      %swap3A_332 = vector.shape_cast %swap3A_331 : vector<16xi32> to vector<16xi32>
      %swap3A_333 = vector.shape_cast %min3A_329 : vector<16xi32> to vector<16xi32>
      tpu.vector_store %arg13[%swap3A_330], %swap3A_333 {strides = array<i32>} : memref<1024xi32, #tpu.memory_space<vmem>>, vector<16xi32>,
      %get3A_334 = arith.constant 368 : index
      %get3A_335 = tpu.vector_load %arg13[%get3A_334] {strides = array<i32>} : memref<1024xi32, #tpu.memory_space<vmem>>, vector<16xi32>,
      %get3A_336 = vector.shape_cast %get3A_335 : vector<16xi32> to vector<16xi32>
      %max3A_337 = arith.constant 0 : i32
      %max3A_338 = vector.broadcast %max3A_337 : i32 to vector<16xi32>
      %max3A_339 = arith.maxsi %get3A_336, %max3A_338 : vector<16xi32>
      %min3A_340 = arith.constant 36863 : i32
      %min3A_341 = vector.broadcast %min3A_340 : i32 to vector<16xi32>
      %min3A_342 = arith.minsi %max3A_339, %min3A_341 : vector<16xi32>
      %swap3A_343 = arith.constant 368 : index
      %swap3A_344 = tpu.vector_load %arg13[%swap3A_343] {strides = array<i32>} : memref<1024xi32, #tpu.memory_space<vmem>>, vector<16xi32>,
      %swap3A_345 = vector.shape_cast %swap3A_344 : vector<16xi32> to vector<16xi32>
      %swap3A_346 = vector.shape_cast %min3A_342 : vector<16xi32> to vector<16xi32>
      tpu.vector_store %arg13[%swap3A_343], %swap3A_346 {strides = array<i32>} : memref<1024xi32, #tpu.memory_space<vmem>>, vector<16xi32>,
      %get3A_347 = arith.constant 384 : index
      %get3A_348 = tpu.vector_load %arg13[%get3A_347] {strides = array<i32>} : memref<1024xi32, #tpu.memory_space<vmem>>, vector<16xi32>,
      %get3A_349 = vector.shape_cast %get3A_348 : vector<16xi32> to vector<16xi32>
      %max3A_350 = arith.constant 0 : i32
      %max3A_351 = vector.broadcast %max3A_350 : i32 to vector<16xi32>
      %max3A_352 = arith.maxsi %get3A_349, %max3A_351 : vector<16xi32>
      %min3A_353 = arith.constant 36863 : i32
      %min3A_354 = vector.broadcast %min3A_353 : i32 to vector<16xi32>
      %min3A_355 = arith.minsi %max3A_352, %min3A_354 : vector<16xi32>
      %swap3A_356 = arith.constant 384 : index
      %swap3A_357 = tpu.vector_load %arg13[%swap3A_356] {strides = array<i32>} : memref<1024xi32, #tpu.memory_space<vmem>>, vector<16xi32>,
      %swap3A_358 = vector.shape_cast %swap3A_357 : vector<16xi32> to vector<16xi32>
      %swap3A_359 = vector.shape_cast %min3A_355 : vector<16xi32> to vector<16xi32>
      tpu.vector_store %arg13[%swap3A_356], %swap3A_359 {strides = array<i32>} : memref<1024xi32, #tpu.memory_space<vmem>>, vector<16xi32>,
      %get3A_360 = arith.constant 400 : index
      %get3A_361 = tpu.vector_load %arg13[%get3A_360] {strides = array<i32>} : memref<1024xi32, #tpu.memory_space<vmem>>, vector<16xi32>,
      %get3A_362 = vector.shape_cast %get3A_361 : vector<16xi32> to vector<16xi32>
      %max3A_363 = arith.constant 0 : i32
      %max3A_364 = vector.broadcast %max3A_363 : i32 to vector<16xi32>
      %max3A_365 = arith.maxsi %get3A_362, %max3A_364 : vector<16xi32>
      %min3A_366 = arith.constant 36863 : i32
      %min3A_367 = vector.broadcast %min3A_366 : i32 to vector<16xi32>
      %min3A_368 = arith.minsi %max3A_365, %min3A_367 : vector<16xi32>
      %swap3A_369 = arith.constant 400 : index
      %swap3A_370 = tpu.vector_load %arg13[%swap3A_369] {strides = array<i32>} : memref<1024xi32, #tpu.memory_space<vmem>>, vector<16xi32>,
      %swap3A_371 = vector.shape_cast %swap3A_370 : vector<16xi32> to vector<16xi32>
      %swap3A_372 = vector.shape_cast %min3A_368 : vector<16xi32> to vector<16xi32>
      tpu.vector_store %arg13[%swap3A_369], %swap3A_372 {strides = array<i32>} : memref<1024xi32, #tpu.memory_space<vmem>>, vector<16xi32>,
      %get3A_373 = arith.constant 416 : index
      %get3A_374 = tpu.vector_load %arg13[%get3A_373] {strides = array<i32>} : memref<1024xi32, #tpu.memory_space<vmem>>, vector<16xi32>,
      %get3A_375 = vector.shape_cast %get3A_374 : vector<16xi32> to vector<16xi32>
      %max3A_376 = arith.constant 0 : i32
      %max3A_377 = vector.broadcast %max3A_376 : i32 to vector<16xi32>
      %max3A_378 = arith.maxsi %get3A_375, %max3A_377 : vector<16xi32>
      %min3A_379 = arith.constant 36863 : i32
      %min3A_380 = vector.broadcast %min3A_379 : i32 to vector<16xi32>
      %min3A_381 = arith.minsi %max3A_378, %min3A_380 : vector<16xi32>
      %swap3A_382 = arith.constant 416 : index
      %swap3A_383 = tpu.vector_load %arg13[%swap3A_382] {strides = array<i32>} : memref<1024xi32, #tpu.memory_space<vmem>>, vector<16xi32>,
      %swap3A_384 = vector.shape_cast %swap3A_383 : vector<16xi32> to vector<16xi32>
      %swap3A_385 = vector.shape_cast %min3A_381 : vector<16xi32> to vector<16xi32>
      tpu.vector_store %arg13[%swap3A_382], %swap3A_385 {strides = array<i32>} : memref<1024xi32, #tpu.memory_space<vmem>>, vector<16xi32>,
      %get3A_386 = arith.constant 432 : index
      %get3A_387 = tpu.vector_load %arg13[%get3A_386] {strides = array<i32>} : memref<1024xi32, #tpu.memory_space<vmem>>, vector<16xi32>,
      %get3A_388 = vector.shape_cast %get3A_387 : vector<16xi32> to vector<16xi32>
      %max3A_389 = arith.constant 0 : i32
      %max3A_390 = vector.broadcast %max3A_389 : i32 to vector<16xi32>
      %max3A_391 = arith.maxsi %get3A_388, %max3A_390 : vector<16xi32>
      %min3A_392 = arith.constant 36863 : i32
      %min3A_393 = vector.broadcast %min3A_392 : i32 to vector<16xi32>
      %min3A_394 = arith.minsi %max3A_391, %min3A_393 : vector<16xi32>
      %swap3A_395 = arith.constant 432 : index
      %swap3A_396 = tpu.vector_load %arg13[%swap3A_395] {strides = array<i32>} : memref<1024xi32, #tpu.memory_space<vmem>>, vector<16xi32>,
      %swap3A_397 = vector.shape_cast %swap3A_396 : vector<16xi32> to vector<16xi32>
      %swap3A_398 = vector.shape_cast %min3A_394 : vector<16xi32> to vector<16xi32>
      tpu.vector_store %arg13[%swap3A_395], %swap3A_398 {strides = array<i32>} : memref<1024xi32, #tpu.memory_space<vmem>>, vector<16xi32>,
      %get3A_399 = arith.constant 448 : index
      %get3A_400 = tpu.vector_load %arg13[%get3A_399] {strides = array<i32>} : memref<1024xi32, #tpu.memory_space<vmem>>, vector<16xi32>,
      %get3A_401 = vector.shape_cast %get3A_400 : vector<16xi32> to vector<16xi32>
      %max3A_402 = arith.constant 0 : i32
      %max3A_403 = vector.broadcast %max3A_402 : i32 to vector<16xi32>
      %max3A_404 = arith.maxsi %get3A_401, %max3A_403 : vector<16xi32>
      %min3A_405 = arith.constant 36863 : i32
      %min3A_406 = vector.broadcast %min3A_405 : i32 to vector<16xi32>
      %min3A_407 = arith.minsi %max3A_404, %min3A_406 : vector<16xi32>
      %swap3A_408 = arith.constant 448 : index
      %swap3A_409 = tpu.vector_load %arg13[%swap3A_408] {strides = array<i32>} : memref<1024xi32, #tpu.memory_space<vmem>>, vector<16xi32>,
      %swap3A_410 = vector.shape_cast %swap3A_409 : vector<16xi32> to vector<16xi32>
      %swap3A_411 = vector.shape_cast %min3A_407 : vector<16xi32> to vector<16xi32>
      tpu.vector_store %arg13[%swap3A_408], %swap3A_411 {strides = array<i32>} : memref<1024xi32, #tpu.memory_space<vmem>>, vector<16xi32>,
      %get3A_412 = arith.constant 464 : index
      %get3A_413 = tpu.vector_load %arg13[%get3A_412] {strides = array<i32>} : memref<1024xi32, #tpu.memory_space<vmem>>, vector<16xi32>,
      %get3A_414 = vector.shape_cast %get3A_413 : vector<16xi32> to vector<16xi32>
      %max3A_415 = arith.constant 0 : i32
      %max3A_416 = vector.broadcast %max3A_415 : i32 to vector<16xi32>
      %max3A_417 = arith.maxsi %get3A_414, %max3A_416 : vector<16xi32>
      %min3A_418 = arith.constant 36863 : i32
      %min3A_419 = vector.broadcast %min3A_418 : i32 to vector<16xi32>
      %min3A_420 = arith.minsi %max3A_417, %min3A_419 : vector<16xi32>
      %swap3A_421 = arith.constant 464 : index
      %swap3A_422 = tpu.vector_load %arg13[%swap3A_421] {strides = array<i32>} : memref<1024xi32, #tpu.memory_space<vmem>>, vector<16xi32>,
      %swap3A_423 = vector.shape_cast %swap3A_422 : vector<16xi32> to vector<16xi32>
      %swap3A_424 = vector.shape_cast %min3A_420 : vector<16xi32> to vector<16xi32>
      tpu.vector_store %arg13[%swap3A_421], %swap3A_424 {strides = array<i32>} : memref<1024xi32, #tpu.memory_space<vmem>>, vector<16xi32>,
      %get3A_425 = arith.constant 480 : index
      %get3A_426 = tpu.vector_load %arg13[%get3A_425] {strides = array<i32>} : memref<1024xi32, #tpu.memory_space<vmem>>, vector<16xi32>,
      %get3A_427 = vector.shape_cast %get3A_426 : vector<16xi32> to vector<16xi32>
      %max3A_428 = arith.constant 0 : i32
      %max3A_429 = vector.broadcast %max3A_428 : i32 to vector<16xi32>
      %max3A_430 = arith.maxsi %get3A_427, %max3A_429 : vector<16xi32>
      %min3A_431 = arith.constant 36863 : i32
      %min3A_432 = vector.broadcast %min3A_431 : i32 to vector<16xi32>
      %min3A_433 = arith.minsi %max3A_430, %min3A_432 : vector<16xi32>
      %swap3A_434 = arith.constant 480 : index
      %swap3A_435 = tpu.vector_load %arg13[%swap3A_434] {strides = array<i32>} : memref<1024xi32, #tpu.memory_space<vmem>>, vector<16xi32>,
      %swap3A_436 = vector.shape_cast %swap3A_435 : vector<16xi32> to vector<16xi32>
      %swap3A_437 = vector.shape_cast %min3A_433 : vector<16xi32> to vector<16xi32>
      tpu.vector_store %arg13[%swap3A_434], %swap3A_437 {strides = array<i32>} : memref<1024xi32, #tpu.memory_space<vmem>>, vector<16xi32>,
      %get3A_438 = arith.constant 496 : index
      %get3A_439 = tpu.vector_load %arg13[%get3A_438] {strides = array<i32>} : memref<1024xi32, #tpu.memory_space<vmem>>, vector<16xi32>,
      %get3A_440 = vector.shape_cast %get3A_439 : vector<16xi32> to vector<16xi32>
      %max3A_441 = arith.constant 0 : i32
      %max3A_442 = vector.broadcast %max3A_441 : i32 to vector<16xi32>
      %max3A_443 = arith.maxsi %get3A_440, %max3A_442 : vector<16xi32>
      %min3A_444 = arith.constant 36863 : i32
      %min3A_445 = vector.broadcast %min3A_444 : i32 to vector<16xi32>
      %min3A_446 = arith.minsi %max3A_443, %min3A_445 : vector<16xi32>
      %swap3A_447 = arith.constant 496 : index
      %swap3A_448 = tpu.vector_load %arg13[%swap3A_447] {strides = array<i32>} : memref<1024xi32, #tpu.memory_space<vmem>>, vector<16xi32>,
      %swap3A_449 = vector.shape_cast %swap3A_448 : vector<16xi32> to vector<16xi32>
      %swap3A_450 = vector.shape_cast %min3A_446 : vector<16xi32> to vector<16xi32>
      tpu.vector_store %arg13[%swap3A_447], %swap3A_450 {strides = array<i32>} : memref<1024xi32, #tpu.memory_space<vmem>>, vector<16xi32>,
      %get3A_451 = arith.constant 512 : index
      %get3A_452 = tpu.vector_load %arg13[%get3A_451] {strides = array<i32>} : memref<1024xi32, #tpu.memory_space<vmem>>, vector<16xi32>,
      %get3A_453 = vector.shape_cast %get3A_452 : vector<16xi32> to vector<16xi32>
      %max3A_454 = arith.constant 0 : i32
      %max3A_455 = vector.broadcast %max3A_454 : i32 to vector<16xi32>
      %max3A_456 = arith.maxsi %get3A_453, %max3A_455 : vector<16xi32>
      %min3A_457 = arith.constant 36863 : i32
      %min3A_458 = vector.broadcast %min3A_457 : i32 to vector<16xi32>
      %min3A_459 = arith.minsi %max3A_456, %min3A_458 : vector<16xi32>
      %swap3A_460 = arith.constant 512 : index
      %swap3A_461 = tpu.vector_load %arg13[%swap3A_460] {strides = array<i32>} : memref<1024xi32, #tpu.memory_space<vmem>>, vector<16xi32>,
      %swap3A_462 = vector.shape_cast %swap3A_461 : vector<16xi32> to vector<16xi32>
      %swap3A_463 = vector.shape_cast %min3A_459 : vector<16xi32> to vector<16xi32>
      tpu.vector_store %arg13[%swap3A_460], %swap3A_463 {strides = array<i32>} : memref<1024xi32, #tpu.memory_space<vmem>>, vector<16xi32>,
      %get3A_464 = arith.constant 528 : index
      %get3A_465 = tpu.vector_load %arg13[%get3A_464] {strides = array<i32>} : memref<1024xi32, #tpu.memory_space<vmem>>, vector<16xi32>,
      %get3A_466 = vector.shape_cast %get3A_465 : vector<16xi32> to vector<16xi32>
      %max3A_467 = arith.constant 0 : i32
      %max3A_468 = vector.broadcast %max3A_467 : i32 to vector<16xi32>
      %max3A_469 = arith.maxsi %get3A_466, %max3A_468 : vector<16xi32>
      %min3A_470 = arith.constant 36863 : i32
      %min3A_471 = vector.broadcast %min3A_470 : i32 to vector<16xi32>
      %min3A_472 = arith.minsi %max3A_469, %min3A_471 : vector<16xi32>
      %swap3A_473 = arith.constant 528 : index
      %swap3A_474 = tpu.vector_load %arg13[%swap3A_473] {strides = array<i32>} : memref<1024xi32, #tpu.memory_space<vmem>>, vector<16xi32>,
      %swap3A_475 = vector.shape_cast %swap3A_474 : vector<16xi32> to vector<16xi32>
      %swap3A_476 = vector.shape_cast %min3A_472 : vector<16xi32> to vector<16xi32>
      tpu.vector_store %arg13[%swap3A_473], %swap3A_476 {strides = array<i32>} : memref<1024xi32, #tpu.memory_space<vmem>>, vector<16xi32>,
      %get3A_477 = arith.constant 544 : index
      %get3A_478 = tpu.vector_load %arg13[%get3A_477] {strides = array<i32>} : memref<1024xi32, #tpu.memory_space<vmem>>, vector<16xi32>,
      %get3A_479 = vector.shape_cast %get3A_478 : vector<16xi32> to vector<16xi32>
      %max3A_480 = arith.constant 0 : i32
      %max3A_481 = vector.broadcast %max3A_480 : i32 to vector<16xi32>
      %max3A_482 = arith.maxsi %get3A_479, %max3A_481 : vector<16xi32>
      %min3A_483 = arith.constant 36863 : i32
      %min3A_484 = vector.broadcast %min3A_483 : i32 to vector<16xi32>
      %min3A_485 = arith.minsi %max3A_482, %min3A_484 : vector<16xi32>
      %swap3A_486 = arith.constant 544 : index
      %swap3A_487 = tpu.vector_load %arg13[%swap3A_486] {strides = array<i32>} : memref<1024xi32, #tpu.memory_space<vmem>>, vector<16xi32>,
      %swap3A_488 = vector.shape_cast %swap3A_487 : vector<16xi32> to vector<16xi32>
      %swap3A_489 = vector.shape_cast %min3A_485 : vector<16xi32> to vector<16xi32>
      tpu.vector_store %arg13[%swap3A_486], %swap3A_489 {strides = array<i32>} : memref<1024xi32, #tpu.memory_space<vmem>>, vector<16xi32>,
      %get3A_490 = arith.constant 560 : index
      %get3A_491 = tpu.vector_load %arg13[%get3A_490] {strides = array<i32>} : memref<1024xi32, #tpu.memory_space<vmem>>, vector<16xi32>,
      %get3A_492 = vector.shape_cast %get3A_491 : vector<16xi32> to vector<16xi32>
      %max3A_493 = arith.constant 0 : i32
      %max3A_494 = vector.broadcast %max3A_493 : i32 to vector<16xi32>
      %max3A_495 = arith.maxsi %get3A_492, %max3A_494 : vector<16xi32>
      %min3A_496 = arith.constant 36863 : i32
      %min3A_497 = vector.broadcast %min3A_496 : i32 to vector<16xi32>
      %min3A_498 = arith.minsi %max3A_495, %min3A_497 : vector<16xi32>
      %swap3A_499 = arith.constant 560 : index
      %swap3A_500 = tpu.vector_load %arg13[%swap3A_499] {strides = array<i32>} : memref<1024xi32, #tpu.memory_space<vmem>>, vector<16xi32>,
      %swap3A_501 = vector.shape_cast %swap3A_500 : vector<16xi32> to vector<16xi32>
      %swap3A_502 = vector.shape_cast %min3A_498 : vector<16xi32> to vector<16xi32>
      tpu.vector_store %arg13[%swap3A_499], %swap3A_502 {strides = array<i32>} : memref<1024xi32, #tpu.memory_space<vmem>>, vector<16xi32>,
      %get3A_503 = arith.constant 576 : index
      %get3A_504 = tpu.vector_load %arg13[%get3A_503] {strides = array<i32>} : memref<1024xi32, #tpu.memory_space<vmem>>, vector<16xi32>,
      %get3A_505 = vector.shape_cast %get3A_504 : vector<16xi32> to vector<16xi32>
      %max3A_506 = arith.constant 0 : i32
      %max3A_507 = vector.broadcast %max3A_506 : i32 to vector<16xi32>
      %max3A_508 = arith.maxsi %get3A_505, %max3A_507 : vector<16xi32>
      %min3A_509 = arith.constant 36863 : i32
      %min3A_510 = vector.broadcast %min3A_509 : i32 to vector<16xi32>
      %min3A_511 = arith.minsi %max3A_508, %min3A_510 : vector<16xi32>
      %swap3A_512 = arith.constant 576 : index
      %swap3A_513 = tpu.vector_load %arg13[%swap3A_512] {strides = array<i32>} : memref<1024xi32, #tpu.memory_space<vmem>>, vector<16xi32>,
      %swap3A_514 = vector.shape_cast %swap3A_513 : vector<16xi32> to vector<16xi32>
      %swap3A_515 = vector.shape_cast %min3A_511 : vector<16xi32> to vector<16xi32>
      tpu.vector_store %arg13[%swap3A_512], %swap3A_515 {strides = array<i32>} : memref<1024xi32, #tpu.memory_space<vmem>>, vector<16xi32>,
      %get3A_516 = arith.constant 592 : index
      %get3A_517 = tpu.vector_load %arg13[%get3A_516] {strides = array<i32>} : memref<1024xi32, #tpu.memory_space<vmem>>, vector<16xi32>,
      %get3A_518 = vector.shape_cast %get3A_517 : vector<16xi32> to vector<16xi32>
      %max3A_519 = arith.constant 0 : i32
      %max3A_520 = vector.broadcast %max3A_519 : i32 to vector<16xi32>
      %max3A_521 = arith.maxsi %get3A_518, %max3A_520 : vector<16xi32>
      %min3A_522 = arith.constant 36863 : i32
      %min3A_523 = vector.broadcast %min3A_522 : i32 to vector<16xi32>
      %min3A_524 = arith.minsi %max3A_521, %min3A_523 : vector<16xi32>
      %swap3A_525 = arith.constant 592 : index
      %swap3A_526 = tpu.vector_load %arg13[%swap3A_525] {strides = array<i32>} : memref<1024xi32, #tpu.memory_space<vmem>>, vector<16xi32>,
      %swap3A_527 = vector.shape_cast %swap3A_526 : vector<16xi32> to vector<16xi32>
      %swap3A_528 = vector.shape_cast %min3A_524 : vector<16xi32> to vector<16xi32>
      tpu.vector_store %arg13[%swap3A_525], %swap3A_528 {strides = array<i32>} : memref<1024xi32, #tpu.memory_space<vmem>>, vector<16xi32>,
      %get3A_529 = arith.constant 608 : index
      %get3A_530 = tpu.vector_load %arg13[%get3A_529] {strides = array<i32>} : memref<1024xi32, #tpu.memory_space<vmem>>, vector<16xi32>,
      %get3A_531 = vector.shape_cast %get3A_530 : vector<16xi32> to vector<16xi32>
      %max3A_532 = arith.constant 0 : i32
      %max3A_533 = vector.broadcast %max3A_532 : i32 to vector<16xi32>
      %max3A_534 = arith.maxsi %get3A_531, %max3A_533 : vector<16xi32>
      %min3A_535 = arith.constant 36863 : i32
      %min3A_536 = vector.broadcast %min3A_535 : i32 to vector<16xi32>
      %min3A_537 = arith.minsi %max3A_534, %min3A_536 : vector<16xi32>
      %swap3A_538 = arith.constant 608 : index
      %swap3A_539 = tpu.vector_load %arg13[%swap3A_538] {strides = array<i32>} : memref<1024xi32, #tpu.memory_space<vmem>>, vector<16xi32>,
      %swap3A_540 = vector.shape_cast %swap3A_539 : vector<16xi32> to vector<16xi32>
      %swap3A_541 = vector.shape_cast %min3A_537 : vector<16xi32> to vector<16xi32>
      tpu.vector_store %arg13[%swap3A_538], %swap3A_541 {strides = array<i32>} : memref<1024xi32, #tpu.memory_space<vmem>>, vector<16xi32>,
      %get3A_542 = arith.constant 624 : index
      %get3A_543 = tpu.vector_load %arg13[%get3A_542] {strides = array<i32>} : memref<1024xi32, #tpu.memory_space<vmem>>, vector<16xi32>,
      %get3A_544 = vector.shape_cast %get3A_543 : vector<16xi32> to vector<16xi32>
      %max3A_545 = arith.constant 0 : i32
      %max3A_546 = vector.broadcast %max3A_545 : i32 to vector<16xi32>
      %max3A_547 = arith.maxsi %get3A_544, %max3A_546 : vector<16xi32>
      %min3A_548 = arith.constant 36863 : i32
      %min3A_549 = vector.broadcast %min3A_548 : i32 to vector<16xi32>
      %min3A_550 = arith.minsi %max3A_547, %min3A_549 : vector<16xi32>
      %swap3A_551 = arith.constant 624 : index
      %swap3A_552 = tpu.vector_load %arg13[%swap3A_551] {strides = array<i32>} : memref<1024xi32, #tpu.memory_space<vmem>>, vector<16xi32>,
      %swap3A_553 = vector.shape_cast %swap3A_552 : vector<16xi32> to vector<16xi32>
      %swap3A_554 = vector.shape_cast %min3A_550 : vector<16xi32> to vector<16xi32>
      tpu.vector_store %arg13[%swap3A_551], %swap3A_554 {strides = array<i32>} : memref<1024xi32, #tpu.memory_space<vmem>>, vector<16xi32>,
      %get3A_555 = arith.constant 640 : index
      %get3A_556 = tpu.vector_load %arg13[%get3A_555] {strides = array<i32>} : memref<1024xi32, #tpu.memory_space<vmem>>, vector<16xi32>,
      %get3A_557 = vector.shape_cast %get3A_556 : vector<16xi32> to vector<16xi32>
      %max3A_558 = arith.constant 0 : i32
      %max3A_559 = vector.broadcast %max3A_558 : i32 to vector<16xi32>
      %max3A_560 = arith.maxsi %get3A_557, %max3A_559 : vector<16xi32>
      %min3A_561 = arith.constant 36863 : i32
      %min3A_562 = vector.broadcast %min3A_561 : i32 to vector<16xi32>
      %min3A_563 = arith.minsi %max3A_560, %min3A_562 : vector<16xi32>
      %swap3A_564 = arith.constant 640 : index
      %swap3A_565 = tpu.vector_load %arg13[%swap3A_564] {strides = array<i32>} : memref<1024xi32, #tpu.memory_space<vmem>>, vector<16xi32>,
      %swap3A_566 = vector.shape_cast %swap3A_565 : vector<16xi32> to vector<16xi32>
      %swap3A_567 = vector.shape_cast %min3A_563 : vector<16xi32> to vector<16xi32>
      tpu.vector_store %arg13[%swap3A_564], %swap3A_567 {strides = array<i32>} : memref<1024xi32, #tpu.memory_space<vmem>>, vector<16xi32>,
      %get3A_568 = arith.constant 656 : index
      %get3A_569 = tpu.vector_load %arg13[%get3A_568] {strides = array<i32>} : memref<1024xi32, #tpu.memory_space<vmem>>, vector<16xi32>,
      %get3A_570 = vector.shape_cast %get3A_569 : vector<16xi32> to vector<16xi32>
      %max3A_571 = arith.constant 0 : i32
      %max3A_572 = vector.broadcast %max3A_571 : i32 to vector<16xi32>
      %max3A_573 = arith.maxsi %get3A_570, %max3A_572 : vector<16xi32>
      %min3A_574 = arith.constant 36863 : i32
      %min3A_575 = vector.broadcast %min3A_574 : i32 to vector<16xi32>
      %min3A_576 = arith.minsi %max3A_573, %min3A_575 : vector<16xi32>
      %swap3A_577 = arith.constant 656 : index
      %swap3A_578 = tpu.vector_load %arg13[%swap3A_577] {strides = array<i32>} : memref<1024xi32, #tpu.memory_space<vmem>>, vector<16xi32>,
      %swap3A_579 = vector.shape_cast %swap3A_578 : vector<16xi32> to vector<16xi32>
      %swap3A_580 = vector.shape_cast %min3A_576 : vector<16xi32> to vector<16xi32>
      tpu.vector_store %arg13[%swap3A_577], %swap3A_580 {strides = array<i32>} : memref<1024xi32, #tpu.memory_space<vmem>>, vector<16xi32>,
      %get3A_581 = arith.constant 672 : index
      %get3A_582 = tpu.vector_load %arg13[%get3A_581] {strides = array<i32>} : memref<1024xi32, #tpu.memory_space<vmem>>, vector<16xi32>,
      %get3A_583 = vector.shape_cast %get3A_582 : vector<16xi32> to vector<16xi32>
      %max3A_584 = arith.constant 0 : i32
      %max3A_585 = vector.broadcast %max3A_584 : i32 to vector<16xi32>
      %max3A_586 = arith.maxsi %get3A_583, %max3A_585 : vector<16xi32>
      %min3A_587 = arith.constant 36863 : i32
      %min3A_588 = vector.broadcast %min3A_587 : i32 to vector<16xi32>
      %min3A_589 = arith.minsi %max3A_586, %min3A_588 : vector<16xi32>
      %swap3A_590 = arith.constant 672 : index
      %swap3A_591 = tpu.vector_load %arg13[%swap3A_590] {strides = array<i32>} : memref<1024xi32, #tpu.memory_space<vmem>>, vector<16xi32>,
      %swap3A_592 = vector.shape_cast %swap3A_591 : vector<16xi32> to vector<16xi32>
      %swap3A_593 = vector.shape_cast %min3A_589 : vector<16xi32> to vector<16xi32>
      tpu.vector_store %arg13[%swap3A_590], %swap3A_593 {strides = array<i32>} : memref<1024xi32, #tpu.memory_space<vmem>>, vector<16xi32>,
      %get3A_594 = arith.constant 688 : index
      %get3A_595 = tpu.vector_load %arg13[%get3A_594] {strides = array<i32>} : memref<1024xi32, #tpu.memory_space<vmem>>, vector<16xi32>,
      %get3A_596 = vector.shape_cast %get3A_595 : vector<16xi32> to vector<16xi32>
      %max3A_597 = arith.constant 0 : i32
      %max3A_598 = vector.broadcast %max3A_597 : i32 to vector<16xi32>
      %max3A_599 = arith.maxsi %get3A_596, %max3A_598 : vector<16xi32>
      %min3A_600 = arith.constant 36863 : i32
      %min3A_601 = vector.broadcast %min3A_600 : i32 to vector<16xi32>
      %min3A_602 = arith.minsi %max3A_599, %min3A_601 : vector<16xi32>
      %swap3A_603 = arith.constant 688 : index
      %swap3A_604 = tpu.vector_load %arg13[%swap3A_603] {strides = array<i32>} : memref<1024xi32, #tpu.memory_space<vmem>>, vector<16xi32>,
      %swap3A_605 = vector.shape_cast %swap3A_604 : vector<16xi32> to vector<16xi32>
      %swap3A_606 = vector.shape_cast %min3A_602 : vector<16xi32> to vector<16xi32>
      tpu.vector_store %arg13[%swap3A_603], %swap3A_606 {strides = array<i32>} : memref<1024xi32, #tpu.memory_space<vmem>>, vector<16xi32>,
      %get3A_607 = arith.constant 704 : index
      %get3A_608 = tpu.vector_load %arg13[%get3A_607] {strides = array<i32>} : memref<1024xi32, #tpu.memory_space<vmem>>, vector<16xi32>,
      %get3A_609 = vector.shape_cast %get3A_608 : vector<16xi32> to vector<16xi32>
      %max3A_610 = arith.constant 0 : i32
      %max3A_611 = vector.broadcast %max3A_610 : i32 to vector<16xi32>
      %max3A_612 = arith.maxsi %get3A_609, %max3A_611 : vector<16xi32>
      %min3A_613 = arith.constant 36863 : i32
      %min3A_614 = vector.broadcast %min3A_613 : i32 to vector<16xi32>
      %min3A_615 = arith.minsi %max3A_612, %min3A_614 : vector<16xi32>
      %swap3A_616 = arith.constant 704 : index
      %swap3A_617 = tpu.vector_load %arg13[%swap3A_616] {strides = array<i32>} : memref<1024xi32, #tpu.memory_space<vmem>>, vector<16xi32>,
      %swap3A_618 = vector.shape_cast %swap3A_617 : vector<16xi32> to vector<16xi32>
      %swap3A_619 = vector.shape_cast %min3A_615 : vector<16xi32> to vector<16xi32>
      tpu.vector_store %arg13[%swap3A_616], %swap3A_619 {strides = array<i32>} : memref<1024xi32, #tpu.memory_space<vmem>>, vector<16xi32>,
      %get3A_620 = arith.constant 720 : index
      %get3A_621 = tpu.vector_load %arg13[%get3A_620] {strides = array<i32>} : memref<1024xi32, #tpu.memory_space<vmem>>, vector<16xi32>,
      %get3A_622 = vector.shape_cast %get3A_621 : vector<16xi32> to vector<16xi32>
      %max3A_623 = arith.constant 0 : i32
      %max3A_624 = vector.broadcast %max3A_623 : i32 to vector<16xi32>
      %max3A_625 = arith.maxsi %get3A_622, %max3A_624 : vector<16xi32>
      %min3A_626 = arith.constant 36863 : i32
      %min3A_627 = vector.broadcast %min3A_626 : i32 to vector<16xi32>
      %min3A_628 = arith.minsi %max3A_625, %min3A_627 : vector<16xi32>
      %swap3A_629 = arith.constant 720 : index
      %swap3A_630 = tpu.vector_load %arg13[%swap3A_629] {strides = array<i32>} : memref<1024xi32, #tpu.memory_space<vmem>>, vector<16xi32>,
      %swap3A_631 = vector.shape_cast %swap3A_630 : vector<16xi32> to vector<16xi32>
      %swap3A_632 = vector.shape_cast %min3A_628 : vector<16xi32> to vector<16xi32>
      tpu.vector_store %arg13[%swap3A_629], %swap3A_632 {strides = array<i32>} : memref<1024xi32, #tpu.memory_space<vmem>>, vector<16xi32>,
      %get3A_633 = arith.constant 736 : index
      %get3A_634 = tpu.vector_load %arg13[%get3A_633] {strides = array<i32>} : memref<1024xi32, #tpu.memory_space<vmem>>, vector<16xi32>,
      %get3A_635 = vector.shape_cast %get3A_634 : vector<16xi32> to vector<16xi32>
      %max3A_636 = arith.constant 0 : i32
      %max3A_637 = vector.broadcast %max3A_636 : i32 to vector<16xi32>
      %max3A_638 = arith.maxsi %get3A_635, %max3A_637 : vector<16xi32>
      %min3A_639 = arith.constant 36863 : i32
      %min3A_640 = vector.broadcast %min3A_639 : i32 to vector<16xi32>
      %min3A_641 = arith.minsi %max3A_638, %min3A_640 : vector<16xi32>
      %swap3A_642 = arith.constant 736 : index
      %swap3A_643 = tpu.vector_load %arg13[%swap3A_642] {strides = array<i32>} : memref<1024xi32, #tpu.memory_space<vmem>>, vector<16xi32>,
      %swap3A_644 = vector.shape_cast %swap3A_643 : vector<16xi32> to vector<16xi32>
      %swap3A_645 = vector.shape_cast %min3A_641 : vector<16xi32> to vector<16xi32>
      tpu.vector_store %arg13[%swap3A_642], %swap3A_645 {strides = array<i32>} : memref<1024xi32, #tpu.memory_space<vmem>>, vector<16xi32>,
      %get3A_646 = arith.constant 752 : index
      %get3A_647 = tpu.vector_load %arg13[%get3A_646] {strides = array<i32>} : memref<1024xi32, #tpu.memory_space<vmem>>, vector<16xi32>,
      %get3A_648 = vector.shape_cast %get3A_647 : vector<16xi32> to vector<16xi32>
      %max3A_649 = arith.constant 0 : i32
      %max3A_650 = vector.broadcast %max3A_649 : i32 to vector<16xi32>
      %max3A_651 = arith.maxsi %get3A_648, %max3A_650 : vector<16xi32>
      %min3A_652 = arith.constant 36863 : i32
      %min3A_653 = vector.broadcast %min3A_652 : i32 to vector<16xi32>
      %min3A_654 = arith.minsi %max3A_651, %min3A_653 : vector<16xi32>
      %swap3A_655 = arith.constant 752 : index
      %swap3A_656 = tpu.vector_load %arg13[%swap3A_655] {strides = array<i32>} : memref<1024xi32, #tpu.memory_space<vmem>>, vector<16xi32>,
      %swap3A_657 = vector.shape_cast %swap3A_656 : vector<16xi32> to vector<16xi32>
      %swap3A_658 = vector.shape_cast %min3A_654 : vector<16xi32> to vector<16xi32>
      tpu.vector_store %arg13[%swap3A_655], %swap3A_658 {strides = array<i32>} : memref<1024xi32, #tpu.memory_space<vmem>>, vector<16xi32>,
      %get3A_659 = arith.constant 768 : index
      %get3A_660 = tpu.vector_load %arg13[%get3A_659] {strides = array<i32>} : memref<1024xi32, #tpu.memory_space<vmem>>, vector<16xi32>,
      %get3A_661 = vector.shape_cast %get3A_660 : vector<16xi32> to vector<16xi32>
      %max3A_662 = arith.constant 0 : i32
      %max3A_663 = vector.broadcast %max3A_662 : i32 to vector<16xi32>
      %max3A_664 = arith.maxsi %get3A_661, %max3A_663 : vector<16xi32>
      %min3A_665 = arith.constant 36863 : i32
      %min3A_666 = vector.broadcast %min3A_665 : i32 to vector<16xi32>
      %min3A_667 = arith.minsi %max3A_664, %min3A_666 : vector<16xi32>
      %swap3A_668 = arith.constant 768 : index
      %swap3A_669 = tpu.vector_load %arg13[%swap3A_668] {strides = array<i32>} : memref<1024xi32, #tpu.memory_space<vmem>>, vector<16xi32>,
      %swap3A_670 = vector.shape_cast %swap3A_669 : vector<16xi32> to vector<16xi32>
      %swap3A_671 = vector.shape_cast %min3A_667 : vector<16xi32> to vector<16xi32>
      tpu.vector_store %arg13[%swap3A_668], %swap3A_671 {strides = array<i32>} : memref<1024xi32, #tpu.memory_space<vmem>>, vector<16xi32>,
      %get3A_672 = arith.constant 784 : index
      %get3A_673 = tpu.vector_load %arg13[%get3A_672] {strides = array<i32>} : memref<1024xi32, #tpu.memory_space<vmem>>, vector<16xi32>,
      %get3A_674 = vector.shape_cast %get3A_673 : vector<16xi32> to vector<16xi32>
      %max3A_675 = arith.constant 0 : i32
      %max3A_676 = vector.broadcast %max3A_675 : i32 to vector<16xi32>
      %max3A_677 = arith.maxsi %get3A_674, %max3A_676 : vector<16xi32>
      %min3A_678 = arith.constant 36863 : i32
      %min3A_679 = vector.broadcast %min3A_678 : i32 to vector<16xi32>
      %min3A_680 = arith.minsi %max3A_677, %min3A_679 : vector<16xi32>
      %swap3A_681 = arith.constant 784 : index
      %swap3A_682 = tpu.vector_load %arg13[%swap3A_681] {strides = array<i32>} : memref<1024xi32, #tpu.memory_space<vmem>>, vector<16xi32>,
      %swap3A_683 = vector.shape_cast %swap3A_682 : vector<16xi32> to vector<16xi32>
      %swap3A_684 = vector.shape_cast %min3A_680 : vector<16xi32> to vector<16xi32>
      tpu.vector_store %arg13[%swap3A_681], %swap3A_684 {strides = array<i32>} : memref<1024xi32, #tpu.memory_space<vmem>>, vector<16xi32>,
      %get3A_685 = arith.constant 800 : index
      %get3A_686 = tpu.vector_load %arg13[%get3A_685] {strides = array<i32>} : memref<1024xi32, #tpu.memory_space<vmem>>, vector<16xi32>,
      %get3A_687 = vector.shape_cast %get3A_686 : vector<16xi32> to vector<16xi32>
      %max3A_688 = arith.constant 0 : i32
      %max3A_689 = vector.broadcast %max3A_688 : i32 to vector<16xi32>
      %max3A_690 = arith.maxsi %get3A_687, %max3A_689 : vector<16xi32>
      %min3A_691 = arith.constant 36863 : i32
      %min3A_692 = vector.broadcast %min3A_691 : i32 to vector<16xi32>
      %min3A_693 = arith.minsi %max3A_690, %min3A_692 : vector<16xi32>
      %swap3A_694 = arith.constant 800 : index
      %swap3A_695 = tpu.vector_load %arg13[%swap3A_694] {strides = array<i32>} : memref<1024xi32, #tpu.memory_space<vmem>>, vector<16xi32>,
      %swap3A_696 = vector.shape_cast %swap3A_695 : vector<16xi32> to vector<16xi32>
      %swap3A_697 = vector.shape_cast %min3A_693 : vector<16xi32> to vector<16xi32>
      tpu.vector_store %arg13[%swap3A_694], %swap3A_697 {strides = array<i32>} : memref<1024xi32, #tpu.memory_space<vmem>>, vector<16xi32>,
      %get3A_698 = arith.constant 816 : index
      %get3A_699 = tpu.vector_load %arg13[%get3A_698] {strides = array<i32>} : memref<1024xi32, #tpu.memory_space<vmem>>, vector<16xi32>,
      %get3A_700 = vector.shape_cast %get3A_699 : vector<16xi32> to vector<16xi32>
      %max3A_701 = arith.constant 0 : i32
      %max3A_702 = vector.broadcast %max3A_701 : i32 to vector<16xi32>
      %max3A_703 = arith.maxsi %get3A_700, %max3A_702 : vector<16xi32>
      %min3A_704 = arith.constant 36863 : i32
      %min3A_705 = vector.broadcast %min3A_704 : i32 to vector<16xi32>
      %min3A_706 = arith.minsi %max3A_703, %min3A_705 : vector<16xi32>
      %swap3A_707 = arith.constant 816 : index
      %swap3A_708 = tpu.vector_load %arg13[%swap3A_707] {strides = array<i32>} : memref<1024xi32, #tpu.memory_space<vmem>>, vector<16xi32>,
      %swap3A_709 = vector.shape_cast %swap3A_708 : vector<16xi32> to vector<16xi32>
      %swap3A_710 = vector.shape_cast %min3A_706 : vector<16xi32> to vector<16xi32>
      tpu.vector_store %arg13[%swap3A_707], %swap3A_710 {strides = array<i32>} : memref<1024xi32, #tpu.memory_space<vmem>>, vector<16xi32>,
      %get3A_711 = arith.constant 832 : index
      %get3A_712 = tpu.vector_load %arg13[%get3A_711] {strides = array<i32>} : memref<1024xi32, #tpu.memory_space<vmem>>, vector<16xi32>,
      %get3A_713 = vector.shape_cast %get3A_712 : vector<16xi32> to vector<16xi32>
      %max3A_714 = arith.constant 0 : i32
      %max3A_715 = vector.broadcast %max3A_714 : i32 to vector<16xi32>
      %max3A_716 = arith.maxsi %get3A_713, %max3A_715 : vector<16xi32>
      %min3A_717 = arith.constant 36863 : i32
      %min3A_718 = vector.broadcast %min3A_717 : i32 to vector<16xi32>
      %min3A_719 = arith.minsi %max3A_716, %min3A_718 : vector<16xi32>
      %swap3A_720 = arith.constant 832 : index
      %swap3A_721 = tpu.vector_load %arg13[%swap3A_720] {strides = array<i32>} : memref<1024xi32, #tpu.memory_space<vmem>>, vector<16xi32>,
      %swap3A_722 = vector.shape_cast %swap3A_721 : vector<16xi32> to vector<16xi32>
      %swap3A_723 = vector.shape_cast %min3A_719 : vector<16xi32> to vector<16xi32>
      tpu.vector_store %arg13[%swap3A_720], %swap3A_723 {strides = array<i32>} : memref<1024xi32, #tpu.memory_space<vmem>>, vector<16xi32>,
      %get3A_724 = arith.constant 848 : index
      %get3A_725 = tpu.vector_load %arg13[%get3A_724] {strides = array<i32>} : memref<1024xi32, #tpu.memory_space<vmem>>, vector<16xi32>,
      %get3A_726 = vector.shape_cast %get3A_725 : vector<16xi32> to vector<16xi32>
      %max3A_727 = arith.constant 0 : i32
      %max3A_728 = vector.broadcast %max3A_727 : i32 to vector<16xi32>
      %max3A_729 = arith.maxsi %get3A_726, %max3A_728 : vector<16xi32>
      %min3A_730 = arith.constant 36863 : i32
      %min3A_731 = vector.broadcast %min3A_730 : i32 to vector<16xi32>
      %min3A_732 = arith.minsi %max3A_729, %min3A_731 : vector<16xi32>
      %swap3A_733 = arith.constant 848 : index
      %swap3A_734 = tpu.vector_load %arg13[%swap3A_733] {strides = array<i32>} : memref<1024xi32, #tpu.memory_space<vmem>>, vector<16xi32>,
      %swap3A_735 = vector.shape_cast %swap3A_734 : vector<16xi32> to vector<16xi32>
      %swap3A_736 = vector.shape_cast %min3A_732 : vector<16xi32> to vector<16xi32>
      tpu.vector_store %arg13[%swap3A_733], %swap3A_736 {strides = array<i32>} : memref<1024xi32, #tpu.memory_space<vmem>>, vector<16xi32>,
      %get3A_737 = arith.constant 864 : index
      %get3A_738 = tpu.vector_load %arg13[%get3A_737] {strides = array<i32>} : memref<1024xi32, #tpu.memory_space<vmem>>, vector<16xi32>,
      %get3A_739 = vector.shape_cast %get3A_738 : vector<16xi32> to vector<16xi32>
      %max3A_740 = arith.constant 0 : i32
      %max3A_741 = vector.broadcast %max3A_740 : i32 to vector<16xi32>
      %max3A_742 = arith.maxsi %get3A_739, %max3A_741 : vector<16xi32>
      %min3A_743 = arith.constant 36863 : i32
      %min3A_744 = vector.broadcast %min3A_743 : i32 to vector<16xi32>
      %min3A_745 = arith.minsi %max3A_742, %min3A_744 : vector<16xi32>
      %swap3A_746 = arith.constant 864 : index
      %swap3A_747 = tpu.vector_load %arg13[%swap3A_746] {strides = array<i32>} : memref<1024xi32, #tpu.memory_space<vmem>>, vector<16xi32>,
      %swap3A_748 = vector.shape_cast %swap3A_747 : vector<16xi32> to vector<16xi32>
      %swap3A_749 = vector.shape_cast %min3A_745 : vector<16xi32> to vector<16xi32>
      tpu.vector_store %arg13[%swap3A_746], %swap3A_749 {strides = array<i32>} : memref<1024xi32, #tpu.memory_space<vmem>>, vector<16xi32>,
      %get3A_750 = arith.constant 880 : index
      %get3A_751 = tpu.vector_load %arg13[%get3A_750] {strides = array<i32>} : memref<1024xi32, #tpu.memory_space<vmem>>, vector<16xi32>,
      %get3A_752 = vector.shape_cast %get3A_751 : vector<16xi32> to vector<16xi32>
      %max3A_753 = arith.constant 0 : i32
      %max3A_754 = vector.broadcast %max3A_753 : i32 to vector<16xi32>
      %max3A_755 = arith.maxsi %get3A_752, %max3A_754 : vector<16xi32>
      %min3A_756 = arith.constant 36863 : i32
      %min3A_757 = vector.broadcast %min3A_756 : i32 to vector<16xi32>
      %min3A_758 = arith.minsi %max3A_755, %min3A_757 : vector<16xi32>
      %swap3A_759 = arith.constant 880 : index
      %swap3A_760 = tpu.vector_load %arg13[%swap3A_759] {strides = array<i32>} : memref<1024xi32, #tpu.memory_space<vmem>>, vector<16xi32>,
      %swap3A_761 = vector.shape_cast %swap3A_760 : vector<16xi32> to vector<16xi32>
      %swap3A_762 = vector.shape_cast %min3A_758 : vector<16xi32> to vector<16xi32>
      tpu.vector_store %arg13[%swap3A_759], %swap3A_762 {strides = array<i32>} : memref<1024xi32, #tpu.memory_space<vmem>>, vector<16xi32>,
      %get3A_763 = arith.constant 896 : index
      %get3A_764 = tpu.vector_load %arg13[%get3A_763] {strides = array<i32>} : memref<1024xi32, #tpu.memory_space<vmem>>, vector<16xi32>,
      %get3A_765 = vector.shape_cast %get3A_764 : vector<16xi32> to vector<16xi32>
      %max3A_766 = arith.constant 0 : i32
      %max3A_767 = vector.broadcast %max3A_766 : i32 to vector<16xi32>
      %max3A_768 = arith.maxsi %get3A_765, %max3A_767 : vector<16xi32>
      %min3A_769 = arith.constant 36863 : i32
      %min3A_770 = vector.broadcast %min3A_769 : i32 to vector<16xi32>
      %min3A_771 = arith.minsi %max3A_768, %min3A_770 : vector<16xi32>
      %swap3A_772 = arith.constant 896 : index
      %swap3A_773 = tpu.vector_load %arg13[%swap3A_772] {strides = array<i32>} : memref<1024xi32, #tpu.memory_space<vmem>>, vector<16xi32>,
      %swap3A_774 = vector.shape_cast %swap3A_773 : vector<16xi32> to vector<16xi32>
      %swap3A_775 = vector.shape_cast %min3A_771 : vector<16xi32> to vector<16xi32>
      tpu.vector_store %arg13[%swap3A_772], %swap3A_775 {strides = array<i32>} : memref<1024xi32, #tpu.memory_space<vmem>>, vector<16xi32>,
      %get3A_776 = arith.constant 912 : index
      %get3A_777 = tpu.vector_load %arg13[%get3A_776] {strides = array<i32>} : memref<1024xi32, #tpu.memory_space<vmem>>, vector<16xi32>,
      %get3A_778 = vector.shape_cast %get3A_777 : vector<16xi32> to vector<16xi32>
      %max3A_779 = arith.constant 0 : i32
      %max3A_780 = vector.broadcast %max3A_779 : i32 to vector<16xi32>
      %max3A_781 = arith.maxsi %get3A_778, %max3A_780 : vector<16xi32>
      %min3A_782 = arith.constant 36863 : i32
      %min3A_783 = vector.broadcast %min3A_782 : i32 to vector<16xi32>
      %min3A_784 = arith.minsi %max3A_781, %min3A_783 : vector<16xi32>
      %swap3A_785 = arith.constant 912 : index
      %swap3A_786 = tpu.vector_load %arg13[%swap3A_785] {strides = array<i32>} : memref<1024xi32, #tpu.memory_space<vmem>>, vector<16xi32>,
      %swap3A_787 = vector.shape_cast %swap3A_786 : vector<16xi32> to vector<16xi32>
      %swap3A_788 = vector.shape_cast %min3A_784 : vector<16xi32> to vector<16xi32>
      tpu.vector_store %arg13[%swap3A_785], %swap3A_788 {strides = array<i32>} : memref<1024xi32, #tpu.memory_space<vmem>>, vector<16xi32>,
      %get3A_789 = arith.constant 928 : index
      %get3A_790 = tpu.vector_load %arg13[%get3A_789] {strides = array<i32>} : memref<1024xi32, #tpu.memory_space<vmem>>, vector<16xi32>,
      %get3A_791 = vector.shape_cast %get3A_790 : vector<16xi32> to vector<16xi32>
      %max3A_792 = arith.constant 0 : i32
      %max3A_793 = vector.broadcast %max3A_792 : i32 to vector<16xi32>
      %max3A_794 = arith.maxsi %get3A_791, %max3A_793 : vector<16xi32>
      %min3A_795 = arith.constant 36863 : i32
      %min3A_796 = vector.broadcast %min3A_795 : i32 to vector<16xi32>
      %min3A_797 = arith.minsi %max3A_794, %min3A_796 : vector<16xi32>
      %swap3A_798 = arith.constant 928 : index
      %swap3A_799 = tpu.vector_load %arg13[%swap3A_798] {strides = array<i32>} : memref<1024xi32, #tpu.memory_space<vmem>>, vector<16xi32>,
      %swap3A_800 = vector.shape_cast %swap3A_799 : vector<16xi32> to vector<16xi32>
      %swap3A_801 = vector.shape_cast %min3A_797 : vector<16xi32> to vector<16xi32>
      tpu.vector_store %arg13[%swap3A_798], %swap3A_801 {strides = array<i32>} : memref<1024xi32, #tpu.memory_space<vmem>>, vector<16xi32>,
      %get3A_802 = arith.constant 944 : index
      %get3A_803 = tpu.vector_load %arg13[%get3A_802] {strides = array<i32>} : memref<1024xi32, #tpu.memory_space<vmem>>, vector<16xi32>,
      %get3A_804 = vector.shape_cast %get3A_803 : vector<16xi32> to vector<16xi32>
      %max3A_805 = arith.constant 0 : i32
      %max3A_806 = vector.broadcast %max3A_805 : i32 to vector<16xi32>
      %max3A_807 = arith.maxsi %get3A_804, %max3A_806 : vector<16xi32>
      %min3A_808 = arith.constant 36863 : i32
      %min3A_809 = vector.broadcast %min3A_808 : i32 to vector<16xi32>
      %min3A_810 = arith.minsi %max3A_807, %min3A_809 : vector<16xi32>
      %swap3A_811 = arith.constant 944 : index
      %swap3A_812 = tpu.vector_load %arg13[%swap3A_811] {strides = array<i32>} : memref<1024xi32, #tpu.memory_space<vmem>>, vector<16xi32>,
      %swap3A_813 = vector.shape_cast %swap3A_812 : vector<16xi32> to vector<16xi32>
      %swap3A_814 = vector.shape_cast %min3A_810 : vector<16xi32> to vector<16xi32>
      tpu.vector_store %arg13[%swap3A_811], %swap3A_814 {strides = array<i32>} : memref<1024xi32, #tpu.memory_space<vmem>>, vector<16xi32>,
      %get3A_815 = arith.constant 960 : index
      %get3A_816 = tpu.vector_load %arg13[%get3A_815] {strides = array<i32>} : memref<1024xi32, #tpu.memory_space<vmem>>, vector<16xi32>,
      %get3A_817 = vector.shape_cast %get3A_816 : vector<16xi32> to vector<16xi32>
      %max3A_818 = arith.constant 0 : i32
      %max3A_819 = vector.broadcast %max3A_818 : i32 to vector<16xi32>
      %max3A_820 = arith.maxsi %get3A_817, %max3A_819 : vector<16xi32>
      %min3A_821 = arith.constant 36863 : i32
      %min3A_822 = vector.broadcast %min3A_821 : i32 to vector<16xi32>
      %min3A_823 = arith.minsi %max3A_820, %min3A_822 : vector<16xi32>
      %swap3A_824 = arith.constant 960 : index
      %swap3A_825 = tpu.vector_load %arg13[%swap3A_824] {strides = array<i32>} : memref<1024xi32, #tpu.memory_space<vmem>>, vector<16xi32>,
      %swap3A_826 = vector.shape_cast %swap3A_825 : vector<16xi32> to vector<16xi32>
      %swap3A_827 = vector.shape_cast %min3A_823 : vector<16xi32> to vector<16xi32>
      tpu.vector_store %arg13[%swap3A_824], %swap3A_827 {strides = array<i32>} : memref<1024xi32, #tpu.memory_space<vmem>>, vector<16xi32>,
      %get3A_828 = arith.constant 976 : index
      %get3A_829 = tpu.vector_load %arg13[%get3A_828] {strides = array<i32>} : memref<1024xi32, #tpu.memory_space<vmem>>, vector<16xi32>,
      %get3A_830 = vector.shape_cast %get3A_829 : vector<16xi32> to vector<16xi32>
      %max3A_831 = arith.constant 0 : i32
      %max3A_832 = vector.broadcast %max3A_831 : i32 to vector<16xi32>
      %max3A_833 = arith.maxsi %get3A_830, %max3A_832 : vector<16xi32>
      %min3A_834 = arith.constant 36863 : i32
      %min3A_835 = vector.broadcast %min3A_834 : i32 to vector<16xi32>
      %min3A_836 = arith.minsi %max3A_833, %min3A_835 : vector<16xi32>
      %swap3A_837 = arith.constant 976 : index
      %swap3A_838 = tpu.vector_load %arg13[%swap3A_837] {strides = array<i32>} : memref<1024xi32, #tpu.memory_space<vmem>>, vector<16xi32>,
      %swap3A_839 = vector.shape_cast %swap3A_838 : vector<16xi32> to vector<16xi32>
      %swap3A_840 = vector.shape_cast %min3A_836 : vector<16xi32> to vector<16xi32>
      tpu.vector_store %arg13[%swap3A_837], %swap3A_840 {strides = array<i32>} : memref<1024xi32, #tpu.memory_space<vmem>>, vector<16xi32>,
      %get3A_841 = arith.constant 992 : index
      %get3A_842 = tpu.vector_load %arg13[%get3A_841] {strides = array<i32>} : memref<1024xi32, #tpu.memory_space<vmem>>, vector<16xi32>,
      %get3A_843 = vector.shape_cast %get3A_842 : vector<16xi32> to vector<16xi32>
      %max3A_844 = arith.constant 0 : i32
      %max3A_845 = vector.broadcast %max3A_844 : i32 to vector<16xi32>
      %max3A_846 = arith.maxsi %get3A_843, %max3A_845 : vector<16xi32>
      %min3A_847 = arith.constant 36863 : i32
      %min3A_848 = vector.broadcast %min3A_847 : i32 to vector<16xi32>
      %min3A_849 = arith.minsi %max3A_846, %min3A_848 : vector<16xi32>
      %swap3A_850 = arith.constant 992 : index
      %swap3A_851 = tpu.vector_load %arg13[%swap3A_850] {strides = array<i32>} : memref<1024xi32, #tpu.memory_space<vmem>>, vector<16xi32>,
      %swap3A_852 = vector.shape_cast %swap3A_851 : vector<16xi32> to vector<16xi32>
      %swap3A_853 = vector.shape_cast %min3A_849 : vector<16xi32> to vector<16xi32>
      tpu.vector_store %arg13[%swap3A_850], %swap3A_853 {strides = array<i32>} : memref<1024xi32, #tpu.memory_space<vmem>>, vector<16xi32>,
      %get3A_854 = arith.constant 1008 : index
      %get3A_855 = tpu.vector_load %arg13[%get3A_854] {strides = array<i32>} : memref<1024xi32, #tpu.memory_space<vmem>>, vector<16xi32>,
      %get3A_856 = vector.shape_cast %get3A_855 : vector<16xi32> to vector<16xi32>
      %max3A_857 = arith.constant 0 : i32
      %max3A_858 = vector.broadcast %max3A_857 : i32 to vector<16xi32>
      %max3A_859 = arith.maxsi %get3A_856, %max3A_858 : vector<16xi32>
      %min3A_860 = arith.constant 36863 : i32
      %min3A_861 = vector.broadcast %min3A_860 : i32 to vector<16xi32>
      %min3A_862 = arith.minsi %max3A_859, %min3A_861 : vector<16xi32>
      %swap3A_863 = arith.constant 1008 : index
      %swap3A_864 = tpu.vector_load %arg13[%swap3A_863] {strides = array<i32>} : memref<1024xi32, #tpu.memory_space<vmem>>, vector<16xi32>,
      %swap3A_865 = vector.shape_cast %swap3A_864 : vector<16xi32> to vector<16xi32>
      %swap3A_866 = vector.shape_cast %min3A_862 : vector<16xi32> to vector<16xi32>
      tpu.vector_store %arg13[%swap3A_863], %swap3A_866 {strides = array<i32>} : memref<1024xi32, #tpu.memory_space<vmem>>, vector<16xi32>,
      %dma_start3A = arith.constant 0 : i32
      %dma_start3A_867 = tpu.memref_slice %arg3[%dma_start3A] : memref<36864xf32, #tpu.memory_space<hbm>> -> memref<36864xf32, #tpu.memory_space<hbm>>
      tpu.enqueue_indirect_dma source(%dma_start3A_867 : memref<36864xf32, #tpu.memory_space<hbm>>) target(%arg14 : memref<1024xf32, #tpu.memory_space<vmem>>) offsets(%arg13 : memref<1024xi32, #tpu.memory_space<vmem>>) semaphore(%arg15 : memref<!tpu.dma_semaphore, #tpu.memory_space<semaphore_mem>>)
      %dma_wait3A = arith.constant 0 : i32
      %dma_wait3A_868 = tpu.memref_slice %arg3[%dma_wait3A] : memref<36864xf32, #tpu.memory_space<hbm>> -> memref<36864xf32, #tpu.memory_space<hbm>>
      tpu.wait_indirect_dma semaphore(%arg15 : memref<!tpu.dma_semaphore, #tpu.memory_space<semaphore_mem>>) src(%dma_wait3A_868 : memref<36864xf32, #tpu.memory_space<hbm>>) dst(%arg14 : memref<1024xf32, #tpu.memory_space<vmem>>)
      "tpu.region"() ({
        %run_scoped3A = tpu.sem_alloc : memref<!tpu.dma_semaphore, #tpu.memory_space<semaphore_mem>>
        %dma_start3A_869 = tpu.memref_slice %arg8[%mul3A_38] : memref<6144xf32, #tpu.memory_space<hbm>> -> memref<1024xf32, #tpu.memory_space<hbm>>
        %dma_start3A_870 = tpu.memref_slice %arg8[%mul3A_38] : memref<6144xf32, #tpu.memory_space<hbm>> -> memref<1024xf32, #tpu.memory_space<hbm>>
        tpu.enqueue_dma source(%arg14 : memref<1024xf32, #tpu.memory_space<vmem>>) target(%dma_start3A_870 : memref<1024xf32, #tpu.memory_space<hbm>>) target_semaphore(%run_scoped3A : memref<!tpu.dma_semaphore, #tpu.memory_space<semaphore_mem>>)
        %dma_wait3A_871 = tpu.memref_slice %arg8[%mul3A_38] : memref<6144xf32, #tpu.memory_space<hbm>> -> memref<1024xf32, #tpu.memory_space<hbm>>
        %dma_wait3A_872 = tpu.memref_slice %arg8[%mul3A_38] : memref<6144xf32, #tpu.memory_space<hbm>> -> memref<1024xf32, #tpu.memory_space<hbm>>
        tpu.wait_dma2 semaphore(%run_scoped3A : memref<!tpu.dma_semaphore, #tpu.memory_space<semaphore_mem>>) src(%arg14 : memref<1024xf32, #tpu.memory_space<vmem>>) dst(%dma_wait3A_872 : memref<1024xf32, #tpu.memory_space<hbm>>)
        tpu.yield
      }) : () -> ()
    } else {
    }
    %ge3A_4 = arith.constant 6 : i32
    %ge3A_5 = arith.cmpi sge, %add3A, %ge3A_4 : i32
    %lt3A_6 = arith.constant 12 : i32
    %lt3A_7 = arith.cmpi slt, %add3A, %lt3A_6 : i32
    %and3A_8 = arith.andi %ge3A_5, %lt3A_7 : i1
    %convert_element_type3A_9 = arith.extui %and3A_8 : i1 to i32
    %cond3A_10 = arith.constant 0 : i32
    %cond3A_11 = arith.cmpi ne, %convert_element_type3A_9, %cond3A_10 : i32
    scf.if %cond3A_11 {
      %sub3A = arith.constant 6 : i32
      %sub3A_36 = arith.subi %add3A, %sub3A : i32
      %mul3A_37 = arith.constant 1024 : i32
      %mul3A_38 = arith.muli %sub3A_36, %mul3A_37 : i32
      "tpu.region"() ({
        %run_scoped3A = tpu.sem_alloc : memref<!tpu.dma_semaphore, #tpu.memory_space<semaphore_mem>>
        %dma_start3A_869 = tpu.memref_slice %arg2[%mul3A_38] : memref<6144xi32, #tpu.memory_space<hbm>> -> memref<1024xi32, #tpu.memory_space<hbm>>
        %dma_start3A_870 = tpu.memref_slice %arg2[%mul3A_38] : memref<6144xi32, #tpu.memory_space<hbm>> -> memref<1024xi32, #tpu.memory_space<hbm>>
        tpu.enqueue_dma source(%dma_start3A_870 : memref<1024xi32, #tpu.memory_space<hbm>>) target(%arg13 : memref<1024xi32, #tpu.memory_space<vmem>>) target_semaphore(%run_scoped3A : memref<!tpu.dma_semaphore, #tpu.memory_space<semaphore_mem>>)
        %dma_wait3A_871 = tpu.memref_slice %arg2[%mul3A_38] : memref<6144xi32, #tpu.memory_space<hbm>> -> memref<1024xi32, #tpu.memory_space<hbm>>
        %dma_wait3A_872 = tpu.memref_slice %arg2[%mul3A_38] : memref<6144xi32, #tpu.memory_space<hbm>> -> memref<1024xi32, #tpu.memory_space<hbm>>
        tpu.wait_dma2 semaphore(%run_scoped3A : memref<!tpu.dma_semaphore, #tpu.memory_space<semaphore_mem>>) src(%dma_wait3A_872 : memref<1024xi32, #tpu.memory_space<hbm>>) dst(%arg13 : memref<1024xi32, #tpu.memory_space<vmem>>)
        tpu.yield
      }) : () -> ()
      %get3A = arith.constant 0 : index
      %get3A_39 = tpu.vector_load %arg13[%get3A] {strides = array<i32>} : memref<1024xi32, #tpu.memory_space<vmem>>, vector<16xi32>,
      %get3A_40 = vector.shape_cast %get3A_39 : vector<16xi32> to vector<16xi32>
      %max3A = arith.constant 0 : i32
      %max3A_41 = vector.broadcast %max3A : i32 to vector<16xi32>
      %max3A_42 = arith.maxsi %get3A_40, %max3A_41 : vector<16xi32>
      %min3A = arith.constant 36863 : i32
      %min3A_43 = vector.broadcast %min3A : i32 to vector<16xi32>
      %min3A_44 = arith.minsi %max3A_42, %min3A_43 : vector<16xi32>
      %swap3A = arith.constant 0 : index
      %swap3A_45 = tpu.vector_load %arg13[%swap3A] {strides = array<i32>} : memref<1024xi32, #tpu.memory_space<vmem>>, vector<16xi32>,
      %swap3A_46 = vector.shape_cast %swap3A_45 : vector<16xi32> to vector<16xi32>
      %swap3A_47 = vector.shape_cast %min3A_44 : vector<16xi32> to vector<16xi32>
      tpu.vector_store %arg13[%swap3A], %swap3A_47 {strides = array<i32>} : memref<1024xi32, #tpu.memory_space<vmem>>, vector<16xi32>,
      %get3A_48 = arith.constant 16 : index
      %get3A_49 = tpu.vector_load %arg13[%get3A_48] {strides = array<i32>} : memref<1024xi32, #tpu.memory_space<vmem>>, vector<16xi32>,
      %get3A_50 = vector.shape_cast %get3A_49 : vector<16xi32> to vector<16xi32>
      %max3A_51 = arith.constant 0 : i32
      %max3A_52 = vector.broadcast %max3A_51 : i32 to vector<16xi32>
      %max3A_53 = arith.maxsi %get3A_50, %max3A_52 : vector<16xi32>
      %min3A_54 = arith.constant 36863 : i32
      %min3A_55 = vector.broadcast %min3A_54 : i32 to vector<16xi32>
      %min3A_56 = arith.minsi %max3A_53, %min3A_55 : vector<16xi32>
      %swap3A_57 = arith.constant 16 : index
      %swap3A_58 = tpu.vector_load %arg13[%swap3A_57] {strides = array<i32>} : memref<1024xi32, #tpu.memory_space<vmem>>, vector<16xi32>,
      %swap3A_59 = vector.shape_cast %swap3A_58 : vector<16xi32> to vector<16xi32>
      %swap3A_60 = vector.shape_cast %min3A_56 : vector<16xi32> to vector<16xi32>
      tpu.vector_store %arg13[%swap3A_57], %swap3A_60 {strides = array<i32>} : memref<1024xi32, #tpu.memory_space<vmem>>, vector<16xi32>,
      %get3A_61 = arith.constant 32 : index
      %get3A_62 = tpu.vector_load %arg13[%get3A_61] {strides = array<i32>} : memref<1024xi32, #tpu.memory_space<vmem>>, vector<16xi32>,
      %get3A_63 = vector.shape_cast %get3A_62 : vector<16xi32> to vector<16xi32>
      %max3A_64 = arith.constant 0 : i32
      %max3A_65 = vector.broadcast %max3A_64 : i32 to vector<16xi32>
      %max3A_66 = arith.maxsi %get3A_63, %max3A_65 : vector<16xi32>
      %min3A_67 = arith.constant 36863 : i32
      %min3A_68 = vector.broadcast %min3A_67 : i32 to vector<16xi32>
      %min3A_69 = arith.minsi %max3A_66, %min3A_68 : vector<16xi32>
      %swap3A_70 = arith.constant 32 : index
      %swap3A_71 = tpu.vector_load %arg13[%swap3A_70] {strides = array<i32>} : memref<1024xi32, #tpu.memory_space<vmem>>, vector<16xi32>,
      %swap3A_72 = vector.shape_cast %swap3A_71 : vector<16xi32> to vector<16xi32>
      %swap3A_73 = vector.shape_cast %min3A_69 : vector<16xi32> to vector<16xi32>
      tpu.vector_store %arg13[%swap3A_70], %swap3A_73 {strides = array<i32>} : memref<1024xi32, #tpu.memory_space<vmem>>, vector<16xi32>,
      %get3A_74 = arith.constant 48 : index
      %get3A_75 = tpu.vector_load %arg13[%get3A_74] {strides = array<i32>} : memref<1024xi32, #tpu.memory_space<vmem>>, vector<16xi32>,
      %get3A_76 = vector.shape_cast %get3A_75 : vector<16xi32> to vector<16xi32>
      %max3A_77 = arith.constant 0 : i32
      %max3A_78 = vector.broadcast %max3A_77 : i32 to vector<16xi32>
      %max3A_79 = arith.maxsi %get3A_76, %max3A_78 : vector<16xi32>
      %min3A_80 = arith.constant 36863 : i32
      %min3A_81 = vector.broadcast %min3A_80 : i32 to vector<16xi32>
      %min3A_82 = arith.minsi %max3A_79, %min3A_81 : vector<16xi32>
      %swap3A_83 = arith.constant 48 : index
      %swap3A_84 = tpu.vector_load %arg13[%swap3A_83] {strides = array<i32>} : memref<1024xi32, #tpu.memory_space<vmem>>, vector<16xi32>,
      %swap3A_85 = vector.shape_cast %swap3A_84 : vector<16xi32> to vector<16xi32>
      %swap3A_86 = vector.shape_cast %min3A_82 : vector<16xi32> to vector<16xi32>
      tpu.vector_store %arg13[%swap3A_83], %swap3A_86 {strides = array<i32>} : memref<1024xi32, #tpu.memory_space<vmem>>, vector<16xi32>,
      %get3A_87 = arith.constant 64 : index
      %get3A_88 = tpu.vector_load %arg13[%get3A_87] {strides = array<i32>} : memref<1024xi32, #tpu.memory_space<vmem>>, vector<16xi32>,
      %get3A_89 = vector.shape_cast %get3A_88 : vector<16xi32> to vector<16xi32>
      %max3A_90 = arith.constant 0 : i32
      %max3A_91 = vector.broadcast %max3A_90 : i32 to vector<16xi32>
      %max3A_92 = arith.maxsi %get3A_89, %max3A_91 : vector<16xi32>
      %min3A_93 = arith.constant 36863 : i32
      %min3A_94 = vector.broadcast %min3A_93 : i32 to vector<16xi32>
      %min3A_95 = arith.minsi %max3A_92, %min3A_94 : vector<16xi32>
      %swap3A_96 = arith.constant 64 : index
      %swap3A_97 = tpu.vector_load %arg13[%swap3A_96] {strides = array<i32>} : memref<1024xi32, #tpu.memory_space<vmem>>, vector<16xi32>,
      %swap3A_98 = vector.shape_cast %swap3A_97 : vector<16xi32> to vector<16xi32>
      %swap3A_99 = vector.shape_cast %min3A_95 : vector<16xi32> to vector<16xi32>
      tpu.vector_store %arg13[%swap3A_96], %swap3A_99 {strides = array<i32>} : memref<1024xi32, #tpu.memory_space<vmem>>, vector<16xi32>,
      %get3A_100 = arith.constant 80 : index
      %get3A_101 = tpu.vector_load %arg13[%get3A_100] {strides = array<i32>} : memref<1024xi32, #tpu.memory_space<vmem>>, vector<16xi32>,
      %get3A_102 = vector.shape_cast %get3A_101 : vector<16xi32> to vector<16xi32>
      %max3A_103 = arith.constant 0 : i32
      %max3A_104 = vector.broadcast %max3A_103 : i32 to vector<16xi32>
      %max3A_105 = arith.maxsi %get3A_102, %max3A_104 : vector<16xi32>
      %min3A_106 = arith.constant 36863 : i32
      %min3A_107 = vector.broadcast %min3A_106 : i32 to vector<16xi32>
      %min3A_108 = arith.minsi %max3A_105, %min3A_107 : vector<16xi32>
      %swap3A_109 = arith.constant 80 : index
      %swap3A_110 = tpu.vector_load %arg13[%swap3A_109] {strides = array<i32>} : memref<1024xi32, #tpu.memory_space<vmem>>, vector<16xi32>,
      %swap3A_111 = vector.shape_cast %swap3A_110 : vector<16xi32> to vector<16xi32>
      %swap3A_112 = vector.shape_cast %min3A_108 : vector<16xi32> to vector<16xi32>
      tpu.vector_store %arg13[%swap3A_109], %swap3A_112 {strides = array<i32>} : memref<1024xi32, #tpu.memory_space<vmem>>, vector<16xi32>,
      %get3A_113 = arith.constant 96 : index
      %get3A_114 = tpu.vector_load %arg13[%get3A_113] {strides = array<i32>} : memref<1024xi32, #tpu.memory_space<vmem>>, vector<16xi32>,
      %get3A_115 = vector.shape_cast %get3A_114 : vector<16xi32> to vector<16xi32>
      %max3A_116 = arith.constant 0 : i32
      %max3A_117 = vector.broadcast %max3A_116 : i32 to vector<16xi32>
      %max3A_118 = arith.maxsi %get3A_115, %max3A_117 : vector<16xi32>
      %min3A_119 = arith.constant 36863 : i32
      %min3A_120 = vector.broadcast %min3A_119 : i32 to vector<16xi32>
      %min3A_121 = arith.minsi %max3A_118, %min3A_120 : vector<16xi32>
      %swap3A_122 = arith.constant 96 : index
      %swap3A_123 = tpu.vector_load %arg13[%swap3A_122] {strides = array<i32>} : memref<1024xi32, #tpu.memory_space<vmem>>, vector<16xi32>,
      %swap3A_124 = vector.shape_cast %swap3A_123 : vector<16xi32> to vector<16xi32>
      %swap3A_125 = vector.shape_cast %min3A_121 : vector<16xi32> to vector<16xi32>
      tpu.vector_store %arg13[%swap3A_122], %swap3A_125 {strides = array<i32>} : memref<1024xi32, #tpu.memory_space<vmem>>, vector<16xi32>,
      %get3A_126 = arith.constant 112 : index
      %get3A_127 = tpu.vector_load %arg13[%get3A_126] {strides = array<i32>} : memref<1024xi32, #tpu.memory_space<vmem>>, vector<16xi32>,
      %get3A_128 = vector.shape_cast %get3A_127 : vector<16xi32> to vector<16xi32>
      %max3A_129 = arith.constant 0 : i32
      %max3A_130 = vector.broadcast %max3A_129 : i32 to vector<16xi32>
      %max3A_131 = arith.maxsi %get3A_128, %max3A_130 : vector<16xi32>
      %min3A_132 = arith.constant 36863 : i32
      %min3A_133 = vector.broadcast %min3A_132 : i32 to vector<16xi32>
      %min3A_134 = arith.minsi %max3A_131, %min3A_133 : vector<16xi32>
      %swap3A_135 = arith.constant 112 : index
      %swap3A_136 = tpu.vector_load %arg13[%swap3A_135] {strides = array<i32>} : memref<1024xi32, #tpu.memory_space<vmem>>, vector<16xi32>,
      %swap3A_137 = vector.shape_cast %swap3A_136 : vector<16xi32> to vector<16xi32>
      %swap3A_138 = vector.shape_cast %min3A_134 : vector<16xi32> to vector<16xi32>
      tpu.vector_store %arg13[%swap3A_135], %swap3A_138 {strides = array<i32>} : memref<1024xi32, #tpu.memory_space<vmem>>, vector<16xi32>,
      %get3A_139 = arith.constant 128 : index
      %get3A_140 = tpu.vector_load %arg13[%get3A_139] {strides = array<i32>} : memref<1024xi32, #tpu.memory_space<vmem>>, vector<16xi32>,
      %get3A_141 = vector.shape_cast %get3A_140 : vector<16xi32> to vector<16xi32>
      %max3A_142 = arith.constant 0 : i32
      %max3A_143 = vector.broadcast %max3A_142 : i32 to vector<16xi32>
      %max3A_144 = arith.maxsi %get3A_141, %max3A_143 : vector<16xi32>
      %min3A_145 = arith.constant 36863 : i32
      %min3A_146 = vector.broadcast %min3A_145 : i32 to vector<16xi32>
      %min3A_147 = arith.minsi %max3A_144, %min3A_146 : vector<16xi32>
      %swap3A_148 = arith.constant 128 : index
      %swap3A_149 = tpu.vector_load %arg13[%swap3A_148] {strides = array<i32>} : memref<1024xi32, #tpu.memory_space<vmem>>, vector<16xi32>,
      %swap3A_150 = vector.shape_cast %swap3A_149 : vector<16xi32> to vector<16xi32>
      %swap3A_151 = vector.shape_cast %min3A_147 : vector<16xi32> to vector<16xi32>
      tpu.vector_store %arg13[%swap3A_148], %swap3A_151 {strides = array<i32>} : memref<1024xi32, #tpu.memory_space<vmem>>, vector<16xi32>,
      %get3A_152 = arith.constant 144 : index
      %get3A_153 = tpu.vector_load %arg13[%get3A_152] {strides = array<i32>} : memref<1024xi32, #tpu.memory_space<vmem>>, vector<16xi32>,
      %get3A_154 = vector.shape_cast %get3A_153 : vector<16xi32> to vector<16xi32>
      %max3A_155 = arith.constant 0 : i32
      %max3A_156 = vector.broadcast %max3A_155 : i32 to vector<16xi32>
      %max3A_157 = arith.maxsi %get3A_154, %max3A_156 : vector<16xi32>
      %min3A_158 = arith.constant 36863 : i32
      %min3A_159 = vector.broadcast %min3A_158 : i32 to vector<16xi32>
      %min3A_160 = arith.minsi %max3A_157, %min3A_159 : vector<16xi32>
      %swap3A_161 = arith.constant 144 : index
      %swap3A_162 = tpu.vector_load %arg13[%swap3A_161] {strides = array<i32>} : memref<1024xi32, #tpu.memory_space<vmem>>, vector<16xi32>,
      %swap3A_163 = vector.shape_cast %swap3A_162 : vector<16xi32> to vector<16xi32>
      %swap3A_164 = vector.shape_cast %min3A_160 : vector<16xi32> to vector<16xi32>
      tpu.vector_store %arg13[%swap3A_161], %swap3A_164 {strides = array<i32>} : memref<1024xi32, #tpu.memory_space<vmem>>, vector<16xi32>,
      %get3A_165 = arith.constant 160 : index
      %get3A_166 = tpu.vector_load %arg13[%get3A_165] {strides = array<i32>} : memref<1024xi32, #tpu.memory_space<vmem>>, vector<16xi32>,
      %get3A_167 = vector.shape_cast %get3A_166 : vector<16xi32> to vector<16xi32>
      %max3A_168 = arith.constant 0 : i32
      %max3A_169 = vector.broadcast %max3A_168 : i32 to vector<16xi32>
      %max3A_170 = arith.maxsi %get3A_167, %max3A_169 : vector<16xi32>
      %min3A_171 = arith.constant 36863 : i32
      %min3A_172 = vector.broadcast %min3A_171 : i32 to vector<16xi32>
      %min3A_173 = arith.minsi %max3A_170, %min3A_172 : vector<16xi32>
      %swap3A_174 = arith.constant 160 : index
      %swap3A_175 = tpu.vector_load %arg13[%swap3A_174] {strides = array<i32>} : memref<1024xi32, #tpu.memory_space<vmem>>, vector<16xi32>,
      %swap3A_176 = vector.shape_cast %swap3A_175 : vector<16xi32> to vector<16xi32>
      %swap3A_177 = vector.shape_cast %min3A_173 : vector<16xi32> to vector<16xi32>
      tpu.vector_store %arg13[%swap3A_174], %swap3A_177 {strides = array<i32>} : memref<1024xi32, #tpu.memory_space<vmem>>, vector<16xi32>,
      %get3A_178 = arith.constant 176 : index
      %get3A_179 = tpu.vector_load %arg13[%get3A_178] {strides = array<i32>} : memref<1024xi32, #tpu.memory_space<vmem>>, vector<16xi32>,
      %get3A_180 = vector.shape_cast %get3A_179 : vector<16xi32> to vector<16xi32>
      %max3A_181 = arith.constant 0 : i32
      %max3A_182 = vector.broadcast %max3A_181 : i32 to vector<16xi32>
      %max3A_183 = arith.maxsi %get3A_180, %max3A_182 : vector<16xi32>
      %min3A_184 = arith.constant 36863 : i32
      %min3A_185 = vector.broadcast %min3A_184 : i32 to vector<16xi32>
      %min3A_186 = arith.minsi %max3A_183, %min3A_185 : vector<16xi32>
      %swap3A_187 = arith.constant 176 : index
      %swap3A_188 = tpu.vector_load %arg13[%swap3A_187] {strides = array<i32>} : memref<1024xi32, #tpu.memory_space<vmem>>, vector<16xi32>,
      %swap3A_189 = vector.shape_cast %swap3A_188 : vector<16xi32> to vector<16xi32>
      %swap3A_190 = vector.shape_cast %min3A_186 : vector<16xi32> to vector<16xi32>
      tpu.vector_store %arg13[%swap3A_187], %swap3A_190 {strides = array<i32>} : memref<1024xi32, #tpu.memory_space<vmem>>, vector<16xi32>,
      %get3A_191 = arith.constant 192 : index
      %get3A_192 = tpu.vector_load %arg13[%get3A_191] {strides = array<i32>} : memref<1024xi32, #tpu.memory_space<vmem>>, vector<16xi32>,
      %get3A_193 = vector.shape_cast %get3A_192 : vector<16xi32> to vector<16xi32>
      %max3A_194 = arith.constant 0 : i32
      %max3A_195 = vector.broadcast %max3A_194 : i32 to vector<16xi32>
      %max3A_196 = arith.maxsi %get3A_193, %max3A_195 : vector<16xi32>
      %min3A_197 = arith.constant 36863 : i32
      %min3A_198 = vector.broadcast %min3A_197 : i32 to vector<16xi32>
      %min3A_199 = arith.minsi %max3A_196, %min3A_198 : vector<16xi32>
      %swap3A_200 = arith.constant 192 : index
      %swap3A_201 = tpu.vector_load %arg13[%swap3A_200] {strides = array<i32>} : memref<1024xi32, #tpu.memory_space<vmem>>, vector<16xi32>,
      %swap3A_202 = vector.shape_cast %swap3A_201 : vector<16xi32> to vector<16xi32>
      %swap3A_203 = vector.shape_cast %min3A_199 : vector<16xi32> to vector<16xi32>
      tpu.vector_store %arg13[%swap3A_200], %swap3A_203 {strides = array<i32>} : memref<1024xi32, #tpu.memory_space<vmem>>, vector<16xi32>,
      %get3A_204 = arith.constant 208 : index
      %get3A_205 = tpu.vector_load %arg13[%get3A_204] {strides = array<i32>} : memref<1024xi32, #tpu.memory_space<vmem>>, vector<16xi32>,
      %get3A_206 = vector.shape_cast %get3A_205 : vector<16xi32> to vector<16xi32>
      %max3A_207 = arith.constant 0 : i32
      %max3A_208 = vector.broadcast %max3A_207 : i32 to vector<16xi32>
      %max3A_209 = arith.maxsi %get3A_206, %max3A_208 : vector<16xi32>
      %min3A_210 = arith.constant 36863 : i32
      %min3A_211 = vector.broadcast %min3A_210 : i32 to vector<16xi32>
      %min3A_212 = arith.minsi %max3A_209, %min3A_211 : vector<16xi32>
      %swap3A_213 = arith.constant 208 : index
      %swap3A_214 = tpu.vector_load %arg13[%swap3A_213] {strides = array<i32>} : memref<1024xi32, #tpu.memory_space<vmem>>, vector<16xi32>,
      %swap3A_215 = vector.shape_cast %swap3A_214 : vector<16xi32> to vector<16xi32>
      %swap3A_216 = vector.shape_cast %min3A_212 : vector<16xi32> to vector<16xi32>
      tpu.vector_store %arg13[%swap3A_213], %swap3A_216 {strides = array<i32>} : memref<1024xi32, #tpu.memory_space<vmem>>, vector<16xi32>,
      %get3A_217 = arith.constant 224 : index
      %get3A_218 = tpu.vector_load %arg13[%get3A_217] {strides = array<i32>} : memref<1024xi32, #tpu.memory_space<vmem>>, vector<16xi32>,
      %get3A_219 = vector.shape_cast %get3A_218 : vector<16xi32> to vector<16xi32>
      %max3A_220 = arith.constant 0 : i32
      %max3A_221 = vector.broadcast %max3A_220 : i32 to vector<16xi32>
      %max3A_222 = arith.maxsi %get3A_219, %max3A_221 : vector<16xi32>
      %min3A_223 = arith.constant 36863 : i32
      %min3A_224 = vector.broadcast %min3A_223 : i32 to vector<16xi32>
      %min3A_225 = arith.minsi %max3A_222, %min3A_224 : vector<16xi32>
      %swap3A_226 = arith.constant 224 : index
      %swap3A_227 = tpu.vector_load %arg13[%swap3A_226] {strides = array<i32>} : memref<1024xi32, #tpu.memory_space<vmem>>, vector<16xi32>,
      %swap3A_228 = vector.shape_cast %swap3A_227 : vector<16xi32> to vector<16xi32>
      %swap3A_229 = vector.shape_cast %min3A_225 : vector<16xi32> to vector<16xi32>
      tpu.vector_store %arg13[%swap3A_226], %swap3A_229 {strides = array<i32>} : memref<1024xi32, #tpu.memory_space<vmem>>, vector<16xi32>,
      %get3A_230 = arith.constant 240 : index
      %get3A_231 = tpu.vector_load %arg13[%get3A_230] {strides = array<i32>} : memref<1024xi32, #tpu.memory_space<vmem>>, vector<16xi32>,
      %get3A_232 = vector.shape_cast %get3A_231 : vector<16xi32> to vector<16xi32>
      %max3A_233 = arith.constant 0 : i32
      %max3A_234 = vector.broadcast %max3A_233 : i32 to vector<16xi32>
      %max3A_235 = arith.maxsi %get3A_232, %max3A_234 : vector<16xi32>
      %min3A_236 = arith.constant 36863 : i32
      %min3A_237 = vector.broadcast %min3A_236 : i32 to vector<16xi32>
      %min3A_238 = arith.minsi %max3A_235, %min3A_237 : vector<16xi32>
      %swap3A_239 = arith.constant 240 : index
      %swap3A_240 = tpu.vector_load %arg13[%swap3A_239] {strides = array<i32>} : memref<1024xi32, #tpu.memory_space<vmem>>, vector<16xi32>,
      %swap3A_241 = vector.shape_cast %swap3A_240 : vector<16xi32> to vector<16xi32>
      %swap3A_242 = vector.shape_cast %min3A_238 : vector<16xi32> to vector<16xi32>
      tpu.vector_store %arg13[%swap3A_239], %swap3A_242 {strides = array<i32>} : memref<1024xi32, #tpu.memory_space<vmem>>, vector<16xi32>,
      %get3A_243 = arith.constant 256 : index
      %get3A_244 = tpu.vector_load %arg13[%get3A_243] {strides = array<i32>} : memref<1024xi32, #tpu.memory_space<vmem>>, vector<16xi32>,
      %get3A_245 = vector.shape_cast %get3A_244 : vector<16xi32> to vector<16xi32>
      %max3A_246 = arith.constant 0 : i32
      %max3A_247 = vector.broadcast %max3A_246 : i32 to vector<16xi32>
      %max3A_248 = arith.maxsi %get3A_245, %max3A_247 : vector<16xi32>
      %min3A_249 = arith.constant 36863 : i32
      %min3A_250 = vector.broadcast %min3A_249 : i32 to vector<16xi32>
      %min3A_251 = arith.minsi %max3A_248, %min3A_250 : vector<16xi32>
      %swap3A_252 = arith.constant 256 : index
      %swap3A_253 = tpu.vector_load %arg13[%swap3A_252] {strides = array<i32>} : memref<1024xi32, #tpu.memory_space<vmem>>, vector<16xi32>,
      %swap3A_254 = vector.shape_cast %swap3A_253 : vector<16xi32> to vector<16xi32>
      %swap3A_255 = vector.shape_cast %min3A_251 : vector<16xi32> to vector<16xi32>
      tpu.vector_store %arg13[%swap3A_252], %swap3A_255 {strides = array<i32>} : memref<1024xi32, #tpu.memory_space<vmem>>, vector<16xi32>,
      %get3A_256 = arith.constant 272 : index
      %get3A_257 = tpu.vector_load %arg13[%get3A_256] {strides = array<i32>} : memref<1024xi32, #tpu.memory_space<vmem>>, vector<16xi32>,
      %get3A_258 = vector.shape_cast %get3A_257 : vector<16xi32> to vector<16xi32>
      %max3A_259 = arith.constant 0 : i32
      %max3A_260 = vector.broadcast %max3A_259 : i32 to vector<16xi32>
      %max3A_261 = arith.maxsi %get3A_258, %max3A_260 : vector<16xi32>
      %min3A_262 = arith.constant 36863 : i32
      %min3A_263 = vector.broadcast %min3A_262 : i32 to vector<16xi32>
      %min3A_264 = arith.minsi %max3A_261, %min3A_263 : vector<16xi32>
      %swap3A_265 = arith.constant 272 : index
      %swap3A_266 = tpu.vector_load %arg13[%swap3A_265] {strides = array<i32>} : memref<1024xi32, #tpu.memory_space<vmem>>, vector<16xi32>,
      %swap3A_267 = vector.shape_cast %swap3A_266 : vector<16xi32> to vector<16xi32>
      %swap3A_268 = vector.shape_cast %min3A_264 : vector<16xi32> to vector<16xi32>
      tpu.vector_store %arg13[%swap3A_265], %swap3A_268 {strides = array<i32>} : memref<1024xi32, #tpu.memory_space<vmem>>, vector<16xi32>,
      %get3A_269 = arith.constant 288 : index
      %get3A_270 = tpu.vector_load %arg13[%get3A_269] {strides = array<i32>} : memref<1024xi32, #tpu.memory_space<vmem>>, vector<16xi32>,
      %get3A_271 = vector.shape_cast %get3A_270 : vector<16xi32> to vector<16xi32>
      %max3A_272 = arith.constant 0 : i32
      %max3A_273 = vector.broadcast %max3A_272 : i32 to vector<16xi32>
      %max3A_274 = arith.maxsi %get3A_271, %max3A_273 : vector<16xi32>
      %min3A_275 = arith.constant 36863 : i32
      %min3A_276 = vector.broadcast %min3A_275 : i32 to vector<16xi32>
      %min3A_277 = arith.minsi %max3A_274, %min3A_276 : vector<16xi32>
      %swap3A_278 = arith.constant 288 : index
      %swap3A_279 = tpu.vector_load %arg13[%swap3A_278] {strides = array<i32>} : memref<1024xi32, #tpu.memory_space<vmem>>, vector<16xi32>,
      %swap3A_280 = vector.shape_cast %swap3A_279 : vector<16xi32> to vector<16xi32>
      %swap3A_281 = vector.shape_cast %min3A_277 : vector<16xi32> to vector<16xi32>
      tpu.vector_store %arg13[%swap3A_278], %swap3A_281 {strides = array<i32>} : memref<1024xi32, #tpu.memory_space<vmem>>, vector<16xi32>,
      %get3A_282 = arith.constant 304 : index
      %get3A_283 = tpu.vector_load %arg13[%get3A_282] {strides = array<i32>} : memref<1024xi32, #tpu.memory_space<vmem>>, vector<16xi32>,
      %get3A_284 = vector.shape_cast %get3A_283 : vector<16xi32> to vector<16xi32>
      %max3A_285 = arith.constant 0 : i32
      %max3A_286 = vector.broadcast %max3A_285 : i32 to vector<16xi32>
      %max3A_287 = arith.maxsi %get3A_284, %max3A_286 : vector<16xi32>
      %min3A_288 = arith.constant 36863 : i32
      %min3A_289 = vector.broadcast %min3A_288 : i32 to vector<16xi32>
      %min3A_290 = arith.minsi %max3A_287, %min3A_289 : vector<16xi32>
      %swap3A_291 = arith.constant 304 : index
      %swap3A_292 = tpu.vector_load %arg13[%swap3A_291] {strides = array<i32>} : memref<1024xi32, #tpu.memory_space<vmem>>, vector<16xi32>,
      %swap3A_293 = vector.shape_cast %swap3A_292 : vector<16xi32> to vector<16xi32>
      %swap3A_294 = vector.shape_cast %min3A_290 : vector<16xi32> to vector<16xi32>
      tpu.vector_store %arg13[%swap3A_291], %swap3A_294 {strides = array<i32>} : memref<1024xi32, #tpu.memory_space<vmem>>, vector<16xi32>,
      %get3A_295 = arith.constant 320 : index
      %get3A_296 = tpu.vector_load %arg13[%get3A_295] {strides = array<i32>} : memref<1024xi32, #tpu.memory_space<vmem>>, vector<16xi32>,
      %get3A_297 = vector.shape_cast %get3A_296 : vector<16xi32> to vector<16xi32>
      %max3A_298 = arith.constant 0 : i32
      %max3A_299 = vector.broadcast %max3A_298 : i32 to vector<16xi32>
      %max3A_300 = arith.maxsi %get3A_297, %max3A_299 : vector<16xi32>
      %min3A_301 = arith.constant 36863 : i32
      %min3A_302 = vector.broadcast %min3A_301 : i32 to vector<16xi32>
      %min3A_303 = arith.minsi %max3A_300, %min3A_302 : vector<16xi32>
      %swap3A_304 = arith.constant 320 : index
      %swap3A_305 = tpu.vector_load %arg13[%swap3A_304] {strides = array<i32>} : memref<1024xi32, #tpu.memory_space<vmem>>, vector<16xi32>,
      %swap3A_306 = vector.shape_cast %swap3A_305 : vector<16xi32> to vector<16xi32>
      %swap3A_307 = vector.shape_cast %min3A_303 : vector<16xi32> to vector<16xi32>
      tpu.vector_store %arg13[%swap3A_304], %swap3A_307 {strides = array<i32>} : memref<1024xi32, #tpu.memory_space<vmem>>, vector<16xi32>,
      %get3A_308 = arith.constant 336 : index
      %get3A_309 = tpu.vector_load %arg13[%get3A_308] {strides = array<i32>} : memref<1024xi32, #tpu.memory_space<vmem>>, vector<16xi32>,
      %get3A_310 = vector.shape_cast %get3A_309 : vector<16xi32> to vector<16xi32>
      %max3A_311 = arith.constant 0 : i32
      %max3A_312 = vector.broadcast %max3A_311 : i32 to vector<16xi32>
      %max3A_313 = arith.maxsi %get3A_310, %max3A_312 : vector<16xi32>
      %min3A_314 = arith.constant 36863 : i32
      %min3A_315 = vector.broadcast %min3A_314 : i32 to vector<16xi32>
      %min3A_316 = arith.minsi %max3A_313, %min3A_315 : vector<16xi32>
      %swap3A_317 = arith.constant 336 : index
      %swap3A_318 = tpu.vector_load %arg13[%swap3A_317] {strides = array<i32>} : memref<1024xi32, #tpu.memory_space<vmem>>, vector<16xi32>,
      %swap3A_319 = vector.shape_cast %swap3A_318 : vector<16xi32> to vector<16xi32>
      %swap3A_320 = vector.shape_cast %min3A_316 : vector<16xi32> to vector<16xi32>
      tpu.vector_store %arg13[%swap3A_317], %swap3A_320 {strides = array<i32>} : memref<1024xi32, #tpu.memory_space<vmem>>, vector<16xi32>,
      %get3A_321 = arith.constant 352 : index
      %get3A_322 = tpu.vector_load %arg13[%get3A_321] {strides = array<i32>} : memref<1024xi32, #tpu.memory_space<vmem>>, vector<16xi32>,
      %get3A_323 = vector.shape_cast %get3A_322 : vector<16xi32> to vector<16xi32>
      %max3A_324 = arith.constant 0 : i32
      %max3A_325 = vector.broadcast %max3A_324 : i32 to vector<16xi32>
      %max3A_326 = arith.maxsi %get3A_323, %max3A_325 : vector<16xi32>
      %min3A_327 = arith.constant 36863 : i32
      %min3A_328 = vector.broadcast %min3A_327 : i32 to vector<16xi32>
      %min3A_329 = arith.minsi %max3A_326, %min3A_328 : vector<16xi32>
      %swap3A_330 = arith.constant 352 : index
      %swap3A_331 = tpu.vector_load %arg13[%swap3A_330] {strides = array<i32>} : memref<1024xi32, #tpu.memory_space<vmem>>, vector<16xi32>,
      %swap3A_332 = vector.shape_cast %swap3A_331 : vector<16xi32> to vector<16xi32>
      %swap3A_333 = vector.shape_cast %min3A_329 : vector<16xi32> to vector<16xi32>
      tpu.vector_store %arg13[%swap3A_330], %swap3A_333 {strides = array<i32>} : memref<1024xi32, #tpu.memory_space<vmem>>, vector<16xi32>,
      %get3A_334 = arith.constant 368 : index
      %get3A_335 = tpu.vector_load %arg13[%get3A_334] {strides = array<i32>} : memref<1024xi32, #tpu.memory_space<vmem>>, vector<16xi32>,
      %get3A_336 = vector.shape_cast %get3A_335 : vector<16xi32> to vector<16xi32>
      %max3A_337 = arith.constant 0 : i32
      %max3A_338 = vector.broadcast %max3A_337 : i32 to vector<16xi32>
      %max3A_339 = arith.maxsi %get3A_336, %max3A_338 : vector<16xi32>
      %min3A_340 = arith.constant 36863 : i32
      %min3A_341 = vector.broadcast %min3A_340 : i32 to vector<16xi32>
      %min3A_342 = arith.minsi %max3A_339, %min3A_341 : vector<16xi32>
      %swap3A_343 = arith.constant 368 : index
      %swap3A_344 = tpu.vector_load %arg13[%swap3A_343] {strides = array<i32>} : memref<1024xi32, #tpu.memory_space<vmem>>, vector<16xi32>,
      %swap3A_345 = vector.shape_cast %swap3A_344 : vector<16xi32> to vector<16xi32>
      %swap3A_346 = vector.shape_cast %min3A_342 : vector<16xi32> to vector<16xi32>
      tpu.vector_store %arg13[%swap3A_343], %swap3A_346 {strides = array<i32>} : memref<1024xi32, #tpu.memory_space<vmem>>, vector<16xi32>,
      %get3A_347 = arith.constant 384 : index
      %get3A_348 = tpu.vector_load %arg13[%get3A_347] {strides = array<i32>} : memref<1024xi32, #tpu.memory_space<vmem>>, vector<16xi32>,
      %get3A_349 = vector.shape_cast %get3A_348 : vector<16xi32> to vector<16xi32>
      %max3A_350 = arith.constant 0 : i32
      %max3A_351 = vector.broadcast %max3A_350 : i32 to vector<16xi32>
      %max3A_352 = arith.maxsi %get3A_349, %max3A_351 : vector<16xi32>
      %min3A_353 = arith.constant 36863 : i32
      %min3A_354 = vector.broadcast %min3A_353 : i32 to vector<16xi32>
      %min3A_355 = arith.minsi %max3A_352, %min3A_354 : vector<16xi32>
      %swap3A_356 = arith.constant 384 : index
      %swap3A_357 = tpu.vector_load %arg13[%swap3A_356] {strides = array<i32>} : memref<1024xi32, #tpu.memory_space<vmem>>, vector<16xi32>,
      %swap3A_358 = vector.shape_cast %swap3A_357 : vector<16xi32> to vector<16xi32>
      %swap3A_359 = vector.shape_cast %min3A_355 : vector<16xi32> to vector<16xi32>
      tpu.vector_store %arg13[%swap3A_356], %swap3A_359 {strides = array<i32>} : memref<1024xi32, #tpu.memory_space<vmem>>, vector<16xi32>,
      %get3A_360 = arith.constant 400 : index
      %get3A_361 = tpu.vector_load %arg13[%get3A_360] {strides = array<i32>} : memref<1024xi32, #tpu.memory_space<vmem>>, vector<16xi32>,
      %get3A_362 = vector.shape_cast %get3A_361 : vector<16xi32> to vector<16xi32>
      %max3A_363 = arith.constant 0 : i32
      %max3A_364 = vector.broadcast %max3A_363 : i32 to vector<16xi32>
      %max3A_365 = arith.maxsi %get3A_362, %max3A_364 : vector<16xi32>
      %min3A_366 = arith.constant 36863 : i32
      %min3A_367 = vector.broadcast %min3A_366 : i32 to vector<16xi32>
      %min3A_368 = arith.minsi %max3A_365, %min3A_367 : vector<16xi32>
      %swap3A_369 = arith.constant 400 : index
      %swap3A_370 = tpu.vector_load %arg13[%swap3A_369] {strides = array<i32>} : memref<1024xi32, #tpu.memory_space<vmem>>, vector<16xi32>,
      %swap3A_371 = vector.shape_cast %swap3A_370 : vector<16xi32> to vector<16xi32>
      %swap3A_372 = vector.shape_cast %min3A_368 : vector<16xi32> to vector<16xi32>
      tpu.vector_store %arg13[%swap3A_369], %swap3A_372 {strides = array<i32>} : memref<1024xi32, #tpu.memory_space<vmem>>, vector<16xi32>,
      %get3A_373 = arith.constant 416 : index
      %get3A_374 = tpu.vector_load %arg13[%get3A_373] {strides = array<i32>} : memref<1024xi32, #tpu.memory_space<vmem>>, vector<16xi32>,
      %get3A_375 = vector.shape_cast %get3A_374 : vector<16xi32> to vector<16xi32>
      %max3A_376 = arith.constant 0 : i32
      %max3A_377 = vector.broadcast %max3A_376 : i32 to vector<16xi32>
      %max3A_378 = arith.maxsi %get3A_375, %max3A_377 : vector<16xi32>
      %min3A_379 = arith.constant 36863 : i32
      %min3A_380 = vector.broadcast %min3A_379 : i32 to vector<16xi32>
      %min3A_381 = arith.minsi %max3A_378, %min3A_380 : vector<16xi32>
      %swap3A_382 = arith.constant 416 : index
      %swap3A_383 = tpu.vector_load %arg13[%swap3A_382] {strides = array<i32>} : memref<1024xi32, #tpu.memory_space<vmem>>, vector<16xi32>,
      %swap3A_384 = vector.shape_cast %swap3A_383 : vector<16xi32> to vector<16xi32>
      %swap3A_385 = vector.shape_cast %min3A_381 : vector<16xi32> to vector<16xi32>
      tpu.vector_store %arg13[%swap3A_382], %swap3A_385 {strides = array<i32>} : memref<1024xi32, #tpu.memory_space<vmem>>, vector<16xi32>,
      %get3A_386 = arith.constant 432 : index
      %get3A_387 = tpu.vector_load %arg13[%get3A_386] {strides = array<i32>} : memref<1024xi32, #tpu.memory_space<vmem>>, vector<16xi32>,
      %get3A_388 = vector.shape_cast %get3A_387 : vector<16xi32> to vector<16xi32>
      %max3A_389 = arith.constant 0 : i32
      %max3A_390 = vector.broadcast %max3A_389 : i32 to vector<16xi32>
      %max3A_391 = arith.maxsi %get3A_388, %max3A_390 : vector<16xi32>
      %min3A_392 = arith.constant 36863 : i32
      %min3A_393 = vector.broadcast %min3A_392 : i32 to vector<16xi32>
      %min3A_394 = arith.minsi %max3A_391, %min3A_393 : vector<16xi32>
      %swap3A_395 = arith.constant 432 : index
      %swap3A_396 = tpu.vector_load %arg13[%swap3A_395] {strides = array<i32>} : memref<1024xi32, #tpu.memory_space<vmem>>, vector<16xi32>,
      %swap3A_397 = vector.shape_cast %swap3A_396 : vector<16xi32> to vector<16xi32>
      %swap3A_398 = vector.shape_cast %min3A_394 : vector<16xi32> to vector<16xi32>
      tpu.vector_store %arg13[%swap3A_395], %swap3A_398 {strides = array<i32>} : memref<1024xi32, #tpu.memory_space<vmem>>, vector<16xi32>,
      %get3A_399 = arith.constant 448 : index
      %get3A_400 = tpu.vector_load %arg13[%get3A_399] {strides = array<i32>} : memref<1024xi32, #tpu.memory_space<vmem>>, vector<16xi32>,
      %get3A_401 = vector.shape_cast %get3A_400 : vector<16xi32> to vector<16xi32>
      %max3A_402 = arith.constant 0 : i32
      %max3A_403 = vector.broadcast %max3A_402 : i32 to vector<16xi32>
      %max3A_404 = arith.maxsi %get3A_401, %max3A_403 : vector<16xi32>
      %min3A_405 = arith.constant 36863 : i32
      %min3A_406 = vector.broadcast %min3A_405 : i32 to vector<16xi32>
      %min3A_407 = arith.minsi %max3A_404, %min3A_406 : vector<16xi32>
      %swap3A_408 = arith.constant 448 : index
      %swap3A_409 = tpu.vector_load %arg13[%swap3A_408] {strides = array<i32>} : memref<1024xi32, #tpu.memory_space<vmem>>, vector<16xi32>,
      %swap3A_410 = vector.shape_cast %swap3A_409 : vector<16xi32> to vector<16xi32>
      %swap3A_411 = vector.shape_cast %min3A_407 : vector<16xi32> to vector<16xi32>
      tpu.vector_store %arg13[%swap3A_408], %swap3A_411 {strides = array<i32>} : memref<1024xi32, #tpu.memory_space<vmem>>, vector<16xi32>,
      %get3A_412 = arith.constant 464 : index
      %get3A_413 = tpu.vector_load %arg13[%get3A_412] {strides = array<i32>} : memref<1024xi32, #tpu.memory_space<vmem>>, vector<16xi32>,
      %get3A_414 = vector.shape_cast %get3A_413 : vector<16xi32> to vector<16xi32>
      %max3A_415 = arith.constant 0 : i32
      %max3A_416 = vector.broadcast %max3A_415 : i32 to vector<16xi32>
      %max3A_417 = arith.maxsi %get3A_414, %max3A_416 : vector<16xi32>
      %min3A_418 = arith.constant 36863 : i32
      %min3A_419 = vector.broadcast %min3A_418 : i32 to vector<16xi32>
      %min3A_420 = arith.minsi %max3A_417, %min3A_419 : vector<16xi32>
      %swap3A_421 = arith.constant 464 : index
      %swap3A_422 = tpu.vector_load %arg13[%swap3A_421] {strides = array<i32>} : memref<1024xi32, #tpu.memory_space<vmem>>, vector<16xi32>,
      %swap3A_423 = vector.shape_cast %swap3A_422 : vector<16xi32> to vector<16xi32>
      %swap3A_424 = vector.shape_cast %min3A_420 : vector<16xi32> to vector<16xi32>
      tpu.vector_store %arg13[%swap3A_421], %swap3A_424 {strides = array<i32>} : memref<1024xi32, #tpu.memory_space<vmem>>, vector<16xi32>,
      %get3A_425 = arith.constant 480 : index
      %get3A_426 = tpu.vector_load %arg13[%get3A_425] {strides = array<i32>} : memref<1024xi32, #tpu.memory_space<vmem>>, vector<16xi32>,
      %get3A_427 = vector.shape_cast %get3A_426 : vector<16xi32> to vector<16xi32>
      %max3A_428 = arith.constant 0 : i32
      %max3A_429 = vector.broadcast %max3A_428 : i32 to vector<16xi32>
      %max3A_430 = arith.maxsi %get3A_427, %max3A_429 : vector<16xi32>
      %min3A_431 = arith.constant 36863 : i32
      %min3A_432 = vector.broadcast %min3A_431 : i32 to vector<16xi32>
      %min3A_433 = arith.minsi %max3A_430, %min3A_432 : vector<16xi32>
      %swap3A_434 = arith.constant 480 : index
      %swap3A_435 = tpu.vector_load %arg13[%swap3A_434] {strides = array<i32>} : memref<1024xi32, #tpu.memory_space<vmem>>, vector<16xi32>,
      %swap3A_436 = vector.shape_cast %swap3A_435 : vector<16xi32> to vector<16xi32>
      %swap3A_437 = vector.shape_cast %min3A_433 : vector<16xi32> to vector<16xi32>
      tpu.vector_store %arg13[%swap3A_434], %swap3A_437 {strides = array<i32>} : memref<1024xi32, #tpu.memory_space<vmem>>, vector<16xi32>,
      %get3A_438 = arith.constant 496 : index
      %get3A_439 = tpu.vector_load %arg13[%get3A_438] {strides = array<i32>} : memref<1024xi32, #tpu.memory_space<vmem>>, vector<16xi32>,
      %get3A_440 = vector.shape_cast %get3A_439 : vector<16xi32> to vector<16xi32>
      %max3A_441 = arith.constant 0 : i32
      %max3A_442 = vector.broadcast %max3A_441 : i32 to vector<16xi32>
      %max3A_443 = arith.maxsi %get3A_440, %max3A_442 : vector<16xi32>
      %min3A_444 = arith.constant 36863 : i32
      %min3A_445 = vector.broadcast %min3A_444 : i32 to vector<16xi32>
      %min3A_446 = arith.minsi %max3A_443, %min3A_445 : vector<16xi32>
      %swap3A_447 = arith.constant 496 : index
      %swap3A_448 = tpu.vector_load %arg13[%swap3A_447] {strides = array<i32>} : memref<1024xi32, #tpu.memory_space<vmem>>, vector<16xi32>,
      %swap3A_449 = vector.shape_cast %swap3A_448 : vector<16xi32> to vector<16xi32>
      %swap3A_450 = vector.shape_cast %min3A_446 : vector<16xi32> to vector<16xi32>
      tpu.vector_store %arg13[%swap3A_447], %swap3A_450 {strides = array<i32>} : memref<1024xi32, #tpu.memory_space<vmem>>, vector<16xi32>,
      %get3A_451 = arith.constant 512 : index
      %get3A_452 = tpu.vector_load %arg13[%get3A_451] {strides = array<i32>} : memref<1024xi32, #tpu.memory_space<vmem>>, vector<16xi32>,
      %get3A_453 = vector.shape_cast %get3A_452 : vector<16xi32> to vector<16xi32>
      %max3A_454 = arith.constant 0 : i32
      %max3A_455 = vector.broadcast %max3A_454 : i32 to vector<16xi32>
      %max3A_456 = arith.maxsi %get3A_453, %max3A_455 : vector<16xi32>
      %min3A_457 = arith.constant 36863 : i32
      %min3A_458 = vector.broadcast %min3A_457 : i32 to vector<16xi32>
      %min3A_459 = arith.minsi %max3A_456, %min3A_458 : vector<16xi32>
      %swap3A_460 = arith.constant 512 : index
      %swap3A_461 = tpu.vector_load %arg13[%swap3A_460] {strides = array<i32>} : memref<1024xi32, #tpu.memory_space<vmem>>, vector<16xi32>,
      %swap3A_462 = vector.shape_cast %swap3A_461 : vector<16xi32> to vector<16xi32>
      %swap3A_463 = vector.shape_cast %min3A_459 : vector<16xi32> to vector<16xi32>
      tpu.vector_store %arg13[%swap3A_460], %swap3A_463 {strides = array<i32>} : memref<1024xi32, #tpu.memory_space<vmem>>, vector<16xi32>,
      %get3A_464 = arith.constant 528 : index
      %get3A_465 = tpu.vector_load %arg13[%get3A_464] {strides = array<i32>} : memref<1024xi32, #tpu.memory_space<vmem>>, vector<16xi32>,
      %get3A_466 = vector.shape_cast %get3A_465 : vector<16xi32> to vector<16xi32>
      %max3A_467 = arith.constant 0 : i32
      %max3A_468 = vector.broadcast %max3A_467 : i32 to vector<16xi32>
      %max3A_469 = arith.maxsi %get3A_466, %max3A_468 : vector<16xi32>
      %min3A_470 = arith.constant 36863 : i32
      %min3A_471 = vector.broadcast %min3A_470 : i32 to vector<16xi32>
      %min3A_472 = arith.minsi %max3A_469, %min3A_471 : vector<16xi32>
      %swap3A_473 = arith.constant 528 : index
      %swap3A_474 = tpu.vector_load %arg13[%swap3A_473] {strides = array<i32>} : memref<1024xi32, #tpu.memory_space<vmem>>, vector<16xi32>,
      %swap3A_475 = vector.shape_cast %swap3A_474 : vector<16xi32> to vector<16xi32>
      %swap3A_476 = vector.shape_cast %min3A_472 : vector<16xi32> to vector<16xi32>
      tpu.vector_store %arg13[%swap3A_473], %swap3A_476 {strides = array<i32>} : memref<1024xi32, #tpu.memory_space<vmem>>, vector<16xi32>,
      %get3A_477 = arith.constant 544 : index
      %get3A_478 = tpu.vector_load %arg13[%get3A_477] {strides = array<i32>} : memref<1024xi32, #tpu.memory_space<vmem>>, vector<16xi32>,
      %get3A_479 = vector.shape_cast %get3A_478 : vector<16xi32> to vector<16xi32>
      %max3A_480 = arith.constant 0 : i32
      %max3A_481 = vector.broadcast %max3A_480 : i32 to vector<16xi32>
      %max3A_482 = arith.maxsi %get3A_479, %max3A_481 : vector<16xi32>
      %min3A_483 = arith.constant 36863 : i32
      %min3A_484 = vector.broadcast %min3A_483 : i32 to vector<16xi32>
      %min3A_485 = arith.minsi %max3A_482, %min3A_484 : vector<16xi32>
      %swap3A_486 = arith.constant 544 : index
      %swap3A_487 = tpu.vector_load %arg13[%swap3A_486] {strides = array<i32>} : memref<1024xi32, #tpu.memory_space<vmem>>, vector<16xi32>,
      %swap3A_488 = vector.shape_cast %swap3A_487 : vector<16xi32> to vector<16xi32>
      %swap3A_489 = vector.shape_cast %min3A_485 : vector<16xi32> to vector<16xi32>
      tpu.vector_store %arg13[%swap3A_486], %swap3A_489 {strides = array<i32>} : memref<1024xi32, #tpu.memory_space<vmem>>, vector<16xi32>,
      %get3A_490 = arith.constant 560 : index
      %get3A_491 = tpu.vector_load %arg13[%get3A_490] {strides = array<i32>} : memref<1024xi32, #tpu.memory_space<vmem>>, vector<16xi32>,
      %get3A_492 = vector.shape_cast %get3A_491 : vector<16xi32> to vector<16xi32>
      %max3A_493 = arith.constant 0 : i32
      %max3A_494 = vector.broadcast %max3A_493 : i32 to vector<16xi32>
      %max3A_495 = arith.maxsi %get3A_492, %max3A_494 : vector<16xi32>
      %min3A_496 = arith.constant 36863 : i32
      %min3A_497 = vector.broadcast %min3A_496 : i32 to vector<16xi32>
      %min3A_498 = arith.minsi %max3A_495, %min3A_497 : vector<16xi32>
      %swap3A_499 = arith.constant 560 : index
      %swap3A_500 = tpu.vector_load %arg13[%swap3A_499] {strides = array<i32>} : memref<1024xi32, #tpu.memory_space<vmem>>, vector<16xi32>,
      %swap3A_501 = vector.shape_cast %swap3A_500 : vector<16xi32> to vector<16xi32>
      %swap3A_502 = vector.shape_cast %min3A_498 : vector<16xi32> to vector<16xi32>
      tpu.vector_store %arg13[%swap3A_499], %swap3A_502 {strides = array<i32>} : memref<1024xi32, #tpu.memory_space<vmem>>, vector<16xi32>,
      %get3A_503 = arith.constant 576 : index
      %get3A_504 = tpu.vector_load %arg13[%get3A_503] {strides = array<i32>} : memref<1024xi32, #tpu.memory_space<vmem>>, vector<16xi32>,
      %get3A_505 = vector.shape_cast %get3A_504 : vector<16xi32> to vector<16xi32>
      %max3A_506 = arith.constant 0 : i32
      %max3A_507 = vector.broadcast %max3A_506 : i32 to vector<16xi32>
      %max3A_508 = arith.maxsi %get3A_505, %max3A_507 : vector<16xi32>
      %min3A_509 = arith.constant 36863 : i32
      %min3A_510 = vector.broadcast %min3A_509 : i32 to vector<16xi32>
      %min3A_511 = arith.minsi %max3A_508, %min3A_510 : vector<16xi32>
      %swap3A_512 = arith.constant 576 : index
      %swap3A_513 = tpu.vector_load %arg13[%swap3A_512] {strides = array<i32>} : memref<1024xi32, #tpu.memory_space<vmem>>, vector<16xi32>,
      %swap3A_514 = vector.shape_cast %swap3A_513 : vector<16xi32> to vector<16xi32>
      %swap3A_515 = vector.shape_cast %min3A_511 : vector<16xi32> to vector<16xi32>
      tpu.vector_store %arg13[%swap3A_512], %swap3A_515 {strides = array<i32>} : memref<1024xi32, #tpu.memory_space<vmem>>, vector<16xi32>,
      %get3A_516 = arith.constant 592 : index
      %get3A_517 = tpu.vector_load %arg13[%get3A_516] {strides = array<i32>} : memref<1024xi32, #tpu.memory_space<vmem>>, vector<16xi32>,
      %get3A_518 = vector.shape_cast %get3A_517 : vector<16xi32> to vector<16xi32>
      %max3A_519 = arith.constant 0 : i32
      %max3A_520 = vector.broadcast %max3A_519 : i32 to vector<16xi32>
      %max3A_521 = arith.maxsi %get3A_518, %max3A_520 : vector<16xi32>
      %min3A_522 = arith.constant 36863 : i32
      %min3A_523 = vector.broadcast %min3A_522 : i32 to vector<16xi32>
      %min3A_524 = arith.minsi %max3A_521, %min3A_523 : vector<16xi32>
      %swap3A_525 = arith.constant 592 : index
      %swap3A_526 = tpu.vector_load %arg13[%swap3A_525] {strides = array<i32>} : memref<1024xi32, #tpu.memory_space<vmem>>, vector<16xi32>,
      %swap3A_527 = vector.shape_cast %swap3A_526 : vector<16xi32> to vector<16xi32>
      %swap3A_528 = vector.shape_cast %min3A_524 : vector<16xi32> to vector<16xi32>
      tpu.vector_store %arg13[%swap3A_525], %swap3A_528 {strides = array<i32>} : memref<1024xi32, #tpu.memory_space<vmem>>, vector<16xi32>,
      %get3A_529 = arith.constant 608 : index
      %get3A_530 = tpu.vector_load %arg13[%get3A_529] {strides = array<i32>} : memref<1024xi32, #tpu.memory_space<vmem>>, vector<16xi32>,
      %get3A_531 = vector.shape_cast %get3A_530 : vector<16xi32> to vector<16xi32>
      %max3A_532 = arith.constant 0 : i32
      %max3A_533 = vector.broadcast %max3A_532 : i32 to vector<16xi32>
      %max3A_534 = arith.maxsi %get3A_531, %max3A_533 : vector<16xi32>
      %min3A_535 = arith.constant 36863 : i32
      %min3A_536 = vector.broadcast %min3A_535 : i32 to vector<16xi32>
      %min3A_537 = arith.minsi %max3A_534, %min3A_536 : vector<16xi32>
      %swap3A_538 = arith.constant 608 : index
      %swap3A_539 = tpu.vector_load %arg13[%swap3A_538] {strides = array<i32>} : memref<1024xi32, #tpu.memory_space<vmem>>, vector<16xi32>,
      %swap3A_540 = vector.shape_cast %swap3A_539 : vector<16xi32> to vector<16xi32>
      %swap3A_541 = vector.shape_cast %min3A_537 : vector<16xi32> to vector<16xi32>
      tpu.vector_store %arg13[%swap3A_538], %swap3A_541 {strides = array<i32>} : memref<1024xi32, #tpu.memory_space<vmem>>, vector<16xi32>,
      %get3A_542 = arith.constant 624 : index
      %get3A_543 = tpu.vector_load %arg13[%get3A_542] {strides = array<i32>} : memref<1024xi32, #tpu.memory_space<vmem>>, vector<16xi32>,
      %get3A_544 = vector.shape_cast %get3A_543 : vector<16xi32> to vector<16xi32>
      %max3A_545 = arith.constant 0 : i32
      %max3A_546 = vector.broadcast %max3A_545 : i32 to vector<16xi32>
      %max3A_547 = arith.maxsi %get3A_544, %max3A_546 : vector<16xi32>
      %min3A_548 = arith.constant 36863 : i32
      %min3A_549 = vector.broadcast %min3A_548 : i32 to vector<16xi32>
      %min3A_550 = arith.minsi %max3A_547, %min3A_549 : vector<16xi32>
      %swap3A_551 = arith.constant 624 : index
      %swap3A_552 = tpu.vector_load %arg13[%swap3A_551] {strides = array<i32>} : memref<1024xi32, #tpu.memory_space<vmem>>, vector<16xi32>,
      %swap3A_553 = vector.shape_cast %swap3A_552 : vector<16xi32> to vector<16xi32>
      %swap3A_554 = vector.shape_cast %min3A_550 : vector<16xi32> to vector<16xi32>
      tpu.vector_store %arg13[%swap3A_551], %swap3A_554 {strides = array<i32>} : memref<1024xi32, #tpu.memory_space<vmem>>, vector<16xi32>,
      %get3A_555 = arith.constant 640 : index
      %get3A_556 = tpu.vector_load %arg13[%get3A_555] {strides = array<i32>} : memref<1024xi32, #tpu.memory_space<vmem>>, vector<16xi32>,
      %get3A_557 = vector.shape_cast %get3A_556 : vector<16xi32> to vector<16xi32>
      %max3A_558 = arith.constant 0 : i32
      %max3A_559 = vector.broadcast %max3A_558 : i32 to vector<16xi32>
      %max3A_560 = arith.maxsi %get3A_557, %max3A_559 : vector<16xi32>
      %min3A_561 = arith.constant 36863 : i32
      %min3A_562 = vector.broadcast %min3A_561 : i32 to vector<16xi32>
      %min3A_563 = arith.minsi %max3A_560, %min3A_562 : vector<16xi32>
      %swap3A_564 = arith.constant 640 : index
      %swap3A_565 = tpu.vector_load %arg13[%swap3A_564] {strides = array<i32>} : memref<1024xi32, #tpu.memory_space<vmem>>, vector<16xi32>,
      %swap3A_566 = vector.shape_cast %swap3A_565 : vector<16xi32> to vector<16xi32>
      %swap3A_567 = vector.shape_cast %min3A_563 : vector<16xi32> to vector<16xi32>
      tpu.vector_store %arg13[%swap3A_564], %swap3A_567 {strides = array<i32>} : memref<1024xi32, #tpu.memory_space<vmem>>, vector<16xi32>,
      %get3A_568 = arith.constant 656 : index
      %get3A_569 = tpu.vector_load %arg13[%get3A_568] {strides = array<i32>} : memref<1024xi32, #tpu.memory_space<vmem>>, vector<16xi32>,
      %get3A_570 = vector.shape_cast %get3A_569 : vector<16xi32> to vector<16xi32>
      %max3A_571 = arith.constant 0 : i32
      %max3A_572 = vector.broadcast %max3A_571 : i32 to vector<16xi32>
      %max3A_573 = arith.maxsi %get3A_570, %max3A_572 : vector<16xi32>
      %min3A_574 = arith.constant 36863 : i32
      %min3A_575 = vector.broadcast %min3A_574 : i32 to vector<16xi32>
      %min3A_576 = arith.minsi %max3A_573, %min3A_575 : vector<16xi32>
      %swap3A_577 = arith.constant 656 : index
      %swap3A_578 = tpu.vector_load %arg13[%swap3A_577] {strides = array<i32>} : memref<1024xi32, #tpu.memory_space<vmem>>, vector<16xi32>,
      %swap3A_579 = vector.shape_cast %swap3A_578 : vector<16xi32> to vector<16xi32>
      %swap3A_580 = vector.shape_cast %min3A_576 : vector<16xi32> to vector<16xi32>
      tpu.vector_store %arg13[%swap3A_577], %swap3A_580 {strides = array<i32>} : memref<1024xi32, #tpu.memory_space<vmem>>, vector<16xi32>,
      %get3A_581 = arith.constant 672 : index
      %get3A_582 = tpu.vector_load %arg13[%get3A_581] {strides = array<i32>} : memref<1024xi32, #tpu.memory_space<vmem>>, vector<16xi32>,
      %get3A_583 = vector.shape_cast %get3A_582 : vector<16xi32> to vector<16xi32>
      %max3A_584 = arith.constant 0 : i32
      %max3A_585 = vector.broadcast %max3A_584 : i32 to vector<16xi32>
      %max3A_586 = arith.maxsi %get3A_583, %max3A_585 : vector<16xi32>
      %min3A_587 = arith.constant 36863 : i32
      %min3A_588 = vector.broadcast %min3A_587 : i32 to vector<16xi32>
      %min3A_589 = arith.minsi %max3A_586, %min3A_588 : vector<16xi32>
      %swap3A_590 = arith.constant 672 : index
      %swap3A_591 = tpu.vector_load %arg13[%swap3A_590] {strides = array<i32>} : memref<1024xi32, #tpu.memory_space<vmem>>, vector<16xi32>,
      %swap3A_592 = vector.shape_cast %swap3A_591 : vector<16xi32> to vector<16xi32>
      %swap3A_593 = vector.shape_cast %min3A_589 : vector<16xi32> to vector<16xi32>
      tpu.vector_store %arg13[%swap3A_590], %swap3A_593 {strides = array<i32>} : memref<1024xi32, #tpu.memory_space<vmem>>, vector<16xi32>,
      %get3A_594 = arith.constant 688 : index
      %get3A_595 = tpu.vector_load %arg13[%get3A_594] {strides = array<i32>} : memref<1024xi32, #tpu.memory_space<vmem>>, vector<16xi32>,
      %get3A_596 = vector.shape_cast %get3A_595 : vector<16xi32> to vector<16xi32>
      %max3A_597 = arith.constant 0 : i32
      %max3A_598 = vector.broadcast %max3A_597 : i32 to vector<16xi32>
      %max3A_599 = arith.maxsi %get3A_596, %max3A_598 : vector<16xi32>
      %min3A_600 = arith.constant 36863 : i32
      %min3A_601 = vector.broadcast %min3A_600 : i32 to vector<16xi32>
      %min3A_602 = arith.minsi %max3A_599, %min3A_601 : vector<16xi32>
      %swap3A_603 = arith.constant 688 : index
      %swap3A_604 = tpu.vector_load %arg13[%swap3A_603] {strides = array<i32>} : memref<1024xi32, #tpu.memory_space<vmem>>, vector<16xi32>,
      %swap3A_605 = vector.shape_cast %swap3A_604 : vector<16xi32> to vector<16xi32>
      %swap3A_606 = vector.shape_cast %min3A_602 : vector<16xi32> to vector<16xi32>
      tpu.vector_store %arg13[%swap3A_603], %swap3A_606 {strides = array<i32>} : memref<1024xi32, #tpu.memory_space<vmem>>, vector<16xi32>,
      %get3A_607 = arith.constant 704 : index
      %get3A_608 = tpu.vector_load %arg13[%get3A_607] {strides = array<i32>} : memref<1024xi32, #tpu.memory_space<vmem>>, vector<16xi32>,
      %get3A_609 = vector.shape_cast %get3A_608 : vector<16xi32> to vector<16xi32>
      %max3A_610 = arith.constant 0 : i32
      %max3A_611 = vector.broadcast %max3A_610 : i32 to vector<16xi32>
      %max3A_612 = arith.maxsi %get3A_609, %max3A_611 : vector<16xi32>
      %min3A_613 = arith.constant 36863 : i32
      %min3A_614 = vector.broadcast %min3A_613 : i32 to vector<16xi32>
      %min3A_615 = arith.minsi %max3A_612, %min3A_614 : vector<16xi32>
      %swap3A_616 = arith.constant 704 : index
      %swap3A_617 = tpu.vector_load %arg13[%swap3A_616] {strides = array<i32>} : memref<1024xi32, #tpu.memory_space<vmem>>, vector<16xi32>,
      %swap3A_618 = vector.shape_cast %swap3A_617 : vector<16xi32> to vector<16xi32>
      %swap3A_619 = vector.shape_cast %min3A_615 : vector<16xi32> to vector<16xi32>
      tpu.vector_store %arg13[%swap3A_616], %swap3A_619 {strides = array<i32>} : memref<1024xi32, #tpu.memory_space<vmem>>, vector<16xi32>,
      %get3A_620 = arith.constant 720 : index
      %get3A_621 = tpu.vector_load %arg13[%get3A_620] {strides = array<i32>} : memref<1024xi32, #tpu.memory_space<vmem>>, vector<16xi32>,
      %get3A_622 = vector.shape_cast %get3A_621 : vector<16xi32> to vector<16xi32>
      %max3A_623 = arith.constant 0 : i32
      %max3A_624 = vector.broadcast %max3A_623 : i32 to vector<16xi32>
      %max3A_625 = arith.maxsi %get3A_622, %max3A_624 : vector<16xi32>
      %min3A_626 = arith.constant 36863 : i32
      %min3A_627 = vector.broadcast %min3A_626 : i32 to vector<16xi32>
      %min3A_628 = arith.minsi %max3A_625, %min3A_627 : vector<16xi32>
      %swap3A_629 = arith.constant 720 : index
      %swap3A_630 = tpu.vector_load %arg13[%swap3A_629] {strides = array<i32>} : memref<1024xi32, #tpu.memory_space<vmem>>, vector<16xi32>,
      %swap3A_631 = vector.shape_cast %swap3A_630 : vector<16xi32> to vector<16xi32>
      %swap3A_632 = vector.shape_cast %min3A_628 : vector<16xi32> to vector<16xi32>
      tpu.vector_store %arg13[%swap3A_629], %swap3A_632 {strides = array<i32>} : memref<1024xi32, #tpu.memory_space<vmem>>, vector<16xi32>,
      %get3A_633 = arith.constant 736 : index
      %get3A_634 = tpu.vector_load %arg13[%get3A_633] {strides = array<i32>} : memref<1024xi32, #tpu.memory_space<vmem>>, vector<16xi32>,
      %get3A_635 = vector.shape_cast %get3A_634 : vector<16xi32> to vector<16xi32>
      %max3A_636 = arith.constant 0 : i32
      %max3A_637 = vector.broadcast %max3A_636 : i32 to vector<16xi32>
      %max3A_638 = arith.maxsi %get3A_635, %max3A_637 : vector<16xi32>
      %min3A_639 = arith.constant 36863 : i32
      %min3A_640 = vector.broadcast %min3A_639 : i32 to vector<16xi32>
      %min3A_641 = arith.minsi %max3A_638, %min3A_640 : vector<16xi32>
      %swap3A_642 = arith.constant 736 : index
      %swap3A_643 = tpu.vector_load %arg13[%swap3A_642] {strides = array<i32>} : memref<1024xi32, #tpu.memory_space<vmem>>, vector<16xi32>,
      %swap3A_644 = vector.shape_cast %swap3A_643 : vector<16xi32> to vector<16xi32>
      %swap3A_645 = vector.shape_cast %min3A_641 : vector<16xi32> to vector<16xi32>
      tpu.vector_store %arg13[%swap3A_642], %swap3A_645 {strides = array<i32>} : memref<1024xi32, #tpu.memory_space<vmem>>, vector<16xi32>,
      %get3A_646 = arith.constant 752 : index
      %get3A_647 = tpu.vector_load %arg13[%get3A_646] {strides = array<i32>} : memref<1024xi32, #tpu.memory_space<vmem>>, vector<16xi32>,
      %get3A_648 = vector.shape_cast %get3A_647 : vector<16xi32> to vector<16xi32>
      %max3A_649 = arith.constant 0 : i32
      %max3A_650 = vector.broadcast %max3A_649 : i32 to vector<16xi32>
      %max3A_651 = arith.maxsi %get3A_648, %max3A_650 : vector<16xi32>
      %min3A_652 = arith.constant 36863 : i32
      %min3A_653 = vector.broadcast %min3A_652 : i32 to vector<16xi32>
      %min3A_654 = arith.minsi %max3A_651, %min3A_653 : vector<16xi32>
      %swap3A_655 = arith.constant 752 : index
      %swap3A_656 = tpu.vector_load %arg13[%swap3A_655] {strides = array<i32>} : memref<1024xi32, #tpu.memory_space<vmem>>, vector<16xi32>,
      %swap3A_657 = vector.shape_cast %swap3A_656 : vector<16xi32> to vector<16xi32>
      %swap3A_658 = vector.shape_cast %min3A_654 : vector<16xi32> to vector<16xi32>
      tpu.vector_store %arg13[%swap3A_655], %swap3A_658 {strides = array<i32>} : memref<1024xi32, #tpu.memory_space<vmem>>, vector<16xi32>,
      %get3A_659 = arith.constant 768 : index
      %get3A_660 = tpu.vector_load %arg13[%get3A_659] {strides = array<i32>} : memref<1024xi32, #tpu.memory_space<vmem>>, vector<16xi32>,
      %get3A_661 = vector.shape_cast %get3A_660 : vector<16xi32> to vector<16xi32>
      %max3A_662 = arith.constant 0 : i32
      %max3A_663 = vector.broadcast %max3A_662 : i32 to vector<16xi32>
      %max3A_664 = arith.maxsi %get3A_661, %max3A_663 : vector<16xi32>
      %min3A_665 = arith.constant 36863 : i32
      %min3A_666 = vector.broadcast %min3A_665 : i32 to vector<16xi32>
      %min3A_667 = arith.minsi %max3A_664, %min3A_666 : vector<16xi32>
      %swap3A_668 = arith.constant 768 : index
      %swap3A_669 = tpu.vector_load %arg13[%swap3A_668] {strides = array<i32>} : memref<1024xi32, #tpu.memory_space<vmem>>, vector<16xi32>,
      %swap3A_670 = vector.shape_cast %swap3A_669 : vector<16xi32> to vector<16xi32>
      %swap3A_671 = vector.shape_cast %min3A_667 : vector<16xi32> to vector<16xi32>
      tpu.vector_store %arg13[%swap3A_668], %swap3A_671 {strides = array<i32>} : memref<1024xi32, #tpu.memory_space<vmem>>, vector<16xi32>,
      %get3A_672 = arith.constant 784 : index
      %get3A_673 = tpu.vector_load %arg13[%get3A_672] {strides = array<i32>} : memref<1024xi32, #tpu.memory_space<vmem>>, vector<16xi32>,
      %get3A_674 = vector.shape_cast %get3A_673 : vector<16xi32> to vector<16xi32>
      %max3A_675 = arith.constant 0 : i32
      %max3A_676 = vector.broadcast %max3A_675 : i32 to vector<16xi32>
      %max3A_677 = arith.maxsi %get3A_674, %max3A_676 : vector<16xi32>
      %min3A_678 = arith.constant 36863 : i32
      %min3A_679 = vector.broadcast %min3A_678 : i32 to vector<16xi32>
      %min3A_680 = arith.minsi %max3A_677, %min3A_679 : vector<16xi32>
      %swap3A_681 = arith.constant 784 : index
      %swap3A_682 = tpu.vector_load %arg13[%swap3A_681] {strides = array<i32>} : memref<1024xi32, #tpu.memory_space<vmem>>, vector<16xi32>,
      %swap3A_683 = vector.shape_cast %swap3A_682 : vector<16xi32> to vector<16xi32>
      %swap3A_684 = vector.shape_cast %min3A_680 : vector<16xi32> to vector<16xi32>
      tpu.vector_store %arg13[%swap3A_681], %swap3A_684 {strides = array<i32>} : memref<1024xi32, #tpu.memory_space<vmem>>, vector<16xi32>,
      %get3A_685 = arith.constant 800 : index
      %get3A_686 = tpu.vector_load %arg13[%get3A_685] {strides = array<i32>} : memref<1024xi32, #tpu.memory_space<vmem>>, vector<16xi32>,
      %get3A_687 = vector.shape_cast %get3A_686 : vector<16xi32> to vector<16xi32>
      %max3A_688 = arith.constant 0 : i32
      %max3A_689 = vector.broadcast %max3A_688 : i32 to vector<16xi32>
      %max3A_690 = arith.maxsi %get3A_687, %max3A_689 : vector<16xi32>
      %min3A_691 = arith.constant 36863 : i32
      %min3A_692 = vector.broadcast %min3A_691 : i32 to vector<16xi32>
      %min3A_693 = arith.minsi %max3A_690, %min3A_692 : vector<16xi32>
      %swap3A_694 = arith.constant 800 : index
      %swap3A_695 = tpu.vector_load %arg13[%swap3A_694] {strides = array<i32>} : memref<1024xi32, #tpu.memory_space<vmem>>, vector<16xi32>,
      %swap3A_696 = vector.shape_cast %swap3A_695 : vector<16xi32> to vector<16xi32>
      %swap3A_697 = vector.shape_cast %min3A_693 : vector<16xi32> to vector<16xi32>
      tpu.vector_store %arg13[%swap3A_694], %swap3A_697 {strides = array<i32>} : memref<1024xi32, #tpu.memory_space<vmem>>, vector<16xi32>,
      %get3A_698 = arith.constant 816 : index
      %get3A_699 = tpu.vector_load %arg13[%get3A_698] {strides = array<i32>} : memref<1024xi32, #tpu.memory_space<vmem>>, vector<16xi32>,
      %get3A_700 = vector.shape_cast %get3A_699 : vector<16xi32> to vector<16xi32>
      %max3A_701 = arith.constant 0 : i32
      %max3A_702 = vector.broadcast %max3A_701 : i32 to vector<16xi32>
      %max3A_703 = arith.maxsi %get3A_700, %max3A_702 : vector<16xi32>
      %min3A_704 = arith.constant 36863 : i32
      %min3A_705 = vector.broadcast %min3A_704 : i32 to vector<16xi32>
      %min3A_706 = arith.minsi %max3A_703, %min3A_705 : vector<16xi32>
      %swap3A_707 = arith.constant 816 : index
      %swap3A_708 = tpu.vector_load %arg13[%swap3A_707] {strides = array<i32>} : memref<1024xi32, #tpu.memory_space<vmem>>, vector<16xi32>,
      %swap3A_709 = vector.shape_cast %swap3A_708 : vector<16xi32> to vector<16xi32>
      %swap3A_710 = vector.shape_cast %min3A_706 : vector<16xi32> to vector<16xi32>
      tpu.vector_store %arg13[%swap3A_707], %swap3A_710 {strides = array<i32>} : memref<1024xi32, #tpu.memory_space<vmem>>, vector<16xi32>,
      %get3A_711 = arith.constant 832 : index
      %get3A_712 = tpu.vector_load %arg13[%get3A_711] {strides = array<i32>} : memref<1024xi32, #tpu.memory_space<vmem>>, vector<16xi32>,
      %get3A_713 = vector.shape_cast %get3A_712 : vector<16xi32> to vector<16xi32>
      %max3A_714 = arith.constant 0 : i32
      %max3A_715 = vector.broadcast %max3A_714 : i32 to vector<16xi32>
      %max3A_716 = arith.maxsi %get3A_713, %max3A_715 : vector<16xi32>
      %min3A_717 = arith.constant 36863 : i32
      %min3A_718 = vector.broadcast %min3A_717 : i32 to vector<16xi32>
      %min3A_719 = arith.minsi %max3A_716, %min3A_718 : vector<16xi32>
      %swap3A_720 = arith.constant 832 : index
      %swap3A_721 = tpu.vector_load %arg13[%swap3A_720] {strides = array<i32>} : memref<1024xi32, #tpu.memory_space<vmem>>, vector<16xi32>,
      %swap3A_722 = vector.shape_cast %swap3A_721 : vector<16xi32> to vector<16xi32>
      %swap3A_723 = vector.shape_cast %min3A_719 : vector<16xi32> to vector<16xi32>
      tpu.vector_store %arg13[%swap3A_720], %swap3A_723 {strides = array<i32>} : memref<1024xi32, #tpu.memory_space<vmem>>, vector<16xi32>,
      %get3A_724 = arith.constant 848 : index
      %get3A_725 = tpu.vector_load %arg13[%get3A_724] {strides = array<i32>} : memref<1024xi32, #tpu.memory_space<vmem>>, vector<16xi32>,
      %get3A_726 = vector.shape_cast %get3A_725 : vector<16xi32> to vector<16xi32>
      %max3A_727 = arith.constant 0 : i32
      %max3A_728 = vector.broadcast %max3A_727 : i32 to vector<16xi32>
      %max3A_729 = arith.maxsi %get3A_726, %max3A_728 : vector<16xi32>
      %min3A_730 = arith.constant 36863 : i32
      %min3A_731 = vector.broadcast %min3A_730 : i32 to vector<16xi32>
      %min3A_732 = arith.minsi %max3A_729, %min3A_731 : vector<16xi32>
      %swap3A_733 = arith.constant 848 : index
      %swap3A_734 = tpu.vector_load %arg13[%swap3A_733] {strides = array<i32>} : memref<1024xi32, #tpu.memory_space<vmem>>, vector<16xi32>,
      %swap3A_735 = vector.shape_cast %swap3A_734 : vector<16xi32> to vector<16xi32>
      %swap3A_736 = vector.shape_cast %min3A_732 : vector<16xi32> to vector<16xi32>
      tpu.vector_store %arg13[%swap3A_733], %swap3A_736 {strides = array<i32>} : memref<1024xi32, #tpu.memory_space<vmem>>, vector<16xi32>,
      %get3A_737 = arith.constant 864 : index
      %get3A_738 = tpu.vector_load %arg13[%get3A_737] {strides = array<i32>} : memref<1024xi32, #tpu.memory_space<vmem>>, vector<16xi32>,
      %get3A_739 = vector.shape_cast %get3A_738 : vector<16xi32> to vector<16xi32>
      %max3A_740 = arith.constant 0 : i32
      %max3A_741 = vector.broadcast %max3A_740 : i32 to vector<16xi32>
      %max3A_742 = arith.maxsi %get3A_739, %max3A_741 : vector<16xi32>
      %min3A_743 = arith.constant 36863 : i32
      %min3A_744 = vector.broadcast %min3A_743 : i32 to vector<16xi32>
      %min3A_745 = arith.minsi %max3A_742, %min3A_744 : vector<16xi32>
      %swap3A_746 = arith.constant 864 : index
      %swap3A_747 = tpu.vector_load %arg13[%swap3A_746] {strides = array<i32>} : memref<1024xi32, #tpu.memory_space<vmem>>, vector<16xi32>,
      %swap3A_748 = vector.shape_cast %swap3A_747 : vector<16xi32> to vector<16xi32>
      %swap3A_749 = vector.shape_cast %min3A_745 : vector<16xi32> to vector<16xi32>
      tpu.vector_store %arg13[%swap3A_746], %swap3A_749 {strides = array<i32>} : memref<1024xi32, #tpu.memory_space<vmem>>, vector<16xi32>,
      %get3A_750 = arith.constant 880 : index
      %get3A_751 = tpu.vector_load %arg13[%get3A_750] {strides = array<i32>} : memref<1024xi32, #tpu.memory_space<vmem>>, vector<16xi32>,
      %get3A_752 = vector.shape_cast %get3A_751 : vector<16xi32> to vector<16xi32>
      %max3A_753 = arith.constant 0 : i32
      %max3A_754 = vector.broadcast %max3A_753 : i32 to vector<16xi32>
      %max3A_755 = arith.maxsi %get3A_752, %max3A_754 : vector<16xi32>
      %min3A_756 = arith.constant 36863 : i32
      %min3A_757 = vector.broadcast %min3A_756 : i32 to vector<16xi32>
      %min3A_758 = arith.minsi %max3A_755, %min3A_757 : vector<16xi32>
      %swap3A_759 = arith.constant 880 : index
      %swap3A_760 = tpu.vector_load %arg13[%swap3A_759] {strides = array<i32>} : memref<1024xi32, #tpu.memory_space<vmem>>, vector<16xi32>,
      %swap3A_761 = vector.shape_cast %swap3A_760 : vector<16xi32> to vector<16xi32>
      %swap3A_762 = vector.shape_cast %min3A_758 : vector<16xi32> to vector<16xi32>
      tpu.vector_store %arg13[%swap3A_759], %swap3A_762 {strides = array<i32>} : memref<1024xi32, #tpu.memory_space<vmem>>, vector<16xi32>,
      %get3A_763 = arith.constant 896 : index
      %get3A_764 = tpu.vector_load %arg13[%get3A_763] {strides = array<i32>} : memref<1024xi32, #tpu.memory_space<vmem>>, vector<16xi32>,
      %get3A_765 = vector.shape_cast %get3A_764 : vector<16xi32> to vector<16xi32>
      %max3A_766 = arith.constant 0 : i32
      %max3A_767 = vector.broadcast %max3A_766 : i32 to vector<16xi32>
      %max3A_768 = arith.maxsi %get3A_765, %max3A_767 : vector<16xi32>
      %min3A_769 = arith.constant 36863 : i32
      %min3A_770 = vector.broadcast %min3A_769 : i32 to vector<16xi32>
      %min3A_771 = arith.minsi %max3A_768, %min3A_770 : vector<16xi32>
      %swap3A_772 = arith.constant 896 : index
      %swap3A_773 = tpu.vector_load %arg13[%swap3A_772] {strides = array<i32>} : memref<1024xi32, #tpu.memory_space<vmem>>, vector<16xi32>,
      %swap3A_774 = vector.shape_cast %swap3A_773 : vector<16xi32> to vector<16xi32>
      %swap3A_775 = vector.shape_cast %min3A_771 : vector<16xi32> to vector<16xi32>
      tpu.vector_store %arg13[%swap3A_772], %swap3A_775 {strides = array<i32>} : memref<1024xi32, #tpu.memory_space<vmem>>, vector<16xi32>,
      %get3A_776 = arith.constant 912 : index
      %get3A_777 = tpu.vector_load %arg13[%get3A_776] {strides = array<i32>} : memref<1024xi32, #tpu.memory_space<vmem>>, vector<16xi32>,
      %get3A_778 = vector.shape_cast %get3A_777 : vector<16xi32> to vector<16xi32>
      %max3A_779 = arith.constant 0 : i32
      %max3A_780 = vector.broadcast %max3A_779 : i32 to vector<16xi32>
      %max3A_781 = arith.maxsi %get3A_778, %max3A_780 : vector<16xi32>
      %min3A_782 = arith.constant 36863 : i32
      %min3A_783 = vector.broadcast %min3A_782 : i32 to vector<16xi32>
      %min3A_784 = arith.minsi %max3A_781, %min3A_783 : vector<16xi32>
      %swap3A_785 = arith.constant 912 : index
      %swap3A_786 = tpu.vector_load %arg13[%swap3A_785] {strides = array<i32>} : memref<1024xi32, #tpu.memory_space<vmem>>, vector<16xi32>,
      %swap3A_787 = vector.shape_cast %swap3A_786 : vector<16xi32> to vector<16xi32>
      %swap3A_788 = vector.shape_cast %min3A_784 : vector<16xi32> to vector<16xi32>
      tpu.vector_store %arg13[%swap3A_785], %swap3A_788 {strides = array<i32>} : memref<1024xi32, #tpu.memory_space<vmem>>, vector<16xi32>,
      %get3A_789 = arith.constant 928 : index
      %get3A_790 = tpu.vector_load %arg13[%get3A_789] {strides = array<i32>} : memref<1024xi32, #tpu.memory_space<vmem>>, vector<16xi32>,
      %get3A_791 = vector.shape_cast %get3A_790 : vector<16xi32> to vector<16xi32>
      %max3A_792 = arith.constant 0 : i32
      %max3A_793 = vector.broadcast %max3A_792 : i32 to vector<16xi32>
      %max3A_794 = arith.maxsi %get3A_791, %max3A_793 : vector<16xi32>
      %min3A_795 = arith.constant 36863 : i32
      %min3A_796 = vector.broadcast %min3A_795 : i32 to vector<16xi32>
      %min3A_797 = arith.minsi %max3A_794, %min3A_796 : vector<16xi32>
      %swap3A_798 = arith.constant 928 : index
      %swap3A_799 = tpu.vector_load %arg13[%swap3A_798] {strides = array<i32>} : memref<1024xi32, #tpu.memory_space<vmem>>, vector<16xi32>,
      %swap3A_800 = vector.shape_cast %swap3A_799 : vector<16xi32> to vector<16xi32>
      %swap3A_801 = vector.shape_cast %min3A_797 : vector<16xi32> to vector<16xi32>
      tpu.vector_store %arg13[%swap3A_798], %swap3A_801 {strides = array<i32>} : memref<1024xi32, #tpu.memory_space<vmem>>, vector<16xi32>,
      %get3A_802 = arith.constant 944 : index
      %get3A_803 = tpu.vector_load %arg13[%get3A_802] {strides = array<i32>} : memref<1024xi32, #tpu.memory_space<vmem>>, vector<16xi32>,
      %get3A_804 = vector.shape_cast %get3A_803 : vector<16xi32> to vector<16xi32>
      %max3A_805 = arith.constant 0 : i32
      %max3A_806 = vector.broadcast %max3A_805 : i32 to vector<16xi32>
      %max3A_807 = arith.maxsi %get3A_804, %max3A_806 : vector<16xi32>
      %min3A_808 = arith.constant 36863 : i32
      %min3A_809 = vector.broadcast %min3A_808 : i32 to vector<16xi32>
      %min3A_810 = arith.minsi %max3A_807, %min3A_809 : vector<16xi32>
      %swap3A_811 = arith.constant 944 : index
      %swap3A_812 = tpu.vector_load %arg13[%swap3A_811] {strides = array<i32>} : memref<1024xi32, #tpu.memory_space<vmem>>, vector<16xi32>,
      %swap3A_813 = vector.shape_cast %swap3A_812 : vector<16xi32> to vector<16xi32>
      %swap3A_814 = vector.shape_cast %min3A_810 : vector<16xi32> to vector<16xi32>
      tpu.vector_store %arg13[%swap3A_811], %swap3A_814 {strides = array<i32>} : memref<1024xi32, #tpu.memory_space<vmem>>, vector<16xi32>,
      %get3A_815 = arith.constant 960 : index
      %get3A_816 = tpu.vector_load %arg13[%get3A_815] {strides = array<i32>} : memref<1024xi32, #tpu.memory_space<vmem>>, vector<16xi32>,
      %get3A_817 = vector.shape_cast %get3A_816 : vector<16xi32> to vector<16xi32>
      %max3A_818 = arith.constant 0 : i32
      %max3A_819 = vector.broadcast %max3A_818 : i32 to vector<16xi32>
      %max3A_820 = arith.maxsi %get3A_817, %max3A_819 : vector<16xi32>
      %min3A_821 = arith.constant 36863 : i32
      %min3A_822 = vector.broadcast %min3A_821 : i32 to vector<16xi32>
      %min3A_823 = arith.minsi %max3A_820, %min3A_822 : vector<16xi32>
      %swap3A_824 = arith.constant 960 : index
      %swap3A_825 = tpu.vector_load %arg13[%swap3A_824] {strides = array<i32>} : memref<1024xi32, #tpu.memory_space<vmem>>, vector<16xi32>,
      %swap3A_826 = vector.shape_cast %swap3A_825 : vector<16xi32> to vector<16xi32>
      %swap3A_827 = vector.shape_cast %min3A_823 : vector<16xi32> to vector<16xi32>
      tpu.vector_store %arg13[%swap3A_824], %swap3A_827 {strides = array<i32>} : memref<1024xi32, #tpu.memory_space<vmem>>, vector<16xi32>,
      %get3A_828 = arith.constant 976 : index
      %get3A_829 = tpu.vector_load %arg13[%get3A_828] {strides = array<i32>} : memref<1024xi32, #tpu.memory_space<vmem>>, vector<16xi32>,
      %get3A_830 = vector.shape_cast %get3A_829 : vector<16xi32> to vector<16xi32>
      %max3A_831 = arith.constant 0 : i32
      %max3A_832 = vector.broadcast %max3A_831 : i32 to vector<16xi32>
      %max3A_833 = arith.maxsi %get3A_830, %max3A_832 : vector<16xi32>
      %min3A_834 = arith.constant 36863 : i32
      %min3A_835 = vector.broadcast %min3A_834 : i32 to vector<16xi32>
      %min3A_836 = arith.minsi %max3A_833, %min3A_835 : vector<16xi32>
      %swap3A_837 = arith.constant 976 : index
      %swap3A_838 = tpu.vector_load %arg13[%swap3A_837] {strides = array<i32>} : memref<1024xi32, #tpu.memory_space<vmem>>, vector<16xi32>,
      %swap3A_839 = vector.shape_cast %swap3A_838 : vector<16xi32> to vector<16xi32>
      %swap3A_840 = vector.shape_cast %min3A_836 : vector<16xi32> to vector<16xi32>
      tpu.vector_store %arg13[%swap3A_837], %swap3A_840 {strides = array<i32>} : memref<1024xi32, #tpu.memory_space<vmem>>, vector<16xi32>,
      %get3A_841 = arith.constant 992 : index
      %get3A_842 = tpu.vector_load %arg13[%get3A_841] {strides = array<i32>} : memref<1024xi32, #tpu.memory_space<vmem>>, vector<16xi32>,
      %get3A_843 = vector.shape_cast %get3A_842 : vector<16xi32> to vector<16xi32>
      %max3A_844 = arith.constant 0 : i32
      %max3A_845 = vector.broadcast %max3A_844 : i32 to vector<16xi32>
      %max3A_846 = arith.maxsi %get3A_843, %max3A_845 : vector<16xi32>
      %min3A_847 = arith.constant 36863 : i32
      %min3A_848 = vector.broadcast %min3A_847 : i32 to vector<16xi32>
      %min3A_849 = arith.minsi %max3A_846, %min3A_848 : vector<16xi32>
      %swap3A_850 = arith.constant 992 : index
      %swap3A_851 = tpu.vector_load %arg13[%swap3A_850] {strides = array<i32>} : memref<1024xi32, #tpu.memory_space<vmem>>, vector<16xi32>,
      %swap3A_852 = vector.shape_cast %swap3A_851 : vector<16xi32> to vector<16xi32>
      %swap3A_853 = vector.shape_cast %min3A_849 : vector<16xi32> to vector<16xi32>
      tpu.vector_store %arg13[%swap3A_850], %swap3A_853 {strides = array<i32>} : memref<1024xi32, #tpu.memory_space<vmem>>, vector<16xi32>,
      %get3A_854 = arith.constant 1008 : index
      %get3A_855 = tpu.vector_load %arg13[%get3A_854] {strides = array<i32>} : memref<1024xi32, #tpu.memory_space<vmem>>, vector<16xi32>,
      %get3A_856 = vector.shape_cast %get3A_855 : vector<16xi32> to vector<16xi32>
      %max3A_857 = arith.constant 0 : i32
      %max3A_858 = vector.broadcast %max3A_857 : i32 to vector<16xi32>
      %max3A_859 = arith.maxsi %get3A_856, %max3A_858 : vector<16xi32>
      %min3A_860 = arith.constant 36863 : i32
      %min3A_861 = vector.broadcast %min3A_860 : i32 to vector<16xi32>
      %min3A_862 = arith.minsi %max3A_859, %min3A_861 : vector<16xi32>
      %swap3A_863 = arith.constant 1008 : index
      %swap3A_864 = tpu.vector_load %arg13[%swap3A_863] {strides = array<i32>} : memref<1024xi32, #tpu.memory_space<vmem>>, vector<16xi32>,
      %swap3A_865 = vector.shape_cast %swap3A_864 : vector<16xi32> to vector<16xi32>
      %swap3A_866 = vector.shape_cast %min3A_862 : vector<16xi32> to vector<16xi32>
      tpu.vector_store %arg13[%swap3A_863], %swap3A_866 {strides = array<i32>} : memref<1024xi32, #tpu.memory_space<vmem>>, vector<16xi32>,
      %dma_start3A = arith.constant 0 : i32
      %dma_start3A_867 = tpu.memref_slice %arg4[%dma_start3A] : memref<36864xf32, #tpu.memory_space<hbm>> -> memref<36864xf32, #tpu.memory_space<hbm>>
      tpu.enqueue_indirect_dma source(%dma_start3A_867 : memref<36864xf32, #tpu.memory_space<hbm>>) target(%arg14 : memref<1024xf32, #tpu.memory_space<vmem>>) offsets(%arg13 : memref<1024xi32, #tpu.memory_space<vmem>>) semaphore(%arg15 : memref<!tpu.dma_semaphore, #tpu.memory_space<semaphore_mem>>)
      %dma_wait3A = arith.constant 0 : i32
      %dma_wait3A_868 = tpu.memref_slice %arg4[%dma_wait3A] : memref<36864xf32, #tpu.memory_space<hbm>> -> memref<36864xf32, #tpu.memory_space<hbm>>
      tpu.wait_indirect_dma semaphore(%arg15 : memref<!tpu.dma_semaphore, #tpu.memory_space<semaphore_mem>>) src(%dma_wait3A_868 : memref<36864xf32, #tpu.memory_space<hbm>>) dst(%arg14 : memref<1024xf32, #tpu.memory_space<vmem>>)
      "tpu.region"() ({
        %run_scoped3A = tpu.sem_alloc : memref<!tpu.dma_semaphore, #tpu.memory_space<semaphore_mem>>
        %dma_start3A_869 = tpu.memref_slice %arg9[%mul3A_38] : memref<6144xf32, #tpu.memory_space<hbm>> -> memref<1024xf32, #tpu.memory_space<hbm>>
        %dma_start3A_870 = tpu.memref_slice %arg9[%mul3A_38] : memref<6144xf32, #tpu.memory_space<hbm>> -> memref<1024xf32, #tpu.memory_space<hbm>>
        tpu.enqueue_dma source(%arg14 : memref<1024xf32, #tpu.memory_space<vmem>>) target(%dma_start3A_870 : memref<1024xf32, #tpu.memory_space<hbm>>) target_semaphore(%run_scoped3A : memref<!tpu.dma_semaphore, #tpu.memory_space<semaphore_mem>>)
        %dma_wait3A_871 = tpu.memref_slice %arg9[%mul3A_38] : memref<6144xf32, #tpu.memory_space<hbm>> -> memref<1024xf32, #tpu.memory_space<hbm>>
        %dma_wait3A_872 = tpu.memref_slice %arg9[%mul3A_38] : memref<6144xf32, #tpu.memory_space<hbm>> -> memref<1024xf32, #tpu.memory_space<hbm>>
        tpu.wait_dma2 semaphore(%run_scoped3A : memref<!tpu.dma_semaphore, #tpu.memory_space<semaphore_mem>>) src(%arg14 : memref<1024xf32, #tpu.memory_space<vmem>>) dst(%dma_wait3A_872 : memref<1024xf32, #tpu.memory_space<hbm>>)
        tpu.yield
      }) : () -> ()
    } else {
    }
    %ge3A_12 = arith.constant 12 : i32
    %ge3A_13 = arith.cmpi sge, %add3A, %ge3A_12 : i32
    %lt3A_14 = arith.constant 18 : i32
    %lt3A_15 = arith.cmpi slt, %add3A, %lt3A_14 : i32
    %and3A_16 = arith.andi %ge3A_13, %lt3A_15 : i1
    %convert_element_type3A_17 = arith.extui %and3A_16 : i1 to i32
    %cond3A_18 = arith.constant 0 : i32
    %cond3A_19 = arith.cmpi ne, %convert_element_type3A_17, %cond3A_18 : i32
    scf.if %cond3A_19 {
      %sub3A = arith.constant 12 : i32
      %sub3A_36 = arith.subi %add3A, %sub3A : i32
      %mul3A_37 = arith.constant 1024 : i32
      %mul3A_38 = arith.muli %sub3A_36, %mul3A_37 : i32
      "tpu.region"() ({
        %run_scoped3A = tpu.sem_alloc : memref<!tpu.dma_semaphore, #tpu.memory_space<semaphore_mem>>
        %dma_start3A_869 = tpu.memref_slice %arg2[%mul3A_38] : memref<6144xi32, #tpu.memory_space<hbm>> -> memref<1024xi32, #tpu.memory_space<hbm>>
        %dma_start3A_870 = tpu.memref_slice %arg2[%mul3A_38] : memref<6144xi32, #tpu.memory_space<hbm>> -> memref<1024xi32, #tpu.memory_space<hbm>>
        tpu.enqueue_dma source(%dma_start3A_870 : memref<1024xi32, #tpu.memory_space<hbm>>) target(%arg13 : memref<1024xi32, #tpu.memory_space<vmem>>) target_semaphore(%run_scoped3A : memref<!tpu.dma_semaphore, #tpu.memory_space<semaphore_mem>>)
        %dma_wait3A_871 = tpu.memref_slice %arg2[%mul3A_38] : memref<6144xi32, #tpu.memory_space<hbm>> -> memref<1024xi32, #tpu.memory_space<hbm>>
        %dma_wait3A_872 = tpu.memref_slice %arg2[%mul3A_38] : memref<6144xi32, #tpu.memory_space<hbm>> -> memref<1024xi32, #tpu.memory_space<hbm>>
        tpu.wait_dma2 semaphore(%run_scoped3A : memref<!tpu.dma_semaphore, #tpu.memory_space<semaphore_mem>>) src(%dma_wait3A_872 : memref<1024xi32, #tpu.memory_space<hbm>>) dst(%arg13 : memref<1024xi32, #tpu.memory_space<vmem>>)
        tpu.yield
      }) : () -> ()
      %get3A = arith.constant 0 : index
      %get3A_39 = tpu.vector_load %arg13[%get3A] {strides = array<i32>} : memref<1024xi32, #tpu.memory_space<vmem>>, vector<16xi32>,
      %get3A_40 = vector.shape_cast %get3A_39 : vector<16xi32> to vector<16xi32>
      %max3A = arith.constant 0 : i32
      %max3A_41 = vector.broadcast %max3A : i32 to vector<16xi32>
      %max3A_42 = arith.maxsi %get3A_40, %max3A_41 : vector<16xi32>
      %min3A = arith.constant 36863 : i32
      %min3A_43 = vector.broadcast %min3A : i32 to vector<16xi32>
      %min3A_44 = arith.minsi %max3A_42, %min3A_43 : vector<16xi32>
      %swap3A = arith.constant 0 : index
      %swap3A_45 = tpu.vector_load %arg13[%swap3A] {strides = array<i32>} : memref<1024xi32, #tpu.memory_space<vmem>>, vector<16xi32>,
      %swap3A_46 = vector.shape_cast %swap3A_45 : vector<16xi32> to vector<16xi32>
      %swap3A_47 = vector.shape_cast %min3A_44 : vector<16xi32> to vector<16xi32>
      tpu.vector_store %arg13[%swap3A], %swap3A_47 {strides = array<i32>} : memref<1024xi32, #tpu.memory_space<vmem>>, vector<16xi32>,
      %get3A_48 = arith.constant 16 : index
      %get3A_49 = tpu.vector_load %arg13[%get3A_48] {strides = array<i32>} : memref<1024xi32, #tpu.memory_space<vmem>>, vector<16xi32>,
      %get3A_50 = vector.shape_cast %get3A_49 : vector<16xi32> to vector<16xi32>
      %max3A_51 = arith.constant 0 : i32
      %max3A_52 = vector.broadcast %max3A_51 : i32 to vector<16xi32>
      %max3A_53 = arith.maxsi %get3A_50, %max3A_52 : vector<16xi32>
      %min3A_54 = arith.constant 36863 : i32
      %min3A_55 = vector.broadcast %min3A_54 : i32 to vector<16xi32>
      %min3A_56 = arith.minsi %max3A_53, %min3A_55 : vector<16xi32>
      %swap3A_57 = arith.constant 16 : index
      %swap3A_58 = tpu.vector_load %arg13[%swap3A_57] {strides = array<i32>} : memref<1024xi32, #tpu.memory_space<vmem>>, vector<16xi32>,
      %swap3A_59 = vector.shape_cast %swap3A_58 : vector<16xi32> to vector<16xi32>
      %swap3A_60 = vector.shape_cast %min3A_56 : vector<16xi32> to vector<16xi32>
      tpu.vector_store %arg13[%swap3A_57], %swap3A_60 {strides = array<i32>} : memref<1024xi32, #tpu.memory_space<vmem>>, vector<16xi32>,
      %get3A_61 = arith.constant 32 : index
      %get3A_62 = tpu.vector_load %arg13[%get3A_61] {strides = array<i32>} : memref<1024xi32, #tpu.memory_space<vmem>>, vector<16xi32>,
      %get3A_63 = vector.shape_cast %get3A_62 : vector<16xi32> to vector<16xi32>
      %max3A_64 = arith.constant 0 : i32
      %max3A_65 = vector.broadcast %max3A_64 : i32 to vector<16xi32>
      %max3A_66 = arith.maxsi %get3A_63, %max3A_65 : vector<16xi32>
      %min3A_67 = arith.constant 36863 : i32
      %min3A_68 = vector.broadcast %min3A_67 : i32 to vector<16xi32>
      %min3A_69 = arith.minsi %max3A_66, %min3A_68 : vector<16xi32>
      %swap3A_70 = arith.constant 32 : index
      %swap3A_71 = tpu.vector_load %arg13[%swap3A_70] {strides = array<i32>} : memref<1024xi32, #tpu.memory_space<vmem>>, vector<16xi32>,
      %swap3A_72 = vector.shape_cast %swap3A_71 : vector<16xi32> to vector<16xi32>
      %swap3A_73 = vector.shape_cast %min3A_69 : vector<16xi32> to vector<16xi32>
      tpu.vector_store %arg13[%swap3A_70], %swap3A_73 {strides = array<i32>} : memref<1024xi32, #tpu.memory_space<vmem>>, vector<16xi32>,
      %get3A_74 = arith.constant 48 : index
      %get3A_75 = tpu.vector_load %arg13[%get3A_74] {strides = array<i32>} : memref<1024xi32, #tpu.memory_space<vmem>>, vector<16xi32>,
      %get3A_76 = vector.shape_cast %get3A_75 : vector<16xi32> to vector<16xi32>
      %max3A_77 = arith.constant 0 : i32
      %max3A_78 = vector.broadcast %max3A_77 : i32 to vector<16xi32>
      %max3A_79 = arith.maxsi %get3A_76, %max3A_78 : vector<16xi32>
      %min3A_80 = arith.constant 36863 : i32
      %min3A_81 = vector.broadcast %min3A_80 : i32 to vector<16xi32>
      %min3A_82 = arith.minsi %max3A_79, %min3A_81 : vector<16xi32>
      %swap3A_83 = arith.constant 48 : index
      %swap3A_84 = tpu.vector_load %arg13[%swap3A_83] {strides = array<i32>} : memref<1024xi32, #tpu.memory_space<vmem>>, vector<16xi32>,
      %swap3A_85 = vector.shape_cast %swap3A_84 : vector<16xi32> to vector<16xi32>
      %swap3A_86 = vector.shape_cast %min3A_82 : vector<16xi32> to vector<16xi32>
      tpu.vector_store %arg13[%swap3A_83], %swap3A_86 {strides = array<i32>} : memref<1024xi32, #tpu.memory_space<vmem>>, vector<16xi32>,
      %get3A_87 = arith.constant 64 : index
      %get3A_88 = tpu.vector_load %arg13[%get3A_87] {strides = array<i32>} : memref<1024xi32, #tpu.memory_space<vmem>>, vector<16xi32>,
      %get3A_89 = vector.shape_cast %get3A_88 : vector<16xi32> to vector<16xi32>
      %max3A_90 = arith.constant 0 : i32
      %max3A_91 = vector.broadcast %max3A_90 : i32 to vector<16xi32>
      %max3A_92 = arith.maxsi %get3A_89, %max3A_91 : vector<16xi32>
      %min3A_93 = arith.constant 36863 : i32
      %min3A_94 = vector.broadcast %min3A_93 : i32 to vector<16xi32>
      %min3A_95 = arith.minsi %max3A_92, %min3A_94 : vector<16xi32>
      %swap3A_96 = arith.constant 64 : index
      %swap3A_97 = tpu.vector_load %arg13[%swap3A_96] {strides = array<i32>} : memref<1024xi32, #tpu.memory_space<vmem>>, vector<16xi32>,
      %swap3A_98 = vector.shape_cast %swap3A_97 : vector<16xi32> to vector<16xi32>
      %swap3A_99 = vector.shape_cast %min3A_95 : vector<16xi32> to vector<16xi32>
      tpu.vector_store %arg13[%swap3A_96], %swap3A_99 {strides = array<i32>} : memref<1024xi32, #tpu.memory_space<vmem>>, vector<16xi32>,
      %get3A_100 = arith.constant 80 : index
      %get3A_101 = tpu.vector_load %arg13[%get3A_100] {strides = array<i32>} : memref<1024xi32, #tpu.memory_space<vmem>>, vector<16xi32>,
      %get3A_102 = vector.shape_cast %get3A_101 : vector<16xi32> to vector<16xi32>
      %max3A_103 = arith.constant 0 : i32
      %max3A_104 = vector.broadcast %max3A_103 : i32 to vector<16xi32>
      %max3A_105 = arith.maxsi %get3A_102, %max3A_104 : vector<16xi32>
      %min3A_106 = arith.constant 36863 : i32
      %min3A_107 = vector.broadcast %min3A_106 : i32 to vector<16xi32>
      %min3A_108 = arith.minsi %max3A_105, %min3A_107 : vector<16xi32>
      %swap3A_109 = arith.constant 80 : index
      %swap3A_110 = tpu.vector_load %arg13[%swap3A_109] {strides = array<i32>} : memref<1024xi32, #tpu.memory_space<vmem>>, vector<16xi32>,
      %swap3A_111 = vector.shape_cast %swap3A_110 : vector<16xi32> to vector<16xi32>
      %swap3A_112 = vector.shape_cast %min3A_108 : vector<16xi32> to vector<16xi32>
      tpu.vector_store %arg13[%swap3A_109], %swap3A_112 {strides = array<i32>} : memref<1024xi32, #tpu.memory_space<vmem>>, vector<16xi32>,
      %get3A_113 = arith.constant 96 : index
      %get3A_114 = tpu.vector_load %arg13[%get3A_113] {strides = array<i32>} : memref<1024xi32, #tpu.memory_space<vmem>>, vector<16xi32>,
      %get3A_115 = vector.shape_cast %get3A_114 : vector<16xi32> to vector<16xi32>
      %max3A_116 = arith.constant 0 : i32
      %max3A_117 = vector.broadcast %max3A_116 : i32 to vector<16xi32>
      %max3A_118 = arith.maxsi %get3A_115, %max3A_117 : vector<16xi32>
      %min3A_119 = arith.constant 36863 : i32
      %min3A_120 = vector.broadcast %min3A_119 : i32 to vector<16xi32>
      %min3A_121 = arith.minsi %max3A_118, %min3A_120 : vector<16xi32>
      %swap3A_122 = arith.constant 96 : index
      %swap3A_123 = tpu.vector_load %arg13[%swap3A_122] {strides = array<i32>} : memref<1024xi32, #tpu.memory_space<vmem>>, vector<16xi32>,
      %swap3A_124 = vector.shape_cast %swap3A_123 : vector<16xi32> to vector<16xi32>
      %swap3A_125 = vector.shape_cast %min3A_121 : vector<16xi32> to vector<16xi32>
      tpu.vector_store %arg13[%swap3A_122], %swap3A_125 {strides = array<i32>} : memref<1024xi32, #tpu.memory_space<vmem>>, vector<16xi32>,
      %get3A_126 = arith.constant 112 : index
      %get3A_127 = tpu.vector_load %arg13[%get3A_126] {strides = array<i32>} : memref<1024xi32, #tpu.memory_space<vmem>>, vector<16xi32>,
      %get3A_128 = vector.shape_cast %get3A_127 : vector<16xi32> to vector<16xi32>
      %max3A_129 = arith.constant 0 : i32
      %max3A_130 = vector.broadcast %max3A_129 : i32 to vector<16xi32>
      %max3A_131 = arith.maxsi %get3A_128, %max3A_130 : vector<16xi32>
      %min3A_132 = arith.constant 36863 : i32
      %min3A_133 = vector.broadcast %min3A_132 : i32 to vector<16xi32>
      %min3A_134 = arith.minsi %max3A_131, %min3A_133 : vector<16xi32>
      %swap3A_135 = arith.constant 112 : index
      %swap3A_136 = tpu.vector_load %arg13[%swap3A_135] {strides = array<i32>} : memref<1024xi32, #tpu.memory_space<vmem>>, vector<16xi32>,
      %swap3A_137 = vector.shape_cast %swap3A_136 : vector<16xi32> to vector<16xi32>
      %swap3A_138 = vector.shape_cast %min3A_134 : vector<16xi32> to vector<16xi32>
      tpu.vector_store %arg13[%swap3A_135], %swap3A_138 {strides = array<i32>} : memref<1024xi32, #tpu.memory_space<vmem>>, vector<16xi32>,
      %get3A_139 = arith.constant 128 : index
      %get3A_140 = tpu.vector_load %arg13[%get3A_139] {strides = array<i32>} : memref<1024xi32, #tpu.memory_space<vmem>>, vector<16xi32>,
      %get3A_141 = vector.shape_cast %get3A_140 : vector<16xi32> to vector<16xi32>
      %max3A_142 = arith.constant 0 : i32
      %max3A_143 = vector.broadcast %max3A_142 : i32 to vector<16xi32>
      %max3A_144 = arith.maxsi %get3A_141, %max3A_143 : vector<16xi32>
      %min3A_145 = arith.constant 36863 : i32
      %min3A_146 = vector.broadcast %min3A_145 : i32 to vector<16xi32>
      %min3A_147 = arith.minsi %max3A_144, %min3A_146 : vector<16xi32>
      %swap3A_148 = arith.constant 128 : index
      %swap3A_149 = tpu.vector_load %arg13[%swap3A_148] {strides = array<i32>} : memref<1024xi32, #tpu.memory_space<vmem>>, vector<16xi32>,
      %swap3A_150 = vector.shape_cast %swap3A_149 : vector<16xi32> to vector<16xi32>
      %swap3A_151 = vector.shape_cast %min3A_147 : vector<16xi32> to vector<16xi32>
      tpu.vector_store %arg13[%swap3A_148], %swap3A_151 {strides = array<i32>} : memref<1024xi32, #tpu.memory_space<vmem>>, vector<16xi32>,
      %get3A_152 = arith.constant 144 : index
      %get3A_153 = tpu.vector_load %arg13[%get3A_152] {strides = array<i32>} : memref<1024xi32, #tpu.memory_space<vmem>>, vector<16xi32>,
      %get3A_154 = vector.shape_cast %get3A_153 : vector<16xi32> to vector<16xi32>
      %max3A_155 = arith.constant 0 : i32
      %max3A_156 = vector.broadcast %max3A_155 : i32 to vector<16xi32>
      %max3A_157 = arith.maxsi %get3A_154, %max3A_156 : vector<16xi32>
      %min3A_158 = arith.constant 36863 : i32
      %min3A_159 = vector.broadcast %min3A_158 : i32 to vector<16xi32>
      %min3A_160 = arith.minsi %max3A_157, %min3A_159 : vector<16xi32>
      %swap3A_161 = arith.constant 144 : index
      %swap3A_162 = tpu.vector_load %arg13[%swap3A_161] {strides = array<i32>} : memref<1024xi32, #tpu.memory_space<vmem>>, vector<16xi32>,
      %swap3A_163 = vector.shape_cast %swap3A_162 : vector<16xi32> to vector<16xi32>
      %swap3A_164 = vector.shape_cast %min3A_160 : vector<16xi32> to vector<16xi32>
      tpu.vector_store %arg13[%swap3A_161], %swap3A_164 {strides = array<i32>} : memref<1024xi32, #tpu.memory_space<vmem>>, vector<16xi32>,
      %get3A_165 = arith.constant 160 : index
      %get3A_166 = tpu.vector_load %arg13[%get3A_165] {strides = array<i32>} : memref<1024xi32, #tpu.memory_space<vmem>>, vector<16xi32>,
      %get3A_167 = vector.shape_cast %get3A_166 : vector<16xi32> to vector<16xi32>
      %max3A_168 = arith.constant 0 : i32
      %max3A_169 = vector.broadcast %max3A_168 : i32 to vector<16xi32>
      %max3A_170 = arith.maxsi %get3A_167, %max3A_169 : vector<16xi32>
      %min3A_171 = arith.constant 36863 : i32
      %min3A_172 = vector.broadcast %min3A_171 : i32 to vector<16xi32>
      %min3A_173 = arith.minsi %max3A_170, %min3A_172 : vector<16xi32>
      %swap3A_174 = arith.constant 160 : index
      %swap3A_175 = tpu.vector_load %arg13[%swap3A_174] {strides = array<i32>} : memref<1024xi32, #tpu.memory_space<vmem>>, vector<16xi32>,
      %swap3A_176 = vector.shape_cast %swap3A_175 : vector<16xi32> to vector<16xi32>
      %swap3A_177 = vector.shape_cast %min3A_173 : vector<16xi32> to vector<16xi32>
      tpu.vector_store %arg13[%swap3A_174], %swap3A_177 {strides = array<i32>} : memref<1024xi32, #tpu.memory_space<vmem>>, vector<16xi32>,
      %get3A_178 = arith.constant 176 : index
      %get3A_179 = tpu.vector_load %arg13[%get3A_178] {strides = array<i32>} : memref<1024xi32, #tpu.memory_space<vmem>>, vector<16xi32>,
      %get3A_180 = vector.shape_cast %get3A_179 : vector<16xi32> to vector<16xi32>
      %max3A_181 = arith.constant 0 : i32
      %max3A_182 = vector.broadcast %max3A_181 : i32 to vector<16xi32>
      %max3A_183 = arith.maxsi %get3A_180, %max3A_182 : vector<16xi32>
      %min3A_184 = arith.constant 36863 : i32
      %min3A_185 = vector.broadcast %min3A_184 : i32 to vector<16xi32>
      %min3A_186 = arith.minsi %max3A_183, %min3A_185 : vector<16xi32>
      %swap3A_187 = arith.constant 176 : index
      %swap3A_188 = tpu.vector_load %arg13[%swap3A_187] {strides = array<i32>} : memref<1024xi32, #tpu.memory_space<vmem>>, vector<16xi32>,
      %swap3A_189 = vector.shape_cast %swap3A_188 : vector<16xi32> to vector<16xi32>
      %swap3A_190 = vector.shape_cast %min3A_186 : vector<16xi32> to vector<16xi32>
      tpu.vector_store %arg13[%swap3A_187], %swap3A_190 {strides = array<i32>} : memref<1024xi32, #tpu.memory_space<vmem>>, vector<16xi32>,
      %get3A_191 = arith.constant 192 : index
      %get3A_192 = tpu.vector_load %arg13[%get3A_191] {strides = array<i32>} : memref<1024xi32, #tpu.memory_space<vmem>>, vector<16xi32>,
      %get3A_193 = vector.shape_cast %get3A_192 : vector<16xi32> to vector<16xi32>
      %max3A_194 = arith.constant 0 : i32
      %max3A_195 = vector.broadcast %max3A_194 : i32 to vector<16xi32>
      %max3A_196 = arith.maxsi %get3A_193, %max3A_195 : vector<16xi32>
      %min3A_197 = arith.constant 36863 : i32
      %min3A_198 = vector.broadcast %min3A_197 : i32 to vector<16xi32>
      %min3A_199 = arith.minsi %max3A_196, %min3A_198 : vector<16xi32>
      %swap3A_200 = arith.constant 192 : index
      %swap3A_201 = tpu.vector_load %arg13[%swap3A_200] {strides = array<i32>} : memref<1024xi32, #tpu.memory_space<vmem>>, vector<16xi32>,
      %swap3A_202 = vector.shape_cast %swap3A_201 : vector<16xi32> to vector<16xi32>
      %swap3A_203 = vector.shape_cast %min3A_199 : vector<16xi32> to vector<16xi32>
      tpu.vector_store %arg13[%swap3A_200], %swap3A_203 {strides = array<i32>} : memref<1024xi32, #tpu.memory_space<vmem>>, vector<16xi32>,
      %get3A_204 = arith.constant 208 : index
      %get3A_205 = tpu.vector_load %arg13[%get3A_204] {strides = array<i32>} : memref<1024xi32, #tpu.memory_space<vmem>>, vector<16xi32>,
      %get3A_206 = vector.shape_cast %get3A_205 : vector<16xi32> to vector<16xi32>
      %max3A_207 = arith.constant 0 : i32
      %max3A_208 = vector.broadcast %max3A_207 : i32 to vector<16xi32>
      %max3A_209 = arith.maxsi %get3A_206, %max3A_208 : vector<16xi32>
      %min3A_210 = arith.constant 36863 : i32
      %min3A_211 = vector.broadcast %min3A_210 : i32 to vector<16xi32>
      %min3A_212 = arith.minsi %max3A_209, %min3A_211 : vector<16xi32>
      %swap3A_213 = arith.constant 208 : index
      %swap3A_214 = tpu.vector_load %arg13[%swap3A_213] {strides = array<i32>} : memref<1024xi32, #tpu.memory_space<vmem>>, vector<16xi32>,
      %swap3A_215 = vector.shape_cast %swap3A_214 : vector<16xi32> to vector<16xi32>
      %swap3A_216 = vector.shape_cast %min3A_212 : vector<16xi32> to vector<16xi32>
      tpu.vector_store %arg13[%swap3A_213], %swap3A_216 {strides = array<i32>} : memref<1024xi32, #tpu.memory_space<vmem>>, vector<16xi32>,
      %get3A_217 = arith.constant 224 : index
      %get3A_218 = tpu.vector_load %arg13[%get3A_217] {strides = array<i32>} : memref<1024xi32, #tpu.memory_space<vmem>>, vector<16xi32>,
      %get3A_219 = vector.shape_cast %get3A_218 : vector<16xi32> to vector<16xi32>
      %max3A_220 = arith.constant 0 : i32
      %max3A_221 = vector.broadcast %max3A_220 : i32 to vector<16xi32>
      %max3A_222 = arith.maxsi %get3A_219, %max3A_221 : vector<16xi32>
      %min3A_223 = arith.constant 36863 : i32
      %min3A_224 = vector.broadcast %min3A_223 : i32 to vector<16xi32>
      %min3A_225 = arith.minsi %max3A_222, %min3A_224 : vector<16xi32>
      %swap3A_226 = arith.constant 224 : index
      %swap3A_227 = tpu.vector_load %arg13[%swap3A_226] {strides = array<i32>} : memref<1024xi32, #tpu.memory_space<vmem>>, vector<16xi32>,
      %swap3A_228 = vector.shape_cast %swap3A_227 : vector<16xi32> to vector<16xi32>
      %swap3A_229 = vector.shape_cast %min3A_225 : vector<16xi32> to vector<16xi32>
      tpu.vector_store %arg13[%swap3A_226], %swap3A_229 {strides = array<i32>} : memref<1024xi32, #tpu.memory_space<vmem>>, vector<16xi32>,
      %get3A_230 = arith.constant 240 : index
      %get3A_231 = tpu.vector_load %arg13[%get3A_230] {strides = array<i32>} : memref<1024xi32, #tpu.memory_space<vmem>>, vector<16xi32>,
      %get3A_232 = vector.shape_cast %get3A_231 : vector<16xi32> to vector<16xi32>
      %max3A_233 = arith.constant 0 : i32
      %max3A_234 = vector.broadcast %max3A_233 : i32 to vector<16xi32>
      %max3A_235 = arith.maxsi %get3A_232, %max3A_234 : vector<16xi32>
      %min3A_236 = arith.constant 36863 : i32
      %min3A_237 = vector.broadcast %min3A_236 : i32 to vector<16xi32>
      %min3A_238 = arith.minsi %max3A_235, %min3A_237 : vector<16xi32>
      %swap3A_239 = arith.constant 240 : index
      %swap3A_240 = tpu.vector_load %arg13[%swap3A_239] {strides = array<i32>} : memref<1024xi32, #tpu.memory_space<vmem>>, vector<16xi32>,
      %swap3A_241 = vector.shape_cast %swap3A_240 : vector<16xi32> to vector<16xi32>
      %swap3A_242 = vector.shape_cast %min3A_238 : vector<16xi32> to vector<16xi32>
      tpu.vector_store %arg13[%swap3A_239], %swap3A_242 {strides = array<i32>} : memref<1024xi32, #tpu.memory_space<vmem>>, vector<16xi32>,
      %get3A_243 = arith.constant 256 : index
      %get3A_244 = tpu.vector_load %arg13[%get3A_243] {strides = array<i32>} : memref<1024xi32, #tpu.memory_space<vmem>>, vector<16xi32>,
      %get3A_245 = vector.shape_cast %get3A_244 : vector<16xi32> to vector<16xi32>
      %max3A_246 = arith.constant 0 : i32
      %max3A_247 = vector.broadcast %max3A_246 : i32 to vector<16xi32>
      %max3A_248 = arith.maxsi %get3A_245, %max3A_247 : vector<16xi32>
      %min3A_249 = arith.constant 36863 : i32
      %min3A_250 = vector.broadcast %min3A_249 : i32 to vector<16xi32>
      %min3A_251 = arith.minsi %max3A_248, %min3A_250 : vector<16xi32>
      %swap3A_252 = arith.constant 256 : index
      %swap3A_253 = tpu.vector_load %arg13[%swap3A_252] {strides = array<i32>} : memref<1024xi32, #tpu.memory_space<vmem>>, vector<16xi32>,
      %swap3A_254 = vector.shape_cast %swap3A_253 : vector<16xi32> to vector<16xi32>
      %swap3A_255 = vector.shape_cast %min3A_251 : vector<16xi32> to vector<16xi32>
      tpu.vector_store %arg13[%swap3A_252], %swap3A_255 {strides = array<i32>} : memref<1024xi32, #tpu.memory_space<vmem>>, vector<16xi32>,
      %get3A_256 = arith.constant 272 : index
      %get3A_257 = tpu.vector_load %arg13[%get3A_256] {strides = array<i32>} : memref<1024xi32, #tpu.memory_space<vmem>>, vector<16xi32>,
      %get3A_258 = vector.shape_cast %get3A_257 : vector<16xi32> to vector<16xi32>
      %max3A_259 = arith.constant 0 : i32
      %max3A_260 = vector.broadcast %max3A_259 : i32 to vector<16xi32>
      %max3A_261 = arith.maxsi %get3A_258, %max3A_260 : vector<16xi32>
      %min3A_262 = arith.constant 36863 : i32
      %min3A_263 = vector.broadcast %min3A_262 : i32 to vector<16xi32>
      %min3A_264 = arith.minsi %max3A_261, %min3A_263 : vector<16xi32>
      %swap3A_265 = arith.constant 272 : index
      %swap3A_266 = tpu.vector_load %arg13[%swap3A_265] {strides = array<i32>} : memref<1024xi32, #tpu.memory_space<vmem>>, vector<16xi32>,
      %swap3A_267 = vector.shape_cast %swap3A_266 : vector<16xi32> to vector<16xi32>
      %swap3A_268 = vector.shape_cast %min3A_264 : vector<16xi32> to vector<16xi32>
      tpu.vector_store %arg13[%swap3A_265], %swap3A_268 {strides = array<i32>} : memref<1024xi32, #tpu.memory_space<vmem>>, vector<16xi32>,
      %get3A_269 = arith.constant 288 : index
      %get3A_270 = tpu.vector_load %arg13[%get3A_269] {strides = array<i32>} : memref<1024xi32, #tpu.memory_space<vmem>>, vector<16xi32>,
      %get3A_271 = vector.shape_cast %get3A_270 : vector<16xi32> to vector<16xi32>
      %max3A_272 = arith.constant 0 : i32
      %max3A_273 = vector.broadcast %max3A_272 : i32 to vector<16xi32>
      %max3A_274 = arith.maxsi %get3A_271, %max3A_273 : vector<16xi32>
      %min3A_275 = arith.constant 36863 : i32
      %min3A_276 = vector.broadcast %min3A_275 : i32 to vector<16xi32>
      %min3A_277 = arith.minsi %max3A_274, %min3A_276 : vector<16xi32>
      %swap3A_278 = arith.constant 288 : index
      %swap3A_279 = tpu.vector_load %arg13[%swap3A_278] {strides = array<i32>} : memref<1024xi32, #tpu.memory_space<vmem>>, vector<16xi32>,
      %swap3A_280 = vector.shape_cast %swap3A_279 : vector<16xi32> to vector<16xi32>
      %swap3A_281 = vector.shape_cast %min3A_277 : vector<16xi32> to vector<16xi32>
      tpu.vector_store %arg13[%swap3A_278], %swap3A_281 {strides = array<i32>} : memref<1024xi32, #tpu.memory_space<vmem>>, vector<16xi32>,
      %get3A_282 = arith.constant 304 : index
      %get3A_283 = tpu.vector_load %arg13[%get3A_282] {strides = array<i32>} : memref<1024xi32, #tpu.memory_space<vmem>>, vector<16xi32>,
      %get3A_284 = vector.shape_cast %get3A_283 : vector<16xi32> to vector<16xi32>
      %max3A_285 = arith.constant 0 : i32
      %max3A_286 = vector.broadcast %max3A_285 : i32 to vector<16xi32>
      %max3A_287 = arith.maxsi %get3A_284, %max3A_286 : vector<16xi32>
      %min3A_288 = arith.constant 36863 : i32
      %min3A_289 = vector.broadcast %min3A_288 : i32 to vector<16xi32>
      %min3A_290 = arith.minsi %max3A_287, %min3A_289 : vector<16xi32>
      %swap3A_291 = arith.constant 304 : index
      %swap3A_292 = tpu.vector_load %arg13[%swap3A_291] {strides = array<i32>} : memref<1024xi32, #tpu.memory_space<vmem>>, vector<16xi32>,
      %swap3A_293 = vector.shape_cast %swap3A_292 : vector<16xi32> to vector<16xi32>
      %swap3A_294 = vector.shape_cast %min3A_290 : vector<16xi32> to vector<16xi32>
      tpu.vector_store %arg13[%swap3A_291], %swap3A_294 {strides = array<i32>} : memref<1024xi32, #tpu.memory_space<vmem>>, vector<16xi32>,
      %get3A_295 = arith.constant 320 : index
      %get3A_296 = tpu.vector_load %arg13[%get3A_295] {strides = array<i32>} : memref<1024xi32, #tpu.memory_space<vmem>>, vector<16xi32>,
      %get3A_297 = vector.shape_cast %get3A_296 : vector<16xi32> to vector<16xi32>
      %max3A_298 = arith.constant 0 : i32
      %max3A_299 = vector.broadcast %max3A_298 : i32 to vector<16xi32>
      %max3A_300 = arith.maxsi %get3A_297, %max3A_299 : vector<16xi32>
      %min3A_301 = arith.constant 36863 : i32
      %min3A_302 = vector.broadcast %min3A_301 : i32 to vector<16xi32>
      %min3A_303 = arith.minsi %max3A_300, %min3A_302 : vector<16xi32>
      %swap3A_304 = arith.constant 320 : index
      %swap3A_305 = tpu.vector_load %arg13[%swap3A_304] {strides = array<i32>} : memref<1024xi32, #tpu.memory_space<vmem>>, vector<16xi32>,
      %swap3A_306 = vector.shape_cast %swap3A_305 : vector<16xi32> to vector<16xi32>
      %swap3A_307 = vector.shape_cast %min3A_303 : vector<16xi32> to vector<16xi32>
      tpu.vector_store %arg13[%swap3A_304], %swap3A_307 {strides = array<i32>} : memref<1024xi32, #tpu.memory_space<vmem>>, vector<16xi32>,
      %get3A_308 = arith.constant 336 : index
      %get3A_309 = tpu.vector_load %arg13[%get3A_308] {strides = array<i32>} : memref<1024xi32, #tpu.memory_space<vmem>>, vector<16xi32>,
      %get3A_310 = vector.shape_cast %get3A_309 : vector<16xi32> to vector<16xi32>
      %max3A_311 = arith.constant 0 : i32
      %max3A_312 = vector.broadcast %max3A_311 : i32 to vector<16xi32>
      %max3A_313 = arith.maxsi %get3A_310, %max3A_312 : vector<16xi32>
      %min3A_314 = arith.constant 36863 : i32
      %min3A_315 = vector.broadcast %min3A_314 : i32 to vector<16xi32>
      %min3A_316 = arith.minsi %max3A_313, %min3A_315 : vector<16xi32>
      %swap3A_317 = arith.constant 336 : index
      %swap3A_318 = tpu.vector_load %arg13[%swap3A_317] {strides = array<i32>} : memref<1024xi32, #tpu.memory_space<vmem>>, vector<16xi32>,
      %swap3A_319 = vector.shape_cast %swap3A_318 : vector<16xi32> to vector<16xi32>
      %swap3A_320 = vector.shape_cast %min3A_316 : vector<16xi32> to vector<16xi32>
      tpu.vector_store %arg13[%swap3A_317], %swap3A_320 {strides = array<i32>} : memref<1024xi32, #tpu.memory_space<vmem>>, vector<16xi32>,
      %get3A_321 = arith.constant 352 : index
      %get3A_322 = tpu.vector_load %arg13[%get3A_321] {strides = array<i32>} : memref<1024xi32, #tpu.memory_space<vmem>>, vector<16xi32>,
      %get3A_323 = vector.shape_cast %get3A_322 : vector<16xi32> to vector<16xi32>
      %max3A_324 = arith.constant 0 : i32
      %max3A_325 = vector.broadcast %max3A_324 : i32 to vector<16xi32>
      %max3A_326 = arith.maxsi %get3A_323, %max3A_325 : vector<16xi32>
      %min3A_327 = arith.constant 36863 : i32
      %min3A_328 = vector.broadcast %min3A_327 : i32 to vector<16xi32>
      %min3A_329 = arith.minsi %max3A_326, %min3A_328 : vector<16xi32>
      %swap3A_330 = arith.constant 352 : index
      %swap3A_331 = tpu.vector_load %arg13[%swap3A_330] {strides = array<i32>} : memref<1024xi32, #tpu.memory_space<vmem>>, vector<16xi32>,
      %swap3A_332 = vector.shape_cast %swap3A_331 : vector<16xi32> to vector<16xi32>
      %swap3A_333 = vector.shape_cast %min3A_329 : vector<16xi32> to vector<16xi32>
      tpu.vector_store %arg13[%swap3A_330], %swap3A_333 {strides = array<i32>} : memref<1024xi32, #tpu.memory_space<vmem>>, vector<16xi32>,
      %get3A_334 = arith.constant 368 : index
      %get3A_335 = tpu.vector_load %arg13[%get3A_334] {strides = array<i32>} : memref<1024xi32, #tpu.memory_space<vmem>>, vector<16xi32>,
      %get3A_336 = vector.shape_cast %get3A_335 : vector<16xi32> to vector<16xi32>
      %max3A_337 = arith.constant 0 : i32
      %max3A_338 = vector.broadcast %max3A_337 : i32 to vector<16xi32>
      %max3A_339 = arith.maxsi %get3A_336, %max3A_338 : vector<16xi32>
      %min3A_340 = arith.constant 36863 : i32
      %min3A_341 = vector.broadcast %min3A_340 : i32 to vector<16xi32>
      %min3A_342 = arith.minsi %max3A_339, %min3A_341 : vector<16xi32>
      %swap3A_343 = arith.constant 368 : index
      %swap3A_344 = tpu.vector_load %arg13[%swap3A_343] {strides = array<i32>} : memref<1024xi32, #tpu.memory_space<vmem>>, vector<16xi32>,
      %swap3A_345 = vector.shape_cast %swap3A_344 : vector<16xi32> to vector<16xi32>
      %swap3A_346 = vector.shape_cast %min3A_342 : vector<16xi32> to vector<16xi32>
      tpu.vector_store %arg13[%swap3A_343], %swap3A_346 {strides = array<i32>} : memref<1024xi32, #tpu.memory_space<vmem>>, vector<16xi32>,
      %get3A_347 = arith.constant 384 : index
      %get3A_348 = tpu.vector_load %arg13[%get3A_347] {strides = array<i32>} : memref<1024xi32, #tpu.memory_space<vmem>>, vector<16xi32>,
      %get3A_349 = vector.shape_cast %get3A_348 : vector<16xi32> to vector<16xi32>
      %max3A_350 = arith.constant 0 : i32
      %max3A_351 = vector.broadcast %max3A_350 : i32 to vector<16xi32>
      %max3A_352 = arith.maxsi %get3A_349, %max3A_351 : vector<16xi32>
      %min3A_353 = arith.constant 36863 : i32
      %min3A_354 = vector.broadcast %min3A_353 : i32 to vector<16xi32>
      %min3A_355 = arith.minsi %max3A_352, %min3A_354 : vector<16xi32>
      %swap3A_356 = arith.constant 384 : index
      %swap3A_357 = tpu.vector_load %arg13[%swap3A_356] {strides = array<i32>} : memref<1024xi32, #tpu.memory_space<vmem>>, vector<16xi32>,
      %swap3A_358 = vector.shape_cast %swap3A_357 : vector<16xi32> to vector<16xi32>
      %swap3A_359 = vector.shape_cast %min3A_355 : vector<16xi32> to vector<16xi32>
      tpu.vector_store %arg13[%swap3A_356], %swap3A_359 {strides = array<i32>} : memref<1024xi32, #tpu.memory_space<vmem>>, vector<16xi32>,
      %get3A_360 = arith.constant 400 : index
      %get3A_361 = tpu.vector_load %arg13[%get3A_360] {strides = array<i32>} : memref<1024xi32, #tpu.memory_space<vmem>>, vector<16xi32>,
      %get3A_362 = vector.shape_cast %get3A_361 : vector<16xi32> to vector<16xi32>
      %max3A_363 = arith.constant 0 : i32
      %max3A_364 = vector.broadcast %max3A_363 : i32 to vector<16xi32>
      %max3A_365 = arith.maxsi %get3A_362, %max3A_364 : vector<16xi32>
      %min3A_366 = arith.constant 36863 : i32
      %min3A_367 = vector.broadcast %min3A_366 : i32 to vector<16xi32>
      %min3A_368 = arith.minsi %max3A_365, %min3A_367 : vector<16xi32>
      %swap3A_369 = arith.constant 400 : index
      %swap3A_370 = tpu.vector_load %arg13[%swap3A_369] {strides = array<i32>} : memref<1024xi32, #tpu.memory_space<vmem>>, vector<16xi32>,
      %swap3A_371 = vector.shape_cast %swap3A_370 : vector<16xi32> to vector<16xi32>
      %swap3A_372 = vector.shape_cast %min3A_368 : vector<16xi32> to vector<16xi32>
      tpu.vector_store %arg13[%swap3A_369], %swap3A_372 {strides = array<i32>} : memref<1024xi32, #tpu.memory_space<vmem>>, vector<16xi32>,
      %get3A_373 = arith.constant 416 : index
      %get3A_374 = tpu.vector_load %arg13[%get3A_373] {strides = array<i32>} : memref<1024xi32, #tpu.memory_space<vmem>>, vector<16xi32>,
      %get3A_375 = vector.shape_cast %get3A_374 : vector<16xi32> to vector<16xi32>
      %max3A_376 = arith.constant 0 : i32
      %max3A_377 = vector.broadcast %max3A_376 : i32 to vector<16xi32>
      %max3A_378 = arith.maxsi %get3A_375, %max3A_377 : vector<16xi32>
      %min3A_379 = arith.constant 36863 : i32
      %min3A_380 = vector.broadcast %min3A_379 : i32 to vector<16xi32>
      %min3A_381 = arith.minsi %max3A_378, %min3A_380 : vector<16xi32>
      %swap3A_382 = arith.constant 416 : index
      %swap3A_383 = tpu.vector_load %arg13[%swap3A_382] {strides = array<i32>} : memref<1024xi32, #tpu.memory_space<vmem>>, vector<16xi32>,
      %swap3A_384 = vector.shape_cast %swap3A_383 : vector<16xi32> to vector<16xi32>
      %swap3A_385 = vector.shape_cast %min3A_381 : vector<16xi32> to vector<16xi32>
      tpu.vector_store %arg13[%swap3A_382], %swap3A_385 {strides = array<i32>} : memref<1024xi32, #tpu.memory_space<vmem>>, vector<16xi32>,
      %get3A_386 = arith.constant 432 : index
      %get3A_387 = tpu.vector_load %arg13[%get3A_386] {strides = array<i32>} : memref<1024xi32, #tpu.memory_space<vmem>>, vector<16xi32>,
      %get3A_388 = vector.shape_cast %get3A_387 : vector<16xi32> to vector<16xi32>
      %max3A_389 = arith.constant 0 : i32
      %max3A_390 = vector.broadcast %max3A_389 : i32 to vector<16xi32>
      %max3A_391 = arith.maxsi %get3A_388, %max3A_390 : vector<16xi32>
      %min3A_392 = arith.constant 36863 : i32
      %min3A_393 = vector.broadcast %min3A_392 : i32 to vector<16xi32>
      %min3A_394 = arith.minsi %max3A_391, %min3A_393 : vector<16xi32>
      %swap3A_395 = arith.constant 432 : index
      %swap3A_396 = tpu.vector_load %arg13[%swap3A_395] {strides = array<i32>} : memref<1024xi32, #tpu.memory_space<vmem>>, vector<16xi32>,
      %swap3A_397 = vector.shape_cast %swap3A_396 : vector<16xi32> to vector<16xi32>
      %swap3A_398 = vector.shape_cast %min3A_394 : vector<16xi32> to vector<16xi32>
      tpu.vector_store %arg13[%swap3A_395], %swap3A_398 {strides = array<i32>} : memref<1024xi32, #tpu.memory_space<vmem>>, vector<16xi32>,
      %get3A_399 = arith.constant 448 : index
      %get3A_400 = tpu.vector_load %arg13[%get3A_399] {strides = array<i32>} : memref<1024xi32, #tpu.memory_space<vmem>>, vector<16xi32>,
      %get3A_401 = vector.shape_cast %get3A_400 : vector<16xi32> to vector<16xi32>
      %max3A_402 = arith.constant 0 : i32
      %max3A_403 = vector.broadcast %max3A_402 : i32 to vector<16xi32>
      %max3A_404 = arith.maxsi %get3A_401, %max3A_403 : vector<16xi32>
      %min3A_405 = arith.constant 36863 : i32
      %min3A_406 = vector.broadcast %min3A_405 : i32 to vector<16xi32>
      %min3A_407 = arith.minsi %max3A_404, %min3A_406 : vector<16xi32>
      %swap3A_408 = arith.constant 448 : index
      %swap3A_409 = tpu.vector_load %arg13[%swap3A_408] {strides = array<i32>} : memref<1024xi32, #tpu.memory_space<vmem>>, vector<16xi32>,
      %swap3A_410 = vector.shape_cast %swap3A_409 : vector<16xi32> to vector<16xi32>
      %swap3A_411 = vector.shape_cast %min3A_407 : vector<16xi32> to vector<16xi32>
      tpu.vector_store %arg13[%swap3A_408], %swap3A_411 {strides = array<i32>} : memref<1024xi32, #tpu.memory_space<vmem>>, vector<16xi32>,
      %get3A_412 = arith.constant 464 : index
      %get3A_413 = tpu.vector_load %arg13[%get3A_412] {strides = array<i32>} : memref<1024xi32, #tpu.memory_space<vmem>>, vector<16xi32>,
      %get3A_414 = vector.shape_cast %get3A_413 : vector<16xi32> to vector<16xi32>
      %max3A_415 = arith.constant 0 : i32
      %max3A_416 = vector.broadcast %max3A_415 : i32 to vector<16xi32>
      %max3A_417 = arith.maxsi %get3A_414, %max3A_416 : vector<16xi32>
      %min3A_418 = arith.constant 36863 : i32
      %min3A_419 = vector.broadcast %min3A_418 : i32 to vector<16xi32>
      %min3A_420 = arith.minsi %max3A_417, %min3A_419 : vector<16xi32>
      %swap3A_421 = arith.constant 464 : index
      %swap3A_422 = tpu.vector_load %arg13[%swap3A_421] {strides = array<i32>} : memref<1024xi32, #tpu.memory_space<vmem>>, vector<16xi32>,
      %swap3A_423 = vector.shape_cast %swap3A_422 : vector<16xi32> to vector<16xi32>
      %swap3A_424 = vector.shape_cast %min3A_420 : vector<16xi32> to vector<16xi32>
      tpu.vector_store %arg13[%swap3A_421], %swap3A_424 {strides = array<i32>} : memref<1024xi32, #tpu.memory_space<vmem>>, vector<16xi32>,
      %get3A_425 = arith.constant 480 : index
      %get3A_426 = tpu.vector_load %arg13[%get3A_425] {strides = array<i32>} : memref<1024xi32, #tpu.memory_space<vmem>>, vector<16xi32>,
      %get3A_427 = vector.shape_cast %get3A_426 : vector<16xi32> to vector<16xi32>
      %max3A_428 = arith.constant 0 : i32
      %max3A_429 = vector.broadcast %max3A_428 : i32 to vector<16xi32>
      %max3A_430 = arith.maxsi %get3A_427, %max3A_429 : vector<16xi32>
      %min3A_431 = arith.constant 36863 : i32
      %min3A_432 = vector.broadcast %min3A_431 : i32 to vector<16xi32>
      %min3A_433 = arith.minsi %max3A_430, %min3A_432 : vector<16xi32>
      %swap3A_434 = arith.constant 480 : index
      %swap3A_435 = tpu.vector_load %arg13[%swap3A_434] {strides = array<i32>} : memref<1024xi32, #tpu.memory_space<vmem>>, vector<16xi32>,
      %swap3A_436 = vector.shape_cast %swap3A_435 : vector<16xi32> to vector<16xi32>
      %swap3A_437 = vector.shape_cast %min3A_433 : vector<16xi32> to vector<16xi32>
      tpu.vector_store %arg13[%swap3A_434], %swap3A_437 {strides = array<i32>} : memref<1024xi32, #tpu.memory_space<vmem>>, vector<16xi32>,
      %get3A_438 = arith.constant 496 : index
      %get3A_439 = tpu.vector_load %arg13[%get3A_438] {strides = array<i32>} : memref<1024xi32, #tpu.memory_space<vmem>>, vector<16xi32>,
      %get3A_440 = vector.shape_cast %get3A_439 : vector<16xi32> to vector<16xi32>
      %max3A_441 = arith.constant 0 : i32
      %max3A_442 = vector.broadcast %max3A_441 : i32 to vector<16xi32>
      %max3A_443 = arith.maxsi %get3A_440, %max3A_442 : vector<16xi32>
      %min3A_444 = arith.constant 36863 : i32
      %min3A_445 = vector.broadcast %min3A_444 : i32 to vector<16xi32>
      %min3A_446 = arith.minsi %max3A_443, %min3A_445 : vector<16xi32>
      %swap3A_447 = arith.constant 496 : index
      %swap3A_448 = tpu.vector_load %arg13[%swap3A_447] {strides = array<i32>} : memref<1024xi32, #tpu.memory_space<vmem>>, vector<16xi32>,
      %swap3A_449 = vector.shape_cast %swap3A_448 : vector<16xi32> to vector<16xi32>
      %swap3A_450 = vector.shape_cast %min3A_446 : vector<16xi32> to vector<16xi32>
      tpu.vector_store %arg13[%swap3A_447], %swap3A_450 {strides = array<i32>} : memref<1024xi32, #tpu.memory_space<vmem>>, vector<16xi32>,
      %get3A_451 = arith.constant 512 : index
      %get3A_452 = tpu.vector_load %arg13[%get3A_451] {strides = array<i32>} : memref<1024xi32, #tpu.memory_space<vmem>>, vector<16xi32>,
      %get3A_453 = vector.shape_cast %get3A_452 : vector<16xi32> to vector<16xi32>
      %max3A_454 = arith.constant 0 : i32
      %max3A_455 = vector.broadcast %max3A_454 : i32 to vector<16xi32>
      %max3A_456 = arith.maxsi %get3A_453, %max3A_455 : vector<16xi32>
      %min3A_457 = arith.constant 36863 : i32
      %min3A_458 = vector.broadcast %min3A_457 : i32 to vector<16xi32>
      %min3A_459 = arith.minsi %max3A_456, %min3A_458 : vector<16xi32>
      %swap3A_460 = arith.constant 512 : index
      %swap3A_461 = tpu.vector_load %arg13[%swap3A_460] {strides = array<i32>} : memref<1024xi32, #tpu.memory_space<vmem>>, vector<16xi32>,
      %swap3A_462 = vector.shape_cast %swap3A_461 : vector<16xi32> to vector<16xi32>
      %swap3A_463 = vector.shape_cast %min3A_459 : vector<16xi32> to vector<16xi32>
      tpu.vector_store %arg13[%swap3A_460], %swap3A_463 {strides = array<i32>} : memref<1024xi32, #tpu.memory_space<vmem>>, vector<16xi32>,
      %get3A_464 = arith.constant 528 : index
      %get3A_465 = tpu.vector_load %arg13[%get3A_464] {strides = array<i32>} : memref<1024xi32, #tpu.memory_space<vmem>>, vector<16xi32>,
      %get3A_466 = vector.shape_cast %get3A_465 : vector<16xi32> to vector<16xi32>
      %max3A_467 = arith.constant 0 : i32
      %max3A_468 = vector.broadcast %max3A_467 : i32 to vector<16xi32>
      %max3A_469 = arith.maxsi %get3A_466, %max3A_468 : vector<16xi32>
      %min3A_470 = arith.constant 36863 : i32
      %min3A_471 = vector.broadcast %min3A_470 : i32 to vector<16xi32>
      %min3A_472 = arith.minsi %max3A_469, %min3A_471 : vector<16xi32>
      %swap3A_473 = arith.constant 528 : index
      %swap3A_474 = tpu.vector_load %arg13[%swap3A_473] {strides = array<i32>} : memref<1024xi32, #tpu.memory_space<vmem>>, vector<16xi32>,
      %swap3A_475 = vector.shape_cast %swap3A_474 : vector<16xi32> to vector<16xi32>
      %swap3A_476 = vector.shape_cast %min3A_472 : vector<16xi32> to vector<16xi32>
      tpu.vector_store %arg13[%swap3A_473], %swap3A_476 {strides = array<i32>} : memref<1024xi32, #tpu.memory_space<vmem>>, vector<16xi32>,
      %get3A_477 = arith.constant 544 : index
      %get3A_478 = tpu.vector_load %arg13[%get3A_477] {strides = array<i32>} : memref<1024xi32, #tpu.memory_space<vmem>>, vector<16xi32>,
      %get3A_479 = vector.shape_cast %get3A_478 : vector<16xi32> to vector<16xi32>
      %max3A_480 = arith.constant 0 : i32
      %max3A_481 = vector.broadcast %max3A_480 : i32 to vector<16xi32>
      %max3A_482 = arith.maxsi %get3A_479, %max3A_481 : vector<16xi32>
      %min3A_483 = arith.constant 36863 : i32
      %min3A_484 = vector.broadcast %min3A_483 : i32 to vector<16xi32>
      %min3A_485 = arith.minsi %max3A_482, %min3A_484 : vector<16xi32>
      %swap3A_486 = arith.constant 544 : index
      %swap3A_487 = tpu.vector_load %arg13[%swap3A_486] {strides = array<i32>} : memref<1024xi32, #tpu.memory_space<vmem>>, vector<16xi32>,
      %swap3A_488 = vector.shape_cast %swap3A_487 : vector<16xi32> to vector<16xi32>
      %swap3A_489 = vector.shape_cast %min3A_485 : vector<16xi32> to vector<16xi32>
      tpu.vector_store %arg13[%swap3A_486], %swap3A_489 {strides = array<i32>} : memref<1024xi32, #tpu.memory_space<vmem>>, vector<16xi32>,
      %get3A_490 = arith.constant 560 : index
      %get3A_491 = tpu.vector_load %arg13[%get3A_490] {strides = array<i32>} : memref<1024xi32, #tpu.memory_space<vmem>>, vector<16xi32>,
      %get3A_492 = vector.shape_cast %get3A_491 : vector<16xi32> to vector<16xi32>
      %max3A_493 = arith.constant 0 : i32
      %max3A_494 = vector.broadcast %max3A_493 : i32 to vector<16xi32>
      %max3A_495 = arith.maxsi %get3A_492, %max3A_494 : vector<16xi32>
      %min3A_496 = arith.constant 36863 : i32
      %min3A_497 = vector.broadcast %min3A_496 : i32 to vector<16xi32>
      %min3A_498 = arith.minsi %max3A_495, %min3A_497 : vector<16xi32>
      %swap3A_499 = arith.constant 560 : index
      %swap3A_500 = tpu.vector_load %arg13[%swap3A_499] {strides = array<i32>} : memref<1024xi32, #tpu.memory_space<vmem>>, vector<16xi32>,
      %swap3A_501 = vector.shape_cast %swap3A_500 : vector<16xi32> to vector<16xi32>
      %swap3A_502 = vector.shape_cast %min3A_498 : vector<16xi32> to vector<16xi32>
      tpu.vector_store %arg13[%swap3A_499], %swap3A_502 {strides = array<i32>} : memref<1024xi32, #tpu.memory_space<vmem>>, vector<16xi32>,
      %get3A_503 = arith.constant 576 : index
      %get3A_504 = tpu.vector_load %arg13[%get3A_503] {strides = array<i32>} : memref<1024xi32, #tpu.memory_space<vmem>>, vector<16xi32>,
      %get3A_505 = vector.shape_cast %get3A_504 : vector<16xi32> to vector<16xi32>
      %max3A_506 = arith.constant 0 : i32
      %max3A_507 = vector.broadcast %max3A_506 : i32 to vector<16xi32>
      %max3A_508 = arith.maxsi %get3A_505, %max3A_507 : vector<16xi32>
      %min3A_509 = arith.constant 36863 : i32
      %min3A_510 = vector.broadcast %min3A_509 : i32 to vector<16xi32>
      %min3A_511 = arith.minsi %max3A_508, %min3A_510 : vector<16xi32>
      %swap3A_512 = arith.constant 576 : index
      %swap3A_513 = tpu.vector_load %arg13[%swap3A_512] {strides = array<i32>} : memref<1024xi32, #tpu.memory_space<vmem>>, vector<16xi32>,
      %swap3A_514 = vector.shape_cast %swap3A_513 : vector<16xi32> to vector<16xi32>
      %swap3A_515 = vector.shape_cast %min3A_511 : vector<16xi32> to vector<16xi32>
      tpu.vector_store %arg13[%swap3A_512], %swap3A_515 {strides = array<i32>} : memref<1024xi32, #tpu.memory_space<vmem>>, vector<16xi32>,
      %get3A_516 = arith.constant 592 : index
      %get3A_517 = tpu.vector_load %arg13[%get3A_516] {strides = array<i32>} : memref<1024xi32, #tpu.memory_space<vmem>>, vector<16xi32>,
      %get3A_518 = vector.shape_cast %get3A_517 : vector<16xi32> to vector<16xi32>
      %max3A_519 = arith.constant 0 : i32
      %max3A_520 = vector.broadcast %max3A_519 : i32 to vector<16xi32>
      %max3A_521 = arith.maxsi %get3A_518, %max3A_520 : vector<16xi32>
      %min3A_522 = arith.constant 36863 : i32
      %min3A_523 = vector.broadcast %min3A_522 : i32 to vector<16xi32>
      %min3A_524 = arith.minsi %max3A_521, %min3A_523 : vector<16xi32>
      %swap3A_525 = arith.constant 592 : index
      %swap3A_526 = tpu.vector_load %arg13[%swap3A_525] {strides = array<i32>} : memref<1024xi32, #tpu.memory_space<vmem>>, vector<16xi32>,
      %swap3A_527 = vector.shape_cast %swap3A_526 : vector<16xi32> to vector<16xi32>
      %swap3A_528 = vector.shape_cast %min3A_524 : vector<16xi32> to vector<16xi32>
      tpu.vector_store %arg13[%swap3A_525], %swap3A_528 {strides = array<i32>} : memref<1024xi32, #tpu.memory_space<vmem>>, vector<16xi32>,
      %get3A_529 = arith.constant 608 : index
      %get3A_530 = tpu.vector_load %arg13[%get3A_529] {strides = array<i32>} : memref<1024xi32, #tpu.memory_space<vmem>>, vector<16xi32>,
      %get3A_531 = vector.shape_cast %get3A_530 : vector<16xi32> to vector<16xi32>
      %max3A_532 = arith.constant 0 : i32
      %max3A_533 = vector.broadcast %max3A_532 : i32 to vector<16xi32>
      %max3A_534 = arith.maxsi %get3A_531, %max3A_533 : vector<16xi32>
      %min3A_535 = arith.constant 36863 : i32
      %min3A_536 = vector.broadcast %min3A_535 : i32 to vector<16xi32>
      %min3A_537 = arith.minsi %max3A_534, %min3A_536 : vector<16xi32>
      %swap3A_538 = arith.constant 608 : index
      %swap3A_539 = tpu.vector_load %arg13[%swap3A_538] {strides = array<i32>} : memref<1024xi32, #tpu.memory_space<vmem>>, vector<16xi32>,
      %swap3A_540 = vector.shape_cast %swap3A_539 : vector<16xi32> to vector<16xi32>
      %swap3A_541 = vector.shape_cast %min3A_537 : vector<16xi32> to vector<16xi32>
      tpu.vector_store %arg13[%swap3A_538], %swap3A_541 {strides = array<i32>} : memref<1024xi32, #tpu.memory_space<vmem>>, vector<16xi32>,
      %get3A_542 = arith.constant 624 : index
      %get3A_543 = tpu.vector_load %arg13[%get3A_542] {strides = array<i32>} : memref<1024xi32, #tpu.memory_space<vmem>>, vector<16xi32>,
      %get3A_544 = vector.shape_cast %get3A_543 : vector<16xi32> to vector<16xi32>
      %max3A_545 = arith.constant 0 : i32
      %max3A_546 = vector.broadcast %max3A_545 : i32 to vector<16xi32>
      %max3A_547 = arith.maxsi %get3A_544, %max3A_546 : vector<16xi32>
      %min3A_548 = arith.constant 36863 : i32
      %min3A_549 = vector.broadcast %min3A_548 : i32 to vector<16xi32>
      %min3A_550 = arith.minsi %max3A_547, %min3A_549 : vector<16xi32>
      %swap3A_551 = arith.constant 624 : index
      %swap3A_552 = tpu.vector_load %arg13[%swap3A_551] {strides = array<i32>} : memref<1024xi32, #tpu.memory_space<vmem>>, vector<16xi32>,
      %swap3A_553 = vector.shape_cast %swap3A_552 : vector<16xi32> to vector<16xi32>
      %swap3A_554 = vector.shape_cast %min3A_550 : vector<16xi32> to vector<16xi32>
      tpu.vector_store %arg13[%swap3A_551], %swap3A_554 {strides = array<i32>} : memref<1024xi32, #tpu.memory_space<vmem>>, vector<16xi32>,
      %get3A_555 = arith.constant 640 : index
      %get3A_556 = tpu.vector_load %arg13[%get3A_555] {strides = array<i32>} : memref<1024xi32, #tpu.memory_space<vmem>>, vector<16xi32>,
      %get3A_557 = vector.shape_cast %get3A_556 : vector<16xi32> to vector<16xi32>
      %max3A_558 = arith.constant 0 : i32
      %max3A_559 = vector.broadcast %max3A_558 : i32 to vector<16xi32>
      %max3A_560 = arith.maxsi %get3A_557, %max3A_559 : vector<16xi32>
      %min3A_561 = arith.constant 36863 : i32
      %min3A_562 = vector.broadcast %min3A_561 : i32 to vector<16xi32>
      %min3A_563 = arith.minsi %max3A_560, %min3A_562 : vector<16xi32>
      %swap3A_564 = arith.constant 640 : index
      %swap3A_565 = tpu.vector_load %arg13[%swap3A_564] {strides = array<i32>} : memref<1024xi32, #tpu.memory_space<vmem>>, vector<16xi32>,
      %swap3A_566 = vector.shape_cast %swap3A_565 : vector<16xi32> to vector<16xi32>
      %swap3A_567 = vector.shape_cast %min3A_563 : vector<16xi32> to vector<16xi32>
      tpu.vector_store %arg13[%swap3A_564], %swap3A_567 {strides = array<i32>} : memref<1024xi32, #tpu.memory_space<vmem>>, vector<16xi32>,
      %get3A_568 = arith.constant 656 : index
      %get3A_569 = tpu.vector_load %arg13[%get3A_568] {strides = array<i32>} : memref<1024xi32, #tpu.memory_space<vmem>>, vector<16xi32>,
      %get3A_570 = vector.shape_cast %get3A_569 : vector<16xi32> to vector<16xi32>
      %max3A_571 = arith.constant 0 : i32
      %max3A_572 = vector.broadcast %max3A_571 : i32 to vector<16xi32>
      %max3A_573 = arith.maxsi %get3A_570, %max3A_572 : vector<16xi32>
      %min3A_574 = arith.constant 36863 : i32
      %min3A_575 = vector.broadcast %min3A_574 : i32 to vector<16xi32>
      %min3A_576 = arith.minsi %max3A_573, %min3A_575 : vector<16xi32>
      %swap3A_577 = arith.constant 656 : index
      %swap3A_578 = tpu.vector_load %arg13[%swap3A_577] {strides = array<i32>} : memref<1024xi32, #tpu.memory_space<vmem>>, vector<16xi32>,
      %swap3A_579 = vector.shape_cast %swap3A_578 : vector<16xi32> to vector<16xi32>
      %swap3A_580 = vector.shape_cast %min3A_576 : vector<16xi32> to vector<16xi32>
      tpu.vector_store %arg13[%swap3A_577], %swap3A_580 {strides = array<i32>} : memref<1024xi32, #tpu.memory_space<vmem>>, vector<16xi32>,
      %get3A_581 = arith.constant 672 : index
      %get3A_582 = tpu.vector_load %arg13[%get3A_581] {strides = array<i32>} : memref<1024xi32, #tpu.memory_space<vmem>>, vector<16xi32>,
      %get3A_583 = vector.shape_cast %get3A_582 : vector<16xi32> to vector<16xi32>
      %max3A_584 = arith.constant 0 : i32
      %max3A_585 = vector.broadcast %max3A_584 : i32 to vector<16xi32>
      %max3A_586 = arith.maxsi %get3A_583, %max3A_585 : vector<16xi32>
      %min3A_587 = arith.constant 36863 : i32
      %min3A_588 = vector.broadcast %min3A_587 : i32 to vector<16xi32>
      %min3A_589 = arith.minsi %max3A_586, %min3A_588 : vector<16xi32>
      %swap3A_590 = arith.constant 672 : index
      %swap3A_591 = tpu.vector_load %arg13[%swap3A_590] {strides = array<i32>} : memref<1024xi32, #tpu.memory_space<vmem>>, vector<16xi32>,
      %swap3A_592 = vector.shape_cast %swap3A_591 : vector<16xi32> to vector<16xi32>
      %swap3A_593 = vector.shape_cast %min3A_589 : vector<16xi32> to vector<16xi32>
      tpu.vector_store %arg13[%swap3A_590], %swap3A_593 {strides = array<i32>} : memref<1024xi32, #tpu.memory_space<vmem>>, vector<16xi32>,
      %get3A_594 = arith.constant 688 : index
      %get3A_595 = tpu.vector_load %arg13[%get3A_594] {strides = array<i32>} : memref<1024xi32, #tpu.memory_space<vmem>>, vector<16xi32>,
      %get3A_596 = vector.shape_cast %get3A_595 : vector<16xi32> to vector<16xi32>
      %max3A_597 = arith.constant 0 : i32
      %max3A_598 = vector.broadcast %max3A_597 : i32 to vector<16xi32>
      %max3A_599 = arith.maxsi %get3A_596, %max3A_598 : vector<16xi32>
      %min3A_600 = arith.constant 36863 : i32
      %min3A_601 = vector.broadcast %min3A_600 : i32 to vector<16xi32>
      %min3A_602 = arith.minsi %max3A_599, %min3A_601 : vector<16xi32>
      %swap3A_603 = arith.constant 688 : index
      %swap3A_604 = tpu.vector_load %arg13[%swap3A_603] {strides = array<i32>} : memref<1024xi32, #tpu.memory_space<vmem>>, vector<16xi32>,
      %swap3A_605 = vector.shape_cast %swap3A_604 : vector<16xi32> to vector<16xi32>
      %swap3A_606 = vector.shape_cast %min3A_602 : vector<16xi32> to vector<16xi32>
      tpu.vector_store %arg13[%swap3A_603], %swap3A_606 {strides = array<i32>} : memref<1024xi32, #tpu.memory_space<vmem>>, vector<16xi32>,
      %get3A_607 = arith.constant 704 : index
      %get3A_608 = tpu.vector_load %arg13[%get3A_607] {strides = array<i32>} : memref<1024xi32, #tpu.memory_space<vmem>>, vector<16xi32>,
      %get3A_609 = vector.shape_cast %get3A_608 : vector<16xi32> to vector<16xi32>
      %max3A_610 = arith.constant 0 : i32
      %max3A_611 = vector.broadcast %max3A_610 : i32 to vector<16xi32>
      %max3A_612 = arith.maxsi %get3A_609, %max3A_611 : vector<16xi32>
      %min3A_613 = arith.constant 36863 : i32
      %min3A_614 = vector.broadcast %min3A_613 : i32 to vector<16xi32>
      %min3A_615 = arith.minsi %max3A_612, %min3A_614 : vector<16xi32>
      %swap3A_616 = arith.constant 704 : index
      %swap3A_617 = tpu.vector_load %arg13[%swap3A_616] {strides = array<i32>} : memref<1024xi32, #tpu.memory_space<vmem>>, vector<16xi32>,
      %swap3A_618 = vector.shape_cast %swap3A_617 : vector<16xi32> to vector<16xi32>
      %swap3A_619 = vector.shape_cast %min3A_615 : vector<16xi32> to vector<16xi32>
      tpu.vector_store %arg13[%swap3A_616], %swap3A_619 {strides = array<i32>} : memref<1024xi32, #tpu.memory_space<vmem>>, vector<16xi32>,
      %get3A_620 = arith.constant 720 : index
      %get3A_621 = tpu.vector_load %arg13[%get3A_620] {strides = array<i32>} : memref<1024xi32, #tpu.memory_space<vmem>>, vector<16xi32>,
      %get3A_622 = vector.shape_cast %get3A_621 : vector<16xi32> to vector<16xi32>
      %max3A_623 = arith.constant 0 : i32
      %max3A_624 = vector.broadcast %max3A_623 : i32 to vector<16xi32>
      %max3A_625 = arith.maxsi %get3A_622, %max3A_624 : vector<16xi32>
      %min3A_626 = arith.constant 36863 : i32
      %min3A_627 = vector.broadcast %min3A_626 : i32 to vector<16xi32>
      %min3A_628 = arith.minsi %max3A_625, %min3A_627 : vector<16xi32>
      %swap3A_629 = arith.constant 720 : index
      %swap3A_630 = tpu.vector_load %arg13[%swap3A_629] {strides = array<i32>} : memref<1024xi32, #tpu.memory_space<vmem>>, vector<16xi32>,
      %swap3A_631 = vector.shape_cast %swap3A_630 : vector<16xi32> to vector<16xi32>
      %swap3A_632 = vector.shape_cast %min3A_628 : vector<16xi32> to vector<16xi32>
      tpu.vector_store %arg13[%swap3A_629], %swap3A_632 {strides = array<i32>} : memref<1024xi32, #tpu.memory_space<vmem>>, vector<16xi32>,
      %get3A_633 = arith.constant 736 : index
      %get3A_634 = tpu.vector_load %arg13[%get3A_633] {strides = array<i32>} : memref<1024xi32, #tpu.memory_space<vmem>>, vector<16xi32>,
      %get3A_635 = vector.shape_cast %get3A_634 : vector<16xi32> to vector<16xi32>
      %max3A_636 = arith.constant 0 : i32
      %max3A_637 = vector.broadcast %max3A_636 : i32 to vector<16xi32>
      %max3A_638 = arith.maxsi %get3A_635, %max3A_637 : vector<16xi32>
      %min3A_639 = arith.constant 36863 : i32
      %min3A_640 = vector.broadcast %min3A_639 : i32 to vector<16xi32>
      %min3A_641 = arith.minsi %max3A_638, %min3A_640 : vector<16xi32>
      %swap3A_642 = arith.constant 736 : index
      %swap3A_643 = tpu.vector_load %arg13[%swap3A_642] {strides = array<i32>} : memref<1024xi32, #tpu.memory_space<vmem>>, vector<16xi32>,
      %swap3A_644 = vector.shape_cast %swap3A_643 : vector<16xi32> to vector<16xi32>
      %swap3A_645 = vector.shape_cast %min3A_641 : vector<16xi32> to vector<16xi32>
      tpu.vector_store %arg13[%swap3A_642], %swap3A_645 {strides = array<i32>} : memref<1024xi32, #tpu.memory_space<vmem>>, vector<16xi32>,
      %get3A_646 = arith.constant 752 : index
      %get3A_647 = tpu.vector_load %arg13[%get3A_646] {strides = array<i32>} : memref<1024xi32, #tpu.memory_space<vmem>>, vector<16xi32>,
      %get3A_648 = vector.shape_cast %get3A_647 : vector<16xi32> to vector<16xi32>
      %max3A_649 = arith.constant 0 : i32
      %max3A_650 = vector.broadcast %max3A_649 : i32 to vector<16xi32>
      %max3A_651 = arith.maxsi %get3A_648, %max3A_650 : vector<16xi32>
      %min3A_652 = arith.constant 36863 : i32
      %min3A_653 = vector.broadcast %min3A_652 : i32 to vector<16xi32>
      %min3A_654 = arith.minsi %max3A_651, %min3A_653 : vector<16xi32>
      %swap3A_655 = arith.constant 752 : index
      %swap3A_656 = tpu.vector_load %arg13[%swap3A_655] {strides = array<i32>} : memref<1024xi32, #tpu.memory_space<vmem>>, vector<16xi32>,
      %swap3A_657 = vector.shape_cast %swap3A_656 : vector<16xi32> to vector<16xi32>
      %swap3A_658 = vector.shape_cast %min3A_654 : vector<16xi32> to vector<16xi32>
      tpu.vector_store %arg13[%swap3A_655], %swap3A_658 {strides = array<i32>} : memref<1024xi32, #tpu.memory_space<vmem>>, vector<16xi32>,
      %get3A_659 = arith.constant 768 : index
      %get3A_660 = tpu.vector_load %arg13[%get3A_659] {strides = array<i32>} : memref<1024xi32, #tpu.memory_space<vmem>>, vector<16xi32>,
      %get3A_661 = vector.shape_cast %get3A_660 : vector<16xi32> to vector<16xi32>
      %max3A_662 = arith.constant 0 : i32
      %max3A_663 = vector.broadcast %max3A_662 : i32 to vector<16xi32>
      %max3A_664 = arith.maxsi %get3A_661, %max3A_663 : vector<16xi32>
      %min3A_665 = arith.constant 36863 : i32
      %min3A_666 = vector.broadcast %min3A_665 : i32 to vector<16xi32>
      %min3A_667 = arith.minsi %max3A_664, %min3A_666 : vector<16xi32>
      %swap3A_668 = arith.constant 768 : index
      %swap3A_669 = tpu.vector_load %arg13[%swap3A_668] {strides = array<i32>} : memref<1024xi32, #tpu.memory_space<vmem>>, vector<16xi32>,
      %swap3A_670 = vector.shape_cast %swap3A_669 : vector<16xi32> to vector<16xi32>
      %swap3A_671 = vector.shape_cast %min3A_667 : vector<16xi32> to vector<16xi32>
      tpu.vector_store %arg13[%swap3A_668], %swap3A_671 {strides = array<i32>} : memref<1024xi32, #tpu.memory_space<vmem>>, vector<16xi32>,
      %get3A_672 = arith.constant 784 : index
      %get3A_673 = tpu.vector_load %arg13[%get3A_672] {strides = array<i32>} : memref<1024xi32, #tpu.memory_space<vmem>>, vector<16xi32>,
      %get3A_674 = vector.shape_cast %get3A_673 : vector<16xi32> to vector<16xi32>
      %max3A_675 = arith.constant 0 : i32
      %max3A_676 = vector.broadcast %max3A_675 : i32 to vector<16xi32>
      %max3A_677 = arith.maxsi %get3A_674, %max3A_676 : vector<16xi32>
      %min3A_678 = arith.constant 36863 : i32
      %min3A_679 = vector.broadcast %min3A_678 : i32 to vector<16xi32>
      %min3A_680 = arith.minsi %max3A_677, %min3A_679 : vector<16xi32>
      %swap3A_681 = arith.constant 784 : index
      %swap3A_682 = tpu.vector_load %arg13[%swap3A_681] {strides = array<i32>} : memref<1024xi32, #tpu.memory_space<vmem>>, vector<16xi32>,
      %swap3A_683 = vector.shape_cast %swap3A_682 : vector<16xi32> to vector<16xi32>
      %swap3A_684 = vector.shape_cast %min3A_680 : vector<16xi32> to vector<16xi32>
      tpu.vector_store %arg13[%swap3A_681], %swap3A_684 {strides = array<i32>} : memref<1024xi32, #tpu.memory_space<vmem>>, vector<16xi32>,
      %get3A_685 = arith.constant 800 : index
      %get3A_686 = tpu.vector_load %arg13[%get3A_685] {strides = array<i32>} : memref<1024xi32, #tpu.memory_space<vmem>>, vector<16xi32>,
      %get3A_687 = vector.shape_cast %get3A_686 : vector<16xi32> to vector<16xi32>
      %max3A_688 = arith.constant 0 : i32
      %max3A_689 = vector.broadcast %max3A_688 : i32 to vector<16xi32>
      %max3A_690 = arith.maxsi %get3A_687, %max3A_689 : vector<16xi32>
      %min3A_691 = arith.constant 36863 : i32
      %min3A_692 = vector.broadcast %min3A_691 : i32 to vector<16xi32>
      %min3A_693 = arith.minsi %max3A_690, %min3A_692 : vector<16xi32>
      %swap3A_694 = arith.constant 800 : index
      %swap3A_695 = tpu.vector_load %arg13[%swap3A_694] {strides = array<i32>} : memref<1024xi32, #tpu.memory_space<vmem>>, vector<16xi32>,
      %swap3A_696 = vector.shape_cast %swap3A_695 : vector<16xi32> to vector<16xi32>
      %swap3A_697 = vector.shape_cast %min3A_693 : vector<16xi32> to vector<16xi32>
      tpu.vector_store %arg13[%swap3A_694], %swap3A_697 {strides = array<i32>} : memref<1024xi32, #tpu.memory_space<vmem>>, vector<16xi32>,
      %get3A_698 = arith.constant 816 : index
      %get3A_699 = tpu.vector_load %arg13[%get3A_698] {strides = array<i32>} : memref<1024xi32, #tpu.memory_space<vmem>>, vector<16xi32>,
      %get3A_700 = vector.shape_cast %get3A_699 : vector<16xi32> to vector<16xi32>
      %max3A_701 = arith.constant 0 : i32
      %max3A_702 = vector.broadcast %max3A_701 : i32 to vector<16xi32>
      %max3A_703 = arith.maxsi %get3A_700, %max3A_702 : vector<16xi32>
      %min3A_704 = arith.constant 36863 : i32
      %min3A_705 = vector.broadcast %min3A_704 : i32 to vector<16xi32>
      %min3A_706 = arith.minsi %max3A_703, %min3A_705 : vector<16xi32>
      %swap3A_707 = arith.constant 816 : index
      %swap3A_708 = tpu.vector_load %arg13[%swap3A_707] {strides = array<i32>} : memref<1024xi32, #tpu.memory_space<vmem>>, vector<16xi32>,
      %swap3A_709 = vector.shape_cast %swap3A_708 : vector<16xi32> to vector<16xi32>
      %swap3A_710 = vector.shape_cast %min3A_706 : vector<16xi32> to vector<16xi32>
      tpu.vector_store %arg13[%swap3A_707], %swap3A_710 {strides = array<i32>} : memref<1024xi32, #tpu.memory_space<vmem>>, vector<16xi32>,
      %get3A_711 = arith.constant 832 : index
      %get3A_712 = tpu.vector_load %arg13[%get3A_711] {strides = array<i32>} : memref<1024xi32, #tpu.memory_space<vmem>>, vector<16xi32>,
      %get3A_713 = vector.shape_cast %get3A_712 : vector<16xi32> to vector<16xi32>
      %max3A_714 = arith.constant 0 : i32
      %max3A_715 = vector.broadcast %max3A_714 : i32 to vector<16xi32>
      %max3A_716 = arith.maxsi %get3A_713, %max3A_715 : vector<16xi32>
      %min3A_717 = arith.constant 36863 : i32
      %min3A_718 = vector.broadcast %min3A_717 : i32 to vector<16xi32>
      %min3A_719 = arith.minsi %max3A_716, %min3A_718 : vector<16xi32>
      %swap3A_720 = arith.constant 832 : index
      %swap3A_721 = tpu.vector_load %arg13[%swap3A_720] {strides = array<i32>} : memref<1024xi32, #tpu.memory_space<vmem>>, vector<16xi32>,
      %swap3A_722 = vector.shape_cast %swap3A_721 : vector<16xi32> to vector<16xi32>
      %swap3A_723 = vector.shape_cast %min3A_719 : vector<16xi32> to vector<16xi32>
      tpu.vector_store %arg13[%swap3A_720], %swap3A_723 {strides = array<i32>} : memref<1024xi32, #tpu.memory_space<vmem>>, vector<16xi32>,
      %get3A_724 = arith.constant 848 : index
      %get3A_725 = tpu.vector_load %arg13[%get3A_724] {strides = array<i32>} : memref<1024xi32, #tpu.memory_space<vmem>>, vector<16xi32>,
      %get3A_726 = vector.shape_cast %get3A_725 : vector<16xi32> to vector<16xi32>
      %max3A_727 = arith.constant 0 : i32
      %max3A_728 = vector.broadcast %max3A_727 : i32 to vector<16xi32>
      %max3A_729 = arith.maxsi %get3A_726, %max3A_728 : vector<16xi32>
      %min3A_730 = arith.constant 36863 : i32
      %min3A_731 = vector.broadcast %min3A_730 : i32 to vector<16xi32>
      %min3A_732 = arith.minsi %max3A_729, %min3A_731 : vector<16xi32>
      %swap3A_733 = arith.constant 848 : index
      %swap3A_734 = tpu.vector_load %arg13[%swap3A_733] {strides = array<i32>} : memref<1024xi32, #tpu.memory_space<vmem>>, vector<16xi32>,
      %swap3A_735 = vector.shape_cast %swap3A_734 : vector<16xi32> to vector<16xi32>
      %swap3A_736 = vector.shape_cast %min3A_732 : vector<16xi32> to vector<16xi32>
      tpu.vector_store %arg13[%swap3A_733], %swap3A_736 {strides = array<i32>} : memref<1024xi32, #tpu.memory_space<vmem>>, vector<16xi32>,
      %get3A_737 = arith.constant 864 : index
      %get3A_738 = tpu.vector_load %arg13[%get3A_737] {strides = array<i32>} : memref<1024xi32, #tpu.memory_space<vmem>>, vector<16xi32>,
      %get3A_739 = vector.shape_cast %get3A_738 : vector<16xi32> to vector<16xi32>
      %max3A_740 = arith.constant 0 : i32
      %max3A_741 = vector.broadcast %max3A_740 : i32 to vector<16xi32>
      %max3A_742 = arith.maxsi %get3A_739, %max3A_741 : vector<16xi32>
      %min3A_743 = arith.constant 36863 : i32
      %min3A_744 = vector.broadcast %min3A_743 : i32 to vector<16xi32>
      %min3A_745 = arith.minsi %max3A_742, %min3A_744 : vector<16xi32>
      %swap3A_746 = arith.constant 864 : index
      %swap3A_747 = tpu.vector_load %arg13[%swap3A_746] {strides = array<i32>} : memref<1024xi32, #tpu.memory_space<vmem>>, vector<16xi32>,
      %swap3A_748 = vector.shape_cast %swap3A_747 : vector<16xi32> to vector<16xi32>
      %swap3A_749 = vector.shape_cast %min3A_745 : vector<16xi32> to vector<16xi32>
      tpu.vector_store %arg13[%swap3A_746], %swap3A_749 {strides = array<i32>} : memref<1024xi32, #tpu.memory_space<vmem>>, vector<16xi32>,
      %get3A_750 = arith.constant 880 : index
      %get3A_751 = tpu.vector_load %arg13[%get3A_750] {strides = array<i32>} : memref<1024xi32, #tpu.memory_space<vmem>>, vector<16xi32>,
      %get3A_752 = vector.shape_cast %get3A_751 : vector<16xi32> to vector<16xi32>
      %max3A_753 = arith.constant 0 : i32
      %max3A_754 = vector.broadcast %max3A_753 : i32 to vector<16xi32>
      %max3A_755 = arith.maxsi %get3A_752, %max3A_754 : vector<16xi32>
      %min3A_756 = arith.constant 36863 : i32
      %min3A_757 = vector.broadcast %min3A_756 : i32 to vector<16xi32>
      %min3A_758 = arith.minsi %max3A_755, %min3A_757 : vector<16xi32>
      %swap3A_759 = arith.constant 880 : index
      %swap3A_760 = tpu.vector_load %arg13[%swap3A_759] {strides = array<i32>} : memref<1024xi32, #tpu.memory_space<vmem>>, vector<16xi32>,
      %swap3A_761 = vector.shape_cast %swap3A_760 : vector<16xi32> to vector<16xi32>
      %swap3A_762 = vector.shape_cast %min3A_758 : vector<16xi32> to vector<16xi32>
      tpu.vector_store %arg13[%swap3A_759], %swap3A_762 {strides = array<i32>} : memref<1024xi32, #tpu.memory_space<vmem>>, vector<16xi32>,
      %get3A_763 = arith.constant 896 : index
      %get3A_764 = tpu.vector_load %arg13[%get3A_763] {strides = array<i32>} : memref<1024xi32, #tpu.memory_space<vmem>>, vector<16xi32>,
      %get3A_765 = vector.shape_cast %get3A_764 : vector<16xi32> to vector<16xi32>
      %max3A_766 = arith.constant 0 : i32
      %max3A_767 = vector.broadcast %max3A_766 : i32 to vector<16xi32>
      %max3A_768 = arith.maxsi %get3A_765, %max3A_767 : vector<16xi32>
      %min3A_769 = arith.constant 36863 : i32
      %min3A_770 = vector.broadcast %min3A_769 : i32 to vector<16xi32>
      %min3A_771 = arith.minsi %max3A_768, %min3A_770 : vector<16xi32>
      %swap3A_772 = arith.constant 896 : index
      %swap3A_773 = tpu.vector_load %arg13[%swap3A_772] {strides = array<i32>} : memref<1024xi32, #tpu.memory_space<vmem>>, vector<16xi32>,
      %swap3A_774 = vector.shape_cast %swap3A_773 : vector<16xi32> to vector<16xi32>
      %swap3A_775 = vector.shape_cast %min3A_771 : vector<16xi32> to vector<16xi32>
      tpu.vector_store %arg13[%swap3A_772], %swap3A_775 {strides = array<i32>} : memref<1024xi32, #tpu.memory_space<vmem>>, vector<16xi32>,
      %get3A_776 = arith.constant 912 : index
      %get3A_777 = tpu.vector_load %arg13[%get3A_776] {strides = array<i32>} : memref<1024xi32, #tpu.memory_space<vmem>>, vector<16xi32>,
      %get3A_778 = vector.shape_cast %get3A_777 : vector<16xi32> to vector<16xi32>
      %max3A_779 = arith.constant 0 : i32
      %max3A_780 = vector.broadcast %max3A_779 : i32 to vector<16xi32>
      %max3A_781 = arith.maxsi %get3A_778, %max3A_780 : vector<16xi32>
      %min3A_782 = arith.constant 36863 : i32
      %min3A_783 = vector.broadcast %min3A_782 : i32 to vector<16xi32>
      %min3A_784 = arith.minsi %max3A_781, %min3A_783 : vector<16xi32>
      %swap3A_785 = arith.constant 912 : index
      %swap3A_786 = tpu.vector_load %arg13[%swap3A_785] {strides = array<i32>} : memref<1024xi32, #tpu.memory_space<vmem>>, vector<16xi32>,
      %swap3A_787 = vector.shape_cast %swap3A_786 : vector<16xi32> to vector<16xi32>
      %swap3A_788 = vector.shape_cast %min3A_784 : vector<16xi32> to vector<16xi32>
      tpu.vector_store %arg13[%swap3A_785], %swap3A_788 {strides = array<i32>} : memref<1024xi32, #tpu.memory_space<vmem>>, vector<16xi32>,
      %get3A_789 = arith.constant 928 : index
      %get3A_790 = tpu.vector_load %arg13[%get3A_789] {strides = array<i32>} : memref<1024xi32, #tpu.memory_space<vmem>>, vector<16xi32>,
      %get3A_791 = vector.shape_cast %get3A_790 : vector<16xi32> to vector<16xi32>
      %max3A_792 = arith.constant 0 : i32
      %max3A_793 = vector.broadcast %max3A_792 : i32 to vector<16xi32>
      %max3A_794 = arith.maxsi %get3A_791, %max3A_793 : vector<16xi32>
      %min3A_795 = arith.constant 36863 : i32
      %min3A_796 = vector.broadcast %min3A_795 : i32 to vector<16xi32>
      %min3A_797 = arith.minsi %max3A_794, %min3A_796 : vector<16xi32>
      %swap3A_798 = arith.constant 928 : index
      %swap3A_799 = tpu.vector_load %arg13[%swap3A_798] {strides = array<i32>} : memref<1024xi32, #tpu.memory_space<vmem>>, vector<16xi32>,
      %swap3A_800 = vector.shape_cast %swap3A_799 : vector<16xi32> to vector<16xi32>
      %swap3A_801 = vector.shape_cast %min3A_797 : vector<16xi32> to vector<16xi32>
      tpu.vector_store %arg13[%swap3A_798], %swap3A_801 {strides = array<i32>} : memref<1024xi32, #tpu.memory_space<vmem>>, vector<16xi32>,
      %get3A_802 = arith.constant 944 : index
      %get3A_803 = tpu.vector_load %arg13[%get3A_802] {strides = array<i32>} : memref<1024xi32, #tpu.memory_space<vmem>>, vector<16xi32>,
      %get3A_804 = vector.shape_cast %get3A_803 : vector<16xi32> to vector<16xi32>
      %max3A_805 = arith.constant 0 : i32
      %max3A_806 = vector.broadcast %max3A_805 : i32 to vector<16xi32>
      %max3A_807 = arith.maxsi %get3A_804, %max3A_806 : vector<16xi32>
      %min3A_808 = arith.constant 36863 : i32
      %min3A_809 = vector.broadcast %min3A_808 : i32 to vector<16xi32>
      %min3A_810 = arith.minsi %max3A_807, %min3A_809 : vector<16xi32>
      %swap3A_811 = arith.constant 944 : index
      %swap3A_812 = tpu.vector_load %arg13[%swap3A_811] {strides = array<i32>} : memref<1024xi32, #tpu.memory_space<vmem>>, vector<16xi32>,
      %swap3A_813 = vector.shape_cast %swap3A_812 : vector<16xi32> to vector<16xi32>
      %swap3A_814 = vector.shape_cast %min3A_810 : vector<16xi32> to vector<16xi32>
      tpu.vector_store %arg13[%swap3A_811], %swap3A_814 {strides = array<i32>} : memref<1024xi32, #tpu.memory_space<vmem>>, vector<16xi32>,
      %get3A_815 = arith.constant 960 : index
      %get3A_816 = tpu.vector_load %arg13[%get3A_815] {strides = array<i32>} : memref<1024xi32, #tpu.memory_space<vmem>>, vector<16xi32>,
      %get3A_817 = vector.shape_cast %get3A_816 : vector<16xi32> to vector<16xi32>
      %max3A_818 = arith.constant 0 : i32
      %max3A_819 = vector.broadcast %max3A_818 : i32 to vector<16xi32>
      %max3A_820 = arith.maxsi %get3A_817, %max3A_819 : vector<16xi32>
      %min3A_821 = arith.constant 36863 : i32
      %min3A_822 = vector.broadcast %min3A_821 : i32 to vector<16xi32>
      %min3A_823 = arith.minsi %max3A_820, %min3A_822 : vector<16xi32>
      %swap3A_824 = arith.constant 960 : index
      %swap3A_825 = tpu.vector_load %arg13[%swap3A_824] {strides = array<i32>} : memref<1024xi32, #tpu.memory_space<vmem>>, vector<16xi32>,
      %swap3A_826 = vector.shape_cast %swap3A_825 : vector<16xi32> to vector<16xi32>
      %swap3A_827 = vector.shape_cast %min3A_823 : vector<16xi32> to vector<16xi32>
      tpu.vector_store %arg13[%swap3A_824], %swap3A_827 {strides = array<i32>} : memref<1024xi32, #tpu.memory_space<vmem>>, vector<16xi32>,
      %get3A_828 = arith.constant 976 : index
      %get3A_829 = tpu.vector_load %arg13[%get3A_828] {strides = array<i32>} : memref<1024xi32, #tpu.memory_space<vmem>>, vector<16xi32>,
      %get3A_830 = vector.shape_cast %get3A_829 : vector<16xi32> to vector<16xi32>
      %max3A_831 = arith.constant 0 : i32
      %max3A_832 = vector.broadcast %max3A_831 : i32 to vector<16xi32>
      %max3A_833 = arith.maxsi %get3A_830, %max3A_832 : vector<16xi32>
      %min3A_834 = arith.constant 36863 : i32
      %min3A_835 = vector.broadcast %min3A_834 : i32 to vector<16xi32>
      %min3A_836 = arith.minsi %max3A_833, %min3A_835 : vector<16xi32>
      %swap3A_837 = arith.constant 976 : index
      %swap3A_838 = tpu.vector_load %arg13[%swap3A_837] {strides = array<i32>} : memref<1024xi32, #tpu.memory_space<vmem>>, vector<16xi32>,
      %swap3A_839 = vector.shape_cast %swap3A_838 : vector<16xi32> to vector<16xi32>
      %swap3A_840 = vector.shape_cast %min3A_836 : vector<16xi32> to vector<16xi32>
      tpu.vector_store %arg13[%swap3A_837], %swap3A_840 {strides = array<i32>} : memref<1024xi32, #tpu.memory_space<vmem>>, vector<16xi32>,
      %get3A_841 = arith.constant 992 : index
      %get3A_842 = tpu.vector_load %arg13[%get3A_841] {strides = array<i32>} : memref<1024xi32, #tpu.memory_space<vmem>>, vector<16xi32>,
      %get3A_843 = vector.shape_cast %get3A_842 : vector<16xi32> to vector<16xi32>
      %max3A_844 = arith.constant 0 : i32
      %max3A_845 = vector.broadcast %max3A_844 : i32 to vector<16xi32>
      %max3A_846 = arith.maxsi %get3A_843, %max3A_845 : vector<16xi32>
      %min3A_847 = arith.constant 36863 : i32
      %min3A_848 = vector.broadcast %min3A_847 : i32 to vector<16xi32>
      %min3A_849 = arith.minsi %max3A_846, %min3A_848 : vector<16xi32>
      %swap3A_850 = arith.constant 992 : index
      %swap3A_851 = tpu.vector_load %arg13[%swap3A_850] {strides = array<i32>} : memref<1024xi32, #tpu.memory_space<vmem>>, vector<16xi32>,
      %swap3A_852 = vector.shape_cast %swap3A_851 : vector<16xi32> to vector<16xi32>
      %swap3A_853 = vector.shape_cast %min3A_849 : vector<16xi32> to vector<16xi32>
      tpu.vector_store %arg13[%swap3A_850], %swap3A_853 {strides = array<i32>} : memref<1024xi32, #tpu.memory_space<vmem>>, vector<16xi32>,
      %get3A_854 = arith.constant 1008 : index
      %get3A_855 = tpu.vector_load %arg13[%get3A_854] {strides = array<i32>} : memref<1024xi32, #tpu.memory_space<vmem>>, vector<16xi32>,
      %get3A_856 = vector.shape_cast %get3A_855 : vector<16xi32> to vector<16xi32>
      %max3A_857 = arith.constant 0 : i32
      %max3A_858 = vector.broadcast %max3A_857 : i32 to vector<16xi32>
      %max3A_859 = arith.maxsi %get3A_856, %max3A_858 : vector<16xi32>
      %min3A_860 = arith.constant 36863 : i32
      %min3A_861 = vector.broadcast %min3A_860 : i32 to vector<16xi32>
      %min3A_862 = arith.minsi %max3A_859, %min3A_861 : vector<16xi32>
      %swap3A_863 = arith.constant 1008 : index
      %swap3A_864 = tpu.vector_load %arg13[%swap3A_863] {strides = array<i32>} : memref<1024xi32, #tpu.memory_space<vmem>>, vector<16xi32>,
      %swap3A_865 = vector.shape_cast %swap3A_864 : vector<16xi32> to vector<16xi32>
      %swap3A_866 = vector.shape_cast %min3A_862 : vector<16xi32> to vector<16xi32>
      tpu.vector_store %arg13[%swap3A_863], %swap3A_866 {strides = array<i32>} : memref<1024xi32, #tpu.memory_space<vmem>>, vector<16xi32>,
      %dma_start3A = arith.constant 0 : i32
      %dma_start3A_867 = tpu.memref_slice %arg5[%dma_start3A] : memref<36864xf32, #tpu.memory_space<hbm>> -> memref<36864xf32, #tpu.memory_space<hbm>>
      tpu.enqueue_indirect_dma source(%dma_start3A_867 : memref<36864xf32, #tpu.memory_space<hbm>>) target(%arg14 : memref<1024xf32, #tpu.memory_space<vmem>>) offsets(%arg13 : memref<1024xi32, #tpu.memory_space<vmem>>) semaphore(%arg15 : memref<!tpu.dma_semaphore, #tpu.memory_space<semaphore_mem>>)
      %dma_wait3A = arith.constant 0 : i32
      %dma_wait3A_868 = tpu.memref_slice %arg5[%dma_wait3A] : memref<36864xf32, #tpu.memory_space<hbm>> -> memref<36864xf32, #tpu.memory_space<hbm>>
      tpu.wait_indirect_dma semaphore(%arg15 : memref<!tpu.dma_semaphore, #tpu.memory_space<semaphore_mem>>) src(%dma_wait3A_868 : memref<36864xf32, #tpu.memory_space<hbm>>) dst(%arg14 : memref<1024xf32, #tpu.memory_space<vmem>>)
      "tpu.region"() ({
        %run_scoped3A = tpu.sem_alloc : memref<!tpu.dma_semaphore, #tpu.memory_space<semaphore_mem>>
        %dma_start3A_869 = tpu.memref_slice %arg10[%mul3A_38] : memref<6144xf32, #tpu.memory_space<hbm>> -> memref<1024xf32, #tpu.memory_space<hbm>>
        %dma_start3A_870 = tpu.memref_slice %arg10[%mul3A_38] : memref<6144xf32, #tpu.memory_space<hbm>> -> memref<1024xf32, #tpu.memory_space<hbm>>
        tpu.enqueue_dma source(%arg14 : memref<1024xf32, #tpu.memory_space<vmem>>) target(%dma_start3A_870 : memref<1024xf32, #tpu.memory_space<hbm>>) target_semaphore(%run_scoped3A : memref<!tpu.dma_semaphore, #tpu.memory_space<semaphore_mem>>)
        %dma_wait3A_871 = tpu.memref_slice %arg10[%mul3A_38] : memref<6144xf32, #tpu.memory_space<hbm>> -> memref<1024xf32, #tpu.memory_space<hbm>>
        %dma_wait3A_872 = tpu.memref_slice %arg10[%mul3A_38] : memref<6144xf32, #tpu.memory_space<hbm>> -> memref<1024xf32, #tpu.memory_space<hbm>>
        tpu.wait_dma2 semaphore(%run_scoped3A : memref<!tpu.dma_semaphore, #tpu.memory_space<semaphore_mem>>) src(%arg14 : memref<1024xf32, #tpu.memory_space<vmem>>) dst(%dma_wait3A_872 : memref<1024xf32, #tpu.memory_space<hbm>>)
        tpu.yield
      }) : () -> ()
    } else {
    }
    %ge3A_20 = arith.constant 18 : i32
    %ge3A_21 = arith.cmpi sge, %add3A, %ge3A_20 : i32
    %lt3A_22 = arith.constant 24 : i32
    %lt3A_23 = arith.cmpi slt, %add3A, %lt3A_22 : i32
    %and3A_24 = arith.andi %ge3A_21, %lt3A_23 : i1
    %convert_element_type3A_25 = arith.extui %and3A_24 : i1 to i32
    %cond3A_26 = arith.constant 0 : i32
    %cond3A_27 = arith.cmpi ne, %convert_element_type3A_25, %cond3A_26 : i32
    scf.if %cond3A_27 {
      %sub3A = arith.constant 18 : i32
      %sub3A_36 = arith.subi %add3A, %sub3A : i32
      %mul3A_37 = arith.constant 1024 : i32
      %mul3A_38 = arith.muli %sub3A_36, %mul3A_37 : i32
      "tpu.region"() ({
        %run_scoped3A = tpu.sem_alloc : memref<!tpu.dma_semaphore, #tpu.memory_space<semaphore_mem>>
        %dma_start3A_869 = tpu.memref_slice %arg2[%mul3A_38] : memref<6144xi32, #tpu.memory_space<hbm>> -> memref<1024xi32, #tpu.memory_space<hbm>>
        %dma_start3A_870 = tpu.memref_slice %arg2[%mul3A_38] : memref<6144xi32, #tpu.memory_space<hbm>> -> memref<1024xi32, #tpu.memory_space<hbm>>
        tpu.enqueue_dma source(%dma_start3A_870 : memref<1024xi32, #tpu.memory_space<hbm>>) target(%arg13 : memref<1024xi32, #tpu.memory_space<vmem>>) target_semaphore(%run_scoped3A : memref<!tpu.dma_semaphore, #tpu.memory_space<semaphore_mem>>)
        %dma_wait3A_871 = tpu.memref_slice %arg2[%mul3A_38] : memref<6144xi32, #tpu.memory_space<hbm>> -> memref<1024xi32, #tpu.memory_space<hbm>>
        %dma_wait3A_872 = tpu.memref_slice %arg2[%mul3A_38] : memref<6144xi32, #tpu.memory_space<hbm>> -> memref<1024xi32, #tpu.memory_space<hbm>>
        tpu.wait_dma2 semaphore(%run_scoped3A : memref<!tpu.dma_semaphore, #tpu.memory_space<semaphore_mem>>) src(%dma_wait3A_872 : memref<1024xi32, #tpu.memory_space<hbm>>) dst(%arg13 : memref<1024xi32, #tpu.memory_space<vmem>>)
        tpu.yield
      }) : () -> ()
      %get3A = arith.constant 0 : index
      %get3A_39 = tpu.vector_load %arg13[%get3A] {strides = array<i32>} : memref<1024xi32, #tpu.memory_space<vmem>>, vector<16xi32>,
      %get3A_40 = vector.shape_cast %get3A_39 : vector<16xi32> to vector<16xi32>
      %max3A = arith.constant 0 : i32
      %max3A_41 = vector.broadcast %max3A : i32 to vector<16xi32>
      %max3A_42 = arith.maxsi %get3A_40, %max3A_41 : vector<16xi32>
      %min3A = arith.constant 36863 : i32
      %min3A_43 = vector.broadcast %min3A : i32 to vector<16xi32>
      %min3A_44 = arith.minsi %max3A_42, %min3A_43 : vector<16xi32>
      %swap3A = arith.constant 0 : index
      %swap3A_45 = tpu.vector_load %arg13[%swap3A] {strides = array<i32>} : memref<1024xi32, #tpu.memory_space<vmem>>, vector<16xi32>,
      %swap3A_46 = vector.shape_cast %swap3A_45 : vector<16xi32> to vector<16xi32>
      %swap3A_47 = vector.shape_cast %min3A_44 : vector<16xi32> to vector<16xi32>
      tpu.vector_store %arg13[%swap3A], %swap3A_47 {strides = array<i32>} : memref<1024xi32, #tpu.memory_space<vmem>>, vector<16xi32>,
      %get3A_48 = arith.constant 16 : index
      %get3A_49 = tpu.vector_load %arg13[%get3A_48] {strides = array<i32>} : memref<1024xi32, #tpu.memory_space<vmem>>, vector<16xi32>,
      %get3A_50 = vector.shape_cast %get3A_49 : vector<16xi32> to vector<16xi32>
      %max3A_51 = arith.constant 0 : i32
      %max3A_52 = vector.broadcast %max3A_51 : i32 to vector<16xi32>
      %max3A_53 = arith.maxsi %get3A_50, %max3A_52 : vector<16xi32>
      %min3A_54 = arith.constant 36863 : i32
      %min3A_55 = vector.broadcast %min3A_54 : i32 to vector<16xi32>
      %min3A_56 = arith.minsi %max3A_53, %min3A_55 : vector<16xi32>
      %swap3A_57 = arith.constant 16 : index
      %swap3A_58 = tpu.vector_load %arg13[%swap3A_57] {strides = array<i32>} : memref<1024xi32, #tpu.memory_space<vmem>>, vector<16xi32>,
      %swap3A_59 = vector.shape_cast %swap3A_58 : vector<16xi32> to vector<16xi32>
      %swap3A_60 = vector.shape_cast %min3A_56 : vector<16xi32> to vector<16xi32>
      tpu.vector_store %arg13[%swap3A_57], %swap3A_60 {strides = array<i32>} : memref<1024xi32, #tpu.memory_space<vmem>>, vector<16xi32>,
      %get3A_61 = arith.constant 32 : index
      %get3A_62 = tpu.vector_load %arg13[%get3A_61] {strides = array<i32>} : memref<1024xi32, #tpu.memory_space<vmem>>, vector<16xi32>,
      %get3A_63 = vector.shape_cast %get3A_62 : vector<16xi32> to vector<16xi32>
      %max3A_64 = arith.constant 0 : i32
      %max3A_65 = vector.broadcast %max3A_64 : i32 to vector<16xi32>
      %max3A_66 = arith.maxsi %get3A_63, %max3A_65 : vector<16xi32>
      %min3A_67 = arith.constant 36863 : i32
      %min3A_68 = vector.broadcast %min3A_67 : i32 to vector<16xi32>
      %min3A_69 = arith.minsi %max3A_66, %min3A_68 : vector<16xi32>
      %swap3A_70 = arith.constant 32 : index
      %swap3A_71 = tpu.vector_load %arg13[%swap3A_70] {strides = array<i32>} : memref<1024xi32, #tpu.memory_space<vmem>>, vector<16xi32>,
      %swap3A_72 = vector.shape_cast %swap3A_71 : vector<16xi32> to vector<16xi32>
      %swap3A_73 = vector.shape_cast %min3A_69 : vector<16xi32> to vector<16xi32>
      tpu.vector_store %arg13[%swap3A_70], %swap3A_73 {strides = array<i32>} : memref<1024xi32, #tpu.memory_space<vmem>>, vector<16xi32>,
      %get3A_74 = arith.constant 48 : index
      %get3A_75 = tpu.vector_load %arg13[%get3A_74] {strides = array<i32>} : memref<1024xi32, #tpu.memory_space<vmem>>, vector<16xi32>,
      %get3A_76 = vector.shape_cast %get3A_75 : vector<16xi32> to vector<16xi32>
      %max3A_77 = arith.constant 0 : i32
      %max3A_78 = vector.broadcast %max3A_77 : i32 to vector<16xi32>
      %max3A_79 = arith.maxsi %get3A_76, %max3A_78 : vector<16xi32>
      %min3A_80 = arith.constant 36863 : i32
      %min3A_81 = vector.broadcast %min3A_80 : i32 to vector<16xi32>
      %min3A_82 = arith.minsi %max3A_79, %min3A_81 : vector<16xi32>
      %swap3A_83 = arith.constant 48 : index
      %swap3A_84 = tpu.vector_load %arg13[%swap3A_83] {strides = array<i32>} : memref<1024xi32, #tpu.memory_space<vmem>>, vector<16xi32>,
      %swap3A_85 = vector.shape_cast %swap3A_84 : vector<16xi32> to vector<16xi32>
      %swap3A_86 = vector.shape_cast %min3A_82 : vector<16xi32> to vector<16xi32>
      tpu.vector_store %arg13[%swap3A_83], %swap3A_86 {strides = array<i32>} : memref<1024xi32, #tpu.memory_space<vmem>>, vector<16xi32>,
      %get3A_87 = arith.constant 64 : index
      %get3A_88 = tpu.vector_load %arg13[%get3A_87] {strides = array<i32>} : memref<1024xi32, #tpu.memory_space<vmem>>, vector<16xi32>,
      %get3A_89 = vector.shape_cast %get3A_88 : vector<16xi32> to vector<16xi32>
      %max3A_90 = arith.constant 0 : i32
      %max3A_91 = vector.broadcast %max3A_90 : i32 to vector<16xi32>
      %max3A_92 = arith.maxsi %get3A_89, %max3A_91 : vector<16xi32>
      %min3A_93 = arith.constant 36863 : i32
      %min3A_94 = vector.broadcast %min3A_93 : i32 to vector<16xi32>
      %min3A_95 = arith.minsi %max3A_92, %min3A_94 : vector<16xi32>
      %swap3A_96 = arith.constant 64 : index
      %swap3A_97 = tpu.vector_load %arg13[%swap3A_96] {strides = array<i32>} : memref<1024xi32, #tpu.memory_space<vmem>>, vector<16xi32>,
      %swap3A_98 = vector.shape_cast %swap3A_97 : vector<16xi32> to vector<16xi32>
      %swap3A_99 = vector.shape_cast %min3A_95 : vector<16xi32> to vector<16xi32>
      tpu.vector_store %arg13[%swap3A_96], %swap3A_99 {strides = array<i32>} : memref<1024xi32, #tpu.memory_space<vmem>>, vector<16xi32>,
      %get3A_100 = arith.constant 80 : index
      %get3A_101 = tpu.vector_load %arg13[%get3A_100] {strides = array<i32>} : memref<1024xi32, #tpu.memory_space<vmem>>, vector<16xi32>,
      %get3A_102 = vector.shape_cast %get3A_101 : vector<16xi32> to vector<16xi32>
      %max3A_103 = arith.constant 0 : i32
      %max3A_104 = vector.broadcast %max3A_103 : i32 to vector<16xi32>
      %max3A_105 = arith.maxsi %get3A_102, %max3A_104 : vector<16xi32>
      %min3A_106 = arith.constant 36863 : i32
      %min3A_107 = vector.broadcast %min3A_106 : i32 to vector<16xi32>
      %min3A_108 = arith.minsi %max3A_105, %min3A_107 : vector<16xi32>
      %swap3A_109 = arith.constant 80 : index
      %swap3A_110 = tpu.vector_load %arg13[%swap3A_109] {strides = array<i32>} : memref<1024xi32, #tpu.memory_space<vmem>>, vector<16xi32>,
      %swap3A_111 = vector.shape_cast %swap3A_110 : vector<16xi32> to vector<16xi32>
      %swap3A_112 = vector.shape_cast %min3A_108 : vector<16xi32> to vector<16xi32>
      tpu.vector_store %arg13[%swap3A_109], %swap3A_112 {strides = array<i32>} : memref<1024xi32, #tpu.memory_space<vmem>>, vector<16xi32>,
      %get3A_113 = arith.constant 96 : index
      %get3A_114 = tpu.vector_load %arg13[%get3A_113] {strides = array<i32>} : memref<1024xi32, #tpu.memory_space<vmem>>, vector<16xi32>,
      %get3A_115 = vector.shape_cast %get3A_114 : vector<16xi32> to vector<16xi32>
      %max3A_116 = arith.constant 0 : i32
      %max3A_117 = vector.broadcast %max3A_116 : i32 to vector<16xi32>
      %max3A_118 = arith.maxsi %get3A_115, %max3A_117 : vector<16xi32>
      %min3A_119 = arith.constant 36863 : i32
      %min3A_120 = vector.broadcast %min3A_119 : i32 to vector<16xi32>
      %min3A_121 = arith.minsi %max3A_118, %min3A_120 : vector<16xi32>
      %swap3A_122 = arith.constant 96 : index
      %swap3A_123 = tpu.vector_load %arg13[%swap3A_122] {strides = array<i32>} : memref<1024xi32, #tpu.memory_space<vmem>>, vector<16xi32>,
      %swap3A_124 = vector.shape_cast %swap3A_123 : vector<16xi32> to vector<16xi32>
      %swap3A_125 = vector.shape_cast %min3A_121 : vector<16xi32> to vector<16xi32>
      tpu.vector_store %arg13[%swap3A_122], %swap3A_125 {strides = array<i32>} : memref<1024xi32, #tpu.memory_space<vmem>>, vector<16xi32>,
      %get3A_126 = arith.constant 112 : index
      %get3A_127 = tpu.vector_load %arg13[%get3A_126] {strides = array<i32>} : memref<1024xi32, #tpu.memory_space<vmem>>, vector<16xi32>,
      %get3A_128 = vector.shape_cast %get3A_127 : vector<16xi32> to vector<16xi32>
      %max3A_129 = arith.constant 0 : i32
      %max3A_130 = vector.broadcast %max3A_129 : i32 to vector<16xi32>
      %max3A_131 = arith.maxsi %get3A_128, %max3A_130 : vector<16xi32>
      %min3A_132 = arith.constant 36863 : i32
      %min3A_133 = vector.broadcast %min3A_132 : i32 to vector<16xi32>
      %min3A_134 = arith.minsi %max3A_131, %min3A_133 : vector<16xi32>
      %swap3A_135 = arith.constant 112 : index
      %swap3A_136 = tpu.vector_load %arg13[%swap3A_135] {strides = array<i32>} : memref<1024xi32, #tpu.memory_space<vmem>>, vector<16xi32>,
      %swap3A_137 = vector.shape_cast %swap3A_136 : vector<16xi32> to vector<16xi32>
      %swap3A_138 = vector.shape_cast %min3A_134 : vector<16xi32> to vector<16xi32>
      tpu.vector_store %arg13[%swap3A_135], %swap3A_138 {strides = array<i32>} : memref<1024xi32, #tpu.memory_space<vmem>>, vector<16xi32>,
      %get3A_139 = arith.constant 128 : index
      %get3A_140 = tpu.vector_load %arg13[%get3A_139] {strides = array<i32>} : memref<1024xi32, #tpu.memory_space<vmem>>, vector<16xi32>,
      %get3A_141 = vector.shape_cast %get3A_140 : vector<16xi32> to vector<16xi32>
      %max3A_142 = arith.constant 0 : i32
      %max3A_143 = vector.broadcast %max3A_142 : i32 to vector<16xi32>
      %max3A_144 = arith.maxsi %get3A_141, %max3A_143 : vector<16xi32>
      %min3A_145 = arith.constant 36863 : i32
      %min3A_146 = vector.broadcast %min3A_145 : i32 to vector<16xi32>
      %min3A_147 = arith.minsi %max3A_144, %min3A_146 : vector<16xi32>
      %swap3A_148 = arith.constant 128 : index
      %swap3A_149 = tpu.vector_load %arg13[%swap3A_148] {strides = array<i32>} : memref<1024xi32, #tpu.memory_space<vmem>>, vector<16xi32>,
      %swap3A_150 = vector.shape_cast %swap3A_149 : vector<16xi32> to vector<16xi32>
      %swap3A_151 = vector.shape_cast %min3A_147 : vector<16xi32> to vector<16xi32>
      tpu.vector_store %arg13[%swap3A_148], %swap3A_151 {strides = array<i32>} : memref<1024xi32, #tpu.memory_space<vmem>>, vector<16xi32>,
      %get3A_152 = arith.constant 144 : index
      %get3A_153 = tpu.vector_load %arg13[%get3A_152] {strides = array<i32>} : memref<1024xi32, #tpu.memory_space<vmem>>, vector<16xi32>,
      %get3A_154 = vector.shape_cast %get3A_153 : vector<16xi32> to vector<16xi32>
      %max3A_155 = arith.constant 0 : i32
      %max3A_156 = vector.broadcast %max3A_155 : i32 to vector<16xi32>
      %max3A_157 = arith.maxsi %get3A_154, %max3A_156 : vector<16xi32>
      %min3A_158 = arith.constant 36863 : i32
      %min3A_159 = vector.broadcast %min3A_158 : i32 to vector<16xi32>
      %min3A_160 = arith.minsi %max3A_157, %min3A_159 : vector<16xi32>
      %swap3A_161 = arith.constant 144 : index
      %swap3A_162 = tpu.vector_load %arg13[%swap3A_161] {strides = array<i32>} : memref<1024xi32, #tpu.memory_space<vmem>>, vector<16xi32>,
      %swap3A_163 = vector.shape_cast %swap3A_162 : vector<16xi32> to vector<16xi32>
      %swap3A_164 = vector.shape_cast %min3A_160 : vector<16xi32> to vector<16xi32>
      tpu.vector_store %arg13[%swap3A_161], %swap3A_164 {strides = array<i32>} : memref<1024xi32, #tpu.memory_space<vmem>>, vector<16xi32>,
      %get3A_165 = arith.constant 160 : index
      %get3A_166 = tpu.vector_load %arg13[%get3A_165] {strides = array<i32>} : memref<1024xi32, #tpu.memory_space<vmem>>, vector<16xi32>,
      %get3A_167 = vector.shape_cast %get3A_166 : vector<16xi32> to vector<16xi32>
      %max3A_168 = arith.constant 0 : i32
      %max3A_169 = vector.broadcast %max3A_168 : i32 to vector<16xi32>
      %max3A_170 = arith.maxsi %get3A_167, %max3A_169 : vector<16xi32>
      %min3A_171 = arith.constant 36863 : i32
      %min3A_172 = vector.broadcast %min3A_171 : i32 to vector<16xi32>
      %min3A_173 = arith.minsi %max3A_170, %min3A_172 : vector<16xi32>
      %swap3A_174 = arith.constant 160 : index
      %swap3A_175 = tpu.vector_load %arg13[%swap3A_174] {strides = array<i32>} : memref<1024xi32, #tpu.memory_space<vmem>>, vector<16xi32>,
      %swap3A_176 = vector.shape_cast %swap3A_175 : vector<16xi32> to vector<16xi32>
      %swap3A_177 = vector.shape_cast %min3A_173 : vector<16xi32> to vector<16xi32>
      tpu.vector_store %arg13[%swap3A_174], %swap3A_177 {strides = array<i32>} : memref<1024xi32, #tpu.memory_space<vmem>>, vector<16xi32>,
      %get3A_178 = arith.constant 176 : index
      %get3A_179 = tpu.vector_load %arg13[%get3A_178] {strides = array<i32>} : memref<1024xi32, #tpu.memory_space<vmem>>, vector<16xi32>,
      %get3A_180 = vector.shape_cast %get3A_179 : vector<16xi32> to vector<16xi32>
      %max3A_181 = arith.constant 0 : i32
      %max3A_182 = vector.broadcast %max3A_181 : i32 to vector<16xi32>
      %max3A_183 = arith.maxsi %get3A_180, %max3A_182 : vector<16xi32>
      %min3A_184 = arith.constant 36863 : i32
      %min3A_185 = vector.broadcast %min3A_184 : i32 to vector<16xi32>
      %min3A_186 = arith.minsi %max3A_183, %min3A_185 : vector<16xi32>
      %swap3A_187 = arith.constant 176 : index
      %swap3A_188 = tpu.vector_load %arg13[%swap3A_187] {strides = array<i32>} : memref<1024xi32, #tpu.memory_space<vmem>>, vector<16xi32>,
      %swap3A_189 = vector.shape_cast %swap3A_188 : vector<16xi32> to vector<16xi32>
      %swap3A_190 = vector.shape_cast %min3A_186 : vector<16xi32> to vector<16xi32>
      tpu.vector_store %arg13[%swap3A_187], %swap3A_190 {strides = array<i32>} : memref<1024xi32, #tpu.memory_space<vmem>>, vector<16xi32>,
      %get3A_191 = arith.constant 192 : index
      %get3A_192 = tpu.vector_load %arg13[%get3A_191] {strides = array<i32>} : memref<1024xi32, #tpu.memory_space<vmem>>, vector<16xi32>,
      %get3A_193 = vector.shape_cast %get3A_192 : vector<16xi32> to vector<16xi32>
      %max3A_194 = arith.constant 0 : i32
      %max3A_195 = vector.broadcast %max3A_194 : i32 to vector<16xi32>
      %max3A_196 = arith.maxsi %get3A_193, %max3A_195 : vector<16xi32>
      %min3A_197 = arith.constant 36863 : i32
      %min3A_198 = vector.broadcast %min3A_197 : i32 to vector<16xi32>
      %min3A_199 = arith.minsi %max3A_196, %min3A_198 : vector<16xi32>
      %swap3A_200 = arith.constant 192 : index
      %swap3A_201 = tpu.vector_load %arg13[%swap3A_200] {strides = array<i32>} : memref<1024xi32, #tpu.memory_space<vmem>>, vector<16xi32>,
      %swap3A_202 = vector.shape_cast %swap3A_201 : vector<16xi32> to vector<16xi32>
      %swap3A_203 = vector.shape_cast %min3A_199 : vector<16xi32> to vector<16xi32>
      tpu.vector_store %arg13[%swap3A_200], %swap3A_203 {strides = array<i32>} : memref<1024xi32, #tpu.memory_space<vmem>>, vector<16xi32>,
      %get3A_204 = arith.constant 208 : index
      %get3A_205 = tpu.vector_load %arg13[%get3A_204] {strides = array<i32>} : memref<1024xi32, #tpu.memory_space<vmem>>, vector<16xi32>,
      %get3A_206 = vector.shape_cast %get3A_205 : vector<16xi32> to vector<16xi32>
      %max3A_207 = arith.constant 0 : i32
      %max3A_208 = vector.broadcast %max3A_207 : i32 to vector<16xi32>
      %max3A_209 = arith.maxsi %get3A_206, %max3A_208 : vector<16xi32>
      %min3A_210 = arith.constant 36863 : i32
      %min3A_211 = vector.broadcast %min3A_210 : i32 to vector<16xi32>
      %min3A_212 = arith.minsi %max3A_209, %min3A_211 : vector<16xi32>
      %swap3A_213 = arith.constant 208 : index
      %swap3A_214 = tpu.vector_load %arg13[%swap3A_213] {strides = array<i32>} : memref<1024xi32, #tpu.memory_space<vmem>>, vector<16xi32>,
      %swap3A_215 = vector.shape_cast %swap3A_214 : vector<16xi32> to vector<16xi32>
      %swap3A_216 = vector.shape_cast %min3A_212 : vector<16xi32> to vector<16xi32>
      tpu.vector_store %arg13[%swap3A_213], %swap3A_216 {strides = array<i32>} : memref<1024xi32, #tpu.memory_space<vmem>>, vector<16xi32>,
      %get3A_217 = arith.constant 224 : index
      %get3A_218 = tpu.vector_load %arg13[%get3A_217] {strides = array<i32>} : memref<1024xi32, #tpu.memory_space<vmem>>, vector<16xi32>,
      %get3A_219 = vector.shape_cast %get3A_218 : vector<16xi32> to vector<16xi32>
      %max3A_220 = arith.constant 0 : i32
      %max3A_221 = vector.broadcast %max3A_220 : i32 to vector<16xi32>
      %max3A_222 = arith.maxsi %get3A_219, %max3A_221 : vector<16xi32>
      %min3A_223 = arith.constant 36863 : i32
      %min3A_224 = vector.broadcast %min3A_223 : i32 to vector<16xi32>
      %min3A_225 = arith.minsi %max3A_222, %min3A_224 : vector<16xi32>
      %swap3A_226 = arith.constant 224 : index
      %swap3A_227 = tpu.vector_load %arg13[%swap3A_226] {strides = array<i32>} : memref<1024xi32, #tpu.memory_space<vmem>>, vector<16xi32>,
      %swap3A_228 = vector.shape_cast %swap3A_227 : vector<16xi32> to vector<16xi32>
      %swap3A_229 = vector.shape_cast %min3A_225 : vector<16xi32> to vector<16xi32>
      tpu.vector_store %arg13[%swap3A_226], %swap3A_229 {strides = array<i32>} : memref<1024xi32, #tpu.memory_space<vmem>>, vector<16xi32>,
      %get3A_230 = arith.constant 240 : index
      %get3A_231 = tpu.vector_load %arg13[%get3A_230] {strides = array<i32>} : memref<1024xi32, #tpu.memory_space<vmem>>, vector<16xi32>,
      %get3A_232 = vector.shape_cast %get3A_231 : vector<16xi32> to vector<16xi32>
      %max3A_233 = arith.constant 0 : i32
      %max3A_234 = vector.broadcast %max3A_233 : i32 to vector<16xi32>
      %max3A_235 = arith.maxsi %get3A_232, %max3A_234 : vector<16xi32>
      %min3A_236 = arith.constant 36863 : i32
      %min3A_237 = vector.broadcast %min3A_236 : i32 to vector<16xi32>
      %min3A_238 = arith.minsi %max3A_235, %min3A_237 : vector<16xi32>
      %swap3A_239 = arith.constant 240 : index
      %swap3A_240 = tpu.vector_load %arg13[%swap3A_239] {strides = array<i32>} : memref<1024xi32, #tpu.memory_space<vmem>>, vector<16xi32>,
      %swap3A_241 = vector.shape_cast %swap3A_240 : vector<16xi32> to vector<16xi32>
      %swap3A_242 = vector.shape_cast %min3A_238 : vector<16xi32> to vector<16xi32>
      tpu.vector_store %arg13[%swap3A_239], %swap3A_242 {strides = array<i32>} : memref<1024xi32, #tpu.memory_space<vmem>>, vector<16xi32>,
      %get3A_243 = arith.constant 256 : index
      %get3A_244 = tpu.vector_load %arg13[%get3A_243] {strides = array<i32>} : memref<1024xi32, #tpu.memory_space<vmem>>, vector<16xi32>,
      %get3A_245 = vector.shape_cast %get3A_244 : vector<16xi32> to vector<16xi32>
      %max3A_246 = arith.constant 0 : i32
      %max3A_247 = vector.broadcast %max3A_246 : i32 to vector<16xi32>
      %max3A_248 = arith.maxsi %get3A_245, %max3A_247 : vector<16xi32>
      %min3A_249 = arith.constant 36863 : i32
      %min3A_250 = vector.broadcast %min3A_249 : i32 to vector<16xi32>
      %min3A_251 = arith.minsi %max3A_248, %min3A_250 : vector<16xi32>
      %swap3A_252 = arith.constant 256 : index
      %swap3A_253 = tpu.vector_load %arg13[%swap3A_252] {strides = array<i32>} : memref<1024xi32, #tpu.memory_space<vmem>>, vector<16xi32>,
      %swap3A_254 = vector.shape_cast %swap3A_253 : vector<16xi32> to vector<16xi32>
      %swap3A_255 = vector.shape_cast %min3A_251 : vector<16xi32> to vector<16xi32>
      tpu.vector_store %arg13[%swap3A_252], %swap3A_255 {strides = array<i32>} : memref<1024xi32, #tpu.memory_space<vmem>>, vector<16xi32>,
      %get3A_256 = arith.constant 272 : index
      %get3A_257 = tpu.vector_load %arg13[%get3A_256] {strides = array<i32>} : memref<1024xi32, #tpu.memory_space<vmem>>, vector<16xi32>,
      %get3A_258 = vector.shape_cast %get3A_257 : vector<16xi32> to vector<16xi32>
      %max3A_259 = arith.constant 0 : i32
      %max3A_260 = vector.broadcast %max3A_259 : i32 to vector<16xi32>
      %max3A_261 = arith.maxsi %get3A_258, %max3A_260 : vector<16xi32>
      %min3A_262 = arith.constant 36863 : i32
      %min3A_263 = vector.broadcast %min3A_262 : i32 to vector<16xi32>
      %min3A_264 = arith.minsi %max3A_261, %min3A_263 : vector<16xi32>
      %swap3A_265 = arith.constant 272 : index
      %swap3A_266 = tpu.vector_load %arg13[%swap3A_265] {strides = array<i32>} : memref<1024xi32, #tpu.memory_space<vmem>>, vector<16xi32>,
      %swap3A_267 = vector.shape_cast %swap3A_266 : vector<16xi32> to vector<16xi32>
      %swap3A_268 = vector.shape_cast %min3A_264 : vector<16xi32> to vector<16xi32>
      tpu.vector_store %arg13[%swap3A_265], %swap3A_268 {strides = array<i32>} : memref<1024xi32, #tpu.memory_space<vmem>>, vector<16xi32>,
      %get3A_269 = arith.constant 288 : index
      %get3A_270 = tpu.vector_load %arg13[%get3A_269] {strides = array<i32>} : memref<1024xi32, #tpu.memory_space<vmem>>, vector<16xi32>,
      %get3A_271 = vector.shape_cast %get3A_270 : vector<16xi32> to vector<16xi32>
      %max3A_272 = arith.constant 0 : i32
      %max3A_273 = vector.broadcast %max3A_272 : i32 to vector<16xi32>
      %max3A_274 = arith.maxsi %get3A_271, %max3A_273 : vector<16xi32>
      %min3A_275 = arith.constant 36863 : i32
      %min3A_276 = vector.broadcast %min3A_275 : i32 to vector<16xi32>
      %min3A_277 = arith.minsi %max3A_274, %min3A_276 : vector<16xi32>
      %swap3A_278 = arith.constant 288 : index
      %swap3A_279 = tpu.vector_load %arg13[%swap3A_278] {strides = array<i32>} : memref<1024xi32, #tpu.memory_space<vmem>>, vector<16xi32>,
      %swap3A_280 = vector.shape_cast %swap3A_279 : vector<16xi32> to vector<16xi32>
      %swap3A_281 = vector.shape_cast %min3A_277 : vector<16xi32> to vector<16xi32>
      tpu.vector_store %arg13[%swap3A_278], %swap3A_281 {strides = array<i32>} : memref<1024xi32, #tpu.memory_space<vmem>>, vector<16xi32>,
      %get3A_282 = arith.constant 304 : index
      %get3A_283 = tpu.vector_load %arg13[%get3A_282] {strides = array<i32>} : memref<1024xi32, #tpu.memory_space<vmem>>, vector<16xi32>,
      %get3A_284 = vector.shape_cast %get3A_283 : vector<16xi32> to vector<16xi32>
      %max3A_285 = arith.constant 0 : i32
      %max3A_286 = vector.broadcast %max3A_285 : i32 to vector<16xi32>
      %max3A_287 = arith.maxsi %get3A_284, %max3A_286 : vector<16xi32>
      %min3A_288 = arith.constant 36863 : i32
      %min3A_289 = vector.broadcast %min3A_288 : i32 to vector<16xi32>
      %min3A_290 = arith.minsi %max3A_287, %min3A_289 : vector<16xi32>
      %swap3A_291 = arith.constant 304 : index
      %swap3A_292 = tpu.vector_load %arg13[%swap3A_291] {strides = array<i32>} : memref<1024xi32, #tpu.memory_space<vmem>>, vector<16xi32>,
      %swap3A_293 = vector.shape_cast %swap3A_292 : vector<16xi32> to vector<16xi32>
      %swap3A_294 = vector.shape_cast %min3A_290 : vector<16xi32> to vector<16xi32>
      tpu.vector_store %arg13[%swap3A_291], %swap3A_294 {strides = array<i32>} : memref<1024xi32, #tpu.memory_space<vmem>>, vector<16xi32>,
      %get3A_295 = arith.constant 320 : index
      %get3A_296 = tpu.vector_load %arg13[%get3A_295] {strides = array<i32>} : memref<1024xi32, #tpu.memory_space<vmem>>, vector<16xi32>,
      %get3A_297 = vector.shape_cast %get3A_296 : vector<16xi32> to vector<16xi32>
      %max3A_298 = arith.constant 0 : i32
      %max3A_299 = vector.broadcast %max3A_298 : i32 to vector<16xi32>
      %max3A_300 = arith.maxsi %get3A_297, %max3A_299 : vector<16xi32>
      %min3A_301 = arith.constant 36863 : i32
      %min3A_302 = vector.broadcast %min3A_301 : i32 to vector<16xi32>
      %min3A_303 = arith.minsi %max3A_300, %min3A_302 : vector<16xi32>
      %swap3A_304 = arith.constant 320 : index
      %swap3A_305 = tpu.vector_load %arg13[%swap3A_304] {strides = array<i32>} : memref<1024xi32, #tpu.memory_space<vmem>>, vector<16xi32>,
      %swap3A_306 = vector.shape_cast %swap3A_305 : vector<16xi32> to vector<16xi32>
      %swap3A_307 = vector.shape_cast %min3A_303 : vector<16xi32> to vector<16xi32>
      tpu.vector_store %arg13[%swap3A_304], %swap3A_307 {strides = array<i32>} : memref<1024xi32, #tpu.memory_space<vmem>>, vector<16xi32>,
      %get3A_308 = arith.constant 336 : index
      %get3A_309 = tpu.vector_load %arg13[%get3A_308] {strides = array<i32>} : memref<1024xi32, #tpu.memory_space<vmem>>, vector<16xi32>,
      %get3A_310 = vector.shape_cast %get3A_309 : vector<16xi32> to vector<16xi32>
      %max3A_311 = arith.constant 0 : i32
      %max3A_312 = vector.broadcast %max3A_311 : i32 to vector<16xi32>
      %max3A_313 = arith.maxsi %get3A_310, %max3A_312 : vector<16xi32>
      %min3A_314 = arith.constant 36863 : i32
      %min3A_315 = vector.broadcast %min3A_314 : i32 to vector<16xi32>
      %min3A_316 = arith.minsi %max3A_313, %min3A_315 : vector<16xi32>
      %swap3A_317 = arith.constant 336 : index
      %swap3A_318 = tpu.vector_load %arg13[%swap3A_317] {strides = array<i32>} : memref<1024xi32, #tpu.memory_space<vmem>>, vector<16xi32>,
      %swap3A_319 = vector.shape_cast %swap3A_318 : vector<16xi32> to vector<16xi32>
      %swap3A_320 = vector.shape_cast %min3A_316 : vector<16xi32> to vector<16xi32>
      tpu.vector_store %arg13[%swap3A_317], %swap3A_320 {strides = array<i32>} : memref<1024xi32, #tpu.memory_space<vmem>>, vector<16xi32>,
      %get3A_321 = arith.constant 352 : index
      %get3A_322 = tpu.vector_load %arg13[%get3A_321] {strides = array<i32>} : memref<1024xi32, #tpu.memory_space<vmem>>, vector<16xi32>,
      %get3A_323 = vector.shape_cast %get3A_322 : vector<16xi32> to vector<16xi32>
      %max3A_324 = arith.constant 0 : i32
      %max3A_325 = vector.broadcast %max3A_324 : i32 to vector<16xi32>
      %max3A_326 = arith.maxsi %get3A_323, %max3A_325 : vector<16xi32>
      %min3A_327 = arith.constant 36863 : i32
      %min3A_328 = vector.broadcast %min3A_327 : i32 to vector<16xi32>
      %min3A_329 = arith.minsi %max3A_326, %min3A_328 : vector<16xi32>
      %swap3A_330 = arith.constant 352 : index
      %swap3A_331 = tpu.vector_load %arg13[%swap3A_330] {strides = array<i32>} : memref<1024xi32, #tpu.memory_space<vmem>>, vector<16xi32>,
      %swap3A_332 = vector.shape_cast %swap3A_331 : vector<16xi32> to vector<16xi32>
      %swap3A_333 = vector.shape_cast %min3A_329 : vector<16xi32> to vector<16xi32>
      tpu.vector_store %arg13[%swap3A_330], %swap3A_333 {strides = array<i32>} : memref<1024xi32, #tpu.memory_space<vmem>>, vector<16xi32>,
      %get3A_334 = arith.constant 368 : index
      %get3A_335 = tpu.vector_load %arg13[%get3A_334] {strides = array<i32>} : memref<1024xi32, #tpu.memory_space<vmem>>, vector<16xi32>,
      %get3A_336 = vector.shape_cast %get3A_335 : vector<16xi32> to vector<16xi32>
      %max3A_337 = arith.constant 0 : i32
      %max3A_338 = vector.broadcast %max3A_337 : i32 to vector<16xi32>
      %max3A_339 = arith.maxsi %get3A_336, %max3A_338 : vector<16xi32>
      %min3A_340 = arith.constant 36863 : i32
      %min3A_341 = vector.broadcast %min3A_340 : i32 to vector<16xi32>
      %min3A_342 = arith.minsi %max3A_339, %min3A_341 : vector<16xi32>
      %swap3A_343 = arith.constant 368 : index
      %swap3A_344 = tpu.vector_load %arg13[%swap3A_343] {strides = array<i32>} : memref<1024xi32, #tpu.memory_space<vmem>>, vector<16xi32>,
      %swap3A_345 = vector.shape_cast %swap3A_344 : vector<16xi32> to vector<16xi32>
      %swap3A_346 = vector.shape_cast %min3A_342 : vector<16xi32> to vector<16xi32>
      tpu.vector_store %arg13[%swap3A_343], %swap3A_346 {strides = array<i32>} : memref<1024xi32, #tpu.memory_space<vmem>>, vector<16xi32>,
      %get3A_347 = arith.constant 384 : index
      %get3A_348 = tpu.vector_load %arg13[%get3A_347] {strides = array<i32>} : memref<1024xi32, #tpu.memory_space<vmem>>, vector<16xi32>,
      %get3A_349 = vector.shape_cast %get3A_348 : vector<16xi32> to vector<16xi32>
      %max3A_350 = arith.constant 0 : i32
      %max3A_351 = vector.broadcast %max3A_350 : i32 to vector<16xi32>
      %max3A_352 = arith.maxsi %get3A_349, %max3A_351 : vector<16xi32>
      %min3A_353 = arith.constant 36863 : i32
      %min3A_354 = vector.broadcast %min3A_353 : i32 to vector<16xi32>
      %min3A_355 = arith.minsi %max3A_352, %min3A_354 : vector<16xi32>
      %swap3A_356 = arith.constant 384 : index
      %swap3A_357 = tpu.vector_load %arg13[%swap3A_356] {strides = array<i32>} : memref<1024xi32, #tpu.memory_space<vmem>>, vector<16xi32>,
      %swap3A_358 = vector.shape_cast %swap3A_357 : vector<16xi32> to vector<16xi32>
      %swap3A_359 = vector.shape_cast %min3A_355 : vector<16xi32> to vector<16xi32>
      tpu.vector_store %arg13[%swap3A_356], %swap3A_359 {strides = array<i32>} : memref<1024xi32, #tpu.memory_space<vmem>>, vector<16xi32>,
      %get3A_360 = arith.constant 400 : index
      %get3A_361 = tpu.vector_load %arg13[%get3A_360] {strides = array<i32>} : memref<1024xi32, #tpu.memory_space<vmem>>, vector<16xi32>,
      %get3A_362 = vector.shape_cast %get3A_361 : vector<16xi32> to vector<16xi32>
      %max3A_363 = arith.constant 0 : i32
      %max3A_364 = vector.broadcast %max3A_363 : i32 to vector<16xi32>
      %max3A_365 = arith.maxsi %get3A_362, %max3A_364 : vector<16xi32>
      %min3A_366 = arith.constant 36863 : i32
      %min3A_367 = vector.broadcast %min3A_366 : i32 to vector<16xi32>
      %min3A_368 = arith.minsi %max3A_365, %min3A_367 : vector<16xi32>
      %swap3A_369 = arith.constant 400 : index
      %swap3A_370 = tpu.vector_load %arg13[%swap3A_369] {strides = array<i32>} : memref<1024xi32, #tpu.memory_space<vmem>>, vector<16xi32>,
      %swap3A_371 = vector.shape_cast %swap3A_370 : vector<16xi32> to vector<16xi32>
      %swap3A_372 = vector.shape_cast %min3A_368 : vector<16xi32> to vector<16xi32>
      tpu.vector_store %arg13[%swap3A_369], %swap3A_372 {strides = array<i32>} : memref<1024xi32, #tpu.memory_space<vmem>>, vector<16xi32>,
      %get3A_373 = arith.constant 416 : index
      %get3A_374 = tpu.vector_load %arg13[%get3A_373] {strides = array<i32>} : memref<1024xi32, #tpu.memory_space<vmem>>, vector<16xi32>,
      %get3A_375 = vector.shape_cast %get3A_374 : vector<16xi32> to vector<16xi32>
      %max3A_376 = arith.constant 0 : i32
      %max3A_377 = vector.broadcast %max3A_376 : i32 to vector<16xi32>
      %max3A_378 = arith.maxsi %get3A_375, %max3A_377 : vector<16xi32>
      %min3A_379 = arith.constant 36863 : i32
      %min3A_380 = vector.broadcast %min3A_379 : i32 to vector<16xi32>
      %min3A_381 = arith.minsi %max3A_378, %min3A_380 : vector<16xi32>
      %swap3A_382 = arith.constant 416 : index
      %swap3A_383 = tpu.vector_load %arg13[%swap3A_382] {strides = array<i32>} : memref<1024xi32, #tpu.memory_space<vmem>>, vector<16xi32>,
      %swap3A_384 = vector.shape_cast %swap3A_383 : vector<16xi32> to vector<16xi32>
      %swap3A_385 = vector.shape_cast %min3A_381 : vector<16xi32> to vector<16xi32>
      tpu.vector_store %arg13[%swap3A_382], %swap3A_385 {strides = array<i32>} : memref<1024xi32, #tpu.memory_space<vmem>>, vector<16xi32>,
      %get3A_386 = arith.constant 432 : index
      %get3A_387 = tpu.vector_load %arg13[%get3A_386] {strides = array<i32>} : memref<1024xi32, #tpu.memory_space<vmem>>, vector<16xi32>,
      %get3A_388 = vector.shape_cast %get3A_387 : vector<16xi32> to vector<16xi32>
      %max3A_389 = arith.constant 0 : i32
      %max3A_390 = vector.broadcast %max3A_389 : i32 to vector<16xi32>
      %max3A_391 = arith.maxsi %get3A_388, %max3A_390 : vector<16xi32>
      %min3A_392 = arith.constant 36863 : i32
      %min3A_393 = vector.broadcast %min3A_392 : i32 to vector<16xi32>
      %min3A_394 = arith.minsi %max3A_391, %min3A_393 : vector<16xi32>
      %swap3A_395 = arith.constant 432 : index
      %swap3A_396 = tpu.vector_load %arg13[%swap3A_395] {strides = array<i32>} : memref<1024xi32, #tpu.memory_space<vmem>>, vector<16xi32>,
      %swap3A_397 = vector.shape_cast %swap3A_396 : vector<16xi32> to vector<16xi32>
      %swap3A_398 = vector.shape_cast %min3A_394 : vector<16xi32> to vector<16xi32>
      tpu.vector_store %arg13[%swap3A_395], %swap3A_398 {strides = array<i32>} : memref<1024xi32, #tpu.memory_space<vmem>>, vector<16xi32>,
      %get3A_399 = arith.constant 448 : index
      %get3A_400 = tpu.vector_load %arg13[%get3A_399] {strides = array<i32>} : memref<1024xi32, #tpu.memory_space<vmem>>, vector<16xi32>,
      %get3A_401 = vector.shape_cast %get3A_400 : vector<16xi32> to vector<16xi32>
      %max3A_402 = arith.constant 0 : i32
      %max3A_403 = vector.broadcast %max3A_402 : i32 to vector<16xi32>
      %max3A_404 = arith.maxsi %get3A_401, %max3A_403 : vector<16xi32>
      %min3A_405 = arith.constant 36863 : i32
      %min3A_406 = vector.broadcast %min3A_405 : i32 to vector<16xi32>
      %min3A_407 = arith.minsi %max3A_404, %min3A_406 : vector<16xi32>
      %swap3A_408 = arith.constant 448 : index
      %swap3A_409 = tpu.vector_load %arg13[%swap3A_408] {strides = array<i32>} : memref<1024xi32, #tpu.memory_space<vmem>>, vector<16xi32>,
      %swap3A_410 = vector.shape_cast %swap3A_409 : vector<16xi32> to vector<16xi32>
      %swap3A_411 = vector.shape_cast %min3A_407 : vector<16xi32> to vector<16xi32>
      tpu.vector_store %arg13[%swap3A_408], %swap3A_411 {strides = array<i32>} : memref<1024xi32, #tpu.memory_space<vmem>>, vector<16xi32>,
      %get3A_412 = arith.constant 464 : index
      %get3A_413 = tpu.vector_load %arg13[%get3A_412] {strides = array<i32>} : memref<1024xi32, #tpu.memory_space<vmem>>, vector<16xi32>,
      %get3A_414 = vector.shape_cast %get3A_413 : vector<16xi32> to vector<16xi32>
      %max3A_415 = arith.constant 0 : i32
      %max3A_416 = vector.broadcast %max3A_415 : i32 to vector<16xi32>
      %max3A_417 = arith.maxsi %get3A_414, %max3A_416 : vector<16xi32>
      %min3A_418 = arith.constant 36863 : i32
      %min3A_419 = vector.broadcast %min3A_418 : i32 to vector<16xi32>
      %min3A_420 = arith.minsi %max3A_417, %min3A_419 : vector<16xi32>
      %swap3A_421 = arith.constant 464 : index
      %swap3A_422 = tpu.vector_load %arg13[%swap3A_421] {strides = array<i32>} : memref<1024xi32, #tpu.memory_space<vmem>>, vector<16xi32>,
      %swap3A_423 = vector.shape_cast %swap3A_422 : vector<16xi32> to vector<16xi32>
      %swap3A_424 = vector.shape_cast %min3A_420 : vector<16xi32> to vector<16xi32>
      tpu.vector_store %arg13[%swap3A_421], %swap3A_424 {strides = array<i32>} : memref<1024xi32, #tpu.memory_space<vmem>>, vector<16xi32>,
      %get3A_425 = arith.constant 480 : index
      %get3A_426 = tpu.vector_load %arg13[%get3A_425] {strides = array<i32>} : memref<1024xi32, #tpu.memory_space<vmem>>, vector<16xi32>,
      %get3A_427 = vector.shape_cast %get3A_426 : vector<16xi32> to vector<16xi32>
      %max3A_428 = arith.constant 0 : i32
      %max3A_429 = vector.broadcast %max3A_428 : i32 to vector<16xi32>
      %max3A_430 = arith.maxsi %get3A_427, %max3A_429 : vector<16xi32>
      %min3A_431 = arith.constant 36863 : i32
      %min3A_432 = vector.broadcast %min3A_431 : i32 to vector<16xi32>
      %min3A_433 = arith.minsi %max3A_430, %min3A_432 : vector<16xi32>
      %swap3A_434 = arith.constant 480 : index
      %swap3A_435 = tpu.vector_load %arg13[%swap3A_434] {strides = array<i32>} : memref<1024xi32, #tpu.memory_space<vmem>>, vector<16xi32>,
      %swap3A_436 = vector.shape_cast %swap3A_435 : vector<16xi32> to vector<16xi32>
      %swap3A_437 = vector.shape_cast %min3A_433 : vector<16xi32> to vector<16xi32>
      tpu.vector_store %arg13[%swap3A_434], %swap3A_437 {strides = array<i32>} : memref<1024xi32, #tpu.memory_space<vmem>>, vector<16xi32>,
      %get3A_438 = arith.constant 496 : index
      %get3A_439 = tpu.vector_load %arg13[%get3A_438] {strides = array<i32>} : memref<1024xi32, #tpu.memory_space<vmem>>, vector<16xi32>,
      %get3A_440 = vector.shape_cast %get3A_439 : vector<16xi32> to vector<16xi32>
      %max3A_441 = arith.constant 0 : i32
      %max3A_442 = vector.broadcast %max3A_441 : i32 to vector<16xi32>
      %max3A_443 = arith.maxsi %get3A_440, %max3A_442 : vector<16xi32>
      %min3A_444 = arith.constant 36863 : i32
      %min3A_445 = vector.broadcast %min3A_444 : i32 to vector<16xi32>
      %min3A_446 = arith.minsi %max3A_443, %min3A_445 : vector<16xi32>
      %swap3A_447 = arith.constant 496 : index
      %swap3A_448 = tpu.vector_load %arg13[%swap3A_447] {strides = array<i32>} : memref<1024xi32, #tpu.memory_space<vmem>>, vector<16xi32>,
      %swap3A_449 = vector.shape_cast %swap3A_448 : vector<16xi32> to vector<16xi32>
      %swap3A_450 = vector.shape_cast %min3A_446 : vector<16xi32> to vector<16xi32>
      tpu.vector_store %arg13[%swap3A_447], %swap3A_450 {strides = array<i32>} : memref<1024xi32, #tpu.memory_space<vmem>>, vector<16xi32>,
      %get3A_451 = arith.constant 512 : index
      %get3A_452 = tpu.vector_load %arg13[%get3A_451] {strides = array<i32>} : memref<1024xi32, #tpu.memory_space<vmem>>, vector<16xi32>,
      %get3A_453 = vector.shape_cast %get3A_452 : vector<16xi32> to vector<16xi32>
      %max3A_454 = arith.constant 0 : i32
      %max3A_455 = vector.broadcast %max3A_454 : i32 to vector<16xi32>
      %max3A_456 = arith.maxsi %get3A_453, %max3A_455 : vector<16xi32>
      %min3A_457 = arith.constant 36863 : i32
      %min3A_458 = vector.broadcast %min3A_457 : i32 to vector<16xi32>
      %min3A_459 = arith.minsi %max3A_456, %min3A_458 : vector<16xi32>
      %swap3A_460 = arith.constant 512 : index
      %swap3A_461 = tpu.vector_load %arg13[%swap3A_460] {strides = array<i32>} : memref<1024xi32, #tpu.memory_space<vmem>>, vector<16xi32>,
      %swap3A_462 = vector.shape_cast %swap3A_461 : vector<16xi32> to vector<16xi32>
      %swap3A_463 = vector.shape_cast %min3A_459 : vector<16xi32> to vector<16xi32>
      tpu.vector_store %arg13[%swap3A_460], %swap3A_463 {strides = array<i32>} : memref<1024xi32, #tpu.memory_space<vmem>>, vector<16xi32>,
      %get3A_464 = arith.constant 528 : index
      %get3A_465 = tpu.vector_load %arg13[%get3A_464] {strides = array<i32>} : memref<1024xi32, #tpu.memory_space<vmem>>, vector<16xi32>,
      %get3A_466 = vector.shape_cast %get3A_465 : vector<16xi32> to vector<16xi32>
      %max3A_467 = arith.constant 0 : i32
      %max3A_468 = vector.broadcast %max3A_467 : i32 to vector<16xi32>
      %max3A_469 = arith.maxsi %get3A_466, %max3A_468 : vector<16xi32>
      %min3A_470 = arith.constant 36863 : i32
      %min3A_471 = vector.broadcast %min3A_470 : i32 to vector<16xi32>
      %min3A_472 = arith.minsi %max3A_469, %min3A_471 : vector<16xi32>
      %swap3A_473 = arith.constant 528 : index
      %swap3A_474 = tpu.vector_load %arg13[%swap3A_473] {strides = array<i32>} : memref<1024xi32, #tpu.memory_space<vmem>>, vector<16xi32>,
      %swap3A_475 = vector.shape_cast %swap3A_474 : vector<16xi32> to vector<16xi32>
      %swap3A_476 = vector.shape_cast %min3A_472 : vector<16xi32> to vector<16xi32>
      tpu.vector_store %arg13[%swap3A_473], %swap3A_476 {strides = array<i32>} : memref<1024xi32, #tpu.memory_space<vmem>>, vector<16xi32>,
      %get3A_477 = arith.constant 544 : index
      %get3A_478 = tpu.vector_load %arg13[%get3A_477] {strides = array<i32>} : memref<1024xi32, #tpu.memory_space<vmem>>, vector<16xi32>,
      %get3A_479 = vector.shape_cast %get3A_478 : vector<16xi32> to vector<16xi32>
      %max3A_480 = arith.constant 0 : i32
      %max3A_481 = vector.broadcast %max3A_480 : i32 to vector<16xi32>
      %max3A_482 = arith.maxsi %get3A_479, %max3A_481 : vector<16xi32>
      %min3A_483 = arith.constant 36863 : i32
      %min3A_484 = vector.broadcast %min3A_483 : i32 to vector<16xi32>
      %min3A_485 = arith.minsi %max3A_482, %min3A_484 : vector<16xi32>
      %swap3A_486 = arith.constant 544 : index
      %swap3A_487 = tpu.vector_load %arg13[%swap3A_486] {strides = array<i32>} : memref<1024xi32, #tpu.memory_space<vmem>>, vector<16xi32>,
      %swap3A_488 = vector.shape_cast %swap3A_487 : vector<16xi32> to vector<16xi32>
      %swap3A_489 = vector.shape_cast %min3A_485 : vector<16xi32> to vector<16xi32>
      tpu.vector_store %arg13[%swap3A_486], %swap3A_489 {strides = array<i32>} : memref<1024xi32, #tpu.memory_space<vmem>>, vector<16xi32>,
      %get3A_490 = arith.constant 560 : index
      %get3A_491 = tpu.vector_load %arg13[%get3A_490] {strides = array<i32>} : memref<1024xi32, #tpu.memory_space<vmem>>, vector<16xi32>,
      %get3A_492 = vector.shape_cast %get3A_491 : vector<16xi32> to vector<16xi32>
      %max3A_493 = arith.constant 0 : i32
      %max3A_494 = vector.broadcast %max3A_493 : i32 to vector<16xi32>
      %max3A_495 = arith.maxsi %get3A_492, %max3A_494 : vector<16xi32>
      %min3A_496 = arith.constant 36863 : i32
      %min3A_497 = vector.broadcast %min3A_496 : i32 to vector<16xi32>
      %min3A_498 = arith.minsi %max3A_495, %min3A_497 : vector<16xi32>
      %swap3A_499 = arith.constant 560 : index
      %swap3A_500 = tpu.vector_load %arg13[%swap3A_499] {strides = array<i32>} : memref<1024xi32, #tpu.memory_space<vmem>>, vector<16xi32>,
      %swap3A_501 = vector.shape_cast %swap3A_500 : vector<16xi32> to vector<16xi32>
      %swap3A_502 = vector.shape_cast %min3A_498 : vector<16xi32> to vector<16xi32>
      tpu.vector_store %arg13[%swap3A_499], %swap3A_502 {strides = array<i32>} : memref<1024xi32, #tpu.memory_space<vmem>>, vector<16xi32>,
      %get3A_503 = arith.constant 576 : index
      %get3A_504 = tpu.vector_load %arg13[%get3A_503] {strides = array<i32>} : memref<1024xi32, #tpu.memory_space<vmem>>, vector<16xi32>,
      %get3A_505 = vector.shape_cast %get3A_504 : vector<16xi32> to vector<16xi32>
      %max3A_506 = arith.constant 0 : i32
      %max3A_507 = vector.broadcast %max3A_506 : i32 to vector<16xi32>
      %max3A_508 = arith.maxsi %get3A_505, %max3A_507 : vector<16xi32>
      %min3A_509 = arith.constant 36863 : i32
      %min3A_510 = vector.broadcast %min3A_509 : i32 to vector<16xi32>
      %min3A_511 = arith.minsi %max3A_508, %min3A_510 : vector<16xi32>
      %swap3A_512 = arith.constant 576 : index
      %swap3A_513 = tpu.vector_load %arg13[%swap3A_512] {strides = array<i32>} : memref<1024xi32, #tpu.memory_space<vmem>>, vector<16xi32>,
      %swap3A_514 = vector.shape_cast %swap3A_513 : vector<16xi32> to vector<16xi32>
      %swap3A_515 = vector.shape_cast %min3A_511 : vector<16xi32> to vector<16xi32>
      tpu.vector_store %arg13[%swap3A_512], %swap3A_515 {strides = array<i32>} : memref<1024xi32, #tpu.memory_space<vmem>>, vector<16xi32>,
      %get3A_516 = arith.constant 592 : index
      %get3A_517 = tpu.vector_load %arg13[%get3A_516] {strides = array<i32>} : memref<1024xi32, #tpu.memory_space<vmem>>, vector<16xi32>,
      %get3A_518 = vector.shape_cast %get3A_517 : vector<16xi32> to vector<16xi32>
      %max3A_519 = arith.constant 0 : i32
      %max3A_520 = vector.broadcast %max3A_519 : i32 to vector<16xi32>
      %max3A_521 = arith.maxsi %get3A_518, %max3A_520 : vector<16xi32>
      %min3A_522 = arith.constant 36863 : i32
      %min3A_523 = vector.broadcast %min3A_522 : i32 to vector<16xi32>
      %min3A_524 = arith.minsi %max3A_521, %min3A_523 : vector<16xi32>
      %swap3A_525 = arith.constant 592 : index
      %swap3A_526 = tpu.vector_load %arg13[%swap3A_525] {strides = array<i32>} : memref<1024xi32, #tpu.memory_space<vmem>>, vector<16xi32>,
      %swap3A_527 = vector.shape_cast %swap3A_526 : vector<16xi32> to vector<16xi32>
      %swap3A_528 = vector.shape_cast %min3A_524 : vector<16xi32> to vector<16xi32>
      tpu.vector_store %arg13[%swap3A_525], %swap3A_528 {strides = array<i32>} : memref<1024xi32, #tpu.memory_space<vmem>>, vector<16xi32>,
      %get3A_529 = arith.constant 608 : index
      %get3A_530 = tpu.vector_load %arg13[%get3A_529] {strides = array<i32>} : memref<1024xi32, #tpu.memory_space<vmem>>, vector<16xi32>,
      %get3A_531 = vector.shape_cast %get3A_530 : vector<16xi32> to vector<16xi32>
      %max3A_532 = arith.constant 0 : i32
      %max3A_533 = vector.broadcast %max3A_532 : i32 to vector<16xi32>
      %max3A_534 = arith.maxsi %get3A_531, %max3A_533 : vector<16xi32>
      %min3A_535 = arith.constant 36863 : i32
      %min3A_536 = vector.broadcast %min3A_535 : i32 to vector<16xi32>
      %min3A_537 = arith.minsi %max3A_534, %min3A_536 : vector<16xi32>
      %swap3A_538 = arith.constant 608 : index
      %swap3A_539 = tpu.vector_load %arg13[%swap3A_538] {strides = array<i32>} : memref<1024xi32, #tpu.memory_space<vmem>>, vector<16xi32>,
      %swap3A_540 = vector.shape_cast %swap3A_539 : vector<16xi32> to vector<16xi32>
      %swap3A_541 = vector.shape_cast %min3A_537 : vector<16xi32> to vector<16xi32>
      tpu.vector_store %arg13[%swap3A_538], %swap3A_541 {strides = array<i32>} : memref<1024xi32, #tpu.memory_space<vmem>>, vector<16xi32>,
      %get3A_542 = arith.constant 624 : index
      %get3A_543 = tpu.vector_load %arg13[%get3A_542] {strides = array<i32>} : memref<1024xi32, #tpu.memory_space<vmem>>, vector<16xi32>,
      %get3A_544 = vector.shape_cast %get3A_543 : vector<16xi32> to vector<16xi32>
      %max3A_545 = arith.constant 0 : i32
      %max3A_546 = vector.broadcast %max3A_545 : i32 to vector<16xi32>
      %max3A_547 = arith.maxsi %get3A_544, %max3A_546 : vector<16xi32>
      %min3A_548 = arith.constant 36863 : i32
      %min3A_549 = vector.broadcast %min3A_548 : i32 to vector<16xi32>
      %min3A_550 = arith.minsi %max3A_547, %min3A_549 : vector<16xi32>
      %swap3A_551 = arith.constant 624 : index
      %swap3A_552 = tpu.vector_load %arg13[%swap3A_551] {strides = array<i32>} : memref<1024xi32, #tpu.memory_space<vmem>>, vector<16xi32>,
      %swap3A_553 = vector.shape_cast %swap3A_552 : vector<16xi32> to vector<16xi32>
      %swap3A_554 = vector.shape_cast %min3A_550 : vector<16xi32> to vector<16xi32>
      tpu.vector_store %arg13[%swap3A_551], %swap3A_554 {strides = array<i32>} : memref<1024xi32, #tpu.memory_space<vmem>>, vector<16xi32>,
      %get3A_555 = arith.constant 640 : index
      %get3A_556 = tpu.vector_load %arg13[%get3A_555] {strides = array<i32>} : memref<1024xi32, #tpu.memory_space<vmem>>, vector<16xi32>,
      %get3A_557 = vector.shape_cast %get3A_556 : vector<16xi32> to vector<16xi32>
      %max3A_558 = arith.constant 0 : i32
      %max3A_559 = vector.broadcast %max3A_558 : i32 to vector<16xi32>
      %max3A_560 = arith.maxsi %get3A_557, %max3A_559 : vector<16xi32>
      %min3A_561 = arith.constant 36863 : i32
      %min3A_562 = vector.broadcast %min3A_561 : i32 to vector<16xi32>
      %min3A_563 = arith.minsi %max3A_560, %min3A_562 : vector<16xi32>
      %swap3A_564 = arith.constant 640 : index
      %swap3A_565 = tpu.vector_load %arg13[%swap3A_564] {strides = array<i32>} : memref<1024xi32, #tpu.memory_space<vmem>>, vector<16xi32>,
      %swap3A_566 = vector.shape_cast %swap3A_565 : vector<16xi32> to vector<16xi32>
      %swap3A_567 = vector.shape_cast %min3A_563 : vector<16xi32> to vector<16xi32>
      tpu.vector_store %arg13[%swap3A_564], %swap3A_567 {strides = array<i32>} : memref<1024xi32, #tpu.memory_space<vmem>>, vector<16xi32>,
      %get3A_568 = arith.constant 656 : index
      %get3A_569 = tpu.vector_load %arg13[%get3A_568] {strides = array<i32>} : memref<1024xi32, #tpu.memory_space<vmem>>, vector<16xi32>,
      %get3A_570 = vector.shape_cast %get3A_569 : vector<16xi32> to vector<16xi32>
      %max3A_571 = arith.constant 0 : i32
      %max3A_572 = vector.broadcast %max3A_571 : i32 to vector<16xi32>
      %max3A_573 = arith.maxsi %get3A_570, %max3A_572 : vector<16xi32>
      %min3A_574 = arith.constant 36863 : i32
      %min3A_575 = vector.broadcast %min3A_574 : i32 to vector<16xi32>
      %min3A_576 = arith.minsi %max3A_573, %min3A_575 : vector<16xi32>
      %swap3A_577 = arith.constant 656 : index
      %swap3A_578 = tpu.vector_load %arg13[%swap3A_577] {strides = array<i32>} : memref<1024xi32, #tpu.memory_space<vmem>>, vector<16xi32>,
      %swap3A_579 = vector.shape_cast %swap3A_578 : vector<16xi32> to vector<16xi32>
      %swap3A_580 = vector.shape_cast %min3A_576 : vector<16xi32> to vector<16xi32>
      tpu.vector_store %arg13[%swap3A_577], %swap3A_580 {strides = array<i32>} : memref<1024xi32, #tpu.memory_space<vmem>>, vector<16xi32>,
      %get3A_581 = arith.constant 672 : index
      %get3A_582 = tpu.vector_load %arg13[%get3A_581] {strides = array<i32>} : memref<1024xi32, #tpu.memory_space<vmem>>, vector<16xi32>,
      %get3A_583 = vector.shape_cast %get3A_582 : vector<16xi32> to vector<16xi32>
      %max3A_584 = arith.constant 0 : i32
      %max3A_585 = vector.broadcast %max3A_584 : i32 to vector<16xi32>
      %max3A_586 = arith.maxsi %get3A_583, %max3A_585 : vector<16xi32>
      %min3A_587 = arith.constant 36863 : i32
      %min3A_588 = vector.broadcast %min3A_587 : i32 to vector<16xi32>
      %min3A_589 = arith.minsi %max3A_586, %min3A_588 : vector<16xi32>
      %swap3A_590 = arith.constant 672 : index
      %swap3A_591 = tpu.vector_load %arg13[%swap3A_590] {strides = array<i32>} : memref<1024xi32, #tpu.memory_space<vmem>>, vector<16xi32>,
      %swap3A_592 = vector.shape_cast %swap3A_591 : vector<16xi32> to vector<16xi32>
      %swap3A_593 = vector.shape_cast %min3A_589 : vector<16xi32> to vector<16xi32>
      tpu.vector_store %arg13[%swap3A_590], %swap3A_593 {strides = array<i32>} : memref<1024xi32, #tpu.memory_space<vmem>>, vector<16xi32>,
      %get3A_594 = arith.constant 688 : index
      %get3A_595 = tpu.vector_load %arg13[%get3A_594] {strides = array<i32>} : memref<1024xi32, #tpu.memory_space<vmem>>, vector<16xi32>,
      %get3A_596 = vector.shape_cast %get3A_595 : vector<16xi32> to vector<16xi32>
      %max3A_597 = arith.constant 0 : i32
      %max3A_598 = vector.broadcast %max3A_597 : i32 to vector<16xi32>
      %max3A_599 = arith.maxsi %get3A_596, %max3A_598 : vector<16xi32>
      %min3A_600 = arith.constant 36863 : i32
      %min3A_601 = vector.broadcast %min3A_600 : i32 to vector<16xi32>
      %min3A_602 = arith.minsi %max3A_599, %min3A_601 : vector<16xi32>
      %swap3A_603 = arith.constant 688 : index
      %swap3A_604 = tpu.vector_load %arg13[%swap3A_603] {strides = array<i32>} : memref<1024xi32, #tpu.memory_space<vmem>>, vector<16xi32>,
      %swap3A_605 = vector.shape_cast %swap3A_604 : vector<16xi32> to vector<16xi32>
      %swap3A_606 = vector.shape_cast %min3A_602 : vector<16xi32> to vector<16xi32>
      tpu.vector_store %arg13[%swap3A_603], %swap3A_606 {strides = array<i32>} : memref<1024xi32, #tpu.memory_space<vmem>>, vector<16xi32>,
      %get3A_607 = arith.constant 704 : index
      %get3A_608 = tpu.vector_load %arg13[%get3A_607] {strides = array<i32>} : memref<1024xi32, #tpu.memory_space<vmem>>, vector<16xi32>,
      %get3A_609 = vector.shape_cast %get3A_608 : vector<16xi32> to vector<16xi32>
      %max3A_610 = arith.constant 0 : i32
      %max3A_611 = vector.broadcast %max3A_610 : i32 to vector<16xi32>
      %max3A_612 = arith.maxsi %get3A_609, %max3A_611 : vector<16xi32>
      %min3A_613 = arith.constant 36863 : i32
      %min3A_614 = vector.broadcast %min3A_613 : i32 to vector<16xi32>
      %min3A_615 = arith.minsi %max3A_612, %min3A_614 : vector<16xi32>
      %swap3A_616 = arith.constant 704 : index
      %swap3A_617 = tpu.vector_load %arg13[%swap3A_616] {strides = array<i32>} : memref<1024xi32, #tpu.memory_space<vmem>>, vector<16xi32>,
      %swap3A_618 = vector.shape_cast %swap3A_617 : vector<16xi32> to vector<16xi32>
      %swap3A_619 = vector.shape_cast %min3A_615 : vector<16xi32> to vector<16xi32>
      tpu.vector_store %arg13[%swap3A_616], %swap3A_619 {strides = array<i32>} : memref<1024xi32, #tpu.memory_space<vmem>>, vector<16xi32>,
      %get3A_620 = arith.constant 720 : index
      %get3A_621 = tpu.vector_load %arg13[%get3A_620] {strides = array<i32>} : memref<1024xi32, #tpu.memory_space<vmem>>, vector<16xi32>,
      %get3A_622 = vector.shape_cast %get3A_621 : vector<16xi32> to vector<16xi32>
      %max3A_623 = arith.constant 0 : i32
      %max3A_624 = vector.broadcast %max3A_623 : i32 to vector<16xi32>
      %max3A_625 = arith.maxsi %get3A_622, %max3A_624 : vector<16xi32>
      %min3A_626 = arith.constant 36863 : i32
      %min3A_627 = vector.broadcast %min3A_626 : i32 to vector<16xi32>
      %min3A_628 = arith.minsi %max3A_625, %min3A_627 : vector<16xi32>
      %swap3A_629 = arith.constant 720 : index
      %swap3A_630 = tpu.vector_load %arg13[%swap3A_629] {strides = array<i32>} : memref<1024xi32, #tpu.memory_space<vmem>>, vector<16xi32>,
      %swap3A_631 = vector.shape_cast %swap3A_630 : vector<16xi32> to vector<16xi32>
      %swap3A_632 = vector.shape_cast %min3A_628 : vector<16xi32> to vector<16xi32>
      tpu.vector_store %arg13[%swap3A_629], %swap3A_632 {strides = array<i32>} : memref<1024xi32, #tpu.memory_space<vmem>>, vector<16xi32>,
      %get3A_633 = arith.constant 736 : index
      %get3A_634 = tpu.vector_load %arg13[%get3A_633] {strides = array<i32>} : memref<1024xi32, #tpu.memory_space<vmem>>, vector<16xi32>,
      %get3A_635 = vector.shape_cast %get3A_634 : vector<16xi32> to vector<16xi32>
      %max3A_636 = arith.constant 0 : i32
      %max3A_637 = vector.broadcast %max3A_636 : i32 to vector<16xi32>
      %max3A_638 = arith.maxsi %get3A_635, %max3A_637 : vector<16xi32>
      %min3A_639 = arith.constant 36863 : i32
      %min3A_640 = vector.broadcast %min3A_639 : i32 to vector<16xi32>
      %min3A_641 = arith.minsi %max3A_638, %min3A_640 : vector<16xi32>
      %swap3A_642 = arith.constant 736 : index
      %swap3A_643 = tpu.vector_load %arg13[%swap3A_642] {strides = array<i32>} : memref<1024xi32, #tpu.memory_space<vmem>>, vector<16xi32>,
      %swap3A_644 = vector.shape_cast %swap3A_643 : vector<16xi32> to vector<16xi32>
      %swap3A_645 = vector.shape_cast %min3A_641 : vector<16xi32> to vector<16xi32>
      tpu.vector_store %arg13[%swap3A_642], %swap3A_645 {strides = array<i32>} : memref<1024xi32, #tpu.memory_space<vmem>>, vector<16xi32>,
      %get3A_646 = arith.constant 752 : index
      %get3A_647 = tpu.vector_load %arg13[%get3A_646] {strides = array<i32>} : memref<1024xi32, #tpu.memory_space<vmem>>, vector<16xi32>,
      %get3A_648 = vector.shape_cast %get3A_647 : vector<16xi32> to vector<16xi32>
      %max3A_649 = arith.constant 0 : i32
      %max3A_650 = vector.broadcast %max3A_649 : i32 to vector<16xi32>
      %max3A_651 = arith.maxsi %get3A_648, %max3A_650 : vector<16xi32>
      %min3A_652 = arith.constant 36863 : i32
      %min3A_653 = vector.broadcast %min3A_652 : i32 to vector<16xi32>
      %min3A_654 = arith.minsi %max3A_651, %min3A_653 : vector<16xi32>
      %swap3A_655 = arith.constant 752 : index
      %swap3A_656 = tpu.vector_load %arg13[%swap3A_655] {strides = array<i32>} : memref<1024xi32, #tpu.memory_space<vmem>>, vector<16xi32>,
      %swap3A_657 = vector.shape_cast %swap3A_656 : vector<16xi32> to vector<16xi32>
      %swap3A_658 = vector.shape_cast %min3A_654 : vector<16xi32> to vector<16xi32>
      tpu.vector_store %arg13[%swap3A_655], %swap3A_658 {strides = array<i32>} : memref<1024xi32, #tpu.memory_space<vmem>>, vector<16xi32>,
      %get3A_659 = arith.constant 768 : index
      %get3A_660 = tpu.vector_load %arg13[%get3A_659] {strides = array<i32>} : memref<1024xi32, #tpu.memory_space<vmem>>, vector<16xi32>,
      %get3A_661 = vector.shape_cast %get3A_660 : vector<16xi32> to vector<16xi32>
      %max3A_662 = arith.constant 0 : i32
      %max3A_663 = vector.broadcast %max3A_662 : i32 to vector<16xi32>
      %max3A_664 = arith.maxsi %get3A_661, %max3A_663 : vector<16xi32>
      %min3A_665 = arith.constant 36863 : i32
      %min3A_666 = vector.broadcast %min3A_665 : i32 to vector<16xi32>
      %min3A_667 = arith.minsi %max3A_664, %min3A_666 : vector<16xi32>
      %swap3A_668 = arith.constant 768 : index
      %swap3A_669 = tpu.vector_load %arg13[%swap3A_668] {strides = array<i32>} : memref<1024xi32, #tpu.memory_space<vmem>>, vector<16xi32>,
      %swap3A_670 = vector.shape_cast %swap3A_669 : vector<16xi32> to vector<16xi32>
      %swap3A_671 = vector.shape_cast %min3A_667 : vector<16xi32> to vector<16xi32>
      tpu.vector_store %arg13[%swap3A_668], %swap3A_671 {strides = array<i32>} : memref<1024xi32, #tpu.memory_space<vmem>>, vector<16xi32>,
      %get3A_672 = arith.constant 784 : index
      %get3A_673 = tpu.vector_load %arg13[%get3A_672] {strides = array<i32>} : memref<1024xi32, #tpu.memory_space<vmem>>, vector<16xi32>,
      %get3A_674 = vector.shape_cast %get3A_673 : vector<16xi32> to vector<16xi32>
      %max3A_675 = arith.constant 0 : i32
      %max3A_676 = vector.broadcast %max3A_675 : i32 to vector<16xi32>
      %max3A_677 = arith.maxsi %get3A_674, %max3A_676 : vector<16xi32>
      %min3A_678 = arith.constant 36863 : i32
      %min3A_679 = vector.broadcast %min3A_678 : i32 to vector<16xi32>
      %min3A_680 = arith.minsi %max3A_677, %min3A_679 : vector<16xi32>
      %swap3A_681 = arith.constant 784 : index
      %swap3A_682 = tpu.vector_load %arg13[%swap3A_681] {strides = array<i32>} : memref<1024xi32, #tpu.memory_space<vmem>>, vector<16xi32>,
      %swap3A_683 = vector.shape_cast %swap3A_682 : vector<16xi32> to vector<16xi32>
      %swap3A_684 = vector.shape_cast %min3A_680 : vector<16xi32> to vector<16xi32>
      tpu.vector_store %arg13[%swap3A_681], %swap3A_684 {strides = array<i32>} : memref<1024xi32, #tpu.memory_space<vmem>>, vector<16xi32>,
      %get3A_685 = arith.constant 800 : index
      %get3A_686 = tpu.vector_load %arg13[%get3A_685] {strides = array<i32>} : memref<1024xi32, #tpu.memory_space<vmem>>, vector<16xi32>,
      %get3A_687 = vector.shape_cast %get3A_686 : vector<16xi32> to vector<16xi32>
      %max3A_688 = arith.constant 0 : i32
      %max3A_689 = vector.broadcast %max3A_688 : i32 to vector<16xi32>
      %max3A_690 = arith.maxsi %get3A_687, %max3A_689 : vector<16xi32>
      %min3A_691 = arith.constant 36863 : i32
      %min3A_692 = vector.broadcast %min3A_691 : i32 to vector<16xi32>
      %min3A_693 = arith.minsi %max3A_690, %min3A_692 : vector<16xi32>
      %swap3A_694 = arith.constant 800 : index
      %swap3A_695 = tpu.vector_load %arg13[%swap3A_694] {strides = array<i32>} : memref<1024xi32, #tpu.memory_space<vmem>>, vector<16xi32>,
      %swap3A_696 = vector.shape_cast %swap3A_695 : vector<16xi32> to vector<16xi32>
      %swap3A_697 = vector.shape_cast %min3A_693 : vector<16xi32> to vector<16xi32>
      tpu.vector_store %arg13[%swap3A_694], %swap3A_697 {strides = array<i32>} : memref<1024xi32, #tpu.memory_space<vmem>>, vector<16xi32>,
      %get3A_698 = arith.constant 816 : index
      %get3A_699 = tpu.vector_load %arg13[%get3A_698] {strides = array<i32>} : memref<1024xi32, #tpu.memory_space<vmem>>, vector<16xi32>,
      %get3A_700 = vector.shape_cast %get3A_699 : vector<16xi32> to vector<16xi32>
      %max3A_701 = arith.constant 0 : i32
      %max3A_702 = vector.broadcast %max3A_701 : i32 to vector<16xi32>
      %max3A_703 = arith.maxsi %get3A_700, %max3A_702 : vector<16xi32>
      %min3A_704 = arith.constant 36863 : i32
      %min3A_705 = vector.broadcast %min3A_704 : i32 to vector<16xi32>
      %min3A_706 = arith.minsi %max3A_703, %min3A_705 : vector<16xi32>
      %swap3A_707 = arith.constant 816 : index
      %swap3A_708 = tpu.vector_load %arg13[%swap3A_707] {strides = array<i32>} : memref<1024xi32, #tpu.memory_space<vmem>>, vector<16xi32>,
      %swap3A_709 = vector.shape_cast %swap3A_708 : vector<16xi32> to vector<16xi32>
      %swap3A_710 = vector.shape_cast %min3A_706 : vector<16xi32> to vector<16xi32>
      tpu.vector_store %arg13[%swap3A_707], %swap3A_710 {strides = array<i32>} : memref<1024xi32, #tpu.memory_space<vmem>>, vector<16xi32>,
      %get3A_711 = arith.constant 832 : index
      %get3A_712 = tpu.vector_load %arg13[%get3A_711] {strides = array<i32>} : memref<1024xi32, #tpu.memory_space<vmem>>, vector<16xi32>,
      %get3A_713 = vector.shape_cast %get3A_712 : vector<16xi32> to vector<16xi32>
      %max3A_714 = arith.constant 0 : i32
      %max3A_715 = vector.broadcast %max3A_714 : i32 to vector<16xi32>
      %max3A_716 = arith.maxsi %get3A_713, %max3A_715 : vector<16xi32>
      %min3A_717 = arith.constant 36863 : i32
      %min3A_718 = vector.broadcast %min3A_717 : i32 to vector<16xi32>
      %min3A_719 = arith.minsi %max3A_716, %min3A_718 : vector<16xi32>
      %swap3A_720 = arith.constant 832 : index
      %swap3A_721 = tpu.vector_load %arg13[%swap3A_720] {strides = array<i32>} : memref<1024xi32, #tpu.memory_space<vmem>>, vector<16xi32>,
      %swap3A_722 = vector.shape_cast %swap3A_721 : vector<16xi32> to vector<16xi32>
      %swap3A_723 = vector.shape_cast %min3A_719 : vector<16xi32> to vector<16xi32>
      tpu.vector_store %arg13[%swap3A_720], %swap3A_723 {strides = array<i32>} : memref<1024xi32, #tpu.memory_space<vmem>>, vector<16xi32>,
      %get3A_724 = arith.constant 848 : index
      %get3A_725 = tpu.vector_load %arg13[%get3A_724] {strides = array<i32>} : memref<1024xi32, #tpu.memory_space<vmem>>, vector<16xi32>,
      %get3A_726 = vector.shape_cast %get3A_725 : vector<16xi32> to vector<16xi32>
      %max3A_727 = arith.constant 0 : i32
      %max3A_728 = vector.broadcast %max3A_727 : i32 to vector<16xi32>
      %max3A_729 = arith.maxsi %get3A_726, %max3A_728 : vector<16xi32>
      %min3A_730 = arith.constant 36863 : i32
      %min3A_731 = vector.broadcast %min3A_730 : i32 to vector<16xi32>
      %min3A_732 = arith.minsi %max3A_729, %min3A_731 : vector<16xi32>
      %swap3A_733 = arith.constant 848 : index
      %swap3A_734 = tpu.vector_load %arg13[%swap3A_733] {strides = array<i32>} : memref<1024xi32, #tpu.memory_space<vmem>>, vector<16xi32>,
      %swap3A_735 = vector.shape_cast %swap3A_734 : vector<16xi32> to vector<16xi32>
      %swap3A_736 = vector.shape_cast %min3A_732 : vector<16xi32> to vector<16xi32>
      tpu.vector_store %arg13[%swap3A_733], %swap3A_736 {strides = array<i32>} : memref<1024xi32, #tpu.memory_space<vmem>>, vector<16xi32>,
      %get3A_737 = arith.constant 864 : index
      %get3A_738 = tpu.vector_load %arg13[%get3A_737] {strides = array<i32>} : memref<1024xi32, #tpu.memory_space<vmem>>, vector<16xi32>,
      %get3A_739 = vector.shape_cast %get3A_738 : vector<16xi32> to vector<16xi32>
      %max3A_740 = arith.constant 0 : i32
      %max3A_741 = vector.broadcast %max3A_740 : i32 to vector<16xi32>
      %max3A_742 = arith.maxsi %get3A_739, %max3A_741 : vector<16xi32>
      %min3A_743 = arith.constant 36863 : i32
      %min3A_744 = vector.broadcast %min3A_743 : i32 to vector<16xi32>
      %min3A_745 = arith.minsi %max3A_742, %min3A_744 : vector<16xi32>
      %swap3A_746 = arith.constant 864 : index
      %swap3A_747 = tpu.vector_load %arg13[%swap3A_746] {strides = array<i32>} : memref<1024xi32, #tpu.memory_space<vmem>>, vector<16xi32>,
      %swap3A_748 = vector.shape_cast %swap3A_747 : vector<16xi32> to vector<16xi32>
      %swap3A_749 = vector.shape_cast %min3A_745 : vector<16xi32> to vector<16xi32>
      tpu.vector_store %arg13[%swap3A_746], %swap3A_749 {strides = array<i32>} : memref<1024xi32, #tpu.memory_space<vmem>>, vector<16xi32>,
      %get3A_750 = arith.constant 880 : index
      %get3A_751 = tpu.vector_load %arg13[%get3A_750] {strides = array<i32>} : memref<1024xi32, #tpu.memory_space<vmem>>, vector<16xi32>,
      %get3A_752 = vector.shape_cast %get3A_751 : vector<16xi32> to vector<16xi32>
      %max3A_753 = arith.constant 0 : i32
      %max3A_754 = vector.broadcast %max3A_753 : i32 to vector<16xi32>
      %max3A_755 = arith.maxsi %get3A_752, %max3A_754 : vector<16xi32>
      %min3A_756 = arith.constant 36863 : i32
      %min3A_757 = vector.broadcast %min3A_756 : i32 to vector<16xi32>
      %min3A_758 = arith.minsi %max3A_755, %min3A_757 : vector<16xi32>
      %swap3A_759 = arith.constant 880 : index
      %swap3A_760 = tpu.vector_load %arg13[%swap3A_759] {strides = array<i32>} : memref<1024xi32, #tpu.memory_space<vmem>>, vector<16xi32>,
      %swap3A_761 = vector.shape_cast %swap3A_760 : vector<16xi32> to vector<16xi32>
      %swap3A_762 = vector.shape_cast %min3A_758 : vector<16xi32> to vector<16xi32>
      tpu.vector_store %arg13[%swap3A_759], %swap3A_762 {strides = array<i32>} : memref<1024xi32, #tpu.memory_space<vmem>>, vector<16xi32>,
      %get3A_763 = arith.constant 896 : index
      %get3A_764 = tpu.vector_load %arg13[%get3A_763] {strides = array<i32>} : memref<1024xi32, #tpu.memory_space<vmem>>, vector<16xi32>,
      %get3A_765 = vector.shape_cast %get3A_764 : vector<16xi32> to vector<16xi32>
      %max3A_766 = arith.constant 0 : i32
      %max3A_767 = vector.broadcast %max3A_766 : i32 to vector<16xi32>
      %max3A_768 = arith.maxsi %get3A_765, %max3A_767 : vector<16xi32>
      %min3A_769 = arith.constant 36863 : i32
      %min3A_770 = vector.broadcast %min3A_769 : i32 to vector<16xi32>
      %min3A_771 = arith.minsi %max3A_768, %min3A_770 : vector<16xi32>
      %swap3A_772 = arith.constant 896 : index
      %swap3A_773 = tpu.vector_load %arg13[%swap3A_772] {strides = array<i32>} : memref<1024xi32, #tpu.memory_space<vmem>>, vector<16xi32>,
      %swap3A_774 = vector.shape_cast %swap3A_773 : vector<16xi32> to vector<16xi32>
      %swap3A_775 = vector.shape_cast %min3A_771 : vector<16xi32> to vector<16xi32>
      tpu.vector_store %arg13[%swap3A_772], %swap3A_775 {strides = array<i32>} : memref<1024xi32, #tpu.memory_space<vmem>>, vector<16xi32>,
      %get3A_776 = arith.constant 912 : index
      %get3A_777 = tpu.vector_load %arg13[%get3A_776] {strides = array<i32>} : memref<1024xi32, #tpu.memory_space<vmem>>, vector<16xi32>,
      %get3A_778 = vector.shape_cast %get3A_777 : vector<16xi32> to vector<16xi32>
      %max3A_779 = arith.constant 0 : i32
      %max3A_780 = vector.broadcast %max3A_779 : i32 to vector<16xi32>
      %max3A_781 = arith.maxsi %get3A_778, %max3A_780 : vector<16xi32>
      %min3A_782 = arith.constant 36863 : i32
      %min3A_783 = vector.broadcast %min3A_782 : i32 to vector<16xi32>
      %min3A_784 = arith.minsi %max3A_781, %min3A_783 : vector<16xi32>
      %swap3A_785 = arith.constant 912 : index
      %swap3A_786 = tpu.vector_load %arg13[%swap3A_785] {strides = array<i32>} : memref<1024xi32, #tpu.memory_space<vmem>>, vector<16xi32>,
      %swap3A_787 = vector.shape_cast %swap3A_786 : vector<16xi32> to vector<16xi32>
      %swap3A_788 = vector.shape_cast %min3A_784 : vector<16xi32> to vector<16xi32>
      tpu.vector_store %arg13[%swap3A_785], %swap3A_788 {strides = array<i32>} : memref<1024xi32, #tpu.memory_space<vmem>>, vector<16xi32>,
      %get3A_789 = arith.constant 928 : index
      %get3A_790 = tpu.vector_load %arg13[%get3A_789] {strides = array<i32>} : memref<1024xi32, #tpu.memory_space<vmem>>, vector<16xi32>,
      %get3A_791 = vector.shape_cast %get3A_790 : vector<16xi32> to vector<16xi32>
      %max3A_792 = arith.constant 0 : i32
      %max3A_793 = vector.broadcast %max3A_792 : i32 to vector<16xi32>
      %max3A_794 = arith.maxsi %get3A_791, %max3A_793 : vector<16xi32>
      %min3A_795 = arith.constant 36863 : i32
      %min3A_796 = vector.broadcast %min3A_795 : i32 to vector<16xi32>
      %min3A_797 = arith.minsi %max3A_794, %min3A_796 : vector<16xi32>
      %swap3A_798 = arith.constant 928 : index
      %swap3A_799 = tpu.vector_load %arg13[%swap3A_798] {strides = array<i32>} : memref<1024xi32, #tpu.memory_space<vmem>>, vector<16xi32>,
      %swap3A_800 = vector.shape_cast %swap3A_799 : vector<16xi32> to vector<16xi32>
      %swap3A_801 = vector.shape_cast %min3A_797 : vector<16xi32> to vector<16xi32>
      tpu.vector_store %arg13[%swap3A_798], %swap3A_801 {strides = array<i32>} : memref<1024xi32, #tpu.memory_space<vmem>>, vector<16xi32>,
      %get3A_802 = arith.constant 944 : index
      %get3A_803 = tpu.vector_load %arg13[%get3A_802] {strides = array<i32>} : memref<1024xi32, #tpu.memory_space<vmem>>, vector<16xi32>,
      %get3A_804 = vector.shape_cast %get3A_803 : vector<16xi32> to vector<16xi32>
      %max3A_805 = arith.constant 0 : i32
      %max3A_806 = vector.broadcast %max3A_805 : i32 to vector<16xi32>
      %max3A_807 = arith.maxsi %get3A_804, %max3A_806 : vector<16xi32>
      %min3A_808 = arith.constant 36863 : i32
      %min3A_809 = vector.broadcast %min3A_808 : i32 to vector<16xi32>
      %min3A_810 = arith.minsi %max3A_807, %min3A_809 : vector<16xi32>
      %swap3A_811 = arith.constant 944 : index
      %swap3A_812 = tpu.vector_load %arg13[%swap3A_811] {strides = array<i32>} : memref<1024xi32, #tpu.memory_space<vmem>>, vector<16xi32>,
      %swap3A_813 = vector.shape_cast %swap3A_812 : vector<16xi32> to vector<16xi32>
      %swap3A_814 = vector.shape_cast %min3A_810 : vector<16xi32> to vector<16xi32>
      tpu.vector_store %arg13[%swap3A_811], %swap3A_814 {strides = array<i32>} : memref<1024xi32, #tpu.memory_space<vmem>>, vector<16xi32>,
      %get3A_815 = arith.constant 960 : index
      %get3A_816 = tpu.vector_load %arg13[%get3A_815] {strides = array<i32>} : memref<1024xi32, #tpu.memory_space<vmem>>, vector<16xi32>,
      %get3A_817 = vector.shape_cast %get3A_816 : vector<16xi32> to vector<16xi32>
      %max3A_818 = arith.constant 0 : i32
      %max3A_819 = vector.broadcast %max3A_818 : i32 to vector<16xi32>
      %max3A_820 = arith.maxsi %get3A_817, %max3A_819 : vector<16xi32>
      %min3A_821 = arith.constant 36863 : i32
      %min3A_822 = vector.broadcast %min3A_821 : i32 to vector<16xi32>
      %min3A_823 = arith.minsi %max3A_820, %min3A_822 : vector<16xi32>
      %swap3A_824 = arith.constant 960 : index
      %swap3A_825 = tpu.vector_load %arg13[%swap3A_824] {strides = array<i32>} : memref<1024xi32, #tpu.memory_space<vmem>>, vector<16xi32>,
      %swap3A_826 = vector.shape_cast %swap3A_825 : vector<16xi32> to vector<16xi32>
      %swap3A_827 = vector.shape_cast %min3A_823 : vector<16xi32> to vector<16xi32>
      tpu.vector_store %arg13[%swap3A_824], %swap3A_827 {strides = array<i32>} : memref<1024xi32, #tpu.memory_space<vmem>>, vector<16xi32>,
      %get3A_828 = arith.constant 976 : index
      %get3A_829 = tpu.vector_load %arg13[%get3A_828] {strides = array<i32>} : memref<1024xi32, #tpu.memory_space<vmem>>, vector<16xi32>,
      %get3A_830 = vector.shape_cast %get3A_829 : vector<16xi32> to vector<16xi32>
      %max3A_831 = arith.constant 0 : i32
      %max3A_832 = vector.broadcast %max3A_831 : i32 to vector<16xi32>
      %max3A_833 = arith.maxsi %get3A_830, %max3A_832 : vector<16xi32>
      %min3A_834 = arith.constant 36863 : i32
      %min3A_835 = vector.broadcast %min3A_834 : i32 to vector<16xi32>
      %min3A_836 = arith.minsi %max3A_833, %min3A_835 : vector<16xi32>
      %swap3A_837 = arith.constant 976 : index
      %swap3A_838 = tpu.vector_load %arg13[%swap3A_837] {strides = array<i32>} : memref<1024xi32, #tpu.memory_space<vmem>>, vector<16xi32>,
      %swap3A_839 = vector.shape_cast %swap3A_838 : vector<16xi32> to vector<16xi32>
      %swap3A_840 = vector.shape_cast %min3A_836 : vector<16xi32> to vector<16xi32>
      tpu.vector_store %arg13[%swap3A_837], %swap3A_840 {strides = array<i32>} : memref<1024xi32, #tpu.memory_space<vmem>>, vector<16xi32>,
      %get3A_841 = arith.constant 992 : index
      %get3A_842 = tpu.vector_load %arg13[%get3A_841] {strides = array<i32>} : memref<1024xi32, #tpu.memory_space<vmem>>, vector<16xi32>,
      %get3A_843 = vector.shape_cast %get3A_842 : vector<16xi32> to vector<16xi32>
      %max3A_844 = arith.constant 0 : i32
      %max3A_845 = vector.broadcast %max3A_844 : i32 to vector<16xi32>
      %max3A_846 = arith.maxsi %get3A_843, %max3A_845 : vector<16xi32>
      %min3A_847 = arith.constant 36863 : i32
      %min3A_848 = vector.broadcast %min3A_847 : i32 to vector<16xi32>
      %min3A_849 = arith.minsi %max3A_846, %min3A_848 : vector<16xi32>
      %swap3A_850 = arith.constant 992 : index
      %swap3A_851 = tpu.vector_load %arg13[%swap3A_850] {strides = array<i32>} : memref<1024xi32, #tpu.memory_space<vmem>>, vector<16xi32>,
      %swap3A_852 = vector.shape_cast %swap3A_851 : vector<16xi32> to vector<16xi32>
      %swap3A_853 = vector.shape_cast %min3A_849 : vector<16xi32> to vector<16xi32>
      tpu.vector_store %arg13[%swap3A_850], %swap3A_853 {strides = array<i32>} : memref<1024xi32, #tpu.memory_space<vmem>>, vector<16xi32>,
      %get3A_854 = arith.constant 1008 : index
      %get3A_855 = tpu.vector_load %arg13[%get3A_854] {strides = array<i32>} : memref<1024xi32, #tpu.memory_space<vmem>>, vector<16xi32>,
      %get3A_856 = vector.shape_cast %get3A_855 : vector<16xi32> to vector<16xi32>
      %max3A_857 = arith.constant 0 : i32
      %max3A_858 = vector.broadcast %max3A_857 : i32 to vector<16xi32>
      %max3A_859 = arith.maxsi %get3A_856, %max3A_858 : vector<16xi32>
      %min3A_860 = arith.constant 36863 : i32
      %min3A_861 = vector.broadcast %min3A_860 : i32 to vector<16xi32>
      %min3A_862 = arith.minsi %max3A_859, %min3A_861 : vector<16xi32>
      %swap3A_863 = arith.constant 1008 : index
      %swap3A_864 = tpu.vector_load %arg13[%swap3A_863] {strides = array<i32>} : memref<1024xi32, #tpu.memory_space<vmem>>, vector<16xi32>,
      %swap3A_865 = vector.shape_cast %swap3A_864 : vector<16xi32> to vector<16xi32>
      %swap3A_866 = vector.shape_cast %min3A_862 : vector<16xi32> to vector<16xi32>
      tpu.vector_store %arg13[%swap3A_863], %swap3A_866 {strides = array<i32>} : memref<1024xi32, #tpu.memory_space<vmem>>, vector<16xi32>,
      %dma_start3A = arith.constant 0 : i32
      %dma_start3A_867 = tpu.memref_slice %arg6[%dma_start3A] : memref<36864xf32, #tpu.memory_space<hbm>> -> memref<36864xf32, #tpu.memory_space<hbm>>
      tpu.enqueue_indirect_dma source(%dma_start3A_867 : memref<36864xf32, #tpu.memory_space<hbm>>) target(%arg14 : memref<1024xf32, #tpu.memory_space<vmem>>) offsets(%arg13 : memref<1024xi32, #tpu.memory_space<vmem>>) semaphore(%arg15 : memref<!tpu.dma_semaphore, #tpu.memory_space<semaphore_mem>>)
      %dma_wait3A = arith.constant 0 : i32
      %dma_wait3A_868 = tpu.memref_slice %arg6[%dma_wait3A] : memref<36864xf32, #tpu.memory_space<hbm>> -> memref<36864xf32, #tpu.memory_space<hbm>>
      tpu.wait_indirect_dma semaphore(%arg15 : memref<!tpu.dma_semaphore, #tpu.memory_space<semaphore_mem>>) src(%dma_wait3A_868 : memref<36864xf32, #tpu.memory_space<hbm>>) dst(%arg14 : memref<1024xf32, #tpu.memory_space<vmem>>)
      "tpu.region"() ({
        %run_scoped3A = tpu.sem_alloc : memref<!tpu.dma_semaphore, #tpu.memory_space<semaphore_mem>>
        %dma_start3A_869 = tpu.memref_slice %arg11[%mul3A_38] : memref<6144xf32, #tpu.memory_space<hbm>> -> memref<1024xf32, #tpu.memory_space<hbm>>
        %dma_start3A_870 = tpu.memref_slice %arg11[%mul3A_38] : memref<6144xf32, #tpu.memory_space<hbm>> -> memref<1024xf32, #tpu.memory_space<hbm>>
        tpu.enqueue_dma source(%arg14 : memref<1024xf32, #tpu.memory_space<vmem>>) target(%dma_start3A_870 : memref<1024xf32, #tpu.memory_space<hbm>>) target_semaphore(%run_scoped3A : memref<!tpu.dma_semaphore, #tpu.memory_space<semaphore_mem>>)
        %dma_wait3A_871 = tpu.memref_slice %arg11[%mul3A_38] : memref<6144xf32, #tpu.memory_space<hbm>> -> memref<1024xf32, #tpu.memory_space<hbm>>
        %dma_wait3A_872 = tpu.memref_slice %arg11[%mul3A_38] : memref<6144xf32, #tpu.memory_space<hbm>> -> memref<1024xf32, #tpu.memory_space<hbm>>
        tpu.wait_dma2 semaphore(%run_scoped3A : memref<!tpu.dma_semaphore, #tpu.memory_space<semaphore_mem>>) src(%arg14 : memref<1024xf32, #tpu.memory_space<vmem>>) dst(%dma_wait3A_872 : memref<1024xf32, #tpu.memory_space<hbm>>)
        tpu.yield
      }) : () -> ()
    } else {
    }
    %ge3A_28 = arith.constant 24 : i32
    %ge3A_29 = arith.cmpi sge, %add3A, %ge3A_28 : i32
    %lt3A_30 = arith.constant 30 : i32
    %lt3A_31 = arith.cmpi slt, %add3A, %lt3A_30 : i32
    %and3A_32 = arith.andi %ge3A_29, %lt3A_31 : i1
    %convert_element_type3A_33 = arith.extui %and3A_32 : i1 to i32
    %cond3A_34 = arith.constant 0 : i32
    %cond3A_35 = arith.cmpi ne, %convert_element_type3A_33, %cond3A_34 : i32
    scf.if %cond3A_35 {
      %sub3A = arith.constant 24 : i32
      %sub3A_36 = arith.subi %add3A, %sub3A : i32
      %mul3A_37 = arith.constant 1024 : i32
      %mul3A_38 = arith.muli %sub3A_36, %mul3A_37 : i32
      "tpu.region"() ({
        %run_scoped3A = tpu.sem_alloc : memref<!tpu.dma_semaphore, #tpu.memory_space<semaphore_mem>>
        %dma_start3A_869 = tpu.memref_slice %arg2[%mul3A_38] : memref<6144xi32, #tpu.memory_space<hbm>> -> memref<1024xi32, #tpu.memory_space<hbm>>
        %dma_start3A_870 = tpu.memref_slice %arg2[%mul3A_38] : memref<6144xi32, #tpu.memory_space<hbm>> -> memref<1024xi32, #tpu.memory_space<hbm>>
        tpu.enqueue_dma source(%dma_start3A_870 : memref<1024xi32, #tpu.memory_space<hbm>>) target(%arg13 : memref<1024xi32, #tpu.memory_space<vmem>>) target_semaphore(%run_scoped3A : memref<!tpu.dma_semaphore, #tpu.memory_space<semaphore_mem>>)
        %dma_wait3A_871 = tpu.memref_slice %arg2[%mul3A_38] : memref<6144xi32, #tpu.memory_space<hbm>> -> memref<1024xi32, #tpu.memory_space<hbm>>
        %dma_wait3A_872 = tpu.memref_slice %arg2[%mul3A_38] : memref<6144xi32, #tpu.memory_space<hbm>> -> memref<1024xi32, #tpu.memory_space<hbm>>
        tpu.wait_dma2 semaphore(%run_scoped3A : memref<!tpu.dma_semaphore, #tpu.memory_space<semaphore_mem>>) src(%dma_wait3A_872 : memref<1024xi32, #tpu.memory_space<hbm>>) dst(%arg13 : memref<1024xi32, #tpu.memory_space<vmem>>)
        tpu.yield
      }) : () -> ()
      %get3A = arith.constant 0 : index
      %get3A_39 = tpu.vector_load %arg13[%get3A] {strides = array<i32>} : memref<1024xi32, #tpu.memory_space<vmem>>, vector<16xi32>,
      %get3A_40 = vector.shape_cast %get3A_39 : vector<16xi32> to vector<16xi32>
      %max3A = arith.constant 0 : i32
      %max3A_41 = vector.broadcast %max3A : i32 to vector<16xi32>
      %max3A_42 = arith.maxsi %get3A_40, %max3A_41 : vector<16xi32>
      %min3A = arith.constant 36863 : i32
      %min3A_43 = vector.broadcast %min3A : i32 to vector<16xi32>
      %min3A_44 = arith.minsi %max3A_42, %min3A_43 : vector<16xi32>
      %swap3A = arith.constant 0 : index
      %swap3A_45 = tpu.vector_load %arg13[%swap3A] {strides = array<i32>} : memref<1024xi32, #tpu.memory_space<vmem>>, vector<16xi32>,
      %swap3A_46 = vector.shape_cast %swap3A_45 : vector<16xi32> to vector<16xi32>
      %swap3A_47 = vector.shape_cast %min3A_44 : vector<16xi32> to vector<16xi32>
      tpu.vector_store %arg13[%swap3A], %swap3A_47 {strides = array<i32>} : memref<1024xi32, #tpu.memory_space<vmem>>, vector<16xi32>,
      %get3A_48 = arith.constant 16 : index
      %get3A_49 = tpu.vector_load %arg13[%get3A_48] {strides = array<i32>} : memref<1024xi32, #tpu.memory_space<vmem>>, vector<16xi32>,
      %get3A_50 = vector.shape_cast %get3A_49 : vector<16xi32> to vector<16xi32>
      %max3A_51 = arith.constant 0 : i32
      %max3A_52 = vector.broadcast %max3A_51 : i32 to vector<16xi32>
      %max3A_53 = arith.maxsi %get3A_50, %max3A_52 : vector<16xi32>
      %min3A_54 = arith.constant 36863 : i32
      %min3A_55 = vector.broadcast %min3A_54 : i32 to vector<16xi32>
      %min3A_56 = arith.minsi %max3A_53, %min3A_55 : vector<16xi32>
      %swap3A_57 = arith.constant 16 : index
      %swap3A_58 = tpu.vector_load %arg13[%swap3A_57] {strides = array<i32>} : memref<1024xi32, #tpu.memory_space<vmem>>, vector<16xi32>,
      %swap3A_59 = vector.shape_cast %swap3A_58 : vector<16xi32> to vector<16xi32>
      %swap3A_60 = vector.shape_cast %min3A_56 : vector<16xi32> to vector<16xi32>
      tpu.vector_store %arg13[%swap3A_57], %swap3A_60 {strides = array<i32>} : memref<1024xi32, #tpu.memory_space<vmem>>, vector<16xi32>,
      %get3A_61 = arith.constant 32 : index
      %get3A_62 = tpu.vector_load %arg13[%get3A_61] {strides = array<i32>} : memref<1024xi32, #tpu.memory_space<vmem>>, vector<16xi32>,
      %get3A_63 = vector.shape_cast %get3A_62 : vector<16xi32> to vector<16xi32>
      %max3A_64 = arith.constant 0 : i32
      %max3A_65 = vector.broadcast %max3A_64 : i32 to vector<16xi32>
      %max3A_66 = arith.maxsi %get3A_63, %max3A_65 : vector<16xi32>
      %min3A_67 = arith.constant 36863 : i32
      %min3A_68 = vector.broadcast %min3A_67 : i32 to vector<16xi32>
      %min3A_69 = arith.minsi %max3A_66, %min3A_68 : vector<16xi32>
      %swap3A_70 = arith.constant 32 : index
      %swap3A_71 = tpu.vector_load %arg13[%swap3A_70] {strides = array<i32>} : memref<1024xi32, #tpu.memory_space<vmem>>, vector<16xi32>,
      %swap3A_72 = vector.shape_cast %swap3A_71 : vector<16xi32> to vector<16xi32>
      %swap3A_73 = vector.shape_cast %min3A_69 : vector<16xi32> to vector<16xi32>
      tpu.vector_store %arg13[%swap3A_70], %swap3A_73 {strides = array<i32>} : memref<1024xi32, #tpu.memory_space<vmem>>, vector<16xi32>,
      %get3A_74 = arith.constant 48 : index
      %get3A_75 = tpu.vector_load %arg13[%get3A_74] {strides = array<i32>} : memref<1024xi32, #tpu.memory_space<vmem>>, vector<16xi32>,
      %get3A_76 = vector.shape_cast %get3A_75 : vector<16xi32> to vector<16xi32>
      %max3A_77 = arith.constant 0 : i32
      %max3A_78 = vector.broadcast %max3A_77 : i32 to vector<16xi32>
      %max3A_79 = arith.maxsi %get3A_76, %max3A_78 : vector<16xi32>
      %min3A_80 = arith.constant 36863 : i32
      %min3A_81 = vector.broadcast %min3A_80 : i32 to vector<16xi32>
      %min3A_82 = arith.minsi %max3A_79, %min3A_81 : vector<16xi32>
      %swap3A_83 = arith.constant 48 : index
      %swap3A_84 = tpu.vector_load %arg13[%swap3A_83] {strides = array<i32>} : memref<1024xi32, #tpu.memory_space<vmem>>, vector<16xi32>,
      %swap3A_85 = vector.shape_cast %swap3A_84 : vector<16xi32> to vector<16xi32>
      %swap3A_86 = vector.shape_cast %min3A_82 : vector<16xi32> to vector<16xi32>
      tpu.vector_store %arg13[%swap3A_83], %swap3A_86 {strides = array<i32>} : memref<1024xi32, #tpu.memory_space<vmem>>, vector<16xi32>,
      %get3A_87 = arith.constant 64 : index
      %get3A_88 = tpu.vector_load %arg13[%get3A_87] {strides = array<i32>} : memref<1024xi32, #tpu.memory_space<vmem>>, vector<16xi32>,
      %get3A_89 = vector.shape_cast %get3A_88 : vector<16xi32> to vector<16xi32>
      %max3A_90 = arith.constant 0 : i32
      %max3A_91 = vector.broadcast %max3A_90 : i32 to vector<16xi32>
      %max3A_92 = arith.maxsi %get3A_89, %max3A_91 : vector<16xi32>
      %min3A_93 = arith.constant 36863 : i32
      %min3A_94 = vector.broadcast %min3A_93 : i32 to vector<16xi32>
      %min3A_95 = arith.minsi %max3A_92, %min3A_94 : vector<16xi32>
      %swap3A_96 = arith.constant 64 : index
      %swap3A_97 = tpu.vector_load %arg13[%swap3A_96] {strides = array<i32>} : memref<1024xi32, #tpu.memory_space<vmem>>, vector<16xi32>,
      %swap3A_98 = vector.shape_cast %swap3A_97 : vector<16xi32> to vector<16xi32>
      %swap3A_99 = vector.shape_cast %min3A_95 : vector<16xi32> to vector<16xi32>
      tpu.vector_store %arg13[%swap3A_96], %swap3A_99 {strides = array<i32>} : memref<1024xi32, #tpu.memory_space<vmem>>, vector<16xi32>,
      %get3A_100 = arith.constant 80 : index
      %get3A_101 = tpu.vector_load %arg13[%get3A_100] {strides = array<i32>} : memref<1024xi32, #tpu.memory_space<vmem>>, vector<16xi32>,
      %get3A_102 = vector.shape_cast %get3A_101 : vector<16xi32> to vector<16xi32>
      %max3A_103 = arith.constant 0 : i32
      %max3A_104 = vector.broadcast %max3A_103 : i32 to vector<16xi32>
      %max3A_105 = arith.maxsi %get3A_102, %max3A_104 : vector<16xi32>
      %min3A_106 = arith.constant 36863 : i32
      %min3A_107 = vector.broadcast %min3A_106 : i32 to vector<16xi32>
      %min3A_108 = arith.minsi %max3A_105, %min3A_107 : vector<16xi32>
      %swap3A_109 = arith.constant 80 : index
      %swap3A_110 = tpu.vector_load %arg13[%swap3A_109] {strides = array<i32>} : memref<1024xi32, #tpu.memory_space<vmem>>, vector<16xi32>,
      %swap3A_111 = vector.shape_cast %swap3A_110 : vector<16xi32> to vector<16xi32>
      %swap3A_112 = vector.shape_cast %min3A_108 : vector<16xi32> to vector<16xi32>
      tpu.vector_store %arg13[%swap3A_109], %swap3A_112 {strides = array<i32>} : memref<1024xi32, #tpu.memory_space<vmem>>, vector<16xi32>,
      %get3A_113 = arith.constant 96 : index
      %get3A_114 = tpu.vector_load %arg13[%get3A_113] {strides = array<i32>} : memref<1024xi32, #tpu.memory_space<vmem>>, vector<16xi32>,
      %get3A_115 = vector.shape_cast %get3A_114 : vector<16xi32> to vector<16xi32>
      %max3A_116 = arith.constant 0 : i32
      %max3A_117 = vector.broadcast %max3A_116 : i32 to vector<16xi32>
      %max3A_118 = arith.maxsi %get3A_115, %max3A_117 : vector<16xi32>
      %min3A_119 = arith.constant 36863 : i32
      %min3A_120 = vector.broadcast %min3A_119 : i32 to vector<16xi32>
      %min3A_121 = arith.minsi %max3A_118, %min3A_120 : vector<16xi32>
      %swap3A_122 = arith.constant 96 : index
      %swap3A_123 = tpu.vector_load %arg13[%swap3A_122] {strides = array<i32>} : memref<1024xi32, #tpu.memory_space<vmem>>, vector<16xi32>,
      %swap3A_124 = vector.shape_cast %swap3A_123 : vector<16xi32> to vector<16xi32>
      %swap3A_125 = vector.shape_cast %min3A_121 : vector<16xi32> to vector<16xi32>
      tpu.vector_store %arg13[%swap3A_122], %swap3A_125 {strides = array<i32>} : memref<1024xi32, #tpu.memory_space<vmem>>, vector<16xi32>,
      %get3A_126 = arith.constant 112 : index
      %get3A_127 = tpu.vector_load %arg13[%get3A_126] {strides = array<i32>} : memref<1024xi32, #tpu.memory_space<vmem>>, vector<16xi32>,
      %get3A_128 = vector.shape_cast %get3A_127 : vector<16xi32> to vector<16xi32>
      %max3A_129 = arith.constant 0 : i32
      %max3A_130 = vector.broadcast %max3A_129 : i32 to vector<16xi32>
      %max3A_131 = arith.maxsi %get3A_128, %max3A_130 : vector<16xi32>
      %min3A_132 = arith.constant 36863 : i32
      %min3A_133 = vector.broadcast %min3A_132 : i32 to vector<16xi32>
      %min3A_134 = arith.minsi %max3A_131, %min3A_133 : vector<16xi32>
      %swap3A_135 = arith.constant 112 : index
      %swap3A_136 = tpu.vector_load %arg13[%swap3A_135] {strides = array<i32>} : memref<1024xi32, #tpu.memory_space<vmem>>, vector<16xi32>,
      %swap3A_137 = vector.shape_cast %swap3A_136 : vector<16xi32> to vector<16xi32>
      %swap3A_138 = vector.shape_cast %min3A_134 : vector<16xi32> to vector<16xi32>
      tpu.vector_store %arg13[%swap3A_135], %swap3A_138 {strides = array<i32>} : memref<1024xi32, #tpu.memory_space<vmem>>, vector<16xi32>,
      %get3A_139 = arith.constant 128 : index
      %get3A_140 = tpu.vector_load %arg13[%get3A_139] {strides = array<i32>} : memref<1024xi32, #tpu.memory_space<vmem>>, vector<16xi32>,
      %get3A_141 = vector.shape_cast %get3A_140 : vector<16xi32> to vector<16xi32>
      %max3A_142 = arith.constant 0 : i32
      %max3A_143 = vector.broadcast %max3A_142 : i32 to vector<16xi32>
      %max3A_144 = arith.maxsi %get3A_141, %max3A_143 : vector<16xi32>
      %min3A_145 = arith.constant 36863 : i32
      %min3A_146 = vector.broadcast %min3A_145 : i32 to vector<16xi32>
      %min3A_147 = arith.minsi %max3A_144, %min3A_146 : vector<16xi32>
      %swap3A_148 = arith.constant 128 : index
      %swap3A_149 = tpu.vector_load %arg13[%swap3A_148] {strides = array<i32>} : memref<1024xi32, #tpu.memory_space<vmem>>, vector<16xi32>,
      %swap3A_150 = vector.shape_cast %swap3A_149 : vector<16xi32> to vector<16xi32>
      %swap3A_151 = vector.shape_cast %min3A_147 : vector<16xi32> to vector<16xi32>
      tpu.vector_store %arg13[%swap3A_148], %swap3A_151 {strides = array<i32>} : memref<1024xi32, #tpu.memory_space<vmem>>, vector<16xi32>,
      %get3A_152 = arith.constant 144 : index
      %get3A_153 = tpu.vector_load %arg13[%get3A_152] {strides = array<i32>} : memref<1024xi32, #tpu.memory_space<vmem>>, vector<16xi32>,
      %get3A_154 = vector.shape_cast %get3A_153 : vector<16xi32> to vector<16xi32>
      %max3A_155 = arith.constant 0 : i32
      %max3A_156 = vector.broadcast %max3A_155 : i32 to vector<16xi32>
      %max3A_157 = arith.maxsi %get3A_154, %max3A_156 : vector<16xi32>
      %min3A_158 = arith.constant 36863 : i32
      %min3A_159 = vector.broadcast %min3A_158 : i32 to vector<16xi32>
      %min3A_160 = arith.minsi %max3A_157, %min3A_159 : vector<16xi32>
      %swap3A_161 = arith.constant 144 : index
      %swap3A_162 = tpu.vector_load %arg13[%swap3A_161] {strides = array<i32>} : memref<1024xi32, #tpu.memory_space<vmem>>, vector<16xi32>,
      %swap3A_163 = vector.shape_cast %swap3A_162 : vector<16xi32> to vector<16xi32>
      %swap3A_164 = vector.shape_cast %min3A_160 : vector<16xi32> to vector<16xi32>
      tpu.vector_store %arg13[%swap3A_161], %swap3A_164 {strides = array<i32>} : memref<1024xi32, #tpu.memory_space<vmem>>, vector<16xi32>,
      %get3A_165 = arith.constant 160 : index
      %get3A_166 = tpu.vector_load %arg13[%get3A_165] {strides = array<i32>} : memref<1024xi32, #tpu.memory_space<vmem>>, vector<16xi32>,
      %get3A_167 = vector.shape_cast %get3A_166 : vector<16xi32> to vector<16xi32>
      %max3A_168 = arith.constant 0 : i32
      %max3A_169 = vector.broadcast %max3A_168 : i32 to vector<16xi32>
      %max3A_170 = arith.maxsi %get3A_167, %max3A_169 : vector<16xi32>
      %min3A_171 = arith.constant 36863 : i32
      %min3A_172 = vector.broadcast %min3A_171 : i32 to vector<16xi32>
      %min3A_173 = arith.minsi %max3A_170, %min3A_172 : vector<16xi32>
      %swap3A_174 = arith.constant 160 : index
      %swap3A_175 = tpu.vector_load %arg13[%swap3A_174] {strides = array<i32>} : memref<1024xi32, #tpu.memory_space<vmem>>, vector<16xi32>,
      %swap3A_176 = vector.shape_cast %swap3A_175 : vector<16xi32> to vector<16xi32>
      %swap3A_177 = vector.shape_cast %min3A_173 : vector<16xi32> to vector<16xi32>
      tpu.vector_store %arg13[%swap3A_174], %swap3A_177 {strides = array<i32>} : memref<1024xi32, #tpu.memory_space<vmem>>, vector<16xi32>,
      %get3A_178 = arith.constant 176 : index
      %get3A_179 = tpu.vector_load %arg13[%get3A_178] {strides = array<i32>} : memref<1024xi32, #tpu.memory_space<vmem>>, vector<16xi32>,
      %get3A_180 = vector.shape_cast %get3A_179 : vector<16xi32> to vector<16xi32>
      %max3A_181 = arith.constant 0 : i32
      %max3A_182 = vector.broadcast %max3A_181 : i32 to vector<16xi32>
      %max3A_183 = arith.maxsi %get3A_180, %max3A_182 : vector<16xi32>
      %min3A_184 = arith.constant 36863 : i32
      %min3A_185 = vector.broadcast %min3A_184 : i32 to vector<16xi32>
      %min3A_186 = arith.minsi %max3A_183, %min3A_185 : vector<16xi32>
      %swap3A_187 = arith.constant 176 : index
      %swap3A_188 = tpu.vector_load %arg13[%swap3A_187] {strides = array<i32>} : memref<1024xi32, #tpu.memory_space<vmem>>, vector<16xi32>,
      %swap3A_189 = vector.shape_cast %swap3A_188 : vector<16xi32> to vector<16xi32>
      %swap3A_190 = vector.shape_cast %min3A_186 : vector<16xi32> to vector<16xi32>
      tpu.vector_store %arg13[%swap3A_187], %swap3A_190 {strides = array<i32>} : memref<1024xi32, #tpu.memory_space<vmem>>, vector<16xi32>,
      %get3A_191 = arith.constant 192 : index
      %get3A_192 = tpu.vector_load %arg13[%get3A_191] {strides = array<i32>} : memref<1024xi32, #tpu.memory_space<vmem>>, vector<16xi32>,
      %get3A_193 = vector.shape_cast %get3A_192 : vector<16xi32> to vector<16xi32>
      %max3A_194 = arith.constant 0 : i32
      %max3A_195 = vector.broadcast %max3A_194 : i32 to vector<16xi32>
      %max3A_196 = arith.maxsi %get3A_193, %max3A_195 : vector<16xi32>
      %min3A_197 = arith.constant 36863 : i32
      %min3A_198 = vector.broadcast %min3A_197 : i32 to vector<16xi32>
      %min3A_199 = arith.minsi %max3A_196, %min3A_198 : vector<16xi32>
      %swap3A_200 = arith.constant 192 : index
      %swap3A_201 = tpu.vector_load %arg13[%swap3A_200] {strides = array<i32>} : memref<1024xi32, #tpu.memory_space<vmem>>, vector<16xi32>,
      %swap3A_202 = vector.shape_cast %swap3A_201 : vector<16xi32> to vector<16xi32>
      %swap3A_203 = vector.shape_cast %min3A_199 : vector<16xi32> to vector<16xi32>
      tpu.vector_store %arg13[%swap3A_200], %swap3A_203 {strides = array<i32>} : memref<1024xi32, #tpu.memory_space<vmem>>, vector<16xi32>,
      %get3A_204 = arith.constant 208 : index
      %get3A_205 = tpu.vector_load %arg13[%get3A_204] {strides = array<i32>} : memref<1024xi32, #tpu.memory_space<vmem>>, vector<16xi32>,
      %get3A_206 = vector.shape_cast %get3A_205 : vector<16xi32> to vector<16xi32>
      %max3A_207 = arith.constant 0 : i32
      %max3A_208 = vector.broadcast %max3A_207 : i32 to vector<16xi32>
      %max3A_209 = arith.maxsi %get3A_206, %max3A_208 : vector<16xi32>
      %min3A_210 = arith.constant 36863 : i32
      %min3A_211 = vector.broadcast %min3A_210 : i32 to vector<16xi32>
      %min3A_212 = arith.minsi %max3A_209, %min3A_211 : vector<16xi32>
      %swap3A_213 = arith.constant 208 : index
      %swap3A_214 = tpu.vector_load %arg13[%swap3A_213] {strides = array<i32>} : memref<1024xi32, #tpu.memory_space<vmem>>, vector<16xi32>,
      %swap3A_215 = vector.shape_cast %swap3A_214 : vector<16xi32> to vector<16xi32>
      %swap3A_216 = vector.shape_cast %min3A_212 : vector<16xi32> to vector<16xi32>
      tpu.vector_store %arg13[%swap3A_213], %swap3A_216 {strides = array<i32>} : memref<1024xi32, #tpu.memory_space<vmem>>, vector<16xi32>,
      %get3A_217 = arith.constant 224 : index
      %get3A_218 = tpu.vector_load %arg13[%get3A_217] {strides = array<i32>} : memref<1024xi32, #tpu.memory_space<vmem>>, vector<16xi32>,
      %get3A_219 = vector.shape_cast %get3A_218 : vector<16xi32> to vector<16xi32>
      %max3A_220 = arith.constant 0 : i32
      %max3A_221 = vector.broadcast %max3A_220 : i32 to vector<16xi32>
      %max3A_222 = arith.maxsi %get3A_219, %max3A_221 : vector<16xi32>
      %min3A_223 = arith.constant 36863 : i32
      %min3A_224 = vector.broadcast %min3A_223 : i32 to vector<16xi32>
      %min3A_225 = arith.minsi %max3A_222, %min3A_224 : vector<16xi32>
      %swap3A_226 = arith.constant 224 : index
      %swap3A_227 = tpu.vector_load %arg13[%swap3A_226] {strides = array<i32>} : memref<1024xi32, #tpu.memory_space<vmem>>, vector<16xi32>,
      %swap3A_228 = vector.shape_cast %swap3A_227 : vector<16xi32> to vector<16xi32>
      %swap3A_229 = vector.shape_cast %min3A_225 : vector<16xi32> to vector<16xi32>
      tpu.vector_store %arg13[%swap3A_226], %swap3A_229 {strides = array<i32>} : memref<1024xi32, #tpu.memory_space<vmem>>, vector<16xi32>,
      %get3A_230 = arith.constant 240 : index
      %get3A_231 = tpu.vector_load %arg13[%get3A_230] {strides = array<i32>} : memref<1024xi32, #tpu.memory_space<vmem>>, vector<16xi32>,
      %get3A_232 = vector.shape_cast %get3A_231 : vector<16xi32> to vector<16xi32>
      %max3A_233 = arith.constant 0 : i32
      %max3A_234 = vector.broadcast %max3A_233 : i32 to vector<16xi32>
      %max3A_235 = arith.maxsi %get3A_232, %max3A_234 : vector<16xi32>
      %min3A_236 = arith.constant 36863 : i32
      %min3A_237 = vector.broadcast %min3A_236 : i32 to vector<16xi32>
      %min3A_238 = arith.minsi %max3A_235, %min3A_237 : vector<16xi32>
      %swap3A_239 = arith.constant 240 : index
      %swap3A_240 = tpu.vector_load %arg13[%swap3A_239] {strides = array<i32>} : memref<1024xi32, #tpu.memory_space<vmem>>, vector<16xi32>,
      %swap3A_241 = vector.shape_cast %swap3A_240 : vector<16xi32> to vector<16xi32>
      %swap3A_242 = vector.shape_cast %min3A_238 : vector<16xi32> to vector<16xi32>
      tpu.vector_store %arg13[%swap3A_239], %swap3A_242 {strides = array<i32>} : memref<1024xi32, #tpu.memory_space<vmem>>, vector<16xi32>,
      %get3A_243 = arith.constant 256 : index
      %get3A_244 = tpu.vector_load %arg13[%get3A_243] {strides = array<i32>} : memref<1024xi32, #tpu.memory_space<vmem>>, vector<16xi32>,
      %get3A_245 = vector.shape_cast %get3A_244 : vector<16xi32> to vector<16xi32>
      %max3A_246 = arith.constant 0 : i32
      %max3A_247 = vector.broadcast %max3A_246 : i32 to vector<16xi32>
      %max3A_248 = arith.maxsi %get3A_245, %max3A_247 : vector<16xi32>
      %min3A_249 = arith.constant 36863 : i32
      %min3A_250 = vector.broadcast %min3A_249 : i32 to vector<16xi32>
      %min3A_251 = arith.minsi %max3A_248, %min3A_250 : vector<16xi32>
      %swap3A_252 = arith.constant 256 : index
      %swap3A_253 = tpu.vector_load %arg13[%swap3A_252] {strides = array<i32>} : memref<1024xi32, #tpu.memory_space<vmem>>, vector<16xi32>,
      %swap3A_254 = vector.shape_cast %swap3A_253 : vector<16xi32> to vector<16xi32>
      %swap3A_255 = vector.shape_cast %min3A_251 : vector<16xi32> to vector<16xi32>
      tpu.vector_store %arg13[%swap3A_252], %swap3A_255 {strides = array<i32>} : memref<1024xi32, #tpu.memory_space<vmem>>, vector<16xi32>,
      %get3A_256 = arith.constant 272 : index
      %get3A_257 = tpu.vector_load %arg13[%get3A_256] {strides = array<i32>} : memref<1024xi32, #tpu.memory_space<vmem>>, vector<16xi32>,
      %get3A_258 = vector.shape_cast %get3A_257 : vector<16xi32> to vector<16xi32>
      %max3A_259 = arith.constant 0 : i32
      %max3A_260 = vector.broadcast %max3A_259 : i32 to vector<16xi32>
      %max3A_261 = arith.maxsi %get3A_258, %max3A_260 : vector<16xi32>
      %min3A_262 = arith.constant 36863 : i32
      %min3A_263 = vector.broadcast %min3A_262 : i32 to vector<16xi32>
      %min3A_264 = arith.minsi %max3A_261, %min3A_263 : vector<16xi32>
      %swap3A_265 = arith.constant 272 : index
      %swap3A_266 = tpu.vector_load %arg13[%swap3A_265] {strides = array<i32>} : memref<1024xi32, #tpu.memory_space<vmem>>, vector<16xi32>,
      %swap3A_267 = vector.shape_cast %swap3A_266 : vector<16xi32> to vector<16xi32>
      %swap3A_268 = vector.shape_cast %min3A_264 : vector<16xi32> to vector<16xi32>
      tpu.vector_store %arg13[%swap3A_265], %swap3A_268 {strides = array<i32>} : memref<1024xi32, #tpu.memory_space<vmem>>, vector<16xi32>,
      %get3A_269 = arith.constant 288 : index
      %get3A_270 = tpu.vector_load %arg13[%get3A_269] {strides = array<i32>} : memref<1024xi32, #tpu.memory_space<vmem>>, vector<16xi32>,
      %get3A_271 = vector.shape_cast %get3A_270 : vector<16xi32> to vector<16xi32>
      %max3A_272 = arith.constant 0 : i32
      %max3A_273 = vector.broadcast %max3A_272 : i32 to vector<16xi32>
      %max3A_274 = arith.maxsi %get3A_271, %max3A_273 : vector<16xi32>
      %min3A_275 = arith.constant 36863 : i32
      %min3A_276 = vector.broadcast %min3A_275 : i32 to vector<16xi32>
      %min3A_277 = arith.minsi %max3A_274, %min3A_276 : vector<16xi32>
      %swap3A_278 = arith.constant 288 : index
      %swap3A_279 = tpu.vector_load %arg13[%swap3A_278] {strides = array<i32>} : memref<1024xi32, #tpu.memory_space<vmem>>, vector<16xi32>,
      %swap3A_280 = vector.shape_cast %swap3A_279 : vector<16xi32> to vector<16xi32>
      %swap3A_281 = vector.shape_cast %min3A_277 : vector<16xi32> to vector<16xi32>
      tpu.vector_store %arg13[%swap3A_278], %swap3A_281 {strides = array<i32>} : memref<1024xi32, #tpu.memory_space<vmem>>, vector<16xi32>,
      %get3A_282 = arith.constant 304 : index
      %get3A_283 = tpu.vector_load %arg13[%get3A_282] {strides = array<i32>} : memref<1024xi32, #tpu.memory_space<vmem>>, vector<16xi32>,
      %get3A_284 = vector.shape_cast %get3A_283 : vector<16xi32> to vector<16xi32>
      %max3A_285 = arith.constant 0 : i32
      %max3A_286 = vector.broadcast %max3A_285 : i32 to vector<16xi32>
      %max3A_287 = arith.maxsi %get3A_284, %max3A_286 : vector<16xi32>
      %min3A_288 = arith.constant 36863 : i32
      %min3A_289 = vector.broadcast %min3A_288 : i32 to vector<16xi32>
      %min3A_290 = arith.minsi %max3A_287, %min3A_289 : vector<16xi32>
      %swap3A_291 = arith.constant 304 : index
      %swap3A_292 = tpu.vector_load %arg13[%swap3A_291] {strides = array<i32>} : memref<1024xi32, #tpu.memory_space<vmem>>, vector<16xi32>,
      %swap3A_293 = vector.shape_cast %swap3A_292 : vector<16xi32> to vector<16xi32>
      %swap3A_294 = vector.shape_cast %min3A_290 : vector<16xi32> to vector<16xi32>
      tpu.vector_store %arg13[%swap3A_291], %swap3A_294 {strides = array<i32>} : memref<1024xi32, #tpu.memory_space<vmem>>, vector<16xi32>,
      %get3A_295 = arith.constant 320 : index
      %get3A_296 = tpu.vector_load %arg13[%get3A_295] {strides = array<i32>} : memref<1024xi32, #tpu.memory_space<vmem>>, vector<16xi32>,
      %get3A_297 = vector.shape_cast %get3A_296 : vector<16xi32> to vector<16xi32>
      %max3A_298 = arith.constant 0 : i32
      %max3A_299 = vector.broadcast %max3A_298 : i32 to vector<16xi32>
      %max3A_300 = arith.maxsi %get3A_297, %max3A_299 : vector<16xi32>
      %min3A_301 = arith.constant 36863 : i32
      %min3A_302 = vector.broadcast %min3A_301 : i32 to vector<16xi32>
      %min3A_303 = arith.minsi %max3A_300, %min3A_302 : vector<16xi32>
      %swap3A_304 = arith.constant 320 : index
      %swap3A_305 = tpu.vector_load %arg13[%swap3A_304] {strides = array<i32>} : memref<1024xi32, #tpu.memory_space<vmem>>, vector<16xi32>,
      %swap3A_306 = vector.shape_cast %swap3A_305 : vector<16xi32> to vector<16xi32>
      %swap3A_307 = vector.shape_cast %min3A_303 : vector<16xi32> to vector<16xi32>
      tpu.vector_store %arg13[%swap3A_304], %swap3A_307 {strides = array<i32>} : memref<1024xi32, #tpu.memory_space<vmem>>, vector<16xi32>,
      %get3A_308 = arith.constant 336 : index
      %get3A_309 = tpu.vector_load %arg13[%get3A_308] {strides = array<i32>} : memref<1024xi32, #tpu.memory_space<vmem>>, vector<16xi32>,
      %get3A_310 = vector.shape_cast %get3A_309 : vector<16xi32> to vector<16xi32>
      %max3A_311 = arith.constant 0 : i32
      %max3A_312 = vector.broadcast %max3A_311 : i32 to vector<16xi32>
      %max3A_313 = arith.maxsi %get3A_310, %max3A_312 : vector<16xi32>
      %min3A_314 = arith.constant 36863 : i32
      %min3A_315 = vector.broadcast %min3A_314 : i32 to vector<16xi32>
      %min3A_316 = arith.minsi %max3A_313, %min3A_315 : vector<16xi32>
      %swap3A_317 = arith.constant 336 : index
      %swap3A_318 = tpu.vector_load %arg13[%swap3A_317] {strides = array<i32>} : memref<1024xi32, #tpu.memory_space<vmem>>, vector<16xi32>,
      %swap3A_319 = vector.shape_cast %swap3A_318 : vector<16xi32> to vector<16xi32>
      %swap3A_320 = vector.shape_cast %min3A_316 : vector<16xi32> to vector<16xi32>
      tpu.vector_store %arg13[%swap3A_317], %swap3A_320 {strides = array<i32>} : memref<1024xi32, #tpu.memory_space<vmem>>, vector<16xi32>,
      %get3A_321 = arith.constant 352 : index
      %get3A_322 = tpu.vector_load %arg13[%get3A_321] {strides = array<i32>} : memref<1024xi32, #tpu.memory_space<vmem>>, vector<16xi32>,
      %get3A_323 = vector.shape_cast %get3A_322 : vector<16xi32> to vector<16xi32>
      %max3A_324 = arith.constant 0 : i32
      %max3A_325 = vector.broadcast %max3A_324 : i32 to vector<16xi32>
      %max3A_326 = arith.maxsi %get3A_323, %max3A_325 : vector<16xi32>
      %min3A_327 = arith.constant 36863 : i32
      %min3A_328 = vector.broadcast %min3A_327 : i32 to vector<16xi32>
      %min3A_329 = arith.minsi %max3A_326, %min3A_328 : vector<16xi32>
      %swap3A_330 = arith.constant 352 : index
      %swap3A_331 = tpu.vector_load %arg13[%swap3A_330] {strides = array<i32>} : memref<1024xi32, #tpu.memory_space<vmem>>, vector<16xi32>,
      %swap3A_332 = vector.shape_cast %swap3A_331 : vector<16xi32> to vector<16xi32>
      %swap3A_333 = vector.shape_cast %min3A_329 : vector<16xi32> to vector<16xi32>
      tpu.vector_store %arg13[%swap3A_330], %swap3A_333 {strides = array<i32>} : memref<1024xi32, #tpu.memory_space<vmem>>, vector<16xi32>,
      %get3A_334 = arith.constant 368 : index
      %get3A_335 = tpu.vector_load %arg13[%get3A_334] {strides = array<i32>} : memref<1024xi32, #tpu.memory_space<vmem>>, vector<16xi32>,
      %get3A_336 = vector.shape_cast %get3A_335 : vector<16xi32> to vector<16xi32>
      %max3A_337 = arith.constant 0 : i32
      %max3A_338 = vector.broadcast %max3A_337 : i32 to vector<16xi32>
      %max3A_339 = arith.maxsi %get3A_336, %max3A_338 : vector<16xi32>
      %min3A_340 = arith.constant 36863 : i32
      %min3A_341 = vector.broadcast %min3A_340 : i32 to vector<16xi32>
      %min3A_342 = arith.minsi %max3A_339, %min3A_341 : vector<16xi32>
      %swap3A_343 = arith.constant 368 : index
      %swap3A_344 = tpu.vector_load %arg13[%swap3A_343] {strides = array<i32>} : memref<1024xi32, #tpu.memory_space<vmem>>, vector<16xi32>,
      %swap3A_345 = vector.shape_cast %swap3A_344 : vector<16xi32> to vector<16xi32>
      %swap3A_346 = vector.shape_cast %min3A_342 : vector<16xi32> to vector<16xi32>
      tpu.vector_store %arg13[%swap3A_343], %swap3A_346 {strides = array<i32>} : memref<1024xi32, #tpu.memory_space<vmem>>, vector<16xi32>,
      %get3A_347 = arith.constant 384 : index
      %get3A_348 = tpu.vector_load %arg13[%get3A_347] {strides = array<i32>} : memref<1024xi32, #tpu.memory_space<vmem>>, vector<16xi32>,
      %get3A_349 = vector.shape_cast %get3A_348 : vector<16xi32> to vector<16xi32>
      %max3A_350 = arith.constant 0 : i32
      %max3A_351 = vector.broadcast %max3A_350 : i32 to vector<16xi32>
      %max3A_352 = arith.maxsi %get3A_349, %max3A_351 : vector<16xi32>
      %min3A_353 = arith.constant 36863 : i32
      %min3A_354 = vector.broadcast %min3A_353 : i32 to vector<16xi32>
      %min3A_355 = arith.minsi %max3A_352, %min3A_354 : vector<16xi32>
      %swap3A_356 = arith.constant 384 : index
      %swap3A_357 = tpu.vector_load %arg13[%swap3A_356] {strides = array<i32>} : memref<1024xi32, #tpu.memory_space<vmem>>, vector<16xi32>,
      %swap3A_358 = vector.shape_cast %swap3A_357 : vector<16xi32> to vector<16xi32>
      %swap3A_359 = vector.shape_cast %min3A_355 : vector<16xi32> to vector<16xi32>
      tpu.vector_store %arg13[%swap3A_356], %swap3A_359 {strides = array<i32>} : memref<1024xi32, #tpu.memory_space<vmem>>, vector<16xi32>,
      %get3A_360 = arith.constant 400 : index
      %get3A_361 = tpu.vector_load %arg13[%get3A_360] {strides = array<i32>} : memref<1024xi32, #tpu.memory_space<vmem>>, vector<16xi32>,
      %get3A_362 = vector.shape_cast %get3A_361 : vector<16xi32> to vector<16xi32>
      %max3A_363 = arith.constant 0 : i32
      %max3A_364 = vector.broadcast %max3A_363 : i32 to vector<16xi32>
      %max3A_365 = arith.maxsi %get3A_362, %max3A_364 : vector<16xi32>
      %min3A_366 = arith.constant 36863 : i32
      %min3A_367 = vector.broadcast %min3A_366 : i32 to vector<16xi32>
      %min3A_368 = arith.minsi %max3A_365, %min3A_367 : vector<16xi32>
      %swap3A_369 = arith.constant 400 : index
      %swap3A_370 = tpu.vector_load %arg13[%swap3A_369] {strides = array<i32>} : memref<1024xi32, #tpu.memory_space<vmem>>, vector<16xi32>,
      %swap3A_371 = vector.shape_cast %swap3A_370 : vector<16xi32> to vector<16xi32>
      %swap3A_372 = vector.shape_cast %min3A_368 : vector<16xi32> to vector<16xi32>
      tpu.vector_store %arg13[%swap3A_369], %swap3A_372 {strides = array<i32>} : memref<1024xi32, #tpu.memory_space<vmem>>, vector<16xi32>,
      %get3A_373 = arith.constant 416 : index
      %get3A_374 = tpu.vector_load %arg13[%get3A_373] {strides = array<i32>} : memref<1024xi32, #tpu.memory_space<vmem>>, vector<16xi32>,
      %get3A_375 = vector.shape_cast %get3A_374 : vector<16xi32> to vector<16xi32>
      %max3A_376 = arith.constant 0 : i32
      %max3A_377 = vector.broadcast %max3A_376 : i32 to vector<16xi32>
      %max3A_378 = arith.maxsi %get3A_375, %max3A_377 : vector<16xi32>
      %min3A_379 = arith.constant 36863 : i32
      %min3A_380 = vector.broadcast %min3A_379 : i32 to vector<16xi32>
      %min3A_381 = arith.minsi %max3A_378, %min3A_380 : vector<16xi32>
      %swap3A_382 = arith.constant 416 : index
      %swap3A_383 = tpu.vector_load %arg13[%swap3A_382] {strides = array<i32>} : memref<1024xi32, #tpu.memory_space<vmem>>, vector<16xi32>,
      %swap3A_384 = vector.shape_cast %swap3A_383 : vector<16xi32> to vector<16xi32>
      %swap3A_385 = vector.shape_cast %min3A_381 : vector<16xi32> to vector<16xi32>
      tpu.vector_store %arg13[%swap3A_382], %swap3A_385 {strides = array<i32>} : memref<1024xi32, #tpu.memory_space<vmem>>, vector<16xi32>,
      %get3A_386 = arith.constant 432 : index
      %get3A_387 = tpu.vector_load %arg13[%get3A_386] {strides = array<i32>} : memref<1024xi32, #tpu.memory_space<vmem>>, vector<16xi32>,
      %get3A_388 = vector.shape_cast %get3A_387 : vector<16xi32> to vector<16xi32>
      %max3A_389 = arith.constant 0 : i32
      %max3A_390 = vector.broadcast %max3A_389 : i32 to vector<16xi32>
      %max3A_391 = arith.maxsi %get3A_388, %max3A_390 : vector<16xi32>
      %min3A_392 = arith.constant 36863 : i32
      %min3A_393 = vector.broadcast %min3A_392 : i32 to vector<16xi32>
      %min3A_394 = arith.minsi %max3A_391, %min3A_393 : vector<16xi32>
      %swap3A_395 = arith.constant 432 : index
      %swap3A_396 = tpu.vector_load %arg13[%swap3A_395] {strides = array<i32>} : memref<1024xi32, #tpu.memory_space<vmem>>, vector<16xi32>,
      %swap3A_397 = vector.shape_cast %swap3A_396 : vector<16xi32> to vector<16xi32>
      %swap3A_398 = vector.shape_cast %min3A_394 : vector<16xi32> to vector<16xi32>
      tpu.vector_store %arg13[%swap3A_395], %swap3A_398 {strides = array<i32>} : memref<1024xi32, #tpu.memory_space<vmem>>, vector<16xi32>,
      %get3A_399 = arith.constant 448 : index
      %get3A_400 = tpu.vector_load %arg13[%get3A_399] {strides = array<i32>} : memref<1024xi32, #tpu.memory_space<vmem>>, vector<16xi32>,
      %get3A_401 = vector.shape_cast %get3A_400 : vector<16xi32> to vector<16xi32>
      %max3A_402 = arith.constant 0 : i32
      %max3A_403 = vector.broadcast %max3A_402 : i32 to vector<16xi32>
      %max3A_404 = arith.maxsi %get3A_401, %max3A_403 : vector<16xi32>
      %min3A_405 = arith.constant 36863 : i32
      %min3A_406 = vector.broadcast %min3A_405 : i32 to vector<16xi32>
      %min3A_407 = arith.minsi %max3A_404, %min3A_406 : vector<16xi32>
      %swap3A_408 = arith.constant 448 : index
      %swap3A_409 = tpu.vector_load %arg13[%swap3A_408] {strides = array<i32>} : memref<1024xi32, #tpu.memory_space<vmem>>, vector<16xi32>,
      %swap3A_410 = vector.shape_cast %swap3A_409 : vector<16xi32> to vector<16xi32>
      %swap3A_411 = vector.shape_cast %min3A_407 : vector<16xi32> to vector<16xi32>
      tpu.vector_store %arg13[%swap3A_408], %swap3A_411 {strides = array<i32>} : memref<1024xi32, #tpu.memory_space<vmem>>, vector<16xi32>,
      %get3A_412 = arith.constant 464 : index
      %get3A_413 = tpu.vector_load %arg13[%get3A_412] {strides = array<i32>} : memref<1024xi32, #tpu.memory_space<vmem>>, vector<16xi32>,
      %get3A_414 = vector.shape_cast %get3A_413 : vector<16xi32> to vector<16xi32>
      %max3A_415 = arith.constant 0 : i32
      %max3A_416 = vector.broadcast %max3A_415 : i32 to vector<16xi32>
      %max3A_417 = arith.maxsi %get3A_414, %max3A_416 : vector<16xi32>
      %min3A_418 = arith.constant 36863 : i32
      %min3A_419 = vector.broadcast %min3A_418 : i32 to vector<16xi32>
      %min3A_420 = arith.minsi %max3A_417, %min3A_419 : vector<16xi32>
      %swap3A_421 = arith.constant 464 : index
      %swap3A_422 = tpu.vector_load %arg13[%swap3A_421] {strides = array<i32>} : memref<1024xi32, #tpu.memory_space<vmem>>, vector<16xi32>,
      %swap3A_423 = vector.shape_cast %swap3A_422 : vector<16xi32> to vector<16xi32>
      %swap3A_424 = vector.shape_cast %min3A_420 : vector<16xi32> to vector<16xi32>
      tpu.vector_store %arg13[%swap3A_421], %swap3A_424 {strides = array<i32>} : memref<1024xi32, #tpu.memory_space<vmem>>, vector<16xi32>,
      %get3A_425 = arith.constant 480 : index
      %get3A_426 = tpu.vector_load %arg13[%get3A_425] {strides = array<i32>} : memref<1024xi32, #tpu.memory_space<vmem>>, vector<16xi32>,
      %get3A_427 = vector.shape_cast %get3A_426 : vector<16xi32> to vector<16xi32>
      %max3A_428 = arith.constant 0 : i32
      %max3A_429 = vector.broadcast %max3A_428 : i32 to vector<16xi32>
      %max3A_430 = arith.maxsi %get3A_427, %max3A_429 : vector<16xi32>
      %min3A_431 = arith.constant 36863 : i32
      %min3A_432 = vector.broadcast %min3A_431 : i32 to vector<16xi32>
      %min3A_433 = arith.minsi %max3A_430, %min3A_432 : vector<16xi32>
      %swap3A_434 = arith.constant 480 : index
      %swap3A_435 = tpu.vector_load %arg13[%swap3A_434] {strides = array<i32>} : memref<1024xi32, #tpu.memory_space<vmem>>, vector<16xi32>,
      %swap3A_436 = vector.shape_cast %swap3A_435 : vector<16xi32> to vector<16xi32>
      %swap3A_437 = vector.shape_cast %min3A_433 : vector<16xi32> to vector<16xi32>
      tpu.vector_store %arg13[%swap3A_434], %swap3A_437 {strides = array<i32>} : memref<1024xi32, #tpu.memory_space<vmem>>, vector<16xi32>,
      %get3A_438 = arith.constant 496 : index
      %get3A_439 = tpu.vector_load %arg13[%get3A_438] {strides = array<i32>} : memref<1024xi32, #tpu.memory_space<vmem>>, vector<16xi32>,
      %get3A_440 = vector.shape_cast %get3A_439 : vector<16xi32> to vector<16xi32>
      %max3A_441 = arith.constant 0 : i32
      %max3A_442 = vector.broadcast %max3A_441 : i32 to vector<16xi32>
      %max3A_443 = arith.maxsi %get3A_440, %max3A_442 : vector<16xi32>
      %min3A_444 = arith.constant 36863 : i32
      %min3A_445 = vector.broadcast %min3A_444 : i32 to vector<16xi32>
      %min3A_446 = arith.minsi %max3A_443, %min3A_445 : vector<16xi32>
      %swap3A_447 = arith.constant 496 : index
      %swap3A_448 = tpu.vector_load %arg13[%swap3A_447] {strides = array<i32>} : memref<1024xi32, #tpu.memory_space<vmem>>, vector<16xi32>,
      %swap3A_449 = vector.shape_cast %swap3A_448 : vector<16xi32> to vector<16xi32>
      %swap3A_450 = vector.shape_cast %min3A_446 : vector<16xi32> to vector<16xi32>
      tpu.vector_store %arg13[%swap3A_447], %swap3A_450 {strides = array<i32>} : memref<1024xi32, #tpu.memory_space<vmem>>, vector<16xi32>,
      %get3A_451 = arith.constant 512 : index
      %get3A_452 = tpu.vector_load %arg13[%get3A_451] {strides = array<i32>} : memref<1024xi32, #tpu.memory_space<vmem>>, vector<16xi32>,
      %get3A_453 = vector.shape_cast %get3A_452 : vector<16xi32> to vector<16xi32>
      %max3A_454 = arith.constant 0 : i32
      %max3A_455 = vector.broadcast %max3A_454 : i32 to vector<16xi32>
      %max3A_456 = arith.maxsi %get3A_453, %max3A_455 : vector<16xi32>
      %min3A_457 = arith.constant 36863 : i32
      %min3A_458 = vector.broadcast %min3A_457 : i32 to vector<16xi32>
      %min3A_459 = arith.minsi %max3A_456, %min3A_458 : vector<16xi32>
      %swap3A_460 = arith.constant 512 : index
      %swap3A_461 = tpu.vector_load %arg13[%swap3A_460] {strides = array<i32>} : memref<1024xi32, #tpu.memory_space<vmem>>, vector<16xi32>,
      %swap3A_462 = vector.shape_cast %swap3A_461 : vector<16xi32> to vector<16xi32>
      %swap3A_463 = vector.shape_cast %min3A_459 : vector<16xi32> to vector<16xi32>
      tpu.vector_store %arg13[%swap3A_460], %swap3A_463 {strides = array<i32>} : memref<1024xi32, #tpu.memory_space<vmem>>, vector<16xi32>,
      %get3A_464 = arith.constant 528 : index
      %get3A_465 = tpu.vector_load %arg13[%get3A_464] {strides = array<i32>} : memref<1024xi32, #tpu.memory_space<vmem>>, vector<16xi32>,
      %get3A_466 = vector.shape_cast %get3A_465 : vector<16xi32> to vector<16xi32>
      %max3A_467 = arith.constant 0 : i32
      %max3A_468 = vector.broadcast %max3A_467 : i32 to vector<16xi32>
      %max3A_469 = arith.maxsi %get3A_466, %max3A_468 : vector<16xi32>
      %min3A_470 = arith.constant 36863 : i32
      %min3A_471 = vector.broadcast %min3A_470 : i32 to vector<16xi32>
      %min3A_472 = arith.minsi %max3A_469, %min3A_471 : vector<16xi32>
      %swap3A_473 = arith.constant 528 : index
      %swap3A_474 = tpu.vector_load %arg13[%swap3A_473] {strides = array<i32>} : memref<1024xi32, #tpu.memory_space<vmem>>, vector<16xi32>,
      %swap3A_475 = vector.shape_cast %swap3A_474 : vector<16xi32> to vector<16xi32>
      %swap3A_476 = vector.shape_cast %min3A_472 : vector<16xi32> to vector<16xi32>
      tpu.vector_store %arg13[%swap3A_473], %swap3A_476 {strides = array<i32>} : memref<1024xi32, #tpu.memory_space<vmem>>, vector<16xi32>,
      %get3A_477 = arith.constant 544 : index
      %get3A_478 = tpu.vector_load %arg13[%get3A_477] {strides = array<i32>} : memref<1024xi32, #tpu.memory_space<vmem>>, vector<16xi32>,
      %get3A_479 = vector.shape_cast %get3A_478 : vector<16xi32> to vector<16xi32>
      %max3A_480 = arith.constant 0 : i32
      %max3A_481 = vector.broadcast %max3A_480 : i32 to vector<16xi32>
      %max3A_482 = arith.maxsi %get3A_479, %max3A_481 : vector<16xi32>
      %min3A_483 = arith.constant 36863 : i32
      %min3A_484 = vector.broadcast %min3A_483 : i32 to vector<16xi32>
      %min3A_485 = arith.minsi %max3A_482, %min3A_484 : vector<16xi32>
      %swap3A_486 = arith.constant 544 : index
      %swap3A_487 = tpu.vector_load %arg13[%swap3A_486] {strides = array<i32>} : memref<1024xi32, #tpu.memory_space<vmem>>, vector<16xi32>,
      %swap3A_488 = vector.shape_cast %swap3A_487 : vector<16xi32> to vector<16xi32>
      %swap3A_489 = vector.shape_cast %min3A_485 : vector<16xi32> to vector<16xi32>
      tpu.vector_store %arg13[%swap3A_486], %swap3A_489 {strides = array<i32>} : memref<1024xi32, #tpu.memory_space<vmem>>, vector<16xi32>,
      %get3A_490 = arith.constant 560 : index
      %get3A_491 = tpu.vector_load %arg13[%get3A_490] {strides = array<i32>} : memref<1024xi32, #tpu.memory_space<vmem>>, vector<16xi32>,
      %get3A_492 = vector.shape_cast %get3A_491 : vector<16xi32> to vector<16xi32>
      %max3A_493 = arith.constant 0 : i32
      %max3A_494 = vector.broadcast %max3A_493 : i32 to vector<16xi32>
      %max3A_495 = arith.maxsi %get3A_492, %max3A_494 : vector<16xi32>
      %min3A_496 = arith.constant 36863 : i32
      %min3A_497 = vector.broadcast %min3A_496 : i32 to vector<16xi32>
      %min3A_498 = arith.minsi %max3A_495, %min3A_497 : vector<16xi32>
      %swap3A_499 = arith.constant 560 : index
      %swap3A_500 = tpu.vector_load %arg13[%swap3A_499] {strides = array<i32>} : memref<1024xi32, #tpu.memory_space<vmem>>, vector<16xi32>,
      %swap3A_501 = vector.shape_cast %swap3A_500 : vector<16xi32> to vector<16xi32>
      %swap3A_502 = vector.shape_cast %min3A_498 : vector<16xi32> to vector<16xi32>
      tpu.vector_store %arg13[%swap3A_499], %swap3A_502 {strides = array<i32>} : memref<1024xi32, #tpu.memory_space<vmem>>, vector<16xi32>,
      %get3A_503 = arith.constant 576 : index
      %get3A_504 = tpu.vector_load %arg13[%get3A_503] {strides = array<i32>} : memref<1024xi32, #tpu.memory_space<vmem>>, vector<16xi32>,
      %get3A_505 = vector.shape_cast %get3A_504 : vector<16xi32> to vector<16xi32>
      %max3A_506 = arith.constant 0 : i32
      %max3A_507 = vector.broadcast %max3A_506 : i32 to vector<16xi32>
      %max3A_508 = arith.maxsi %get3A_505, %max3A_507 : vector<16xi32>
      %min3A_509 = arith.constant 36863 : i32
      %min3A_510 = vector.broadcast %min3A_509 : i32 to vector<16xi32>
      %min3A_511 = arith.minsi %max3A_508, %min3A_510 : vector<16xi32>
      %swap3A_512 = arith.constant 576 : index
      %swap3A_513 = tpu.vector_load %arg13[%swap3A_512] {strides = array<i32>} : memref<1024xi32, #tpu.memory_space<vmem>>, vector<16xi32>,
      %swap3A_514 = vector.shape_cast %swap3A_513 : vector<16xi32> to vector<16xi32>
      %swap3A_515 = vector.shape_cast %min3A_511 : vector<16xi32> to vector<16xi32>
      tpu.vector_store %arg13[%swap3A_512], %swap3A_515 {strides = array<i32>} : memref<1024xi32, #tpu.memory_space<vmem>>, vector<16xi32>,
      %get3A_516 = arith.constant 592 : index
      %get3A_517 = tpu.vector_load %arg13[%get3A_516] {strides = array<i32>} : memref<1024xi32, #tpu.memory_space<vmem>>, vector<16xi32>,
      %get3A_518 = vector.shape_cast %get3A_517 : vector<16xi32> to vector<16xi32>
      %max3A_519 = arith.constant 0 : i32
      %max3A_520 = vector.broadcast %max3A_519 : i32 to vector<16xi32>
      %max3A_521 = arith.maxsi %get3A_518, %max3A_520 : vector<16xi32>
      %min3A_522 = arith.constant 36863 : i32
      %min3A_523 = vector.broadcast %min3A_522 : i32 to vector<16xi32>
      %min3A_524 = arith.minsi %max3A_521, %min3A_523 : vector<16xi32>
      %swap3A_525 = arith.constant 592 : index
      %swap3A_526 = tpu.vector_load %arg13[%swap3A_525] {strides = array<i32>} : memref<1024xi32, #tpu.memory_space<vmem>>, vector<16xi32>,
      %swap3A_527 = vector.shape_cast %swap3A_526 : vector<16xi32> to vector<16xi32>
      %swap3A_528 = vector.shape_cast %min3A_524 : vector<16xi32> to vector<16xi32>
      tpu.vector_store %arg13[%swap3A_525], %swap3A_528 {strides = array<i32>} : memref<1024xi32, #tpu.memory_space<vmem>>, vector<16xi32>,
      %get3A_529 = arith.constant 608 : index
      %get3A_530 = tpu.vector_load %arg13[%get3A_529] {strides = array<i32>} : memref<1024xi32, #tpu.memory_space<vmem>>, vector<16xi32>,
      %get3A_531 = vector.shape_cast %get3A_530 : vector<16xi32> to vector<16xi32>
      %max3A_532 = arith.constant 0 : i32
      %max3A_533 = vector.broadcast %max3A_532 : i32 to vector<16xi32>
      %max3A_534 = arith.maxsi %get3A_531, %max3A_533 : vector<16xi32>
      %min3A_535 = arith.constant 36863 : i32
      %min3A_536 = vector.broadcast %min3A_535 : i32 to vector<16xi32>
      %min3A_537 = arith.minsi %max3A_534, %min3A_536 : vector<16xi32>
      %swap3A_538 = arith.constant 608 : index
      %swap3A_539 = tpu.vector_load %arg13[%swap3A_538] {strides = array<i32>} : memref<1024xi32, #tpu.memory_space<vmem>>, vector<16xi32>,
      %swap3A_540 = vector.shape_cast %swap3A_539 : vector<16xi32> to vector<16xi32>
      %swap3A_541 = vector.shape_cast %min3A_537 : vector<16xi32> to vector<16xi32>
      tpu.vector_store %arg13[%swap3A_538], %swap3A_541 {strides = array<i32>} : memref<1024xi32, #tpu.memory_space<vmem>>, vector<16xi32>,
      %get3A_542 = arith.constant 624 : index
      %get3A_543 = tpu.vector_load %arg13[%get3A_542] {strides = array<i32>} : memref<1024xi32, #tpu.memory_space<vmem>>, vector<16xi32>,
      %get3A_544 = vector.shape_cast %get3A_543 : vector<16xi32> to vector<16xi32>
      %max3A_545 = arith.constant 0 : i32
      %max3A_546 = vector.broadcast %max3A_545 : i32 to vector<16xi32>
      %max3A_547 = arith.maxsi %get3A_544, %max3A_546 : vector<16xi32>
      %min3A_548 = arith.constant 36863 : i32
      %min3A_549 = vector.broadcast %min3A_548 : i32 to vector<16xi32>
      %min3A_550 = arith.minsi %max3A_547, %min3A_549 : vector<16xi32>
      %swap3A_551 = arith.constant 624 : index
      %swap3A_552 = tpu.vector_load %arg13[%swap3A_551] {strides = array<i32>} : memref<1024xi32, #tpu.memory_space<vmem>>, vector<16xi32>,
      %swap3A_553 = vector.shape_cast %swap3A_552 : vector<16xi32> to vector<16xi32>
      %swap3A_554 = vector.shape_cast %min3A_550 : vector<16xi32> to vector<16xi32>
      tpu.vector_store %arg13[%swap3A_551], %swap3A_554 {strides = array<i32>} : memref<1024xi32, #tpu.memory_space<vmem>>, vector<16xi32>,
      %get3A_555 = arith.constant 640 : index
      %get3A_556 = tpu.vector_load %arg13[%get3A_555] {strides = array<i32>} : memref<1024xi32, #tpu.memory_space<vmem>>, vector<16xi32>,
      %get3A_557 = vector.shape_cast %get3A_556 : vector<16xi32> to vector<16xi32>
      %max3A_558 = arith.constant 0 : i32
      %max3A_559 = vector.broadcast %max3A_558 : i32 to vector<16xi32>
      %max3A_560 = arith.maxsi %get3A_557, %max3A_559 : vector<16xi32>
      %min3A_561 = arith.constant 36863 : i32
      %min3A_562 = vector.broadcast %min3A_561 : i32 to vector<16xi32>
      %min3A_563 = arith.minsi %max3A_560, %min3A_562 : vector<16xi32>
      %swap3A_564 = arith.constant 640 : index
      %swap3A_565 = tpu.vector_load %arg13[%swap3A_564] {strides = array<i32>} : memref<1024xi32, #tpu.memory_space<vmem>>, vector<16xi32>,
      %swap3A_566 = vector.shape_cast %swap3A_565 : vector<16xi32> to vector<16xi32>
      %swap3A_567 = vector.shape_cast %min3A_563 : vector<16xi32> to vector<16xi32>
      tpu.vector_store %arg13[%swap3A_564], %swap3A_567 {strides = array<i32>} : memref<1024xi32, #tpu.memory_space<vmem>>, vector<16xi32>,
      %get3A_568 = arith.constant 656 : index
      %get3A_569 = tpu.vector_load %arg13[%get3A_568] {strides = array<i32>} : memref<1024xi32, #tpu.memory_space<vmem>>, vector<16xi32>,
      %get3A_570 = vector.shape_cast %get3A_569 : vector<16xi32> to vector<16xi32>
      %max3A_571 = arith.constant 0 : i32
      %max3A_572 = vector.broadcast %max3A_571 : i32 to vector<16xi32>
      %max3A_573 = arith.maxsi %get3A_570, %max3A_572 : vector<16xi32>
      %min3A_574 = arith.constant 36863 : i32
      %min3A_575 = vector.broadcast %min3A_574 : i32 to vector<16xi32>
      %min3A_576 = arith.minsi %max3A_573, %min3A_575 : vector<16xi32>
      %swap3A_577 = arith.constant 656 : index
      %swap3A_578 = tpu.vector_load %arg13[%swap3A_577] {strides = array<i32>} : memref<1024xi32, #tpu.memory_space<vmem>>, vector<16xi32>,
      %swap3A_579 = vector.shape_cast %swap3A_578 : vector<16xi32> to vector<16xi32>
      %swap3A_580 = vector.shape_cast %min3A_576 : vector<16xi32> to vector<16xi32>
      tpu.vector_store %arg13[%swap3A_577], %swap3A_580 {strides = array<i32>} : memref<1024xi32, #tpu.memory_space<vmem>>, vector<16xi32>,
      %get3A_581 = arith.constant 672 : index
      %get3A_582 = tpu.vector_load %arg13[%get3A_581] {strides = array<i32>} : memref<1024xi32, #tpu.memory_space<vmem>>, vector<16xi32>,
      %get3A_583 = vector.shape_cast %get3A_582 : vector<16xi32> to vector<16xi32>
      %max3A_584 = arith.constant 0 : i32
      %max3A_585 = vector.broadcast %max3A_584 : i32 to vector<16xi32>
      %max3A_586 = arith.maxsi %get3A_583, %max3A_585 : vector<16xi32>
      %min3A_587 = arith.constant 36863 : i32
      %min3A_588 = vector.broadcast %min3A_587 : i32 to vector<16xi32>
      %min3A_589 = arith.minsi %max3A_586, %min3A_588 : vector<16xi32>
      %swap3A_590 = arith.constant 672 : index
      %swap3A_591 = tpu.vector_load %arg13[%swap3A_590] {strides = array<i32>} : memref<1024xi32, #tpu.memory_space<vmem>>, vector<16xi32>,
      %swap3A_592 = vector.shape_cast %swap3A_591 : vector<16xi32> to vector<16xi32>
      %swap3A_593 = vector.shape_cast %min3A_589 : vector<16xi32> to vector<16xi32>
      tpu.vector_store %arg13[%swap3A_590], %swap3A_593 {strides = array<i32>} : memref<1024xi32, #tpu.memory_space<vmem>>, vector<16xi32>,
      %get3A_594 = arith.constant 688 : index
      %get3A_595 = tpu.vector_load %arg13[%get3A_594] {strides = array<i32>} : memref<1024xi32, #tpu.memory_space<vmem>>, vector<16xi32>,
      %get3A_596 = vector.shape_cast %get3A_595 : vector<16xi32> to vector<16xi32>
      %max3A_597 = arith.constant 0 : i32
      %max3A_598 = vector.broadcast %max3A_597 : i32 to vector<16xi32>
      %max3A_599 = arith.maxsi %get3A_596, %max3A_598 : vector<16xi32>
      %min3A_600 = arith.constant 36863 : i32
      %min3A_601 = vector.broadcast %min3A_600 : i32 to vector<16xi32>
      %min3A_602 = arith.minsi %max3A_599, %min3A_601 : vector<16xi32>
      %swap3A_603 = arith.constant 688 : index
      %swap3A_604 = tpu.vector_load %arg13[%swap3A_603] {strides = array<i32>} : memref<1024xi32, #tpu.memory_space<vmem>>, vector<16xi32>,
      %swap3A_605 = vector.shape_cast %swap3A_604 : vector<16xi32> to vector<16xi32>
      %swap3A_606 = vector.shape_cast %min3A_602 : vector<16xi32> to vector<16xi32>
      tpu.vector_store %arg13[%swap3A_603], %swap3A_606 {strides = array<i32>} : memref<1024xi32, #tpu.memory_space<vmem>>, vector<16xi32>,
      %get3A_607 = arith.constant 704 : index
      %get3A_608 = tpu.vector_load %arg13[%get3A_607] {strides = array<i32>} : memref<1024xi32, #tpu.memory_space<vmem>>, vector<16xi32>,
      %get3A_609 = vector.shape_cast %get3A_608 : vector<16xi32> to vector<16xi32>
      %max3A_610 = arith.constant 0 : i32
      %max3A_611 = vector.broadcast %max3A_610 : i32 to vector<16xi32>
      %max3A_612 = arith.maxsi %get3A_609, %max3A_611 : vector<16xi32>
      %min3A_613 = arith.constant 36863 : i32
      %min3A_614 = vector.broadcast %min3A_613 : i32 to vector<16xi32>
      %min3A_615 = arith.minsi %max3A_612, %min3A_614 : vector<16xi32>
      %swap3A_616 = arith.constant 704 : index
      %swap3A_617 = tpu.vector_load %arg13[%swap3A_616] {strides = array<i32>} : memref<1024xi32, #tpu.memory_space<vmem>>, vector<16xi32>,
      %swap3A_618 = vector.shape_cast %swap3A_617 : vector<16xi32> to vector<16xi32>
      %swap3A_619 = vector.shape_cast %min3A_615 : vector<16xi32> to vector<16xi32>
      tpu.vector_store %arg13[%swap3A_616], %swap3A_619 {strides = array<i32>} : memref<1024xi32, #tpu.memory_space<vmem>>, vector<16xi32>,
      %get3A_620 = arith.constant 720 : index
      %get3A_621 = tpu.vector_load %arg13[%get3A_620] {strides = array<i32>} : memref<1024xi32, #tpu.memory_space<vmem>>, vector<16xi32>,
      %get3A_622 = vector.shape_cast %get3A_621 : vector<16xi32> to vector<16xi32>
      %max3A_623 = arith.constant 0 : i32
      %max3A_624 = vector.broadcast %max3A_623 : i32 to vector<16xi32>
      %max3A_625 = arith.maxsi %get3A_622, %max3A_624 : vector<16xi32>
      %min3A_626 = arith.constant 36863 : i32
      %min3A_627 = vector.broadcast %min3A_626 : i32 to vector<16xi32>
      %min3A_628 = arith.minsi %max3A_625, %min3A_627 : vector<16xi32>
      %swap3A_629 = arith.constant 720 : index
      %swap3A_630 = tpu.vector_load %arg13[%swap3A_629] {strides = array<i32>} : memref<1024xi32, #tpu.memory_space<vmem>>, vector<16xi32>,
      %swap3A_631 = vector.shape_cast %swap3A_630 : vector<16xi32> to vector<16xi32>
      %swap3A_632 = vector.shape_cast %min3A_628 : vector<16xi32> to vector<16xi32>
      tpu.vector_store %arg13[%swap3A_629], %swap3A_632 {strides = array<i32>} : memref<1024xi32, #tpu.memory_space<vmem>>, vector<16xi32>,
      %get3A_633 = arith.constant 736 : index
      %get3A_634 = tpu.vector_load %arg13[%get3A_633] {strides = array<i32>} : memref<1024xi32, #tpu.memory_space<vmem>>, vector<16xi32>,
      %get3A_635 = vector.shape_cast %get3A_634 : vector<16xi32> to vector<16xi32>
      %max3A_636 = arith.constant 0 : i32
      %max3A_637 = vector.broadcast %max3A_636 : i32 to vector<16xi32>
      %max3A_638 = arith.maxsi %get3A_635, %max3A_637 : vector<16xi32>
      %min3A_639 = arith.constant 36863 : i32
      %min3A_640 = vector.broadcast %min3A_639 : i32 to vector<16xi32>
      %min3A_641 = arith.minsi %max3A_638, %min3A_640 : vector<16xi32>
      %swap3A_642 = arith.constant 736 : index
      %swap3A_643 = tpu.vector_load %arg13[%swap3A_642] {strides = array<i32>} : memref<1024xi32, #tpu.memory_space<vmem>>, vector<16xi32>,
      %swap3A_644 = vector.shape_cast %swap3A_643 : vector<16xi32> to vector<16xi32>
      %swap3A_645 = vector.shape_cast %min3A_641 : vector<16xi32> to vector<16xi32>
      tpu.vector_store %arg13[%swap3A_642], %swap3A_645 {strides = array<i32>} : memref<1024xi32, #tpu.memory_space<vmem>>, vector<16xi32>,
      %get3A_646 = arith.constant 752 : index
      %get3A_647 = tpu.vector_load %arg13[%get3A_646] {strides = array<i32>} : memref<1024xi32, #tpu.memory_space<vmem>>, vector<16xi32>,
      %get3A_648 = vector.shape_cast %get3A_647 : vector<16xi32> to vector<16xi32>
      %max3A_649 = arith.constant 0 : i32
      %max3A_650 = vector.broadcast %max3A_649 : i32 to vector<16xi32>
      %max3A_651 = arith.maxsi %get3A_648, %max3A_650 : vector<16xi32>
      %min3A_652 = arith.constant 36863 : i32
      %min3A_653 = vector.broadcast %min3A_652 : i32 to vector<16xi32>
      %min3A_654 = arith.minsi %max3A_651, %min3A_653 : vector<16xi32>
      %swap3A_655 = arith.constant 752 : index
      %swap3A_656 = tpu.vector_load %arg13[%swap3A_655] {strides = array<i32>} : memref<1024xi32, #tpu.memory_space<vmem>>, vector<16xi32>,
      %swap3A_657 = vector.shape_cast %swap3A_656 : vector<16xi32> to vector<16xi32>
      %swap3A_658 = vector.shape_cast %min3A_654 : vector<16xi32> to vector<16xi32>
      tpu.vector_store %arg13[%swap3A_655], %swap3A_658 {strides = array<i32>} : memref<1024xi32, #tpu.memory_space<vmem>>, vector<16xi32>,
      %get3A_659 = arith.constant 768 : index
      %get3A_660 = tpu.vector_load %arg13[%get3A_659] {strides = array<i32>} : memref<1024xi32, #tpu.memory_space<vmem>>, vector<16xi32>,
      %get3A_661 = vector.shape_cast %get3A_660 : vector<16xi32> to vector<16xi32>
      %max3A_662 = arith.constant 0 : i32
      %max3A_663 = vector.broadcast %max3A_662 : i32 to vector<16xi32>
      %max3A_664 = arith.maxsi %get3A_661, %max3A_663 : vector<16xi32>
      %min3A_665 = arith.constant 36863 : i32
      %min3A_666 = vector.broadcast %min3A_665 : i32 to vector<16xi32>
      %min3A_667 = arith.minsi %max3A_664, %min3A_666 : vector<16xi32>
      %swap3A_668 = arith.constant 768 : index
      %swap3A_669 = tpu.vector_load %arg13[%swap3A_668] {strides = array<i32>} : memref<1024xi32, #tpu.memory_space<vmem>>, vector<16xi32>,
      %swap3A_670 = vector.shape_cast %swap3A_669 : vector<16xi32> to vector<16xi32>
      %swap3A_671 = vector.shape_cast %min3A_667 : vector<16xi32> to vector<16xi32>
      tpu.vector_store %arg13[%swap3A_668], %swap3A_671 {strides = array<i32>} : memref<1024xi32, #tpu.memory_space<vmem>>, vector<16xi32>,
      %get3A_672 = arith.constant 784 : index
      %get3A_673 = tpu.vector_load %arg13[%get3A_672] {strides = array<i32>} : memref<1024xi32, #tpu.memory_space<vmem>>, vector<16xi32>,
      %get3A_674 = vector.shape_cast %get3A_673 : vector<16xi32> to vector<16xi32>
      %max3A_675 = arith.constant 0 : i32
      %max3A_676 = vector.broadcast %max3A_675 : i32 to vector<16xi32>
      %max3A_677 = arith.maxsi %get3A_674, %max3A_676 : vector<16xi32>
      %min3A_678 = arith.constant 36863 : i32
      %min3A_679 = vector.broadcast %min3A_678 : i32 to vector<16xi32>
      %min3A_680 = arith.minsi %max3A_677, %min3A_679 : vector<16xi32>
      %swap3A_681 = arith.constant 784 : index
      %swap3A_682 = tpu.vector_load %arg13[%swap3A_681] {strides = array<i32>} : memref<1024xi32, #tpu.memory_space<vmem>>, vector<16xi32>,
      %swap3A_683 = vector.shape_cast %swap3A_682 : vector<16xi32> to vector<16xi32>
      %swap3A_684 = vector.shape_cast %min3A_680 : vector<16xi32> to vector<16xi32>
      tpu.vector_store %arg13[%swap3A_681], %swap3A_684 {strides = array<i32>} : memref<1024xi32, #tpu.memory_space<vmem>>, vector<16xi32>,
      %get3A_685 = arith.constant 800 : index
      %get3A_686 = tpu.vector_load %arg13[%get3A_685] {strides = array<i32>} : memref<1024xi32, #tpu.memory_space<vmem>>, vector<16xi32>,
      %get3A_687 = vector.shape_cast %get3A_686 : vector<16xi32> to vector<16xi32>
      %max3A_688 = arith.constant 0 : i32
      %max3A_689 = vector.broadcast %max3A_688 : i32 to vector<16xi32>
      %max3A_690 = arith.maxsi %get3A_687, %max3A_689 : vector<16xi32>
      %min3A_691 = arith.constant 36863 : i32
      %min3A_692 = vector.broadcast %min3A_691 : i32 to vector<16xi32>
      %min3A_693 = arith.minsi %max3A_690, %min3A_692 : vector<16xi32>
      %swap3A_694 = arith.constant 800 : index
      %swap3A_695 = tpu.vector_load %arg13[%swap3A_694] {strides = array<i32>} : memref<1024xi32, #tpu.memory_space<vmem>>, vector<16xi32>,
      %swap3A_696 = vector.shape_cast %swap3A_695 : vector<16xi32> to vector<16xi32>
      %swap3A_697 = vector.shape_cast %min3A_693 : vector<16xi32> to vector<16xi32>
      tpu.vector_store %arg13[%swap3A_694], %swap3A_697 {strides = array<i32>} : memref<1024xi32, #tpu.memory_space<vmem>>, vector<16xi32>,
      %get3A_698 = arith.constant 816 : index
      %get3A_699 = tpu.vector_load %arg13[%get3A_698] {strides = array<i32>} : memref<1024xi32, #tpu.memory_space<vmem>>, vector<16xi32>,
      %get3A_700 = vector.shape_cast %get3A_699 : vector<16xi32> to vector<16xi32>
      %max3A_701 = arith.constant 0 : i32
      %max3A_702 = vector.broadcast %max3A_701 : i32 to vector<16xi32>
      %max3A_703 = arith.maxsi %get3A_700, %max3A_702 : vector<16xi32>
      %min3A_704 = arith.constant 36863 : i32
      %min3A_705 = vector.broadcast %min3A_704 : i32 to vector<16xi32>
      %min3A_706 = arith.minsi %max3A_703, %min3A_705 : vector<16xi32>
      %swap3A_707 = arith.constant 816 : index
      %swap3A_708 = tpu.vector_load %arg13[%swap3A_707] {strides = array<i32>} : memref<1024xi32, #tpu.memory_space<vmem>>, vector<16xi32>,
      %swap3A_709 = vector.shape_cast %swap3A_708 : vector<16xi32> to vector<16xi32>
      %swap3A_710 = vector.shape_cast %min3A_706 : vector<16xi32> to vector<16xi32>
      tpu.vector_store %arg13[%swap3A_707], %swap3A_710 {strides = array<i32>} : memref<1024xi32, #tpu.memory_space<vmem>>, vector<16xi32>,
      %get3A_711 = arith.constant 832 : index
      %get3A_712 = tpu.vector_load %arg13[%get3A_711] {strides = array<i32>} : memref<1024xi32, #tpu.memory_space<vmem>>, vector<16xi32>,
      %get3A_713 = vector.shape_cast %get3A_712 : vector<16xi32> to vector<16xi32>
      %max3A_714 = arith.constant 0 : i32
      %max3A_715 = vector.broadcast %max3A_714 : i32 to vector<16xi32>
      %max3A_716 = arith.maxsi %get3A_713, %max3A_715 : vector<16xi32>
      %min3A_717 = arith.constant 36863 : i32
      %min3A_718 = vector.broadcast %min3A_717 : i32 to vector<16xi32>
      %min3A_719 = arith.minsi %max3A_716, %min3A_718 : vector<16xi32>
      %swap3A_720 = arith.constant 832 : index
      %swap3A_721 = tpu.vector_load %arg13[%swap3A_720] {strides = array<i32>} : memref<1024xi32, #tpu.memory_space<vmem>>, vector<16xi32>,
      %swap3A_722 = vector.shape_cast %swap3A_721 : vector<16xi32> to vector<16xi32>
      %swap3A_723 = vector.shape_cast %min3A_719 : vector<16xi32> to vector<16xi32>
      tpu.vector_store %arg13[%swap3A_720], %swap3A_723 {strides = array<i32>} : memref<1024xi32, #tpu.memory_space<vmem>>, vector<16xi32>,
      %get3A_724 = arith.constant 848 : index
      %get3A_725 = tpu.vector_load %arg13[%get3A_724] {strides = array<i32>} : memref<1024xi32, #tpu.memory_space<vmem>>, vector<16xi32>,
      %get3A_726 = vector.shape_cast %get3A_725 : vector<16xi32> to vector<16xi32>
      %max3A_727 = arith.constant 0 : i32
      %max3A_728 = vector.broadcast %max3A_727 : i32 to vector<16xi32>
      %max3A_729 = arith.maxsi %get3A_726, %max3A_728 : vector<16xi32>
      %min3A_730 = arith.constant 36863 : i32
      %min3A_731 = vector.broadcast %min3A_730 : i32 to vector<16xi32>
      %min3A_732 = arith.minsi %max3A_729, %min3A_731 : vector<16xi32>
      %swap3A_733 = arith.constant 848 : index
      %swap3A_734 = tpu.vector_load %arg13[%swap3A_733] {strides = array<i32>} : memref<1024xi32, #tpu.memory_space<vmem>>, vector<16xi32>,
      %swap3A_735 = vector.shape_cast %swap3A_734 : vector<16xi32> to vector<16xi32>
      %swap3A_736 = vector.shape_cast %min3A_732 : vector<16xi32> to vector<16xi32>
      tpu.vector_store %arg13[%swap3A_733], %swap3A_736 {strides = array<i32>} : memref<1024xi32, #tpu.memory_space<vmem>>, vector<16xi32>,
      %get3A_737 = arith.constant 864 : index
      %get3A_738 = tpu.vector_load %arg13[%get3A_737] {strides = array<i32>} : memref<1024xi32, #tpu.memory_space<vmem>>, vector<16xi32>,
      %get3A_739 = vector.shape_cast %get3A_738 : vector<16xi32> to vector<16xi32>
      %max3A_740 = arith.constant 0 : i32
      %max3A_741 = vector.broadcast %max3A_740 : i32 to vector<16xi32>
      %max3A_742 = arith.maxsi %get3A_739, %max3A_741 : vector<16xi32>
      %min3A_743 = arith.constant 36863 : i32
      %min3A_744 = vector.broadcast %min3A_743 : i32 to vector<16xi32>
      %min3A_745 = arith.minsi %max3A_742, %min3A_744 : vector<16xi32>
      %swap3A_746 = arith.constant 864 : index
      %swap3A_747 = tpu.vector_load %arg13[%swap3A_746] {strides = array<i32>} : memref<1024xi32, #tpu.memory_space<vmem>>, vector<16xi32>,
      %swap3A_748 = vector.shape_cast %swap3A_747 : vector<16xi32> to vector<16xi32>
      %swap3A_749 = vector.shape_cast %min3A_745 : vector<16xi32> to vector<16xi32>
      tpu.vector_store %arg13[%swap3A_746], %swap3A_749 {strides = array<i32>} : memref<1024xi32, #tpu.memory_space<vmem>>, vector<16xi32>,
      %get3A_750 = arith.constant 880 : index
      %get3A_751 = tpu.vector_load %arg13[%get3A_750] {strides = array<i32>} : memref<1024xi32, #tpu.memory_space<vmem>>, vector<16xi32>,
      %get3A_752 = vector.shape_cast %get3A_751 : vector<16xi32> to vector<16xi32>
      %max3A_753 = arith.constant 0 : i32
      %max3A_754 = vector.broadcast %max3A_753 : i32 to vector<16xi32>
      %max3A_755 = arith.maxsi %get3A_752, %max3A_754 : vector<16xi32>
      %min3A_756 = arith.constant 36863 : i32
      %min3A_757 = vector.broadcast %min3A_756 : i32 to vector<16xi32>
      %min3A_758 = arith.minsi %max3A_755, %min3A_757 : vector<16xi32>
      %swap3A_759 = arith.constant 880 : index
      %swap3A_760 = tpu.vector_load %arg13[%swap3A_759] {strides = array<i32>} : memref<1024xi32, #tpu.memory_space<vmem>>, vector<16xi32>,
      %swap3A_761 = vector.shape_cast %swap3A_760 : vector<16xi32> to vector<16xi32>
      %swap3A_762 = vector.shape_cast %min3A_758 : vector<16xi32> to vector<16xi32>
      tpu.vector_store %arg13[%swap3A_759], %swap3A_762 {strides = array<i32>} : memref<1024xi32, #tpu.memory_space<vmem>>, vector<16xi32>,
      %get3A_763 = arith.constant 896 : index
      %get3A_764 = tpu.vector_load %arg13[%get3A_763] {strides = array<i32>} : memref<1024xi32, #tpu.memory_space<vmem>>, vector<16xi32>,
      %get3A_765 = vector.shape_cast %get3A_764 : vector<16xi32> to vector<16xi32>
      %max3A_766 = arith.constant 0 : i32
      %max3A_767 = vector.broadcast %max3A_766 : i32 to vector<16xi32>
      %max3A_768 = arith.maxsi %get3A_765, %max3A_767 : vector<16xi32>
      %min3A_769 = arith.constant 36863 : i32
      %min3A_770 = vector.broadcast %min3A_769 : i32 to vector<16xi32>
      %min3A_771 = arith.minsi %max3A_768, %min3A_770 : vector<16xi32>
      %swap3A_772 = arith.constant 896 : index
      %swap3A_773 = tpu.vector_load %arg13[%swap3A_772] {strides = array<i32>} : memref<1024xi32, #tpu.memory_space<vmem>>, vector<16xi32>,
      %swap3A_774 = vector.shape_cast %swap3A_773 : vector<16xi32> to vector<16xi32>
      %swap3A_775 = vector.shape_cast %min3A_771 : vector<16xi32> to vector<16xi32>
      tpu.vector_store %arg13[%swap3A_772], %swap3A_775 {strides = array<i32>} : memref<1024xi32, #tpu.memory_space<vmem>>, vector<16xi32>,
      %get3A_776 = arith.constant 912 : index
      %get3A_777 = tpu.vector_load %arg13[%get3A_776] {strides = array<i32>} : memref<1024xi32, #tpu.memory_space<vmem>>, vector<16xi32>,
      %get3A_778 = vector.shape_cast %get3A_777 : vector<16xi32> to vector<16xi32>
      %max3A_779 = arith.constant 0 : i32
      %max3A_780 = vector.broadcast %max3A_779 : i32 to vector<16xi32>
      %max3A_781 = arith.maxsi %get3A_778, %max3A_780 : vector<16xi32>
      %min3A_782 = arith.constant 36863 : i32
      %min3A_783 = vector.broadcast %min3A_782 : i32 to vector<16xi32>
      %min3A_784 = arith.minsi %max3A_781, %min3A_783 : vector<16xi32>
      %swap3A_785 = arith.constant 912 : index
      %swap3A_786 = tpu.vector_load %arg13[%swap3A_785] {strides = array<i32>} : memref<1024xi32, #tpu.memory_space<vmem>>, vector<16xi32>,
      %swap3A_787 = vector.shape_cast %swap3A_786 : vector<16xi32> to vector<16xi32>
      %swap3A_788 = vector.shape_cast %min3A_784 : vector<16xi32> to vector<16xi32>
      tpu.vector_store %arg13[%swap3A_785], %swap3A_788 {strides = array<i32>} : memref<1024xi32, #tpu.memory_space<vmem>>, vector<16xi32>,
      %get3A_789 = arith.constant 928 : index
      %get3A_790 = tpu.vector_load %arg13[%get3A_789] {strides = array<i32>} : memref<1024xi32, #tpu.memory_space<vmem>>, vector<16xi32>,
      %get3A_791 = vector.shape_cast %get3A_790 : vector<16xi32> to vector<16xi32>
      %max3A_792 = arith.constant 0 : i32
      %max3A_793 = vector.broadcast %max3A_792 : i32 to vector<16xi32>
      %max3A_794 = arith.maxsi %get3A_791, %max3A_793 : vector<16xi32>
      %min3A_795 = arith.constant 36863 : i32
      %min3A_796 = vector.broadcast %min3A_795 : i32 to vector<16xi32>
      %min3A_797 = arith.minsi %max3A_794, %min3A_796 : vector<16xi32>
      %swap3A_798 = arith.constant 928 : index
      %swap3A_799 = tpu.vector_load %arg13[%swap3A_798] {strides = array<i32>} : memref<1024xi32, #tpu.memory_space<vmem>>, vector<16xi32>,
      %swap3A_800 = vector.shape_cast %swap3A_799 : vector<16xi32> to vector<16xi32>
      %swap3A_801 = vector.shape_cast %min3A_797 : vector<16xi32> to vector<16xi32>
      tpu.vector_store %arg13[%swap3A_798], %swap3A_801 {strides = array<i32>} : memref<1024xi32, #tpu.memory_space<vmem>>, vector<16xi32>,
      %get3A_802 = arith.constant 944 : index
      %get3A_803 = tpu.vector_load %arg13[%get3A_802] {strides = array<i32>} : memref<1024xi32, #tpu.memory_space<vmem>>, vector<16xi32>,
      %get3A_804 = vector.shape_cast %get3A_803 : vector<16xi32> to vector<16xi32>
      %max3A_805 = arith.constant 0 : i32
      %max3A_806 = vector.broadcast %max3A_805 : i32 to vector<16xi32>
      %max3A_807 = arith.maxsi %get3A_804, %max3A_806 : vector<16xi32>
      %min3A_808 = arith.constant 36863 : i32
      %min3A_809 = vector.broadcast %min3A_808 : i32 to vector<16xi32>
      %min3A_810 = arith.minsi %max3A_807, %min3A_809 : vector<16xi32>
      %swap3A_811 = arith.constant 944 : index
      %swap3A_812 = tpu.vector_load %arg13[%swap3A_811] {strides = array<i32>} : memref<1024xi32, #tpu.memory_space<vmem>>, vector<16xi32>,
      %swap3A_813 = vector.shape_cast %swap3A_812 : vector<16xi32> to vector<16xi32>
      %swap3A_814 = vector.shape_cast %min3A_810 : vector<16xi32> to vector<16xi32>
      tpu.vector_store %arg13[%swap3A_811], %swap3A_814 {strides = array<i32>} : memref<1024xi32, #tpu.memory_space<vmem>>, vector<16xi32>,
      %get3A_815 = arith.constant 960 : index
      %get3A_816 = tpu.vector_load %arg13[%get3A_815] {strides = array<i32>} : memref<1024xi32, #tpu.memory_space<vmem>>, vector<16xi32>,
      %get3A_817 = vector.shape_cast %get3A_816 : vector<16xi32> to vector<16xi32>
      %max3A_818 = arith.constant 0 : i32
      %max3A_819 = vector.broadcast %max3A_818 : i32 to vector<16xi32>
      %max3A_820 = arith.maxsi %get3A_817, %max3A_819 : vector<16xi32>
      %min3A_821 = arith.constant 36863 : i32
      %min3A_822 = vector.broadcast %min3A_821 : i32 to vector<16xi32>
      %min3A_823 = arith.minsi %max3A_820, %min3A_822 : vector<16xi32>
      %swap3A_824 = arith.constant 960 : index
      %swap3A_825 = tpu.vector_load %arg13[%swap3A_824] {strides = array<i32>} : memref<1024xi32, #tpu.memory_space<vmem>>, vector<16xi32>,
      %swap3A_826 = vector.shape_cast %swap3A_825 : vector<16xi32> to vector<16xi32>
      %swap3A_827 = vector.shape_cast %min3A_823 : vector<16xi32> to vector<16xi32>
      tpu.vector_store %arg13[%swap3A_824], %swap3A_827 {strides = array<i32>} : memref<1024xi32, #tpu.memory_space<vmem>>, vector<16xi32>,
      %get3A_828 = arith.constant 976 : index
      %get3A_829 = tpu.vector_load %arg13[%get3A_828] {strides = array<i32>} : memref<1024xi32, #tpu.memory_space<vmem>>, vector<16xi32>,
      %get3A_830 = vector.shape_cast %get3A_829 : vector<16xi32> to vector<16xi32>
      %max3A_831 = arith.constant 0 : i32
      %max3A_832 = vector.broadcast %max3A_831 : i32 to vector<16xi32>
      %max3A_833 = arith.maxsi %get3A_830, %max3A_832 : vector<16xi32>
      %min3A_834 = arith.constant 36863 : i32
      %min3A_835 = vector.broadcast %min3A_834 : i32 to vector<16xi32>
      %min3A_836 = arith.minsi %max3A_833, %min3A_835 : vector<16xi32>
      %swap3A_837 = arith.constant 976 : index
      %swap3A_838 = tpu.vector_load %arg13[%swap3A_837] {strides = array<i32>} : memref<1024xi32, #tpu.memory_space<vmem>>, vector<16xi32>,
      %swap3A_839 = vector.shape_cast %swap3A_838 : vector<16xi32> to vector<16xi32>
      %swap3A_840 = vector.shape_cast %min3A_836 : vector<16xi32> to vector<16xi32>
      tpu.vector_store %arg13[%swap3A_837], %swap3A_840 {strides = array<i32>} : memref<1024xi32, #tpu.memory_space<vmem>>, vector<16xi32>,
      %get3A_841 = arith.constant 992 : index
      %get3A_842 = tpu.vector_load %arg13[%get3A_841] {strides = array<i32>} : memref<1024xi32, #tpu.memory_space<vmem>>, vector<16xi32>,
      %get3A_843 = vector.shape_cast %get3A_842 : vector<16xi32> to vector<16xi32>
      %max3A_844 = arith.constant 0 : i32
      %max3A_845 = vector.broadcast %max3A_844 : i32 to vector<16xi32>
      %max3A_846 = arith.maxsi %get3A_843, %max3A_845 : vector<16xi32>
      %min3A_847 = arith.constant 36863 : i32
      %min3A_848 = vector.broadcast %min3A_847 : i32 to vector<16xi32>
      %min3A_849 = arith.minsi %max3A_846, %min3A_848 : vector<16xi32>
      %swap3A_850 = arith.constant 992 : index
      %swap3A_851 = tpu.vector_load %arg13[%swap3A_850] {strides = array<i32>} : memref<1024xi32, #tpu.memory_space<vmem>>, vector<16xi32>,
      %swap3A_852 = vector.shape_cast %swap3A_851 : vector<16xi32> to vector<16xi32>
      %swap3A_853 = vector.shape_cast %min3A_849 : vector<16xi32> to vector<16xi32>
      tpu.vector_store %arg13[%swap3A_850], %swap3A_853 {strides = array<i32>} : memref<1024xi32, #tpu.memory_space<vmem>>, vector<16xi32>,
      %get3A_854 = arith.constant 1008 : index
      %get3A_855 = tpu.vector_load %arg13[%get3A_854] {strides = array<i32>} : memref<1024xi32, #tpu.memory_space<vmem>>, vector<16xi32>,
      %get3A_856 = vector.shape_cast %get3A_855 : vector<16xi32> to vector<16xi32>
      %max3A_857 = arith.constant 0 : i32
      %max3A_858 = vector.broadcast %max3A_857 : i32 to vector<16xi32>
      %max3A_859 = arith.maxsi %get3A_856, %max3A_858 : vector<16xi32>
      %min3A_860 = arith.constant 36863 : i32
      %min3A_861 = vector.broadcast %min3A_860 : i32 to vector<16xi32>
      %min3A_862 = arith.minsi %max3A_859, %min3A_861 : vector<16xi32>
      %swap3A_863 = arith.constant 1008 : index
      %swap3A_864 = tpu.vector_load %arg13[%swap3A_863] {strides = array<i32>} : memref<1024xi32, #tpu.memory_space<vmem>>, vector<16xi32>,
      %swap3A_865 = vector.shape_cast %swap3A_864 : vector<16xi32> to vector<16xi32>
      %swap3A_866 = vector.shape_cast %min3A_862 : vector<16xi32> to vector<16xi32>
      tpu.vector_store %arg13[%swap3A_863], %swap3A_866 {strides = array<i32>} : memref<1024xi32, #tpu.memory_space<vmem>>, vector<16xi32>,
      %dma_start3A = arith.constant 0 : i32
      %dma_start3A_867 = tpu.memref_slice %arg7[%dma_start3A] : memref<36864xf32, #tpu.memory_space<hbm>> -> memref<36864xf32, #tpu.memory_space<hbm>>
      tpu.enqueue_indirect_dma source(%dma_start3A_867 : memref<36864xf32, #tpu.memory_space<hbm>>) target(%arg14 : memref<1024xf32, #tpu.memory_space<vmem>>) offsets(%arg13 : memref<1024xi32, #tpu.memory_space<vmem>>) semaphore(%arg15 : memref<!tpu.dma_semaphore, #tpu.memory_space<semaphore_mem>>)
      %dma_wait3A = arith.constant 0 : i32
      %dma_wait3A_868 = tpu.memref_slice %arg7[%dma_wait3A] : memref<36864xf32, #tpu.memory_space<hbm>> -> memref<36864xf32, #tpu.memory_space<hbm>>
      tpu.wait_indirect_dma semaphore(%arg15 : memref<!tpu.dma_semaphore, #tpu.memory_space<semaphore_mem>>) src(%dma_wait3A_868 : memref<36864xf32, #tpu.memory_space<hbm>>) dst(%arg14 : memref<1024xf32, #tpu.memory_space<vmem>>)
      "tpu.region"() ({
        %run_scoped3A = tpu.sem_alloc : memref<!tpu.dma_semaphore, #tpu.memory_space<semaphore_mem>>
        %dma_start3A_869 = tpu.memref_slice %arg12[%mul3A_38] : memref<6144xf32, #tpu.memory_space<hbm>> -> memref<1024xf32, #tpu.memory_space<hbm>>
        %dma_start3A_870 = tpu.memref_slice %arg12[%mul3A_38] : memref<6144xf32, #tpu.memory_space<hbm>> -> memref<1024xf32, #tpu.memory_space<hbm>>
        tpu.enqueue_dma source(%arg14 : memref<1024xf32, #tpu.memory_space<vmem>>) target(%dma_start3A_870 : memref<1024xf32, #tpu.memory_space<hbm>>) target_semaphore(%run_scoped3A : memref<!tpu.dma_semaphore, #tpu.memory_space<semaphore_mem>>)
        %dma_wait3A_871 = tpu.memref_slice %arg12[%mul3A_38] : memref<6144xf32, #tpu.memory_space<hbm>> -> memref<1024xf32, #tpu.memory_space<hbm>>
        %dma_wait3A_872 = tpu.memref_slice %arg12[%mul3A_38] : memref<6144xf32, #tpu.memory_space<hbm>> -> memref<1024xf32, #tpu.memory_space<hbm>>
        tpu.wait_dma2 semaphore(%run_scoped3A : memref<!tpu.dma_semaphore, #tpu.memory_space<semaphore_mem>>) src(%arg14 : memref<1024xf32, #tpu.memory_space<vmem>>) dst(%dma_wait3A_872 : memref<1024xf32, #tpu.memory_space<hbm>>)
        tpu.yield
      }) : () -> ()
    } else {
    }
    return
  }
}

module attributes {stable_mosaic.version = 14 : i64} {
  func.func @_trunk_kernel(%arg0: i32, %arg1: memref<66x66x256xf32, #tpu.memory_space<vmem>>, %arg2: memref<9x256x512xf32, #tpu.memory_space<vmem>>, %arg3: memref<512x128xf32, #tpu.memory_space<vmem>>, %arg4: memref<1x128xf32, #tpu.memory_space<vmem>>, %arg5: memref<512x64xf32, #tpu.memory_space<vmem>>, %arg6: memref<1x512xf32, #tpu.memory_space<vmem>>, %arg7: memref<1x512xf32, #tpu.memory_space<vmem>>, %arg8: memref<1x512xf32, #tpu.memory_space<vmem>>, %arg9: memref<1x512xf32, #tpu.memory_space<vmem>>, %arg10: memref<512x512xf32, #tpu.memory_space<vmem>>, %arg11: memref<512x256xf32, #tpu.memory_space<vmem>>) attributes {dimension_semantics = [#tpu.dimension_semantics<arbitrary>], iteration_bounds = array<i64: 8>, scalar_prefetch = 0 : i64, scratch_operands = 0 : i64, tpu.core_type = #tpu.core_type<tc>, window_params = [{pipeline_mode = #tpu.pipeline_mode<synchronous>, transform_indices = @transform_0, window_bounds = array<i64: 66, 66, 256>}, {pipeline_mode = #tpu.pipeline_mode<synchronous>, transform_indices = @transform_1, window_bounds = array<i64: 9, 256, 512>}, {pipeline_mode = #tpu.pipeline_mode<synchronous>, transform_indices = @transform_2, window_bounds = array<i64: 512, 128>}, {pipeline_mode = #tpu.pipeline_mode<synchronous>, transform_indices = @transform_3, window_bounds = array<i64: 1, 128>}, {transform_indices = @transform_4, window_bounds = array<i64: 512, 64>}, {pipeline_mode = #tpu.pipeline_mode<synchronous>, transform_indices = @transform_5, window_bounds = array<i64: 1, 512>}, {pipeline_mode = #tpu.pipeline_mode<synchronous>, transform_indices = @transform_6, window_bounds = array<i64: 1, 512>}, {pipeline_mode = #tpu.pipeline_mode<synchronous>, transform_indices = @transform_7, window_bounds = array<i64: 1, 512>}, {pipeline_mode = #tpu.pipeline_mode<synchronous>, transform_indices = @transform_8, window_bounds = array<i64: 1, 512>}, {transform_indices = @transform_9, window_bounds = array<i64: 512, 512>}, {transform_indices = @transform_10, window_bounds = array<i64: 512, 256>}]} {
    %broadcast_in_dim3A = arith.constant 0.000000e+00 : f32
    %broadcast_in_dim3A_0 = vector.broadcast %broadcast_in_dim3A : f32 to vector<512x512xf32>
    %mul3A = arith.constant 8 : i32
    %mul3A_1 = arith.muli %mul3A, %arg0 : i32
    %add3A = arith.constant 0 : i32
    %add3A_2 = arith.addi %mul3A_1, %add3A : i32
    %get3A = arith.index_cast %add3A_2 : i32 to index
    %get3A_3 = arith.constant 0 : index
    %get3A_4 = arith.constant 0 : index
    %get3A_5 = vector.load %arg1[%get3A, %get3A_3, %get3A_4] : memref<66x66x256xf32, #tpu.memory_space<vmem>>, vector<8x64x256xf32>
    %reshape3A = vector.shape_cast %get3A_5 : vector<8x64x256xf32> to vector<512x256xf32>
    %get3A_6 = arith.constant 0 : index
    %get3A_7 = arith.constant 0 : index
    %get3A_8 = arith.constant 0 : index
    %get3A_9 = vector.load %arg2[%get3A_6, %get3A_7, %get3A_8] : memref<9x256x512xf32, #tpu.memory_space<vmem>>, vector<1x256x512xf32>
    %get3A_10 = vector.shape_cast %get3A_9 : vector<1x256x512xf32> to vector<256x512xf32>
    %dot_general3A = arith.constant dense<0.000000e+00> : vector<512x512xf32>
    %dot_general3A_11 = tpu.matmul %reshape3A, %get3A_10, %dot_general3A {dimension_numbers = #tpu.dot_dimension_numbers<[1], [0], [0], [1], [0, 0, 1, 1], [], []>, transpose_lhs_hint = false} : vector<512x256xf32>, vector<256x512xf32>, vector<512x512xf32> -> vector<512x512xf32>
    %add3A_12 = arith.addf %broadcast_in_dim3A_0, %dot_general3A_11 : vector<512x512xf32>
    %mul3A_13 = arith.constant 8 : i32
    %mul3A_14 = arith.muli %mul3A_13, %arg0 : i32
    %add3A_15 = arith.constant 0 : i32
    %add3A_16 = arith.addi %mul3A_14, %add3A_15 : i32
    %get3A_17 = arith.index_cast %add3A_16 : i32 to index
    %get3A_18 = arith.constant 1 : index
    %get3A_19 = arith.constant 0 : index
    %get3A_20 = vector.load %arg1[%get3A_17, %get3A_18, %get3A_19] : memref<66x66x256xf32, #tpu.memory_space<vmem>>, vector<8x64x256xf32>
    %reshape3A_21 = vector.shape_cast %get3A_20 : vector<8x64x256xf32> to vector<512x256xf32>
    %get3A_22 = arith.constant 1 : index
    %get3A_23 = arith.constant 0 : index
    %get3A_24 = arith.constant 0 : index
    %get3A_25 = vector.load %arg2[%get3A_22, %get3A_23, %get3A_24] : memref<9x256x512xf32, #tpu.memory_space<vmem>>, vector<1x256x512xf32>
    %get3A_26 = vector.shape_cast %get3A_25 : vector<1x256x512xf32> to vector<256x512xf32>
    %dot_general3A_27 = arith.constant dense<0.000000e+00> : vector<512x512xf32>
    %dot_general3A_28 = tpu.matmul %reshape3A_21, %get3A_26, %dot_general3A_27 {dimension_numbers = #tpu.dot_dimension_numbers<[1], [0], [0], [1], [0, 0, 1, 1], [], []>, transpose_lhs_hint = false} : vector<512x256xf32>, vector<256x512xf32>, vector<512x512xf32> -> vector<512x512xf32>
    %add3A_29 = arith.addf %add3A_12, %dot_general3A_28 : vector<512x512xf32>
    %mul3A_30 = arith.constant 8 : i32
    %mul3A_31 = arith.muli %mul3A_30, %arg0 : i32
    %add3A_32 = arith.constant 0 : i32
    %add3A_33 = arith.addi %mul3A_31, %add3A_32 : i32
    %get3A_34 = arith.index_cast %add3A_33 : i32 to index
    %get3A_35 = arith.constant 2 : index
    %get3A_36 = arith.constant 0 : index
    %get3A_37 = vector.load %arg1[%get3A_34, %get3A_35, %get3A_36] : memref<66x66x256xf32, #tpu.memory_space<vmem>>, vector<8x64x256xf32>
    %reshape3A_38 = vector.shape_cast %get3A_37 : vector<8x64x256xf32> to vector<512x256xf32>
    %get3A_39 = arith.constant 2 : index
    %get3A_40 = arith.constant 0 : index
    %get3A_41 = arith.constant 0 : index
    %get3A_42 = vector.load %arg2[%get3A_39, %get3A_40, %get3A_41] : memref<9x256x512xf32, #tpu.memory_space<vmem>>, vector<1x256x512xf32>
    %get3A_43 = vector.shape_cast %get3A_42 : vector<1x256x512xf32> to vector<256x512xf32>
    %dot_general3A_44 = arith.constant dense<0.000000e+00> : vector<512x512xf32>
    %dot_general3A_45 = tpu.matmul %reshape3A_38, %get3A_43, %dot_general3A_44 {dimension_numbers = #tpu.dot_dimension_numbers<[1], [0], [0], [1], [0, 0, 1, 1], [], []>, transpose_lhs_hint = false} : vector<512x256xf32>, vector<256x512xf32>, vector<512x512xf32> -> vector<512x512xf32>
    %add3A_46 = arith.addf %add3A_29, %dot_general3A_45 : vector<512x512xf32>
    %mul3A_47 = arith.constant 8 : i32
    %mul3A_48 = arith.muli %mul3A_47, %arg0 : i32
    %add3A_49 = arith.constant 1 : i32
    %add3A_50 = arith.addi %mul3A_48, %add3A_49 : i32
    %get3A_51 = arith.index_cast %add3A_50 : i32 to index
    %get3A_52 = arith.constant 0 : index
    %get3A_53 = arith.constant 0 : index
    %get3A_54 = vector.load %arg1[%get3A_51, %get3A_52, %get3A_53] : memref<66x66x256xf32, #tpu.memory_space<vmem>>, vector<8x64x256xf32>
    %reshape3A_55 = vector.shape_cast %get3A_54 : vector<8x64x256xf32> to vector<512x256xf32>
    %get3A_56 = arith.constant 3 : index
    %get3A_57 = arith.constant 0 : index
    %get3A_58 = arith.constant 0 : index
    %get3A_59 = vector.load %arg2[%get3A_56, %get3A_57, %get3A_58] : memref<9x256x512xf32, #tpu.memory_space<vmem>>, vector<1x256x512xf32>
    %get3A_60 = vector.shape_cast %get3A_59 : vector<1x256x512xf32> to vector<256x512xf32>
    %dot_general3A_61 = arith.constant dense<0.000000e+00> : vector<512x512xf32>
    %dot_general3A_62 = tpu.matmul %reshape3A_55, %get3A_60, %dot_general3A_61 {dimension_numbers = #tpu.dot_dimension_numbers<[1], [0], [0], [1], [0, 0, 1, 1], [], []>, transpose_lhs_hint = false} : vector<512x256xf32>, vector<256x512xf32>, vector<512x512xf32> -> vector<512x512xf32>
    %add3A_63 = arith.addf %add3A_46, %dot_general3A_62 : vector<512x512xf32>
    %mul3A_64 = arith.constant 8 : i32
    %mul3A_65 = arith.muli %mul3A_64, %arg0 : i32
    %add3A_66 = arith.constant 1 : i32
    %add3A_67 = arith.addi %mul3A_65, %add3A_66 : i32
    %get3A_68 = arith.index_cast %add3A_67 : i32 to index
    %get3A_69 = arith.constant 1 : index
    %get3A_70 = arith.constant 0 : index
    %get3A_71 = vector.load %arg1[%get3A_68, %get3A_69, %get3A_70] : memref<66x66x256xf32, #tpu.memory_space<vmem>>, vector<8x64x256xf32>
    %reshape3A_72 = vector.shape_cast %get3A_71 : vector<8x64x256xf32> to vector<512x256xf32>
    %get3A_73 = arith.constant 4 : index
    %get3A_74 = arith.constant 0 : index
    %get3A_75 = arith.constant 0 : index
    %get3A_76 = vector.load %arg2[%get3A_73, %get3A_74, %get3A_75] : memref<9x256x512xf32, #tpu.memory_space<vmem>>, vector<1x256x512xf32>
    %get3A_77 = vector.shape_cast %get3A_76 : vector<1x256x512xf32> to vector<256x512xf32>
    %dot_general3A_78 = arith.constant dense<0.000000e+00> : vector<512x512xf32>
    %dot_general3A_79 = tpu.matmul %reshape3A_72, %get3A_77, %dot_general3A_78 {dimension_numbers = #tpu.dot_dimension_numbers<[1], [0], [0], [1], [0, 0, 1, 1], [], []>, transpose_lhs_hint = false} : vector<512x256xf32>, vector<256x512xf32>, vector<512x512xf32> -> vector<512x512xf32>
    %add3A_80 = arith.addf %add3A_63, %dot_general3A_79 : vector<512x512xf32>
    %mul3A_81 = arith.constant 8 : i32
    %mul3A_82 = arith.muli %mul3A_81, %arg0 : i32
    %add3A_83 = arith.constant 1 : i32
    %add3A_84 = arith.addi %mul3A_82, %add3A_83 : i32
    %get3A_85 = arith.index_cast %add3A_84 : i32 to index
    %get3A_86 = arith.constant 2 : index
    %get3A_87 = arith.constant 0 : index
    %get3A_88 = vector.load %arg1[%get3A_85, %get3A_86, %get3A_87] : memref<66x66x256xf32, #tpu.memory_space<vmem>>, vector<8x64x256xf32>
    %reshape3A_89 = vector.shape_cast %get3A_88 : vector<8x64x256xf32> to vector<512x256xf32>
    %get3A_90 = arith.constant 5 : index
    %get3A_91 = arith.constant 0 : index
    %get3A_92 = arith.constant 0 : index
    %get3A_93 = vector.load %arg2[%get3A_90, %get3A_91, %get3A_92] : memref<9x256x512xf32, #tpu.memory_space<vmem>>, vector<1x256x512xf32>
    %get3A_94 = vector.shape_cast %get3A_93 : vector<1x256x512xf32> to vector<256x512xf32>
    %dot_general3A_95 = arith.constant dense<0.000000e+00> : vector<512x512xf32>
    %dot_general3A_96 = tpu.matmul %reshape3A_89, %get3A_94, %dot_general3A_95 {dimension_numbers = #tpu.dot_dimension_numbers<[1], [0], [0], [1], [0, 0, 1, 1], [], []>, transpose_lhs_hint = false} : vector<512x256xf32>, vector<256x512xf32>, vector<512x512xf32> -> vector<512x512xf32>
    %add3A_97 = arith.addf %add3A_80, %dot_general3A_96 : vector<512x512xf32>
    %mul3A_98 = arith.constant 8 : i32
    %mul3A_99 = arith.muli %mul3A_98, %arg0 : i32
    %add3A_100 = arith.constant 2 : i32
    %add3A_101 = arith.addi %mul3A_99, %add3A_100 : i32
    %get3A_102 = arith.index_cast %add3A_101 : i32 to index
    %get3A_103 = arith.constant 0 : index
    %get3A_104 = arith.constant 0 : index
    %get3A_105 = vector.load %arg1[%get3A_102, %get3A_103, %get3A_104] : memref<66x66x256xf32, #tpu.memory_space<vmem>>, vector<8x64x256xf32>
    %reshape3A_106 = vector.shape_cast %get3A_105 : vector<8x64x256xf32> to vector<512x256xf32>
    %get3A_107 = arith.constant 6 : index
    %get3A_108 = arith.constant 0 : index
    %get3A_109 = arith.constant 0 : index
    %get3A_110 = vector.load %arg2[%get3A_107, %get3A_108, %get3A_109] : memref<9x256x512xf32, #tpu.memory_space<vmem>>, vector<1x256x512xf32>
    %get3A_111 = vector.shape_cast %get3A_110 : vector<1x256x512xf32> to vector<256x512xf32>
    %dot_general3A_112 = arith.constant dense<0.000000e+00> : vector<512x512xf32>
    %dot_general3A_113 = tpu.matmul %reshape3A_106, %get3A_111, %dot_general3A_112 {dimension_numbers = #tpu.dot_dimension_numbers<[1], [0], [0], [1], [0, 0, 1, 1], [], []>, transpose_lhs_hint = false} : vector<512x256xf32>, vector<256x512xf32>, vector<512x512xf32> -> vector<512x512xf32>
    %add3A_114 = arith.addf %add3A_97, %dot_general3A_113 : vector<512x512xf32>
    %mul3A_115 = arith.constant 8 : i32
    %mul3A_116 = arith.muli %mul3A_115, %arg0 : i32
    %add3A_117 = arith.constant 2 : i32
    %add3A_118 = arith.addi %mul3A_116, %add3A_117 : i32
    %get3A_119 = arith.index_cast %add3A_118 : i32 to index
    %get3A_120 = arith.constant 1 : index
    %get3A_121 = arith.constant 0 : index
    %get3A_122 = vector.load %arg1[%get3A_119, %get3A_120, %get3A_121] : memref<66x66x256xf32, #tpu.memory_space<vmem>>, vector<8x64x256xf32>
    %reshape3A_123 = vector.shape_cast %get3A_122 : vector<8x64x256xf32> to vector<512x256xf32>
    %get3A_124 = arith.constant 7 : index
    %get3A_125 = arith.constant 0 : index
    %get3A_126 = arith.constant 0 : index
    %get3A_127 = vector.load %arg2[%get3A_124, %get3A_125, %get3A_126] : memref<9x256x512xf32, #tpu.memory_space<vmem>>, vector<1x256x512xf32>
    %get3A_128 = vector.shape_cast %get3A_127 : vector<1x256x512xf32> to vector<256x512xf32>
    %dot_general3A_129 = arith.constant dense<0.000000e+00> : vector<512x512xf32>
    %dot_general3A_130 = tpu.matmul %reshape3A_123, %get3A_128, %dot_general3A_129 {dimension_numbers = #tpu.dot_dimension_numbers<[1], [0], [0], [1], [0, 0, 1, 1], [], []>, transpose_lhs_hint = false} : vector<512x256xf32>, vector<256x512xf32>, vector<512x512xf32> -> vector<512x512xf32>
    %add3A_131 = arith.addf %add3A_114, %dot_general3A_130 : vector<512x512xf32>
    %mul3A_132 = arith.constant 8 : i32
    %mul3A_133 = arith.muli %mul3A_132, %arg0 : i32
    %add3A_134 = arith.constant 2 : i32
    %add3A_135 = arith.addi %mul3A_133, %add3A_134 : i32
    %get3A_136 = arith.index_cast %add3A_135 : i32 to index
    %get3A_137 = arith.constant 2 : index
    %get3A_138 = arith.constant 0 : index
    %get3A_139 = vector.load %arg1[%get3A_136, %get3A_137, %get3A_138] : memref<66x66x256xf32, #tpu.memory_space<vmem>>, vector<8x64x256xf32>
    %reshape3A_140 = vector.shape_cast %get3A_139 : vector<8x64x256xf32> to vector<512x256xf32>
    %get3A_141 = arith.constant 8 : index
    %get3A_142 = arith.constant 0 : index
    %get3A_143 = arith.constant 0 : index
    %get3A_144 = vector.load %arg2[%get3A_141, %get3A_142, %get3A_143] : memref<9x256x512xf32, #tpu.memory_space<vmem>>, vector<1x256x512xf32>
    %get3A_145 = vector.shape_cast %get3A_144 : vector<1x256x512xf32> to vector<256x512xf32>
    %dot_general3A_146 = arith.constant dense<0.000000e+00> : vector<512x512xf32>
    %dot_general3A_147 = tpu.matmul %reshape3A_140, %get3A_145, %dot_general3A_146 {dimension_numbers = #tpu.dot_dimension_numbers<[1], [0], [0], [1], [0, 0, 1, 1], [], []>, transpose_lhs_hint = false} : vector<512x256xf32>, vector<256x512xf32>, vector<512x512xf32> -> vector<512x512xf32>
    %add3A_148 = arith.addf %add3A_131, %dot_general3A_147 : vector<512x512xf32>
    %get3A_149 = arith.constant 0 : index
    %get3A_150 = arith.constant 0 : index
    %get3A_151 = vector.load %arg8[%get3A_149, %get3A_150] : memref<1x512xf32, #tpu.memory_space<vmem>>, vector<1x512xf32>
    %sub3A = vector.broadcast %get3A_151 : vector<1x512xf32> to vector<512x512xf32>
    %sub3A_152 = arith.subf %add3A_148, %sub3A : vector<512x512xf32>
    %get3A_153 = arith.constant 0 : index
    %get3A_154 = arith.constant 0 : index
    %get3A_155 = vector.load %arg9[%get3A_153, %get3A_154] : memref<1x512xf32, #tpu.memory_space<vmem>>, vector<1x512xf32>
    %add3A_156 = arith.constant 9.99999974E-6 : f32
    %add3A_157 = vector.broadcast %add3A_156 : f32 to vector<1x512xf32>
    %add3A_158 = arith.addf %get3A_155, %add3A_157 : vector<1x512xf32>
    %rsqrt3A = math.rsqrt %add3A_158 : vector<1x512xf32>
    %mul3A_159 = vector.broadcast %rsqrt3A : vector<1x512xf32> to vector<512x512xf32>
    %mul3A_160 = arith.mulf %sub3A_152, %mul3A_159 : vector<512x512xf32>
    %get3A_161 = arith.constant 0 : index
    %get3A_162 = arith.constant 0 : index
    %get3A_163 = vector.load %arg6[%get3A_161, %get3A_162] : memref<1x512xf32, #tpu.memory_space<vmem>>, vector<1x512xf32>
    %mul3A_164 = vector.broadcast %get3A_163 : vector<1x512xf32> to vector<512x512xf32>
    %mul3A_165 = arith.mulf %mul3A_160, %mul3A_164 : vector<512x512xf32>
    %get3A_166 = arith.constant 0 : index
    %get3A_167 = arith.constant 0 : index
    %get3A_168 = vector.load %arg7[%get3A_166, %get3A_167] : memref<1x512xf32, #tpu.memory_space<vmem>>, vector<1x512xf32>
    %add3A_169 = vector.broadcast %get3A_168 : vector<1x512xf32> to vector<512x512xf32>
    %add3A_170 = arith.addf %mul3A_165, %add3A_169 : vector<512x512xf32>
    %ge3A = arith.constant 0.000000e+00 : f32
    %ge3A_171 = vector.broadcast %ge3A : f32 to vector<512x512xf32>
    %ge3A_172 = arith.cmpf oge, %add3A_170, %ge3A_171 : vector<512x512xf32>
    %mul3A_173 = arith.constant 1.000000e-01 : f32
    %mul3A_174 = vector.broadcast %mul3A_173 : f32 to vector<512x512xf32>
    %mul3A_175 = arith.mulf %mul3A_174, %add3A_170 : vector<512x512xf32>
    %select_n3A = arith.select %ge3A_172, %add3A_170, %mul3A_175 : vector<512x512xi1>, vector<512x512xf32>
    %swap3A = arith.constant 0 : index
    %swap3A_176 = arith.constant 0 : index
    %swap3A_177 = vector.load %arg10[%swap3A, %swap3A_176] : memref<512x512xf32, #tpu.memory_space<vmem>>, vector<512x512xf32>
    tpu.vector_store %arg10[%swap3A, %swap3A_176], %select_n3A {strides = array<i32>} : memref<512x512xf32, #tpu.memory_space<vmem>>, vector<512x512xf32>,
    %get3A_178 = arith.constant 0 : index
    %get3A_179 = arith.constant 0 : index
    %get3A_180 = vector.load %arg3[%get3A_178, %get3A_179] : memref<512x128xf32, #tpu.memory_space<vmem>>, vector<512x128xf32>
    %dot_general3A_181 = arith.constant dense<0.000000e+00> : vector<512x128xf32>
    %dot_general3A_182 = tpu.matmul %select_n3A, %get3A_180, %dot_general3A_181 {dimension_numbers = #tpu.dot_dimension_numbers<[1], [0], [0], [1], [0, 0, 1, 1], [], []>, transpose_lhs_hint = false} : vector<512x512xf32>, vector<512x128xf32>, vector<512x128xf32> -> vector<512x128xf32>
    %get3A_183 = arith.constant 0 : index
    %get3A_184 = arith.constant 0 : index
    %get3A_185 = vector.load %arg4[%get3A_183, %get3A_184] : memref<1x128xf32, #tpu.memory_space<vmem>>, vector<1x128xf32>
    %add3A_186 = vector.broadcast %get3A_185 : vector<1x128xf32> to vector<512x128xf32>
    %add3A_187 = arith.addf %dot_general3A_182, %add3A_186 : vector<512x128xf32>
    %slice3A = vector.extract_strided_slice %add3A_187 {offsets = [0, 0], sizes = [512, 16], strides = [1, 1]} : vector<512x128xf32> to vector<512x16xf32>
    %slice3A_188 = vector.extract_strided_slice %add3A_187 {offsets = [0, 16], sizes = [512, 16], strides = [1, 1]} : vector<512x128xf32> to vector<512x16xf32>
    %slice3A_189 = vector.extract_strided_slice %add3A_187 {offsets = [0, 32], sizes = [512, 16], strides = [1, 1]} : vector<512x128xf32> to vector<512x16xf32>
    %slice3A_190 = vector.extract_strided_slice %add3A_187 {offsets = [0, 48], sizes = [512, 16], strides = [1, 1]} : vector<512x128xf32> to vector<512x16xf32>
    %slice3A_191 = vector.extract_strided_slice %add3A_187 {offsets = [0, 64], sizes = [512, 16], strides = [1, 1]} : vector<512x128xf32> to vector<512x16xf32>
    %slice3A_192 = vector.extract_strided_slice %add3A_187 {offsets = [0, 80], sizes = [512, 16], strides = [1, 1]} : vector<512x128xf32> to vector<512x16xf32>
    %max3A = arith.maximumf %slice3A_191, %slice3A_192 : vector<512x16xf32>
    %sub3A_193 = arith.subf %slice3A_191, %max3A : vector<512x16xf32>
    %exp3A = math.exp %sub3A_193 : vector<512x16xf32>
    %sub3A_194 = arith.subf %slice3A_192, %max3A : vector<512x16xf32>
    %exp3A_195 = math.exp %sub3A_194 : vector<512x16xf32>
    %add3A_196 = arith.addf %exp3A, %exp3A_195 : vector<512x16xf32>
    %div3A = arith.divf %exp3A, %add3A_196 : vector<512x16xf32>
    %div3A_197 = arith.divf %exp3A_195, %add3A_196 : vector<512x16xf32>
    %get3A_198 = arith.constant 0 : index
    %get3A_199 = arith.constant 0 : index
    %get3A_200 = vector.load %arg5[%get3A_198, %get3A_199] : memref<512x64xf32, #tpu.memory_space<vmem>>, vector<512x16xf32>
    %get3A_201 = arith.constant 0 : index
    %get3A_202 = arith.constant 16 : index
    %get3A_203 = vector.load %arg5[%get3A_201, %get3A_202] : memref<512x64xf32, #tpu.memory_space<vmem>>, vector<512x16xf32>
    %get3A_204 = arith.constant 0 : index
    %get3A_205 = arith.constant 32 : index
    %get3A_206 = vector.load %arg5[%get3A_204, %get3A_205] : memref<512x64xf32, #tpu.memory_space<vmem>>, vector<512x16xf32>
    %get3A_207 = arith.constant 0 : index
    %get3A_208 = arith.constant 48 : index
    %get3A_209 = vector.load %arg5[%get3A_207, %get3A_208] : memref<512x64xf32, #tpu.memory_space<vmem>>, vector<512x16xf32>
    %mul3A_210 = arith.mulf %slice3A, %get3A_206 : vector<512x16xf32>
    %add3A_211 = arith.addf %mul3A_210, %get3A_200 : vector<512x16xf32>
    %mul3A_212 = arith.mulf %slice3A_188, %get3A_209 : vector<512x16xf32>
    %add3A_213 = arith.addf %mul3A_212, %get3A_203 : vector<512x16xf32>
    %exp3A_214 = math.exp %slice3A_189 : vector<512x16xf32>
    %mul3A_215 = arith.mulf %exp3A_214, %get3A_206 : vector<512x16xf32>
    %exp3A_216 = math.exp %slice3A_190 : vector<512x16xf32>
    %mul3A_217 = arith.mulf %exp3A_216, %get3A_209 : vector<512x16xf32>
    %div3A_218 = arith.constant 2.000000e+00 : f32
    %div3A_219 = vector.broadcast %div3A_218 : f32 to vector<512x16xf32>
    %div3A_220 = arith.divf %mul3A_215, %div3A_219 : vector<512x16xf32>
    %sub3A_221 = arith.subf %add3A_211, %div3A_220 : vector<512x16xf32>
    %div3A_222 = arith.constant 2.000000e+00 : f32
    %div3A_223 = vector.broadcast %div3A_222 : f32 to vector<512x16xf32>
    %div3A_224 = arith.divf %mul3A_217, %div3A_223 : vector<512x16xf32>
    %sub3A_225 = arith.subf %add3A_213, %div3A_224 : vector<512x16xf32>
    %div3A_226 = arith.constant 2.000000e+00 : f32
    %div3A_227 = vector.broadcast %div3A_226 : f32 to vector<512x16xf32>
    %div3A_228 = arith.divf %mul3A_215, %div3A_227 : vector<512x16xf32>
    %add3A_229 = arith.addf %add3A_211, %div3A_228 : vector<512x16xf32>
    %div3A_230 = arith.constant 2.000000e+00 : f32
    %div3A_231 = vector.broadcast %div3A_230 : f32 to vector<512x16xf32>
    %div3A_232 = arith.divf %mul3A_217, %div3A_231 : vector<512x16xf32>
    %add3A_233 = arith.addf %add3A_213, %div3A_232 : vector<512x16xf32>
    %jit3A = arith.constant 0.000000e+00 : f32
    %jit3A_234 = arith.constant 1.024000e+03 : f32
    %max3A_235 = vector.broadcast %jit3A : f32 to vector<512x16xf32>
    %max3A_236 = arith.maximumf %max3A_235, %sub3A_221 : vector<512x16xf32>
    %min3A = vector.broadcast %jit3A_234 : f32 to vector<512x16xf32>
    %min3A_237 = arith.minimumf %min3A, %max3A_236 : vector<512x16xf32>
    %jit3A_238 = arith.constant 0.000000e+00 : f32
    %jit3A_239 = arith.constant 1.024000e+03 : f32
    %max3A_240 = vector.broadcast %jit3A_238 : f32 to vector<512x16xf32>
    %max3A_241 = arith.maximumf %max3A_240, %sub3A_225 : vector<512x16xf32>
    %min3A_242 = vector.broadcast %jit3A_239 : f32 to vector<512x16xf32>
    %min3A_243 = arith.minimumf %min3A_242, %max3A_241 : vector<512x16xf32>
    %jit3A_244 = arith.constant 0.000000e+00 : f32
    %jit3A_245 = arith.constant 1.024000e+03 : f32
    %max3A_246 = vector.broadcast %jit3A_244 : f32 to vector<512x16xf32>
    %max3A_247 = arith.maximumf %max3A_246, %add3A_229 : vector<512x16xf32>
    %min3A_248 = vector.broadcast %jit3A_245 : f32 to vector<512x16xf32>
    %min3A_249 = arith.minimumf %min3A_248, %max3A_247 : vector<512x16xf32>
    %jit3A_250 = arith.constant 0.000000e+00 : f32
    %jit3A_251 = arith.constant 1.024000e+03 : f32
    %max3A_252 = vector.broadcast %jit3A_250 : f32 to vector<512x16xf32>
    %max3A_253 = arith.maximumf %max3A_252, %add3A_233 : vector<512x16xf32>
    %min3A_254 = vector.broadcast %jit3A_251 : f32 to vector<512x16xf32>
    %min3A_255 = arith.minimumf %min3A_254, %max3A_253 : vector<512x16xf32>
    %add3A_256 = arith.addf %min3A_237, %min3A_249 : vector<512x16xf32>
    %div3A_257 = arith.constant 2.000000e+00 : f32
    %div3A_258 = vector.broadcast %div3A_257 : f32 to vector<512x16xf32>
    %div3A_259 = arith.divf %add3A_256, %div3A_258 : vector<512x16xf32>
    %add3A_260 = arith.addf %min3A_243, %min3A_255 : vector<512x16xf32>
    %div3A_261 = arith.constant 2.000000e+00 : f32
    %div3A_262 = vector.broadcast %div3A_261 : f32 to vector<512x16xf32>
    %div3A_263 = arith.divf %add3A_260, %div3A_262 : vector<512x16xf32>
    %sub3A_264 = arith.subf %min3A_249, %min3A_237 : vector<512x16xf32>
    %sub3A_265 = arith.subf %min3A_255, %min3A_243 : vector<512x16xf32>
    %ge3A_266 = arith.constant 1.600000e+01 : f32
    %ge3A_267 = vector.broadcast %ge3A_266 : f32 to vector<512x16xf32>
    %ge3A_268 = arith.cmpf oge, %sub3A_264, %ge3A_267 : vector<512x16xf32>
    %ge3A_269 = arith.constant 1.600000e+01 : f32
    %ge3A_270 = vector.broadcast %ge3A_269 : f32 to vector<512x16xf32>
    %ge3A_271 = arith.cmpf oge, %sub3A_265, %ge3A_270 : vector<512x16xf32>
    %and3A = arith.andi %ge3A_268, %ge3A_271 : vector<512x16xi1>
    %jit3A_272 = arith.constant -1.000000e+00 : f32
    %broadcast_in_dim3A_273 = vector.broadcast %jit3A_272 : f32 to vector<512x16xf32>
    %select_n3A_274 = arith.select %and3A, %div3A_197, %broadcast_in_dim3A_273 : vector<512x16xi1>, vector<512x16xf32>
    %div3A_275 = arith.constant 2.000000e+00 : f32
    %div3A_276 = vector.broadcast %div3A_275 : f32 to vector<512x16xf32>
    %div3A_277 = arith.divf %sub3A_264, %div3A_276 : vector<512x16xf32>
    %sub3A_278 = arith.subf %div3A_259, %div3A_277 : vector<512x16xf32>
    %div3A_279 = arith.constant 2.000000e+00 : f32
    %div3A_280 = vector.broadcast %div3A_279 : f32 to vector<512x16xf32>
    %div3A_281 = arith.divf %sub3A_265, %div3A_280 : vector<512x16xf32>
    %sub3A_282 = arith.subf %div3A_263, %div3A_281 : vector<512x16xf32>
    %div3A_283 = arith.constant 2.000000e+00 : f32
    %div3A_284 = vector.broadcast %div3A_283 : f32 to vector<512x16xf32>
    %div3A_285 = arith.divf %sub3A_264, %div3A_284 : vector<512x16xf32>
    %add3A_286 = arith.addf %div3A_259, %div3A_285 : vector<512x16xf32>
    %div3A_287 = arith.constant 2.000000e+00 : f32
    %div3A_288 = vector.broadcast %div3A_287 : f32 to vector<512x16xf32>
    %div3A_289 = arith.divf %sub3A_265, %div3A_288 : vector<512x16xf32>
    %add3A_290 = arith.addf %div3A_263, %div3A_289 : vector<512x16xf32>
    %broadcast_in_dim3A_291 = arith.constant 0.000000e+00 : f32
    %broadcast_in_dim3A_292 = vector.broadcast %broadcast_in_dim3A_291 : f32 to vector<512x80xf32>
    %concatenate3A = tpu.concatenate %slice3A, %slice3A_188, %slice3A_189, %slice3A_190, %div3A, %div3A_197, %sub3A_278, %sub3A_282, %add3A_286, %add3A_290, %select_n3A_274, %broadcast_in_dim3A_292 in 1 : vector<512x16xf32>, vector<512x16xf32>, vector<512x16xf32>, vector<512x16xf32>, vector<512x16xf32>, vector<512x16xf32>, vector<512x16xf32>, vector<512x16xf32>, vector<512x16xf32>, vector<512x16xf32>, vector<512x16xf32>, vector<512x80xf32> -> vector<512x256xf32>
    %swap3A_293 = arith.constant 0 : index
    %swap3A_294 = arith.constant 0 : index
    %swap3A_295 = vector.load %arg11[%swap3A_293, %swap3A_294] : memref<512x256xf32, #tpu.memory_space<vmem>>, vector<512x256xf32>
    tpu.vector_store %arg11[%swap3A_293, %swap3A_294], %concatenate3A {strides = array<i32>} : memref<512x256xf32, #tpu.memory_space<vmem>>, vector<512x256xf32>,
    return
  }
  func.func @transform_0(%arg0: i32) -> (i32, i32, i32) {
    %c0_i32 = arith.constant 0 : i32
    %c0_i32_0 = arith.constant 0 : i32
    %c0_i32_1 = arith.constant 0 : i32
    %c0_i32_2 = arith.constant 0 : i32
    return %c0_i32, %c0_i32_0, %c0_i32_1 : i32, i32, i32
  }
  func.func @transform_1(%arg0: i32) -> (i32, i32, i32) {
    %c0_i32 = arith.constant 0 : i32
    %c0_i32_0 = arith.constant 0 : i32
    %c0_i32_1 = arith.constant 0 : i32
    %c0_i32_2 = arith.constant 0 : i32
    return %c0_i32, %c0_i32_0, %c0_i32_1 : i32, i32, i32
  }
  func.func @transform_2(%arg0: i32) -> (i32, i32) {
    %c0_i32 = arith.constant 0 : i32
    %c0_i32_0 = arith.constant 0 : i32
    %c0_i32_1 = arith.constant 0 : i32
    return %c0_i32, %c0_i32_0 : i32, i32
  }
  func.func @transform_3(%arg0: i32) -> (i32, i32) {
    %c0_i32 = arith.constant 0 : i32
    %c0_i32_0 = arith.constant 0 : i32
    %c0_i32_1 = arith.constant 0 : i32
    return %c0_i32, %c0_i32_0 : i32, i32
  }
  func.func @transform_4(%arg0: i32) -> (i32, i32) {
    %c0_i32 = arith.constant 0 : i32
    %c0_i32_0 = arith.constant 0 : i32
    return %arg0, %c0_i32 : i32, i32
  }
  func.func @transform_5(%arg0: i32) -> (i32, i32) {
    %c0_i32 = arith.constant 0 : i32
    %c0_i32_0 = arith.constant 0 : i32
    %c0_i32_1 = arith.constant 0 : i32
    return %c0_i32, %c0_i32_0 : i32, i32
  }
  func.func @transform_6(%arg0: i32) -> (i32, i32) {
    %c0_i32 = arith.constant 0 : i32
    %c0_i32_0 = arith.constant 0 : i32
    %c0_i32_1 = arith.constant 0 : i32
    return %c0_i32, %c0_i32_0 : i32, i32
  }
  func.func @transform_7(%arg0: i32) -> (i32, i32) {
    %c0_i32 = arith.constant 0 : i32
    %c0_i32_0 = arith.constant 0 : i32
    %c0_i32_1 = arith.constant 0 : i32
    return %c0_i32, %c0_i32_0 : i32, i32
  }
  func.func @transform_8(%arg0: i32) -> (i32, i32) {
    %c0_i32 = arith.constant 0 : i32
    %c0_i32_0 = arith.constant 0 : i32
    %c0_i32_1 = arith.constant 0 : i32
    return %c0_i32, %c0_i32_0 : i32, i32
  }
  func.func @transform_9(%arg0: i32) -> (i32, i32) {
    %c0_i32 = arith.constant 0 : i32
    %c0_i32_0 = arith.constant 0 : i32
    return %arg0, %c0_i32 : i32, i32
  }
  func.func @transform_10(%arg0: i32) -> (i32, i32) {
    %c0_i32 = arith.constant 0 : i32
    %c0_i32_0 = arith.constant 0 : i32
    return %arg0, %c0_i32 : i32, i32
  }
}

module attributes {stable_mosaic.version = 14 : i64} {
  func.func @_prep_kernel(%arg0: memref<288x128xf32, #tpu.memory_space<vmem>>, %arg1: memref<288x128xi32, #tpu.memory_space<vmem>>, %arg2: memref<1x128xi32, #tpu.memory_space<vmem>>) attributes {dimension_semantics = [], scalar_prefetch = 0 : i64, scratch_operands = 0 : i64, tpu.core_type = #tpu.core_type<tc>} {
    %get3A = arith.constant 0 : index
    %get3A_0 = arith.constant 0 : index
    %get3A_1 = vector.load %arg0[%get3A, %get3A_0] : memref<288x128xf32, #tpu.memory_space<vmem>>, vector<288x128xf32>
    %gt3A = arith.constant -5.000000e-01 : f32
    %gt3A_2 = vector.broadcast %gt3A : f32 to vector<288x128xf32>
    %gt3A_3 = arith.cmpf ogt, %get3A_1, %gt3A_2 : vector<288x128xf32>
    %bitcast_convert_type3A = tpu.bitcast %get3A_1 : vector<288x128xf32> -> vector<288x128xi32>
    %jit3A = arith.constant -1 : i32
    %broadcast_in_dim3A = vector.broadcast %jit3A : i32 to vector<288x128xi32>
    %select_n3A = arith.select %gt3A_3, %bitcast_convert_type3A, %broadcast_in_dim3A : vector<288x128xi1>, vector<288x128xi32>
    %ge3A = arith.constant 0 : i32
    %ge3A_4 = vector.broadcast %ge3A : i32 to vector<288x128xi32>
    %ge3A_5 = arith.cmpi sge, %select_n3A, %ge3A_4 : vector<288x128xi32>
    %convert_element_type3A = arith.extui %ge3A_5 : vector<288x128xi1> to vector<288x128xi32>
    %reduce_sum3A = vector.shape_cast %convert_element_type3A : vector<288x128xi32> to vector<1x288x128xi32>
    %reduce_sum3A_6 = arith.constant dense<0> : vector<1xi32>
    %reduce_sum3A_7 = vector.multi_reduction <add>, %reduce_sum3A, %reduce_sum3A_6 [1, 2] : vector<1x288x128xi32> to vector<1xi32>
    %reduce_sum3A_8 = vector.shape_cast %reduce_sum3A_7 : vector<1xi32> to vector<1x1x1xi32>
    %reduce_sum3A_9 = vector.extract %reduce_sum3A_8[0, 0, 0] : i32 from vector<1x1x1xi32>
    %scan3A = arith.constant 0 : i32
    %scan3A_10 = arith.constant 2139095040 : i32
    %scan3A_11 = arith.constant 0 : i32
    %scan3A_12 = arith.constant 32 : i32
    %scan3A_13 = arith.addi %scan3A_11, %scan3A_12 : i32
    %scan3A_14 = arith.constant 1 : i32
    %scan3A_15:2 = scf.for %scan3A_63 = %scan3A_11 to %scan3A_13 step %scan3A_14 iter_args(%scan3A_64 = %scan3A, %scan3A_65 = %scan3A_10) -> (i32, i32)  : i32 {
      %sub3A_66 = arith.subi %scan3A_65, %scan3A_64 : i32
      %add3A_67 = arith.constant 1 : i32
      %add3A_68 = arith.addi %sub3A_66, %add3A_67 : i32
      %jit3A_69 = arith.constant 2 : i32
      %div3A = arith.divsi %add3A_68, %jit3A_69 : i32
      %sign3A = arith.constant 0 : i32
      %sign3A_70 = arith.cmpi sgt, %add3A_68, %sign3A : i32
      %sign3A_71 = arith.extui %sign3A_70 : i1 to i32
      %sign3A_72 = arith.constant 0 : i32
      %sign3A_73 = arith.cmpi slt, %add3A_68, %sign3A_72 : i32
      %sign3A_74 = arith.extui %sign3A_73 : i1 to i32
      %sign3A_75 = arith.subi %sign3A_71, %sign3A_74 : i32
      %sign3A_76 = arith.constant 0 : i32
      %sign3A_77 = arith.cmpi sgt, %jit3A_69, %sign3A_76 : i32
      %sign3A_78 = arith.extui %sign3A_77 : i1 to i32
      %sign3A_79 = arith.constant 0 : i32
      %sign3A_80 = arith.cmpi slt, %jit3A_69, %sign3A_79 : i32
      %sign3A_81 = arith.extui %sign3A_80 : i1 to i32
      %sign3A_82 = arith.subi %sign3A_78, %sign3A_81 : i32
      %ne3A = arith.cmpi ne, %sign3A_75, %sign3A_82 : i32
      %rem3A = arith.remsi %add3A_68, %jit3A_69 : i32
      %ne3A_83 = arith.constant 0 : i32
      %ne3A_84 = arith.cmpi ne, %rem3A, %ne3A_83 : i32
      %and3A = arith.andi %ne3A, %ne3A_84 : i1
      %sub3A_85 = arith.constant 1 : i32
      %sub3A_86 = arith.subi %div3A, %sub3A_85 : i32
      %select_n3A_87 = arith.select %and3A, %sub3A_86, %div3A : i32
      %add3A_88 = arith.addi %scan3A_64, %select_n3A_87 : i32
      %ge3A_89 = vector.broadcast %add3A_88 : i32 to vector<288x128xi32>
      %ge3A_90 = arith.cmpi sge, %select_n3A, %ge3A_89 : vector<288x128xi32>
      %convert_element_type3A_91 = arith.extui %ge3A_90 : vector<288x128xi1> to vector<288x128xi32>
      %reduce_sum3A_92 = vector.shape_cast %convert_element_type3A_91 : vector<288x128xi32> to vector<1x288x128xi32>
      %reduce_sum3A_93 = arith.constant dense<0> : vector<1xi32>
      %reduce_sum3A_94 = vector.multi_reduction <add>, %reduce_sum3A_92, %reduce_sum3A_93 [1, 2] : vector<1x288x128xi32> to vector<1xi32>
      %reduce_sum3A_95 = vector.shape_cast %reduce_sum3A_94 : vector<1xi32> to vector<1x1x1xi32>
      %reduce_sum3A_96 = vector.extract %reduce_sum3A_95[0, 0, 0] : i32 from vector<1x1x1xi32>
      %ge3A_97 = arith.constant 6000 : i32
      %ge3A_98 = arith.cmpi sge, %reduce_sum3A_96, %ge3A_97 : i32
      %select_n3A_99 = arith.select %ge3A_98, %add3A_88, %scan3A_64 : i32
      %sub3A_100 = arith.constant 1 : i32
      %sub3A_101 = arith.subi %add3A_88, %sub3A_100 : i32
      %select_n3A_102 = arith.select %ge3A_98, %scan3A_65, %sub3A_101 : i32
      scf.yield %select_n3A_99, %select_n3A_102 : i32, i32
    }
    %lt3A = arith.constant 6000 : i32
    %lt3A_16 = arith.cmpi slt, %reduce_sum3A_9, %lt3A : i32
    %jit3A_17 = arith.constant 0 : i32
    %select_n3A_18 = arith.select %lt3A_16, %jit3A_17, %scan3A_15#0 : i32
    %ge3A_19 = vector.broadcast %select_n3A_18 : i32 to vector<288x128xi32>
    %ge3A_20 = arith.cmpi sge, %select_n3A, %ge3A_19 : vector<288x128xi32>
    %convert_element_type3A_21 = arith.extui %ge3A_20 : vector<288x128xi1> to vector<288x128xi32>
    %convert_element_type3A_22 = arith.sitofp %convert_element_type3A_21 : vector<288x128xi32> to vector<288x128xf32>
    %iota3A = tpu.iota {dimensions = array<i32: 0>} : vector<128x128xi32>
    %iota3A_23 = tpu.iota {dimensions = array<i32: 1>} : vector<128x128xi32>
    %le3A = arith.cmpi sle, %iota3A, %iota3A_23 : vector<128x128xi32>
    %convert_element_type3A_24 = arith.extui %le3A : vector<128x128xi1> to vector<128x128xi32>
    %convert_element_type3A_25 = arith.sitofp %convert_element_type3A_24 : vector<128x128xi32> to vector<128x128xf32>
    %dot_general3A = arith.constant dense<0.000000e+00> : vector<288x128xf32>
    %dot_general3A_26 = tpu.matmul %convert_element_type3A_22, %convert_element_type3A_25, %dot_general3A {dimension_numbers = #tpu.dot_dimension_numbers<[1], [0], [0], [1], [0, 0, 1, 1], [], []>, transpose_lhs_hint = false} : vector<288x128xf32>, vector<128x128xf32>, vector<288x128xf32> -> vector<288x128xf32>
    %slice3A = vector.extract_strided_slice %dot_general3A_26 {offsets = [0, 127], sizes = [288, 1], strides = [1, 1]} : vector<288x128xf32> to vector<288x1xf32>
    %broadcast_in_dim3A_27 = vector.shape_cast %slice3A : vector<288x1xf32> to vector<288x1xf32>
    %broadcast_in_dim3A_28 = vector.broadcast %broadcast_in_dim3A_27 : vector<288x1xf32> to vector<288x128xf32>
    %iota3A_29 = tpu.iota {dimensions = array<i32: 0>} : vector<288x288xi32>
    %iota3A_30 = tpu.iota {dimensions = array<i32: 1>} : vector<288x288xi32>
    %lt3A_31 = arith.cmpi slt, %iota3A_30, %iota3A_29 : vector<288x288xi32>
    %convert_element_type3A_32 = arith.extui %lt3A_31 : vector<288x288xi1> to vector<288x288xi32>
    %convert_element_type3A_33 = arith.sitofp %convert_element_type3A_32 : vector<288x288xi32> to vector<288x288xf32>
    %dot_general3A_34 = arith.constant dense<0.000000e+00> : vector<288x128xf32>
    %dot_general3A_35 = tpu.matmul %convert_element_type3A_33, %broadcast_in_dim3A_28, %dot_general3A_34 {dimension_numbers = #tpu.dot_dimension_numbers<[1], [0], [0], [1], [0, 0, 1, 1], [], []>, transpose_lhs_hint = false} : vector<288x288xf32>, vector<288x128xf32>, vector<288x128xf32> -> vector<288x128xf32>
    %add3A = arith.addf %dot_general3A_35, %dot_general3A_26 : vector<288x128xf32>
    %sub3A = arith.subf %add3A, %convert_element_type3A_22 : vector<288x128xf32>
    %convert_element_type3A_36 = arith.fptosi %sub3A : vector<288x128xf32> to vector<288x128xi32>
    %min3A = arith.constant 6143 : i32
    %min3A_37 = vector.broadcast %min3A : i32 to vector<288x128xi32>
    %min3A_38 = arith.minsi %convert_element_type3A_36, %min3A_37 : vector<288x128xi32>
    %iota3A_39 = tpu.iota {dimensions = array<i32: 0>} : vector<288x128xi32>
    %mul3A = arith.constant 128 : i32
    %mul3A_40 = vector.broadcast %mul3A : i32 to vector<288x128xi32>
    %mul3A_41 = arith.muli %iota3A_39, %mul3A_40 : vector<288x128xi32>
    %iota3A_42 = tpu.iota {dimensions = array<i32: 1>} : vector<288x128xi32>
    %add3A_43 = arith.addi %mul3A_41, %iota3A_42 : vector<288x128xi32>
    %add3A_44 = arith.constant 6144 : i32
    %add3A_45 = vector.broadcast %add3A_44 : i32 to vector<288x128xi32>
    %add3A_46 = arith.addi %add3A_45, %add3A_43 : vector<288x128xi32>
    %select_n3A_47 = arith.select %ge3A_20, %min3A_38, %add3A_46 : vector<288x128xi1>, vector<288x128xi32>
    %swap3A = arith.constant 0 : index
    %swap3A_48 = arith.constant 0 : index
    %swap3A_49 = vector.load %arg1[%swap3A, %swap3A_48] : memref<288x128xi32, #tpu.memory_space<vmem>>, vector<288x128xi32>
    tpu.vector_store %arg1[%swap3A, %swap3A_48], %select_n3A_47 {strides = array<i32>} : memref<288x128xi32, #tpu.memory_space<vmem>>, vector<288x128xi32>,
    %convert_element_type3A_50 = arith.extui %ge3A_20 : vector<288x128xi1> to vector<288x128xi32>
    %reduce_sum3A_51 = vector.shape_cast %convert_element_type3A_50 : vector<288x128xi32> to vector<1x288x128xi32>
    %reduce_sum3A_52 = arith.constant dense<0> : vector<1xi32>
    %reduce_sum3A_53 = vector.multi_reduction <add>, %reduce_sum3A_51, %reduce_sum3A_52 [1, 2] : vector<1x288x128xi32> to vector<1xi32>
    %reduce_sum3A_54 = vector.shape_cast %reduce_sum3A_53 : vector<1xi32> to vector<1x1x1xi32>
    %reduce_sum3A_55 = vector.extract %reduce_sum3A_54[0, 0, 0] : i32 from vector<1x1x1xi32>
    %broadcast_in_dim3A_56 = arith.constant 0 : i32
    %broadcast_in_dim3A_57 = vector.broadcast %broadcast_in_dim3A_56 : i32 to vector<1x128xi32>
    %add3A_58 = vector.broadcast %reduce_sum3A_55 : i32 to vector<1x128xi32>
    %add3A_59 = arith.addi %broadcast_in_dim3A_57, %add3A_58 : vector<1x128xi32>
    %swap3A_60 = arith.constant 0 : index
    %swap3A_61 = arith.constant 0 : index
    %swap3A_62 = vector.load %arg2[%swap3A_60, %swap3A_61] : memref<1x128xi32, #tpu.memory_space<vmem>>, vector<1x128xi32>
    tpu.vector_store %arg2[%swap3A_60, %swap3A_61], %add3A_59 {strides = array<i32>} : memref<1x128xi32, #tpu.memory_space<vmem>>, vector<1x128xi32>,
    return
  }
}

module attributes {stable_mosaic.version = 14 : i64} {
  func.func @_nms_kernel(%arg0: memref<47x128xf32, #tpu.memory_space<vmem>>, %arg1: memref<47x128xf32, #tpu.memory_space<vmem>>, %arg2: memref<47x128xf32, #tpu.memory_space<vmem>>, %arg3: memref<47x128xf32, #tpu.memory_space<vmem>>, %arg4: memref<47x128xf32, #tpu.memory_space<vmem>>, %arg5: memref<1x128xi32, #tpu.memory_space<vmem>>, %arg6: memref<4x128xf32, #tpu.memory_space<vmem>>, %arg7: memref<300x128xf32, #tpu.memory_space<vmem>>) attributes {dimension_semantics = [], scalar_prefetch = 0 : i64, scratch_operands = 0 : i64, tpu.core_type = #tpu.core_type<tc>} {
    %get3A = arith.constant 0 : index
    %get3A_0 = arith.constant 0 : index
    %get3A_1 = vector.load %arg4[%get3A, %get3A_0] : memref<47x128xf32, #tpu.memory_space<vmem>>, vector<47x128xf32>
    %get3A_2 = arith.constant 0 : index
    %get3A_3 = arith.constant 0 : index
    %get3A_4 = vector.load %arg0[%get3A_2, %get3A_3] : memref<47x128xf32, #tpu.memory_space<vmem>>, vector<47x128xf32>
    %get3A_5 = arith.constant 0 : index
    %get3A_6 = arith.constant 0 : index
    %get3A_7 = vector.load %arg1[%get3A_5, %get3A_6] : memref<47x128xf32, #tpu.memory_space<vmem>>, vector<47x128xf32>
    %get3A_8 = arith.constant 0 : index
    %get3A_9 = arith.constant 0 : index
    %get3A_10 = vector.load %arg2[%get3A_8, %get3A_9] : memref<47x128xf32, #tpu.memory_space<vmem>>, vector<47x128xf32>
    %get3A_11 = arith.constant 0 : index
    %get3A_12 = arith.constant 0 : index
    %get3A_13 = vector.load %arg3[%get3A_11, %get3A_12] : memref<47x128xf32, #tpu.memory_space<vmem>>, vector<47x128xf32>
    %sub3A = arith.subf %get3A_10, %get3A_4 : vector<47x128xf32>
    %sub3A_14 = arith.subf %get3A_13, %get3A_7 : vector<47x128xf32>
    %mul3A = arith.mulf %sub3A, %sub3A_14 : vector<47x128xf32>
    %iota3A = tpu.iota {dimensions = array<i32: 0>} : vector<47x128xi32>
    %mul3A_15 = arith.constant 128 : i32
    %mul3A_16 = vector.broadcast %mul3A_15 : i32 to vector<47x128xi32>
    %mul3A_17 = arith.muli %iota3A, %mul3A_16 : vector<47x128xi32>
    %iota3A_18 = tpu.iota {dimensions = array<i32: 1>} : vector<47x128xi32>
    %add3A = arith.addi %mul3A_17, %iota3A_18 : vector<47x128xi32>
    %iota3A_19 = tpu.iota {dimensions = array<i32: 1>} : vector<1x128xi32>
    %get3A_20 = arith.constant 0 : index
    %get3A_21 = arith.constant 0 : index
    %get3A_22 = vector.load %arg5[%get3A_20, %get3A_21] : memref<1x128xi32, #tpu.memory_space<vmem>>, vector<1x128xi32>
    %slice3A = vector.extract_strided_slice %get3A_22 {offsets = [0, 0], sizes = [1, 1], strides = [1, 1]} : vector<1x128xi32> to vector<1x1xi32>
    %reduce_sum3A = vector.shape_cast %slice3A : vector<1x1xi32> to vector<1x1x1xi32>
    %reduce_sum3A_23 = arith.constant dense<0> : vector<1xi32>
    %reduce_sum3A_24 = vector.multi_reduction <add>, %reduce_sum3A, %reduce_sum3A_23 [1, 2] : vector<1x1x1xi32> to vector<1xi32>
    %reduce_sum3A_25 = vector.shape_cast %reduce_sum3A_24 : vector<1xi32> to vector<1x1x1xi32>
    %reduce_sum3A_26 = vector.extract %reduce_sum3A_25[0, 0, 0] : i32 from vector<1x1x1xi32>
    %lt3A = vector.broadcast %reduce_sum3A_26 : i32 to vector<47x128xi32>
    %lt3A_27 = arith.cmpi slt, %add3A, %lt3A : vector<47x128xi32>
    %jit3A = arith.constant -3.000000e+00 : f32
    %broadcast_in_dim3A = vector.broadcast %jit3A : f32 to vector<47x128xf32>
    %select_n3A = arith.select %lt3A_27, %get3A_1, %broadcast_in_dim3A : vector<47x128xi1>, vector<47x128xf32>
    %gt3A = arith.constant 0 : i32
    %gt3A_28 = arith.cmpi sgt, %reduce_sum3A_26, %gt3A : i32
    %reduce_max3A = vector.shape_cast %select_n3A : vector<47x128xf32> to vector<1x47x128xf32>
    %reduce_max3A_29 = arith.constant dense<0xFF800000> : vector<1xf32>
    %reduce_max3A_30 = vector.multi_reduction <maximumf>, %reduce_max3A, %reduce_max3A_29 [1, 2] : vector<1x47x128xf32> to vector<1xf32>
    %reduce_max3A_31 = vector.shape_cast %reduce_max3A_30 : vector<1xf32> to vector<1x1x1xf32>
    %reduce_max3A_32 = vector.extract %reduce_max3A_31[0, 0, 0] : f32 from vector<1x1x1xf32>
    %eq3A = vector.broadcast %reduce_max3A_32 : f32 to vector<47x128xf32>
    %eq3A_33 = arith.cmpf oeq, %select_n3A, %eq3A : vector<47x128xf32>
    %jit3A_34 = arith.constant 1073741824 : i32
    %broadcast_in_dim3A_35 = vector.broadcast %jit3A_34 : i32 to vector<47x128xi32>
    %select_n3A_36 = arith.select %eq3A_33, %add3A, %broadcast_in_dim3A_35 : vector<47x128xi1>, vector<47x128xi32>
    %reduce_min3A = vector.shape_cast %select_n3A_36 : vector<47x128xi32> to vector<1x47x128xi32>
    %reduce_min3A_37 = arith.constant dense<2147483647> : vector<1xi32>
    %reduce_min3A_38 = vector.multi_reduction <minsi>, %reduce_min3A, %reduce_min3A_37 [1, 2] : vector<1x47x128xi32> to vector<1xi32>
    %reduce_min3A_39 = vector.shape_cast %reduce_min3A_38 : vector<1xi32> to vector<1x1x1xi32>
    %reduce_min3A_40 = vector.extract %reduce_min3A_39[0, 0, 0] : i32 from vector<1x1x1xi32>
    %eq3A_41 = arith.constant 0 : i32
    %eq3A_42 = vector.broadcast %eq3A_41 : i32 to vector<1x128xi32>
    %eq3A_43 = arith.cmpi eq, %iota3A_19, %eq3A_42 : vector<1x128xi32>
    %get3A_44 = arith.constant 0 : index
    %get3A_45 = arith.constant 0 : index
    %get3A_46 = vector.load %arg6[%get3A_44, %get3A_45] : memref<4x128xf32, #tpu.memory_space<vmem>>, vector<1x128xf32>
    %jit3A_47 = arith.constant 0.000000e+00 : f32
    %broadcast_in_dim3A_48 = vector.broadcast %jit3A_47 : f32 to vector<1x128xf32>
    %select_n3A_49 = arith.select %eq3A_43, %get3A_46, %broadcast_in_dim3A_48 : vector<1x128xi1>, vector<1x128xf32>
    %reduce_sum3A_50 = vector.shape_cast %select_n3A_49 : vector<1x128xf32> to vector<1x1x128xf32>
    %reduce_sum3A_51 = arith.constant dense<0.000000e+00> : vector<1xf32>
    %reduce_sum3A_52 = vector.multi_reduction <add>, %reduce_sum3A_50, %reduce_sum3A_51 [1, 2] : vector<1x1x128xf32> to vector<1xf32>
    %reduce_sum3A_53 = vector.shape_cast %reduce_sum3A_52 : vector<1xf32> to vector<1x1x1xf32>
    %reduce_sum3A_54 = vector.extract %reduce_sum3A_53[0, 0, 0] : f32 from vector<1x1x1xf32>
    %eq3A_55 = arith.constant 0 : i32
    %eq3A_56 = vector.broadcast %eq3A_55 : i32 to vector<1x128xi32>
    %eq3A_57 = arith.cmpi eq, %iota3A_19, %eq3A_56 : vector<1x128xi32>
    %get3A_58 = arith.constant 1 : index
    %get3A_59 = arith.constant 0 : index
    %get3A_60 = vector.load %arg6[%get3A_58, %get3A_59] : memref<4x128xf32, #tpu.memory_space<vmem>>, vector<1x128xf32>
    %jit3A_61 = arith.constant 0.000000e+00 : f32
    %broadcast_in_dim3A_62 = vector.broadcast %jit3A_61 : f32 to vector<1x128xf32>
    %select_n3A_63 = arith.select %eq3A_57, %get3A_60, %broadcast_in_dim3A_62 : vector<1x128xi1>, vector<1x128xf32>
    %reduce_sum3A_64 = vector.shape_cast %select_n3A_63 : vector<1x128xf32> to vector<1x1x128xf32>
    %reduce_sum3A_65 = arith.constant dense<0.000000e+00> : vector<1xf32>
    %reduce_sum3A_66 = vector.multi_reduction <add>, %reduce_sum3A_64, %reduce_sum3A_65 [1, 2] : vector<1x1x128xf32> to vector<1xf32>
    %reduce_sum3A_67 = vector.shape_cast %reduce_sum3A_66 : vector<1xf32> to vector<1x1x1xf32>
    %reduce_sum3A_68 = vector.extract %reduce_sum3A_67[0, 0, 0] : f32 from vector<1x1x1xf32>
    %eq3A_69 = arith.constant 0 : i32
    %eq3A_70 = vector.broadcast %eq3A_69 : i32 to vector<1x128xi32>
    %eq3A_71 = arith.cmpi eq, %iota3A_19, %eq3A_70 : vector<1x128xi32>
    %get3A_72 = arith.constant 2 : index
    %get3A_73 = arith.constant 0 : index
    %get3A_74 = vector.load %arg6[%get3A_72, %get3A_73] : memref<4x128xf32, #tpu.memory_space<vmem>>, vector<1x128xf32>
    %jit3A_75 = arith.constant 0.000000e+00 : f32
    %broadcast_in_dim3A_76 = vector.broadcast %jit3A_75 : f32 to vector<1x128xf32>
    %select_n3A_77 = arith.select %eq3A_71, %get3A_74, %broadcast_in_dim3A_76 : vector<1x128xi1>, vector<1x128xf32>
    %reduce_sum3A_78 = vector.shape_cast %select_n3A_77 : vector<1x128xf32> to vector<1x1x128xf32>
    %reduce_sum3A_79 = arith.constant dense<0.000000e+00> : vector<1xf32>
    %reduce_sum3A_80 = vector.multi_reduction <add>, %reduce_sum3A_78, %reduce_sum3A_79 [1, 2] : vector<1x1x128xf32> to vector<1xf32>
    %reduce_sum3A_81 = vector.shape_cast %reduce_sum3A_80 : vector<1xf32> to vector<1x1x1xf32>
    %reduce_sum3A_82 = vector.extract %reduce_sum3A_81[0, 0, 0] : f32 from vector<1x1x1xf32>
    %eq3A_83 = arith.constant 0 : i32
    %eq3A_84 = vector.broadcast %eq3A_83 : i32 to vector<1x128xi32>
    %eq3A_85 = arith.cmpi eq, %iota3A_19, %eq3A_84 : vector<1x128xi32>
    %get3A_86 = arith.constant 3 : index
    %get3A_87 = arith.constant 0 : index
    %get3A_88 = vector.load %arg6[%get3A_86, %get3A_87] : memref<4x128xf32, #tpu.memory_space<vmem>>, vector<1x128xf32>
    %jit3A_89 = arith.constant 0.000000e+00 : f32
    %broadcast_in_dim3A_90 = vector.broadcast %jit3A_89 : f32 to vector<1x128xf32>
    %select_n3A_91 = arith.select %eq3A_85, %get3A_88, %broadcast_in_dim3A_90 : vector<1x128xi1>, vector<1x128xf32>
    %reduce_sum3A_92 = vector.shape_cast %select_n3A_91 : vector<1x128xf32> to vector<1x1x128xf32>
    %reduce_sum3A_93 = arith.constant dense<0.000000e+00> : vector<1xf32>
    %reduce_sum3A_94 = vector.multi_reduction <add>, %reduce_sum3A_92, %reduce_sum3A_93 [1, 2] : vector<1x1x128xf32> to vector<1xf32>
    %reduce_sum3A_95 = vector.shape_cast %reduce_sum3A_94 : vector<1xf32> to vector<1x1x1xf32>
    %reduce_sum3A_96 = vector.extract %reduce_sum3A_95[0, 0, 0] : f32 from vector<1x1x1xf32>
    %scan3A = arith.constant 0 : i32
    %scan3A_97 = arith.constant 300 : i32
    %scan3A_98 = arith.addi %scan3A, %scan3A_97 : i32
    %scan3A_99 = arith.constant 1 : i32
    %scan3A_100 = scf.for %scan3A_102 = %scan3A to %scan3A_98 step %scan3A_99 iter_args(%scan3A_103 = %select_n3A) -> (vector<47x128xf32>)  : i32 {
      %reduce_max3A_104 = vector.shape_cast %scan3A_103 : vector<47x128xf32> to vector<1x47x128xf32>
      %reduce_max3A_105 = arith.constant dense<0xFF800000> : vector<1xf32>
      %reduce_max3A_106 = vector.multi_reduction <maximumf>, %reduce_max3A_104, %reduce_max3A_105 [1, 2] : vector<1x47x128xf32> to vector<1xf32>
      %reduce_max3A_107 = vector.shape_cast %reduce_max3A_106 : vector<1xf32> to vector<1x1x1xf32>
      %reduce_max3A_108 = vector.extract %reduce_max3A_107[0, 0, 0] : f32 from vector<1x1x1xf32>
      %lt3A_109 = arith.constant -2.000000e+00 : f32
      %lt3A_110 = arith.cmpf olt, %reduce_max3A_108, %lt3A_109 : f32
      %eq3A_111 = vector.broadcast %reduce_max3A_108 : f32 to vector<47x128xf32>
      %eq3A_112 = arith.cmpf oeq, %scan3A_103, %eq3A_111 : vector<47x128xf32>
      %jit3A_113 = arith.constant 1073741824 : i32
      %broadcast_in_dim3A_114 = vector.broadcast %jit3A_113 : i32 to vector<47x128xi32>
      %select_n3A_115 = arith.select %eq3A_112, %add3A, %broadcast_in_dim3A_114 : vector<47x128xi1>, vector<47x128xi32>
      %reduce_min3A_116 = vector.shape_cast %select_n3A_115 : vector<47x128xi32> to vector<1x47x128xi32>
      %reduce_min3A_117 = arith.constant dense<2147483647> : vector<1xi32>
      %reduce_min3A_118 = vector.multi_reduction <minsi>, %reduce_min3A_116, %reduce_min3A_117 [1, 2] : vector<1x47x128xi32> to vector<1xi32>
      %reduce_min3A_119 = vector.shape_cast %reduce_min3A_118 : vector<1xi32> to vector<1x1x1xi32>
      %reduce_min3A_120 = vector.extract %reduce_min3A_119[0, 0, 0] : i32 from vector<1x1x1xi32>
      %select_n3A_121 = arith.select %lt3A_110, %reduce_min3A_40, %reduce_min3A_120 : i32
      %jit3A_122 = arith.constant 128 : i32
      %div3A = arith.divsi %select_n3A_121, %jit3A_122 : i32
      %sign3A = arith.constant 0 : i32
      %sign3A_123 = arith.cmpi sgt, %select_n3A_121, %sign3A : i32
      %sign3A_124 = arith.extui %sign3A_123 : i1 to i32
      %sign3A_125 = arith.constant 0 : i32
      %sign3A_126 = arith.cmpi slt, %select_n3A_121, %sign3A_125 : i32
      %sign3A_127 = arith.extui %sign3A_126 : i1 to i32
      %sign3A_128 = arith.subi %sign3A_124, %sign3A_127 : i32
      %sign3A_129 = arith.constant 0 : i32
      %sign3A_130 = arith.cmpi sgt, %jit3A_122, %sign3A_129 : i32
      %sign3A_131 = arith.extui %sign3A_130 : i1 to i32
      %sign3A_132 = arith.constant 0 : i32
      %sign3A_133 = arith.cmpi slt, %jit3A_122, %sign3A_132 : i32
      %sign3A_134 = arith.extui %sign3A_133 : i1 to i32
      %sign3A_135 = arith.subi %sign3A_131, %sign3A_134 : i32
      %ne3A = arith.cmpi ne, %sign3A_128, %sign3A_135 : i32
      %rem3A = arith.remsi %select_n3A_121, %jit3A_122 : i32
      %ne3A_136 = arith.constant 0 : i32
      %ne3A_137 = arith.cmpi ne, %rem3A, %ne3A_136 : i32
      %and3A = arith.andi %ne3A, %ne3A_137 : i1
      %sub3A_138 = arith.constant 1 : i32
      %sub3A_139 = arith.subi %div3A, %sub3A_138 : i32
      %select_n3A_140 = arith.select %and3A, %sub3A_139, %div3A : i32
      %jit3A_141 = arith.constant 128 : i32
      %eq3A_142 = arith.constant 0 : i32
      %eq3A_143 = arith.cmpi eq, %jit3A_141, %eq3A_142 : i32
      %jit3A_144 = arith.constant 1 : i32
      %select_n3A_145 = arith.select %eq3A_143, %jit3A_144, %jit3A_141 : i32
      %rem3A_146 = arith.remsi %select_n3A_121, %select_n3A_145 : i32
      %ne3A_147 = arith.constant 0 : i32
      %ne3A_148 = arith.cmpi ne, %rem3A_146, %ne3A_147 : i32
      %lt3A_149 = arith.constant 0 : i32
      %lt3A_150 = arith.cmpi slt, %rem3A_146, %lt3A_149 : i32
      %lt3A_151 = arith.constant 0 : i32
      %lt3A_152 = arith.cmpi slt, %select_n3A_145, %lt3A_151 : i32
      %ne3A_153 = arith.xori %lt3A_150, %lt3A_152 : i1
      %and3A_154 = arith.andi %ne3A_153, %ne3A_148 : i1
      %add3A_155 = arith.addi %rem3A_146, %select_n3A_145 : i32
      %select_n3A_156 = arith.select %and3A_154, %add3A_155, %rem3A_146 : i32
      %get3A_157 = arith.index_cast %select_n3A_140 : i32 to index
      %get3A_158 = arith.constant 0 : index
      %get3A_159 = vector.load %arg0[%get3A_157, %get3A_158] : memref<47x128xf32, #tpu.memory_space<vmem>>, vector<1x128xf32>
      %eq3A_160 = vector.broadcast %select_n3A_156 : i32 to vector<1x128xi32>
      %eq3A_161 = arith.cmpi eq, %iota3A_19, %eq3A_160 : vector<1x128xi32>
      %jit3A_162 = arith.constant 0.000000e+00 : f32
      %broadcast_in_dim3A_163 = vector.broadcast %jit3A_162 : f32 to vector<1x128xf32>
      %select_n3A_164 = arith.select %eq3A_161, %get3A_159, %broadcast_in_dim3A_163 : vector<1x128xi1>, vector<1x128xf32>
      %reduce_sum3A_165 = vector.shape_cast %select_n3A_164 : vector<1x128xf32> to vector<1x1x128xf32>
      %reduce_sum3A_166 = arith.constant dense<0.000000e+00> : vector<1xf32>
      %reduce_sum3A_167 = vector.multi_reduction <add>, %reduce_sum3A_165, %reduce_sum3A_166 [1, 2] : vector<1x1x128xf32> to vector<1xf32>
      %reduce_sum3A_168 = vector.shape_cast %reduce_sum3A_167 : vector<1xf32> to vector<1x1x1xf32>
      %reduce_sum3A_169 = vector.extract %reduce_sum3A_168[0, 0, 0] : f32 from vector<1x1x1xf32>
      %select_n3A_170 = arith.select %gt3A_28, %reduce_sum3A_169, %reduce_sum3A_54 : f32
      %get3A_171 = arith.index_cast %select_n3A_140 : i32 to index
      %get3A_172 = arith.constant 0 : index
      %get3A_173 = vector.load %arg1[%get3A_171, %get3A_172] : memref<47x128xf32, #tpu.memory_space<vmem>>, vector<1x128xf32>
      %eq3A_174 = vector.broadcast %select_n3A_156 : i32 to vector<1x128xi32>
      %eq3A_175 = arith.cmpi eq, %iota3A_19, %eq3A_174 : vector<1x128xi32>
      %jit3A_176 = arith.constant 0.000000e+00 : f32
      %broadcast_in_dim3A_177 = vector.broadcast %jit3A_176 : f32 to vector<1x128xf32>
      %select_n3A_178 = arith.select %eq3A_175, %get3A_173, %broadcast_in_dim3A_177 : vector<1x128xi1>, vector<1x128xf32>
      %reduce_sum3A_179 = vector.shape_cast %select_n3A_178 : vector<1x128xf32> to vector<1x1x128xf32>
      %reduce_sum3A_180 = arith.constant dense<0.000000e+00> : vector<1xf32>
      %reduce_sum3A_181 = vector.multi_reduction <add>, %reduce_sum3A_179, %reduce_sum3A_180 [1, 2] : vector<1x1x128xf32> to vector<1xf32>
      %reduce_sum3A_182 = vector.shape_cast %reduce_sum3A_181 : vector<1xf32> to vector<1x1x1xf32>
      %reduce_sum3A_183 = vector.extract %reduce_sum3A_182[0, 0, 0] : f32 from vector<1x1x1xf32>
      %select_n3A_184 = arith.select %gt3A_28, %reduce_sum3A_183, %reduce_sum3A_68 : f32
      %get3A_185 = arith.index_cast %select_n3A_140 : i32 to index
      %get3A_186 = arith.constant 0 : index
      %get3A_187 = vector.load %arg2[%get3A_185, %get3A_186] : memref<47x128xf32, #tpu.memory_space<vmem>>, vector<1x128xf32>
      %eq3A_188 = vector.broadcast %select_n3A_156 : i32 to vector<1x128xi32>
      %eq3A_189 = arith.cmpi eq, %iota3A_19, %eq3A_188 : vector<1x128xi32>
      %jit3A_190 = arith.constant 0.000000e+00 : f32
      %broadcast_in_dim3A_191 = vector.broadcast %jit3A_190 : f32 to vector<1x128xf32>
      %select_n3A_192 = arith.select %eq3A_189, %get3A_187, %broadcast_in_dim3A_191 : vector<1x128xi1>, vector<1x128xf32>
      %reduce_sum3A_193 = vector.shape_cast %select_n3A_192 : vector<1x128xf32> to vector<1x1x128xf32>
      %reduce_sum3A_194 = arith.constant dense<0.000000e+00> : vector<1xf32>
      %reduce_sum3A_195 = vector.multi_reduction <add>, %reduce_sum3A_193, %reduce_sum3A_194 [1, 2] : vector<1x1x128xf32> to vector<1xf32>
      %reduce_sum3A_196 = vector.shape_cast %reduce_sum3A_195 : vector<1xf32> to vector<1x1x1xf32>
      %reduce_sum3A_197 = vector.extract %reduce_sum3A_196[0, 0, 0] : f32 from vector<1x1x1xf32>
      %select_n3A_198 = arith.select %gt3A_28, %reduce_sum3A_197, %reduce_sum3A_82 : f32
      %get3A_199 = arith.index_cast %select_n3A_140 : i32 to index
      %get3A_200 = arith.constant 0 : index
      %get3A_201 = vector.load %arg3[%get3A_199, %get3A_200] : memref<47x128xf32, #tpu.memory_space<vmem>>, vector<1x128xf32>
      %eq3A_202 = vector.broadcast %select_n3A_156 : i32 to vector<1x128xi32>
      %eq3A_203 = arith.cmpi eq, %iota3A_19, %eq3A_202 : vector<1x128xi32>
      %jit3A_204 = arith.constant 0.000000e+00 : f32
      %broadcast_in_dim3A_205 = vector.broadcast %jit3A_204 : f32 to vector<1x128xf32>
      %select_n3A_206 = arith.select %eq3A_203, %get3A_201, %broadcast_in_dim3A_205 : vector<1x128xi1>, vector<1x128xf32>
      %reduce_sum3A_207 = vector.shape_cast %select_n3A_206 : vector<1x128xf32> to vector<1x1x128xf32>
      %reduce_sum3A_208 = arith.constant dense<0.000000e+00> : vector<1xf32>
      %reduce_sum3A_209 = vector.multi_reduction <add>, %reduce_sum3A_207, %reduce_sum3A_208 [1, 2] : vector<1x1x128xf32> to vector<1xf32>
      %reduce_sum3A_210 = vector.shape_cast %reduce_sum3A_209 : vector<1xf32> to vector<1x1x1xf32>
      %reduce_sum3A_211 = vector.extract %reduce_sum3A_210[0, 0, 0] : f32 from vector<1x1x1xf32>
      %select_n3A_212 = arith.select %gt3A_28, %reduce_sum3A_211, %reduce_sum3A_96 : f32
      %sub3A_213 = arith.subf %select_n3A_198, %select_n3A_170 : f32
      %sub3A_214 = arith.subf %select_n3A_212, %select_n3A_184 : f32
      %mul3A_215 = arith.mulf %sub3A_213, %sub3A_214 : f32
      %max3A = vector.broadcast %select_n3A_170 : f32 to vector<47x128xf32>
      %max3A_216 = arith.maximumf %max3A, %get3A_4 : vector<47x128xf32>
      %max3A_217 = vector.broadcast %select_n3A_184 : f32 to vector<47x128xf32>
      %max3A_218 = arith.maximumf %max3A_217, %get3A_7 : vector<47x128xf32>
      %min3A = vector.broadcast %select_n3A_198 : f32 to vector<47x128xf32>
      %min3A_219 = arith.minimumf %min3A, %get3A_10 : vector<47x128xf32>
      %min3A_220 = vector.broadcast %select_n3A_212 : f32 to vector<47x128xf32>
      %min3A_221 = arith.minimumf %min3A_220, %get3A_13 : vector<47x128xf32>
      %sub3A_222 = arith.subf %min3A_219, %max3A_216 : vector<47x128xf32>
      %max3A_223 = arith.constant 0.000000e+00 : f32
      %max3A_224 = vector.broadcast %max3A_223 : f32 to vector<47x128xf32>
      %max3A_225 = arith.maximumf %sub3A_222, %max3A_224 : vector<47x128xf32>
      %sub3A_226 = arith.subf %min3A_221, %max3A_218 : vector<47x128xf32>
      %max3A_227 = arith.constant 0.000000e+00 : f32
      %max3A_228 = vector.broadcast %max3A_227 : f32 to vector<47x128xf32>
      %max3A_229 = arith.maximumf %sub3A_226, %max3A_228 : vector<47x128xf32>
      %mul3A_230 = arith.mulf %max3A_225, %max3A_229 : vector<47x128xf32>
      %add3A_231 = vector.broadcast %mul3A_215 : f32 to vector<47x128xf32>
      %add3A_232 = arith.addf %add3A_231, %mul3A : vector<47x128xf32>
      %sub3A_233 = arith.subf %add3A_232, %mul3A_230 : vector<47x128xf32>
      %add3A_234 = arith.constant 9.99999971E-10 : f32
      %add3A_235 = vector.broadcast %add3A_234 : f32 to vector<47x128xf32>
      %add3A_236 = arith.addf %sub3A_233, %add3A_235 : vector<47x128xf32>
      %div3A_237 = arith.divf %mul3A_230, %add3A_236 : vector<47x128xf32>
      %le3A = arith.constant 0.699999988 : f32
      %le3A_238 = vector.broadcast %le3A : f32 to vector<47x128xf32>
      %le3A_239 = arith.cmpf ole, %div3A_237, %le3A_238 : vector<47x128xf32>
      %ne3A_240 = vector.broadcast %select_n3A_121 : i32 to vector<47x128xi32>
      %ne3A_241 = arith.cmpi ne, %add3A, %ne3A_240 : vector<47x128xi32>
      %and3A_242 = arith.andi %le3A_239, %ne3A_241 : vector<47x128xi1>
      %jit3A_243 = arith.constant -3.000000e+00 : f32
      %broadcast_in_dim3A_244 = vector.broadcast %jit3A_243 : f32 to vector<47x128xf32>
      %select_n3A_245 = arith.select %and3A_242, %scan3A_103, %broadcast_in_dim3A_244 : vector<47x128xi1>, vector<47x128xf32>
      %eq3A_246 = arith.constant 0 : i32
      %eq3A_247 = vector.broadcast %eq3A_246 : i32 to vector<1x128xi32>
      %eq3A_248 = arith.cmpi eq, %iota3A_19, %eq3A_247 : vector<1x128xi32>
      %eq3A_249 = arith.constant 1 : i32
      %eq3A_250 = vector.broadcast %eq3A_249 : i32 to vector<1x128xi32>
      %eq3A_251 = arith.cmpi eq, %iota3A_19, %eq3A_250 : vector<1x128xi32>
      %eq3A_252 = arith.constant 2 : i32
      %eq3A_253 = vector.broadcast %eq3A_252 : i32 to vector<1x128xi32>
      %eq3A_254 = arith.cmpi eq, %iota3A_19, %eq3A_253 : vector<1x128xi32>
      %eq3A_255 = arith.constant 3 : i32
      %eq3A_256 = vector.broadcast %eq3A_255 : i32 to vector<1x128xi32>
      %eq3A_257 = arith.cmpi eq, %iota3A_19, %eq3A_256 : vector<1x128xi32>
      %jit3A_258 = arith.constant 0.000000e+00 : f32
      %broadcast_in_dim3A_259 = vector.broadcast %select_n3A_212 : f32 to vector<1x128xf32>
      %broadcast_in_dim3A_260 = vector.broadcast %jit3A_258 : f32 to vector<1x128xf32>
      %select_n3A_261 = arith.select %eq3A_257, %broadcast_in_dim3A_259, %broadcast_in_dim3A_260 : vector<1x128xi1>, vector<1x128xf32>
      %broadcast_in_dim3A_262 = vector.broadcast %select_n3A_198 : f32 to vector<1x128xf32>
      %select_n3A_263 = arith.select %eq3A_254, %broadcast_in_dim3A_262, %select_n3A_261 : vector<1x128xi1>, vector<1x128xf32>
      %broadcast_in_dim3A_264 = vector.broadcast %select_n3A_184 : f32 to vector<1x128xf32>
      %select_n3A_265 = arith.select %eq3A_251, %broadcast_in_dim3A_264, %select_n3A_263 : vector<1x128xi1>, vector<1x128xf32>
      %broadcast_in_dim3A_266 = vector.broadcast %select_n3A_170 : f32 to vector<1x128xf32>
      %select_n3A_267 = arith.select %eq3A_248, %broadcast_in_dim3A_266, %select_n3A_265 : vector<1x128xi1>, vector<1x128xf32>
      %swap3A = arith.index_cast %scan3A_102 : i32 to index
      %swap3A_268 = arith.constant 0 : index
      %swap3A_269 = vector.load %arg7[%swap3A, %swap3A_268] : memref<300x128xf32, #tpu.memory_space<vmem>>, vector<1x128xf32>
      tpu.vector_store %arg7[%swap3A, %swap3A_268], %select_n3A_267 {strides = array<i32>} : memref<300x128xf32, #tpu.memory_space<vmem>>, vector<1x128xf32>,
      scf.yield %select_n3A_245 : vector<47x128xf32>
    }
    %scan3A_101 = arith.constant 300 : i32
    return
  }
}

</mosaic_0001>

<sc_bundles>
// kernel: kernel.10.cloned.1.call-start
scs
__scs_entry_jumppad:
0x0: {  	(pc) =	sbr.rel $0x88, $3  }
0x1: {  	(tag) =	ssettag $0x0;
	lr =	simm.s32 $0x1  }
0x2: {  	[smem:$0x3F97] =	sst lr;
	_ =	strace $0xD0000000  }
0x3: {  	_ = 	snop  }
0x4: {  	_ = 	snop  }
0x5: {  	_ = 	snop  }
0x6: {  	_ = 	snop  }
0x7: {  	_ = 	snop  }
__scs_overlays_trampoline_lowered:
0x8: {  	[smem:$0x3FA6] =	sst s0  }
0x9: {  	[smem:$0x3FA7] =	sst s1  }
0xa: {  	[smem:$0x3FA8] =	sst s2  }
0xb: {  	[smem:$0x3FA9] =	sst s3  }
0xc: {  	[smem:$0x3FAA] =	sst s4  }
0xd: {  	[smem:$0x3FAB] =	sst s5  }
0xe: {  	[smem:$0x3FAC] =	sst s6  }
0xf: {  	[smem:$0x3FAD] =	sst s7  }
0x10: {  	[smem:$0x3FAE] =	sst s8  }
0x11: {  	[smem:$0x3FAF] =	sst s9;
	s0 =	simm.s32 @!p0 $0x0  }
0x12: {  	s1 =	sld [smem:$0x3F95];
	s0 =	simm.s32 @p0 $0x1  }
0x13: {  	[smem:$0x3FB0] =	sst s0;
	s0 =	simm.s32 @!p1 $0x0  }
0x14: {  	s2 =	sld [smem:$0x3F94];
	s0 =	simm.s32 @p1 $0x1  }
0x15: {  	[smem:$0x3FB1] =	sst s0;
	s0 =	simm.s32 @!p2 $0x0  }
0x16: {  	s3 =	sld [smem:$0x3FDB];
	s0 =	simm.s32 @p2 $0x1  }
0x17: {  	s4 =	simm.s32 $0x1BF5;
	[smem:$0x3FB3] =	sst s0  }
0x18: {  	s0 =	sld [smem:$0x3F96];
	_ =	swait.ge [sflag:s4], $0x0  }
0x19: {  	s7 =	sld [smem:$0x3F97]  }
0x1a: {  	s8 =	sadd.s32 $0xFFFFE003, lr  }
0x1b: {  	s9 =	sadd.s32 $0xFFFFFEF7, lr;
	s5 =	simm.s32 $0xFFFFFFFF;
	p2 =	slt.u32 s8, $0xFFFFF086  }
0x1c: {  	p1 =	slt.u32 s9, $0xF7A;
	s5 =	simm.s32 @!p2 $0x0  }
0x1d: {  	s5 =	simm.s32 @p1 $0x1;
	p0 =	seq.s32 s7, s2  }
0x1e: {  	s7 =	smul.u32 @!p0 $0xF7A, s2;
	p2 =	seq.s32 @!p0 s5, $0x0  }
0x1f: {  	s9 =	smul.u32 $0xF7A, s1;
	s8 =	simm.s32 @!p0 $0x1BF5;
	p2 =	por !p2, p0  }
0x20: {  	[sflag:s8] =	ssyncset.s32 @!p0 $0xFFFFF086;
	s6 =	sadd.s32 @!p0 s3, s7;
	s7 =	simm.s32 @!p0 $0x108  }
0x21: {  	s3 =	sadd.s32 s3, s9;
	s6 =	sadd.s32 @!p0 $0x88, s6;
	s7 =	simm.s32 @p2 $0x1082  }
0x22: {  	[simem:s7], [sflag:s8] =	dma.local @!p0 [hbm:s6], $0xF7A  }
0x23: {  	s9 =	sor.u32 $0xD0000000, s2;
	s6 =	simm.s32 $0x108;
	_ =	swait.ge @!p0 [sflag:s8], $0x0  }
0x24: {  	s3 =	sadd.s32 $0x88, s3;
	s6 =	simm.s32 @!p1 $0x1082;
	[sflag:s4] =	ssyncset.s32 $0xFFFFF086  }
0x25: {  	[simem:s6], [sflag:s4] =	dma.local [hbm:s3], $0xF7A  }
0x26: {  	[smem:$0x3F97] =	sst s1;
	(tag) =	ssettag s2;
	_ =	strace s9  }
0x27: {  	s1 =	sld [smem:$0x3FA7]  }
0x28: {  	s2 =	sld [smem:$0x3FA8]  }
0x29: {  	s4 =	sld [smem:$0x3FAA]  }
0x2a: {  	p0 =	seq.s32 s5, $0x0;
	s5 =	sld [smem:$0x3FAB]  }
0x2b: {  	s6 =	sld [smem:$0x3FAC]  }
0x2c: {  	s7 =	sld [smem:$0x3FAD]  }
0x2d: {  	s3 =	simm.s32 $0x108;
	s8 =	sld [smem:$0x3FAE]  }
0x2e: {  	s3 =	simm.s32 @!p0 $0x1082;
	s9 =	sld [smem:$0x3FAF]  }
0x2f: {  	lr =	sadd.s32 s0, s3;
	s0 =	sld [smem:$0x3FA6]  }
0x30: {  	s3 =	sld [smem:$0x3FA9]  }
0x31: {  	[smem:$0x3FB2] =	sst s10  }
0x32: {  	s10 =	sld [smem:$0x3FB0];
	_ =	sdelay $0x3  }
0x33: {  	p0 =	seq.s32 s10, $0x1;
	s10 =	sld [smem:$0x3FB2];
	_ =	sdelay $0x3  }
0x34: {  	[smem:$0x3FB2] =	sst s10  }
0x35: {  	s10 =	sld [smem:$0x3FB1];
	_ =	sdelay $0x3  }
0x36: {  	p1 =	seq.s32 s10, $0x1;
	s10 =	sld [smem:$0x3FB2];
	_ =	sdelay $0x3  }
0x37: {  	[smem:$0x3FB2] =	sst s10  }
0x38: {  	s10 =	sld [smem:$0x3FB3]  }
0x39: {  	_ = 	snop;
	(pc) =	sbr.ind lr, $3  }
0x3a: {  	_ = 	snop  }
0x3b: {  	_ = 	snop  }
0x3c: {  	p2 =	seq.s32 s10, $0x1;
	s10 =	sld [smem:$0x3FB2]  }
0x3d: {  	_ =	shalt  }
0x3e: {  	_ =	shalt  }
0x3f: {  	_ =	shalt  }
0x40: {  	_ =	shalt  }
0x41: {  	_ =	shalt  }
0x42: {  	_ =	shalt  }
0x43: {  	_ =	shalt  }
0x44: {  	_ =	shalt  }
0x45: {  	_ =	shalt  }
0x46: {  	_ =	shalt  }
0x47: {  	_ =	shalt  }
0x48: {  	_ =	shalt  }
0x49: {  	_ =	shalt  }
0x4a: {  	_ =	shalt  }
0x4b: {  	_ =	shalt  }
0x4c: {  	_ =	shalt  }
0x4d: {  	_ =	shalt  }
0x4e: {  	_ =	shalt  }
0x4f: {  	_ =	shalt  }
0x50: {  	_ =	shalt  }
0x51: {  	_ =	shalt  }
0x52: {  	_ =	shalt  }
0x53: {  	_ =	shalt  }
0x54: {  	_ =	shalt  }
0x55: {  	_ =	shalt  }
0x56: {  	_ =	shalt  }
0x57: {  	_ =	shalt  }
0x58: {  	_ =	shalt  }
0x59: {  	_ =	shalt  }
0x5a: {  	_ =	shalt  }
0x5b: {  	_ =	shalt  }
0x5c: {  	_ =	shalt  }
0x5d: {  	_ =	shalt  }
0x5e: {  	_ =	shalt  }
0x5f: {  	_ =	shalt  }
0x60: {  	_ =	shalt  }
0x61: {  	_ =	shalt  }
0x62: {  	_ =	shalt  }
0x63: {  	_ =	shalt  }
0x64: {  	_ =	shalt  }
0x65: {  	_ =	shalt  }
0x66: {  	_ =	shalt  }
0x67: {  	_ =	shalt  }
0x68: {  	_ =	shalt  }
0x69: {  	_ =	shalt  }
0x6a: {  	_ =	shalt  }
0x6b: {  	_ =	shalt  }
0x6c: {  	_ =	shalt  }
0x6d: {  	_ =	shalt  }
0x6e: {  	_ =	shalt  }
0x6f: {  	_ =	shalt  }
0x70: {  	_ =	shalt  }
0x71: {  	_ =	shalt  }
0x72: {  	_ =	shalt  }
0x73: {  	_ =	shalt  }
0x74: {  	_ =	shalt  }
0x75: {  	_ =	shalt  }
0x76: {  	_ =	shalt  }
0x77: {  	_ =	shalt  }
0x78: {  	_ =	shalt  }
0x79: {  	_ =	shalt  }
0x7a: {  	_ =	shalt  }
0x7b: {  	_ =	shalt  }
0x7c: {  	_ =	shalt  }
0x7d: {  	_ =	shalt  }
0x7e: {  	_ =	shalt  }
0x7f: {  	_ =	shalt  }
0x80: {  	_ =	shalt  }
0x81: {  	_ =	shalt  }
0x82: {  	_ =	shalt  }
0x83: {  	_ =	shalt  }
0x84: {  	_ =	shalt  }
0x85: {  	_ =	shalt  }
0x86: {  	_ =	shalt  }
0x87: {  	_ =	shalt  }
.Lfunc_end0:
.L_simem_size_0:
called_computation.1_lowered:
.L_overlay_start_0:
0x88: {  	s2 =	sld [smem:$0x3FD9]  }
0x89: {  	s3 =	sld [smem:$0x3FFE];
	_ =	sdelay $0x1  }
0x8a: {  	s1 =	srdreg.scid  }
0x8b: {  	s0 =	sand.u32 $0x1, s1  }
0x8c: {  	s16 =	sshll.u32 s0, $0xA;
	s2 =	sadd.s32 s3, s2  }
0x8d: {  	s2 =	sadd.s32 s2, s16  }
0x8e: {  	[smem:$0x3FBE] =	sst s2  }
0x8f: {  	_ = 	snop  }
0x90: {  	(tm) =	ssettm $0x1  }
0x91: {  	s17 =	sld [smem:$0x3FFB];
	_ =	sdelay $0x3  }
0x92: {  	_ =	strace s17  }
0x93: {  	s2 =	sld [smem:$0x3FFC];
	_ =	sdelay $0x3  }
0x94: {  	_ =	strace s2  }
0x95: {  	s2 =	sld [smem:$0x3FFD];
	_ =	sdelay $0x3  }
0x96: {  	_ =	strace s2  }
0x97: {  	_ =	strace $0x8FFFFFFF  }
0x98: {  	s18 =	sld [smem:$0x3FDB];
	_ =	sdelay $0x1  }
0x99: {  	s19 =	simm.s32 $_scs_section_size  }
0x9a: {  	s4 =	simm.s32 $_size__tile_overlayer_lowered;
	s5 =	simm.s32 $_tile_overlayer_lowered  }
0x9b: {  	s22 =	simm.s32 $0x1BFF;
	s21 =	sshll.u32 s5, $0x1;
	s2 =	sadd.s32 s19, s18  }
0x9c: {  	s6 =	simm.s32 $0x0;
	s20 =	sshll.u32 s4, $0x1;
	s4 =	sadd.s32 s21, s2  }
0x9d: {  	[timem:s6], [sflag:s22] =	dma.local [hbm:s4], s20  }
0x9e: {  	_ =	swait.ge [sflag:s22], s20  }
0x9f: {  	s3 =	ssub.s32 $0x0, s20;
	[sflag:s22] =	ssyncset.done $0x0  }
0xa0: {  	[sflag:s22] =	ssyncadd.s32 s3;
	_ =	sdelay $0x1  }
0xa1: {  	s23 =	simm.s32 $0x1B8B  }
0xa2: {  	_ =	swait.ge [sflag:s23], $0x1  }
0xa3: {  	[sflag:s23] =	ssyncset.done $0x0  }
0xa4: {  	s25 =	simm.s32 $0x1B8E;
	s24 =	sld [smem:$0x3FFE];
	[sflag:s23] =	ssyncadd.s32 $0xFFFFFFFF  }
0xa5: {  	s26 =	simm.s32 $execute0_lowered;
	[smem:$0x3FD2] =	sst s25  }
0xa6: {  	s4 =	sshll.u32 s26, $0x1;
	_ =	strace $0x80000049;
	[dreg:$0x1] =	wrdreg $0xFFFFFFFF  }
0xa7: {  	s28 =	simm.s32 $_size_execute0_lowered;
	s2 =	sadd.s32 s2, s4;
	[dreg:$0x0] =	wrdreg $0x0  }
0xa8: {  	s4 =	sshll.u32 s28, $0x1;
	[dreg:$0x2] =	wrdreg s2  }
0xa9: {  	[dreg:$0x3] =	wrdreg s4  }
0xaa: {  	[dreg:$0x4] =	wrdreg $0xC0  }
0xab: {  	_ =	task [dreg:s6], $0x5FFFF  }
0xac: {  	[dreg:$0x1] =	wrdreg $0xFFFFFFFF  }
0xad: {  	[dreg:$0x0] =	wrdreg $0x60  }
0xae: {  	[dreg:$0x2] =	wrdreg s24  }
0xaf: {  	[dreg:$0x3] =	wrdreg $0x9  }
0xb0: {  	_ =	task.clear_ibuf [dreg:s6], $0x4FFFF;
	_ =	strace $0x90000049  }
0xb1: {  	s29 =	simm.s32 $0x9;
	_ =	strace $0x8000004B  }
0xb2: {  	_ =	swait.ge [sflag:s29], $0x1  }
0xb3: {  	[sflag:s29] =	ssyncadd.s32 $0xFFFFFFFF  }
0xb4: {  	_ =	strace $0x9000004B  }
0xb5: {  	_ =	sfence  }
0xb6: {  	s30 =	sld [smem:$0x0];
	_ =	sdelay $0x2  }
0xb7: {  	s31 =	sshll.u32 s1, $0xD;
	s1 =	sshrl.u32 s1, $0x2  }
0xb8: {  	s3 =	sand.u32 $0x4000, s31;
	s1 =	sadd.s32 s1, s30  }
0xb9: {  	s0 =	sor.u32 s3, s0;
	s1 =	sshll.u32 s1, $0x11  }
0xba: {  	s0 =	sor.u32 s1, s0  }
0xbb: {  	s0 =	sadd.s32 $0x8F2B, s0  }
0xbc: {  	[sflag:s0] =	ssyncadd.remote.s32 $0x1  }
0xbd: {  	_ =	sfence.sel $0xFFFF  }
0xbe: {  	[dreg:$0x0] =	wrdreg $0xFFFFFFFF;
	(pc) =	sbr.abs _section_cstart, $3  }
0xbf: {  	[dreg:$0x1] =	wrdreg $0xFFFFFFFF  }
0xc0: {  	_ =	task.clear_ibuf [dreg:s6], $0x2FFFF;
	_ =	strace $0x9FFFFFFF  }
0xc1: {  	(tm) =	ssettm $0x7FFFFFFF  }
tec
execute0_lowered:
.L_overlay_start_1:
0x0: {  	(tag) =	ssettag $0x1  }
0x1: {  	s0 =	srdreg.scid;
	s5 =	rddreg [dreg:$0x0];
	s2 =	simm.s32 $0x0  }
0x2: {  	s4 =	sand.u32 $0x1, s0;
	s0 =	stileid.u32;
	[smem:$0x7FF] =	sst s2  }
0x3: {  	s13 =	sadd.s32 $0x3000, s5;
	s14 =	sadd.s32 $0x4200, s5;
	s15 =	sadd.s32 $0x5400, s5  }
0x4: {  	s16 =	sadd.s32 $0x6600, s5;
	s1 =	sshll.u32 s4, $0x4;
	s10 =	sshll.u32 s0, $0x7  }
0x5: {  	s4 =	ssub.s32 $0x2, s4;
	s7 =	sor.u32 s0, s1;
	s1 =	rddreg [dreg:$0x1]  }
0x6: {  	_ =	strace $0x8000004A;
	s31 =	sshrl.u32 s4, $0x1;
	s3 =	sshll.u32 s7, $0xA  }
0x7: {  	p0 =	slt.u32 s7, $0x6;
	p2 =	slt.u32 s7, $0xC;
	p1 =	slt.u32 s7, $0x12  }
0x8: {  	p3 =	slt.u32 s7, $0x18;
	s6 =	sadd.s32 $0xFFFFA000, s3;
	s8 =	sadd.s32 $0xFFFFB800, s3  }
0x9: {  	s9 =	sadd.s32 $0xFFFFE800, s3;
	s3 =	sadd.s32 $0xFFFFD000, s3;
	s14 =	smov.u32 @p0 s13  }
0xa: {  	s6 =	sshrl.u32 s6, $0x3;
	s8 =	sshrl.u32 s8, $0x3;
	s9 =	sshrl.u32 s9, $0x3  }
0xb: {  	s3 =	sshrl.u32 s3, $0x3;
	s15 =	smov.u32 @p2 s14;
	s11 =	sadd.s32 s9, s5  }
0xc: {  	s9 =	smov.u32 @p0 s10;
	s12 =	sadd.s32 s3, s5;
	s30 =	sadd.s32 s8, s5  }
0xd: {  	s10 =	sadd.s32 s10, s5;
	s16 =	smov.u32 @p1 s15;
	s3 =	smov.u32 @p2 s9  }
0xe: {  	s11 =	sadd.s32 $0x2200, s11;
	s10 =	sadd.s32 $0x8A00, s10;
	s12 =	sadd.s32 $0x2600, s12  }
0xf: {  	s9 =	sadd.s32 $0x2A00, s30;
	s8 =	smov.u32 @p1 s3;
	s3 =	smov.u32 s6  }
0x10: {  	s11 =	smov.u32 @p0 s10;
	p0 =	sgt.u32 s7, $0x1D;
	s7 =	simm.s32 $0x2  }
.Ltmp0:
0x11: {  	s3 =	smov.u32 @p3 s8;
	s12 =	smov.u32 @p2 s11;
	(pc) =	sbr.rel .LBB2_1-.Ltmp0, $4  }
0x12: {  	s8 =	sadd.s32 s3, s5;
	s3 =	sadd.s32 $0x7800, s5;
	s5 =	sadd.s32 s6, s5  }
0x13: {  	s6 =	ssub.s32 s4, s31;
	s9 =	smov.u32 @p1 s12;
	s4 =	sadd.s32 $0x8E00, s5  }
0x14: {  	s5 =	smax.u32 s6, $0x1;
	s3 =	smov.u32 @p3 s16;
	s6 =	sadd.s32 $0x1E00, s8  }
0x15: {  	s8 =	simm.s32 $0x400;
	s4 =	smov.u32 @p3 s9;
	s9 =	simm.s32 $0x1  }
.LBB2_3:
0x16: {  	s5 =	sadd.s32 $0xFFFFFFFF, s5  }
0x17: {  	p1 =	sne.s32 s5, $0x0  }
.Ltmp1:
0x18: {  	_ = 	snop;
	(pc) =	sbr.rel @!p1 .LBB2_4-.Ltmp1, $1  }
0x19: {  	_ =	sdelay $0x3  }
.LBB2_1:
.Ltmp2:
0x1a: {  	(pc) =	sbr.rel @p0 .LBB2_3-.Ltmp2, $1  }
0x1b: {  	_ =	sdelay $0x3  }
0x1c: {  	[tilespmem:s2], [sflag:$0x2] =	stream.linear.gather [hbm4b:s6+s2], $0x400, $0x38;
	[tilespmem:$0x800] =	vst v63  }
0x1d: {  	_ =	swait.ge [sflag:s7], $0x400  }
0x1e: {  	[sflag:s7] =	ssyncset.done $0x0  }
0x1f: {  	[sflag:s7] =	ssyncadd.s32 $0xFFFFFC00  }
0x20: {  	v0 =	vld [tilespmem:$0x0]  }
0x21: {  	v1 =	vld [tilespmem:$0x10]  }
0x22: {  	v2 =	vld [tilespmem:$0x20]  }
0x23: {  	v3 =	vld [tilespmem:$0x30]  }
0x24: {  	v4 =	vld [tilespmem:$0x40]  }
0x25: {  	v5 =	vld [tilespmem:$0x50];
	vm0 =	vgt.s32 v0, $0x0  }
0x26: {  	v6 =	vld [tilespmem:$0x60];
	vm13 =	vgt.s32 v1, $0x0;
	v0 =	vnsel vm0, $0x0, v0  }
0x27: {  	v7 =	vld [tilespmem:$0x70];
	vm14 =	vgt.s32 v2, $0x0;
	v1 =	vnsel vm13, $0x0, v1;
	v0 =	vmin.u32 v0, $0x8FFF  }
0x28: {  	v52 =	vld [tilespmem:$0x80];
	vm15 =	vgt.s32 v3, $0x0;
	v51 =	vnsel vm14, $0x0, v2;
	v50 =	vmin.u32 v1, $0x8FFF;
	[tilespmem:$0x0] =	vst v0  }
0x29: {  	v55 =	vld [tilespmem:$0x90];
	vm4 =	vgt.s32 v4, $0x0;
	v54 =	vnsel vm15, $0x0, v3;
	v53 =	vmin.u32 v51, $0x8FFF;
	[tilespmem:$0x10] =	vst v50  }
0x2a: {  	v58 =	vld [tilespmem:$0xA0];
	vm5 =	vgt.s32 v5, $0x0;
	v57 =	vnsel vm4, $0x0, v4;
	v56 =	vmin.u32 v54, $0x8FFF;
	[tilespmem:$0x20] =	vst v53  }
0x2b: {  	v61 =	vld [tilespmem:$0xB0];
	vm6 =	vgt.s32 v6, $0x0;
	v60 =	vnsel vm5, $0x0, v5;
	v59 =	vmin.u32 v57, $0x8FFF;
	[tilespmem:$0x30] =	vst v56  }
0x2c: {  	v9 =	vld [tilespmem:$0xC0];
	vm7 =	vgt.s32 v7, $0x0;
	v63 =	vnsel vm6, $0x0, v6;
	v62 =	vmin.u32 v60, $0x8FFF;
	[tilespmem:$0x40] =	vst v59  }
0x2d: {  	v12 =	vld [tilespmem:$0xD0];
	vm8 =	vgt.s32 v52, $0x0;
	v11 =	vnsel vm7, $0x0, v7;
	v10 =	vmin.u32 v63, $0x8FFF;
	[tilespmem:$0x50] =	vst v62  }
0x2e: {  	v15 =	vld [tilespmem:$0xE0];
	vm9 =	vgt.s32 v55, $0x0;
	v14 =	vnsel vm8, $0x0, v52;
	v13 =	vmin.u32 v11, $0x8FFF;
	[tilespmem:$0x60] =	vst v10  }
0x2f: {  	v18 =	vld [tilespmem:$0xF0];
	vm10 =	vgt.s32 v58, $0x0;
	v17 =	vnsel vm9, $0x0, v55;
	v16 =	vmin.u32 v14, $0x8FFF;
	[tilespmem:$0x70] =	vst v13  }
0x30: {  	v21 =	vld [tilespmem:$0x100];
	vm11 =	vgt.s32 v61, $0x0;
	v20 =	vnsel vm10, $0x0, v58;
	v19 =	vmin.u32 v17, $0x8FFF;
	[tilespmem:$0x80] =	vst v16  }
0x31: {  	v24 =	vld [tilespmem:$0x110];
	vm12 =	vgt.s32 v9, $0x0;
	v23 =	vnsel vm11, $0x0, v61;
	v22 =	vmin.u32 v20, $0x8FFF;
	[tilespmem:$0x90] =	vst v19  }
0x32: {  	v27 =	vld [tilespmem:$0x120];
	v26 =	vnsel vm12, $0x0, v9;
	vm13 =	vgt.s32 v12, $0x0;
	v25 =	vmin.u32 v23, $0x8FFF;
	[tilespmem:$0xA0] =	vst v22  }
0x33: {  	v30 =	vld [tilespmem:$0x130];
	vm14 =	vgt.s32 v15, $0x0;
	v28 =	vmin.u32 v26, $0x8FFF;
	v29 =	vnsel vm13, $0x0, v12;
	[tilespmem:$0xB0] =	vst v25  }
0x34: {  	v33 =	vld [tilespmem:$0x140];
	vm15 =	vgt.s32 v18, $0x0;
	v32 =	vnsel vm14, $0x0, v15;
	[tilespmem:$0xC0] =	vst v28;
	v31 =	vmin.u32 v29, $0x8FFF  }
0x35: {  	v36 =	vld [tilespmem:$0x150];
	vm4 =	vgt.s32 v21, $0x0;
	v35 =	vnsel vm15, $0x0, v18;
	v34 =	vmin.u32 v32, $0x8FFF;
	[tilespmem:$0xD0] =	vst v31  }
0x36: {  	v39 =	vld [tilespmem:$0x160];
	vm5 =	vgt.s32 v24, $0x0;
	v38 =	vnsel vm4, $0x0, v21;
	v37 =	vmin.u32 v35, $0x8FFF;
	[tilespmem:$0xE0] =	vst v34  }
0x37: {  	v42 =	vld [tilespmem:$0x170];
	vm6 =	vgt.s32 v27, $0x0;
	v41 =	vnsel vm5, $0x0, v24;
	v40 =	vmin.u32 v38, $0x8FFF;
	[tilespmem:$0xF0] =	vst v37  }
0x38: {  	v45 =	vld [tilespmem:$0x180];
	vm7 =	vgt.s32 v30, $0x0;
	v44 =	vnsel vm6, $0x0, v27;
	v43 =	vmin.u32 v41, $0x8FFF;
	[tilespmem:$0x100] =	vst v40  }
0x39: {  	v48 =	vld [tilespmem:$0x190];
	vm8 =	vgt.s32 v33, $0x0;
	v47 =	vnsel vm7, $0x0, v30;
	v46 =	vmin.u32 v44, $0x8FFF;
	[tilespmem:$0x110] =	vst v43  }
0x3a: {  	vm9 =	vgt.s32 v36, $0x0;
	v51 =	vld [tilespmem:$0x1A0];
	v49 =	vmin.u32 v47, $0x8FFF;
	v50 =	vnsel vm8, $0x0, v33;
	[tilespmem:$0x120] =	vst v46  }
0x3b: {  	vm10 =	vgt.s32 v39, $0x0;
	v54 =	vld [tilespmem:$0x1B0];
	v53 =	vnsel vm9, $0x0, v36;
	[tilespmem:$0x130] =	vst v49;
	v52 =	vmin.u32 v50, $0x8FFF  }
0x3c: {  	vm11 =	vgt.s32 v42, $0x0;
	v57 =	vld [tilespmem:$0x1C0];
	v56 =	vnsel vm10, $0x0, v39;
	v55 =	vmin.u32 v53, $0x8FFF;
	[tilespmem:$0x140] =	vst v52  }
0x3d: {  	vm12 =	vgt.s32 v45, $0x0;
	v60 =	vld [tilespmem:$0x1D0];
	v59 =	vnsel vm11, $0x0, v42;
	v58 =	vmin.u32 v56, $0x8FFF;
	[tilespmem:$0x150] =	vst v55  }
0x3e: {  	vm13 =	vgt.s32 v48, $0x0;
	v63 =	vld [tilespmem:$0x1E0];
	v62 =	vnsel vm12, $0x0, v45;
	v61 =	vmin.u32 v59, $0x8FFF;
	[tilespmem:$0x160] =	vst v58  }
0x3f: {  	v11 =	vld [tilespmem:$0x1F0];
	v10 =	vnsel vm13, $0x0, v48;
	v9 =	vmin.u32 v62, $0x8FFF;
	[tilespmem:$0x170] =	vst v61;
	vm14 =	vgt.s32 v51, $0x0  }
0x40: {  	v14 =	vld [tilespmem:$0x200];
	v12 =	vmin.u32 v10, $0x8FFF;
	[tilespmem:$0x180] =	vst v9;
	vm15 =	vgt.s32 v54, $0x0;
	v13 =	vnsel vm14, $0x0, v51  }
0x41: {  	v17 =	vld [tilespmem:$0x210];
	[tilespmem:$0x190] =	vst v12;
	vm4 =	vgt.s32 v57, $0x0;
	v16 =	vnsel vm15, $0x0, v54;
	v15 =	vmin.u32 v13, $0x8FFF  }
0x42: {  	v20 =	vld [tilespmem:$0x220];
	vm5 =	vgt.s32 v60, $0x0;
	v19 =	vnsel vm4, $0x0, v57;
	v18 =	vmin.u32 v16, $0x8FFF;
	[tilespmem:$0x1A0] =	vst v15  }
0x43: {  	v23 =	vld [tilespmem:$0x230];
	vm6 =	vgt.s32 v63, $0x0;
	v22 =	vnsel vm5, $0x0, v60;
	v21 =	vmin.u32 v19, $0x8FFF;
	[tilespmem:$0x1B0] =	vst v18  }
0x44: {  	v26 =	vld [tilespmem:$0x240];
	vm7 =	vgt.s32 v11, $0x0;
	v25 =	vnsel vm6, $0x0, v63;
	v24 =	vmin.u32 v22, $0x8FFF;
	[tilespmem:$0x1C0] =	vst v21  }
0x45: {  	v29 =	vld [tilespmem:$0x250];
	vm8 =	vgt.s32 v14, $0x0;
	v28 =	vnsel vm7, $0x0, v11;
	v27 =	vmin.u32 v25, $0x8FFF;
	[tilespmem:$0x1D0] =	vst v24  }
0x46: {  	v32 =	vld [tilespmem:$0x260];
	vm9 =	vgt.s32 v17, $0x0;
	v31 =	vnsel vm8, $0x0, v14;
	v30 =	vmin.u32 v28, $0x8FFF;
	[tilespmem:$0x1E0] =	vst v27  }
0x47: {  	v35 =	vld [tilespmem:$0x270];
	vm10 =	vgt.s32 v20, $0x0;
	v34 =	vnsel vm9, $0x0, v17;
	v33 =	vmin.u32 v31, $0x8FFF;
	[tilespmem:$0x1F0] =	vst v30  }
0x48: {  	v38 =	vld [tilespmem:$0x280];
	vm11 =	vgt.s32 v23, $0x0;
	v37 =	vnsel vm10, $0x0, v20;
	v36 =	vmin.u32 v34, $0x8FFF;
	[tilespmem:$0x200] =	vst v33  }
0x49: {  	v41 =	vld [tilespmem:$0x290];
	vm12 =	vgt.s32 v26, $0x0;
	v40 =	vnsel vm11, $0x0, v23;
	v39 =	vmin.u32 v37, $0x8FFF;
	[tilespmem:$0x210] =	vst v36  }
0x4a: {  	v44 =	vld [tilespmem:$0x2A0];
	v43 =	vnsel vm12, $0x0, v26;
	vm13 =	vgt.s32 v29, $0x0;
	v42 =	vmin.u32 v40, $0x8FFF;
	[tilespmem:$0x220] =	vst v39  }
0x4b: {  	v47 =	vld [tilespmem:$0x2B0];
	vm14 =	vgt.s32 v32, $0x0;
	v45 =	vmin.u32 v43, $0x8FFF;
	v46 =	vnsel vm13, $0x0, v29;
	[tilespmem:$0x230] =	vst v42  }
0x4c: {  	v50 =	vld [tilespmem:$0x2C0];
	vm15 =	vgt.s32 v35, $0x0;
	v49 =	vnsel vm14, $0x0, v32;
	[tilespmem:$0x240] =	vst v45;
	v48 =	vmin.u32 v46, $0x8FFF  }
0x4d: {  	v53 =	vld [tilespmem:$0x2D0];
	vm4 =	vgt.s32 v38, $0x0;
	v52 =	vnsel vm15, $0x0, v35;
	v51 =	vmin.u32 v49, $0x8FFF;
	[tilespmem:$0x250] =	vst v48  }
0x4e: {  	v56 =	vld [tilespmem:$0x2E0];
	vm5 =	vgt.s32 v41, $0x0;
	v55 =	vnsel vm4, $0x0, v38;
	v54 =	vmin.u32 v52, $0x8FFF;
	[tilespmem:$0x260] =	vst v51  }
0x4f: {  	v59 =	vld [tilespmem:$0x2F0];
	vm6 =	vgt.s32 v44, $0x0;
	v58 =	vnsel vm5, $0x0, v41;
	v57 =	vmin.u32 v55, $0x8FFF;
	[tilespmem:$0x270] =	vst v54  }
0x50: {  	v62 =	vld [tilespmem:$0x300];
	vm7 =	vgt.s32 v47, $0x0;
	v61 =	vnsel vm6, $0x0, v44;
	v60 =	vmin.u32 v58, $0x8FFF;
	[tilespmem:$0x280] =	vst v57  }
0x51: {  	v10 =	vld [tilespmem:$0x310];
	v9 =	vnsel vm7, $0x0, v47;
	vm8 =	vgt.s32 v50, $0x0;
	v63 =	vmin.u32 v61, $0x8FFF;
	[tilespmem:$0x290] =	vst v60  }
0x52: {  	vm9 =	vgt.s32 v53, $0x0;
	v13 =	vld [tilespmem:$0x320];
	v11 =	vmin.u32 v9, $0x8FFF;
	v12 =	vnsel vm8, $0x0, v50;
	[tilespmem:$0x2A0] =	vst v63  }
0x53: {  	vm10 =	vgt.s32 v56, $0x0;
	v16 =	vld [tilespmem:$0x330];
	v15 =	vnsel vm9, $0x0, v53;
	[tilespmem:$0x2B0] =	vst v11;
	v14 =	vmin.u32 v12, $0x8FFF  }
0x54: {  	vm11 =	vgt.s32 v59, $0x0;
	v19 =	vld [tilespmem:$0x340];
	v18 =	vnsel vm10, $0x0, v56;
	v17 =	vmin.u32 v15, $0x8FFF;
	[tilespmem:$0x2C0] =	vst v14  }
0x55: {  	vm12 =	vgt.s32 v62, $0x0;
	v22 =	vld [tilespmem:$0x350];
	v21 =	vnsel vm11, $0x0, v59;
	v20 =	vmin.u32 v18, $0x8FFF;
	[tilespmem:$0x2D0] =	vst v17  }
0x56: {  	vm13 =	vgt.s32 v10, $0x0;
	v25 =	vld [tilespmem:$0x360];
	v24 =	vnsel vm12, $0x0, v62;
	v23 =	vmin.u32 v21, $0x8FFF;
	[tilespmem:$0x2E0] =	vst v20  }
0x57: {  	v28 =	vld [tilespmem:$0x370];
	v27 =	vnsel vm13, $0x0, v10;
	v26 =	vmin.u32 v24, $0x8FFF;
	[tilespmem:$0x2F0] =	vst v23;
	vm14 =	vgt.s32 v13, $0x0  }
0x58: {  	v31 =	vld [tilespmem:$0x380];
	v29 =	vmin.u32 v27, $0x8FFF;
	[tilespmem:$0x300] =	vst v26;
	vm15 =	vgt.s32 v16, $0x0;
	v30 =	vnsel vm14, $0x0, v13  }
0x59: {  	v34 =	vld [tilespmem:$0x390];
	[tilespmem:$0x310] =	vst v29;
	vm4 =	vgt.s32 v19, $0x0;
	v33 =	vnsel vm15, $0x0, v16;
	v32 =	vmin.u32 v30, $0x8FFF  }
0x5a: {  	v37 =	vld [tilespmem:$0x3A0];
	vm5 =	vgt.s32 v22, $0x0;
	v36 =	vnsel vm4, $0x0, v19;
	v35 =	vmin.u32 v33, $0x8FFF;
	[tilespmem:$0x320] =	vst v32  }
0x5b: {  	v40 =	vld [tilespmem:$0x3B0];
	vm6 =	vgt.s32 v25, $0x0;
	v39 =	vnsel vm5, $0x0, v22;
	v38 =	vmin.u32 v36, $0x8FFF;
	[tilespmem:$0x330] =	vst v35  }
0x5c: {  	v43 =	vld [tilespmem:$0x3C0];
	vm7 =	vgt.s32 v28, $0x0;
	v42 =	vnsel vm6, $0x0, v25;
	v41 =	vmin.u32 v39, $0x8FFF;
	[tilespmem:$0x340] =	vst v38  }
0x5d: {  	v46 =	vld [tilespmem:$0x3D0];
	vm8 =	vgt.s32 v31, $0x0;
	v45 =	vnsel vm7, $0x0, v28;
	v44 =	vmin.u32 v42, $0x8FFF;
	[tilespmem:$0x350] =	vst v41  }
0x5e: {  	v49 =	vld [tilespmem:$0x3E0];
	vm9 =	vgt.s32 v34, $0x0;
	v48 =	vnsel vm8, $0x0, v31;
	v47 =	vmin.u32 v45, $0x8FFF;
	[tilespmem:$0x360] =	vst v44  }
0x5f: {  	v52 =	vld [tilespmem:$0x3F0];
	vm10 =	vgt.s32 v37, $0x0;
	v51 =	vnsel vm9, $0x0, v34;
	v50 =	vmin.u32 v48, $0x8FFF;
	[tilespmem:$0x370] =	vst v47  }
0x60: {  	vm11 =	vgt.s32 v40, $0x0;
	v54 =	vnsel vm10, $0x0, v37;
	v53 =	vmin.u32 v51, $0x8FFF;
	[tilespmem:$0x380] =	vst v50  }
0x61: {  	vm12 =	vgt.s32 v43, $0x0;
	v56 =	vnsel vm11, $0x0, v40;
	v55 =	vmin.u32 v54, $0x8FFF;
	[tilespmem:$0x390] =	vst v53  }
0x62: {  	v58 =	vnsel vm12, $0x0, v43;
	vm13 =	vgt.s32 v46, $0x0;
	v57 =	vmin.u32 v56, $0x8FFF;
	[tilespmem:$0x3A0] =	vst v55  }
0x63: {  	vm14 =	vgt.s32 v49, $0x0;
	v59 =	vmin.u32 v58, $0x8FFF;
	v60 =	vnsel vm13, $0x0, v46;
	[tilespmem:$0x3B0] =	vst v57  }
0x64: {  	vm15 =	vgt.s32 v52, $0x0;
	v62 =	vnsel vm14, $0x0, v49;
	[tilespmem:$0x3C0] =	vst v59;
	v61 =	vmin.u32 v60, $0x8FFF  }
0x65: {  	v63 =	vnsel vm15, $0x0, v52;
	v1 =	vmin.u32 v62, $0x8FFF;
	[tilespmem:$0x3D0] =	vst v61  }
0x66: {  	v0 =	vmin.u32 v63, $0x8FFF;
	[tilespmem:$0x3E0] =	vst v1  }
0x67: {  	[tilespmem:$0x3F0] =	vst v0  }
0x68: {  	[tilespmem:s8], [sflag:$0x1] =	stream.indirect.gather [hbm4b:s3+s8], $0x1, s2, s8, $0xb8;
	[tilespmem:$0x800] =	vst v63  }
0x69: {  	_ =	swait.ge [sflag:s9], $0x400  }
0x6a: {  	[sflag:s9] =	ssyncset.done $0x0  }
.Ltmp3:
0x6b: {  	[sflag:s9] =	ssyncadd.s32 $0xFFFFFC00;
	(pc) =	sbr.rel .LBB2_3-.Ltmp3, $4  }
0x6c: {  	[hbm4b:s4+s2] =	stream.linear.scatter [tilespmem:s8], [sflag:$0x2], $0x400, $0x38;
	[tilespmem:$0x800] =	vst v63  }
0x6d: {  	_ =	swait.ge [sflag:s7], $0x400  }
0x6e: {  	[sflag:s7] =	ssyncset.done $0x0  }
0x6f: {  	[sflag:s7] =	ssyncadd.s32 $0xFFFFFC00  }
.LBB2_4:
0x70: {  	_ =	sfence.sel $0x180000  }
0x71: {  	[bflag:$0x0] =	sbarrier.arrive $0xFFFF  }
0x72: {  	p0 =	sne.s32 s0, $0x0;
	_ =	strace $0x9000004A  }
0x73: {  	s0 =	sadd.s32 @!p0 $0x100000, s1;
	[bflag:$0x2] =	sbarrier.arrive $0xFFFF  }
0x74: {  	[sflag:s0] =	ssyncadd.tile.s32 @!p0 $0x1;
	_ =	shalt  }
.Lfunc_end2:
_tile_overlayer_lowered:
.L_overlay_start_2:
0x75: {  	(tag) =	ssettag $0x2  }
0x76: {  	s0 =	rddreg [dreg:$0x0];
	s2 =	stileid.u32  }
0x77: {  	s1 =	rddreg [dreg:$0x1];
	p0 =	sne.s32 s2, $0x0  }
0x78: {  	s3 =	rddreg [dreg:$0x2];
	[bflag:$0x3] =	sbarrier.arrive $0xFFFF;
	s2 =	simm.s32 @!p0 $0x1C02  }
0x79: {  	[timem:s3], [sflag:s2] =	dma.local @!p0 [hbm:s0], s1  }
0x7a: {  	s0 =	simm.s32 @!p0 $0x2  }
0x7b: {  	_ =	swait.ge @!p0 [sflag:s0], s1  }
0x7c: {  	s1 =	ssub.s32 @!p0 $0x0, s1;
	[sflag:s0] =	ssyncset.done @!p0 $0x0  }
0x7d: {  	[sflag:s0] =	ssyncadd.s32 @!p0 s1  }
0x7e: {  	[bflag:$0x3] =	sbarrier.arrive $0xFFFF  }
0x7f: {  	_ =	shalt  }

// kernel: kernel.7.cloned.1.call-start
scs
__scs_entry_jumppad:
0x0: {  	(pc) =	sbr.rel $0x88, $3  }
0x1: {  	(tag) =	ssettag $0x0;
	lr =	simm.s32 $0x1  }
0x2: {  	[smem:$0x3F97] =	sst lr;
	_ =	strace $0xD0000000  }
0x3: {  	_ = 	snop  }
0x4: {  	_ = 	snop  }
0x5: {  	_ = 	snop  }
0x6: {  	_ = 	snop  }
0x7: {  	_ = 	snop  }
__scs_overlays_trampoline_lowered:
0x8: {  	[smem:$0x3FA6] =	sst s0  }
0x9: {  	[smem:$0x3FA7] =	sst s1  }
0xa: {  	[smem:$0x3FA8] =	sst s2  }
0xb: {  	[smem:$0x3FA9] =	sst s3  }
0xc: {  	[smem:$0x3FAA] =	sst s4  }
0xd: {  	[smem:$0x3FAB] =	sst s5  }
0xe: {  	[smem:$0x3FAC] =	sst s6  }
0xf: {  	[smem:$0x3FAD] =	sst s7  }
0x10: {  	[smem:$0x3FAE] =	sst s8  }
0x11: {  	[smem:$0x3FAF] =	sst s9;
	s0 =	simm.s32 @!p0 $0x0  }
0x12: {  	s1 =	sld [smem:$0x3F95];
	s0 =	simm.s32 @p0 $0x1  }
0x13: {  	[smem:$0x3FB0] =	sst s0;
	s0 =	simm.s32 @!p1 $0x0  }
0x14: {  	s2 =	sld [smem:$0x3F94];
	s0 =	simm.s32 @p1 $0x1  }
0x15: {  	[smem:$0x3FB1] =	sst s0;
	s0 =	simm.s32 @!p2 $0x0  }
0x16: {  	s3 =	sld [smem:$0x3FDB];
	s0 =	simm.s32 @p2 $0x1  }
0x17: {  	s4 =	simm.s32 $0x1BF5;
	[smem:$0x3FB3] =	sst s0  }
0x18: {  	s0 =	sld [smem:$0x3F96];
	_ =	swait.ge [sflag:s4], $0x0  }
0x19: {  	s7 =	sld [smem:$0x3F97]  }
0x1a: {  	s8 =	sadd.s32 $0xFFFFE003, lr  }
0x1b: {  	s9 =	sadd.s32 $0xFFFFFEF7, lr;
	s5 =	simm.s32 $0xFFFFFFFF;
	p2 =	slt.u32 s8, $0xFFFFF086  }
0x1c: {  	p1 =	slt.u32 s9, $0xF7A;
	s5 =	simm.s32 @!p2 $0x0  }
0x1d: {  	s5 =	simm.s32 @p1 $0x1;
	p0 =	seq.s32 s7, s2  }
0x1e: {  	s7 =	smul.u32 @!p0 $0xF7A, s2;
	p2 =	seq.s32 @!p0 s5, $0x0  }
0x1f: {  	s9 =	smul.u32 $0xF7A, s1;
	s8 =	simm.s32 @!p0 $0x1BF5;
	p2 =	por !p2, p0  }
0x20: {  	[sflag:s8] =	ssyncset.s32 @!p0 $0xFFFFF086;
	s6 =	sadd.s32 @!p0 s3, s7;
	s7 =	simm.s32 @!p0 $0x108  }
0x21: {  	s3 =	sadd.s32 s3, s9;
	s6 =	sadd.s32 @!p0 $0x88, s6;
	s7 =	simm.s32 @p2 $0x1082  }
0x22: {  	[simem:s7], [sflag:s8] =	dma.local @!p0 [hbm:s6], $0xF7A  }
0x23: {  	s9 =	sor.u32 $0xD0000000, s2;
	s6 =	simm.s32 $0x108;
	_ =	swait.ge @!p0 [sflag:s8], $0x0  }
0x24: {  	s3 =	sadd.s32 $0x88, s3;
	s6 =	simm.s32 @!p1 $0x1082;
	[sflag:s4] =	ssyncset.s32 $0xFFFFF086  }
0x25: {  	[simem:s6], [sflag:s4] =	dma.local [hbm:s3], $0xF7A  }
0x26: {  	[smem:$0x3F97] =	sst s1;
	(tag) =	ssettag s2;
	_ =	strace s9  }
0x27: {  	s1 =	sld [smem:$0x3FA7]  }
0x28: {  	s2 =	sld [smem:$0x3FA8]  }
0x29: {  	s4 =	sld [smem:$0x3FAA]  }
0x2a: {  	p0 =	seq.s32 s5, $0x0;
	s5 =	sld [smem:$0x3FAB]  }
0x2b: {  	s6 =	sld [smem:$0x3FAC]  }
0x2c: {  	s7 =	sld [smem:$0x3FAD]  }
0x2d: {  	s3 =	simm.s32 $0x108;
	s8 =	sld [smem:$0x3FAE]  }
0x2e: {  	s3 =	simm.s32 @!p0 $0x1082;
	s9 =	sld [smem:$0x3FAF]  }
0x2f: {  	lr =	sadd.s32 s0, s3;
	s0 =	sld [smem:$0x3FA6]  }
0x30: {  	s3 =	sld [smem:$0x3FA9]  }
0x31: {  	[smem:$0x3FB2] =	sst s10  }
0x32: {  	s10 =	sld [smem:$0x3FB0];
	_ =	sdelay $0x3  }
0x33: {  	p0 =	seq.s32 s10, $0x1;
	s10 =	sld [smem:$0x3FB2];
	_ =	sdelay $0x3  }
0x34: {  	[smem:$0x3FB2] =	sst s10  }
0x35: {  	s10 =	sld [smem:$0x3FB1];
	_ =	sdelay $0x3  }
0x36: {  	p1 =	seq.s32 s10, $0x1;
	s10 =	sld [smem:$0x3FB2];
	_ =	sdelay $0x3  }
0x37: {  	[smem:$0x3FB2] =	sst s10  }
0x38: {  	s10 =	sld [smem:$0x3FB3]  }
0x39: {  	_ = 	snop;
	(pc) =	sbr.ind lr, $3  }
0x3a: {  	_ = 	snop  }
0x3b: {  	_ = 	snop  }
0x3c: {  	p2 =	seq.s32 s10, $0x1;
	s10 =	sld [smem:$0x3FB2]  }
0x3d: {  	_ =	shalt  }
0x3e: {  	_ =	shalt  }
0x3f: {  	_ =	shalt  }
0x40: {  	_ =	shalt  }
0x41: {  	_ =	shalt  }
0x42: {  	_ =	shalt  }
0x43: {  	_ =	shalt  }
0x44: {  	_ =	shalt  }
0x45: {  	_ =	shalt  }
0x46: {  	_ =	shalt  }
0x47: {  	_ =	shalt  }
0x48: {  	_ =	shalt  }
0x49: {  	_ =	shalt  }
0x4a: {  	_ =	shalt  }
0x4b: {  	_ =	shalt  }
0x4c: {  	_ =	shalt  }
0x4d: {  	_ =	shalt  }
0x4e: {  	_ =	shalt  }
0x4f: {  	_ =	shalt  }
0x50: {  	_ =	shalt  }
0x51: {  	_ =	shalt  }
0x52: {  	_ =	shalt  }
0x53: {  	_ =	shalt  }
0x54: {  	_ =	shalt  }
0x55: {  	_ =	shalt  }
0x56: {  	_ =	shalt  }
0x57: {  	_ =	shalt  }
0x58: {  	_ =	shalt  }
0x59: {  	_ =	shalt  }
0x5a: {  	_ =	shalt  }
0x5b: {  	_ =	shalt  }
0x5c: {  	_ =	shalt  }
0x5d: {  	_ =	shalt  }
0x5e: {  	_ =	shalt  }
0x5f: {  	_ =	shalt  }
0x60: {  	_ =	shalt  }
0x61: {  	_ =	shalt  }
0x62: {  	_ =	shalt  }
0x63: {  	_ =	shalt  }
0x64: {  	_ =	shalt  }
0x65: {  	_ =	shalt  }
0x66: {  	_ =	shalt  }
0x67: {  	_ =	shalt  }
0x68: {  	_ =	shalt  }
0x69: {  	_ =	shalt  }
0x6a: {  	_ =	shalt  }
0x6b: {  	_ =	shalt  }
0x6c: {  	_ =	shalt  }
0x6d: {  	_ =	shalt  }
0x6e: {  	_ =	shalt  }
0x6f: {  	_ =	shalt  }
0x70: {  	_ =	shalt  }
0x71: {  	_ =	shalt  }
0x72: {  	_ =	shalt  }
0x73: {  	_ =	shalt  }
0x74: {  	_ =	shalt  }
0x75: {  	_ =	shalt  }
0x76: {  	_ =	shalt  }
0x77: {  	_ =	shalt  }
0x78: {  	_ =	shalt  }
0x79: {  	_ =	shalt  }
0x7a: {  	_ =	shalt  }
0x7b: {  	_ =	shalt  }
0x7c: {  	_ =	shalt  }
0x7d: {  	_ =	shalt  }
0x7e: {  	_ =	shalt  }
0x7f: {  	_ =	shalt  }
0x80: {  	_ =	shalt  }
0x81: {  	_ =	shalt  }
0x82: {  	_ =	shalt  }
0x83: {  	_ =	shalt  }
0x84: {  	_ =	shalt  }
0x85: {  	_ =	shalt  }
0x86: {  	_ =	shalt  }
0x87: {  	_ =	shalt  }
.Lfunc_end0:
.L_simem_size_0:
called_computation_lowered:
.L_overlay_start_0:
0x88: {  	s2 =	sld [smem:$0x3FD9]  }
0x89: {  	s3 =	sld [smem:$0x3FFE];
	_ =	sdelay $0x1  }
0x8a: {  	s1 =	srdreg.scid  }
0x8b: {  	s0 =	sand.u32 $0x1, s1  }
0x8c: {  	s14 =	sshll.u32 s0, $0xA;
	s2 =	sadd.s32 s3, s2  }
0x8d: {  	s2 =	sadd.s32 s2, s14  }
0x8e: {  	[smem:$0x3FBE] =	sst s2  }
0x8f: {  	_ = 	snop  }
0x90: {  	s2 =	sld [smem:$0x3FD0];
	_ =	sdelay $0x2  }
0x91: {  	s15 =	simm.s32 $0xA;
	s4 =	simm.s32 $0x10  }
0x92: {  	[smem:s4], [sflag:s15] =	dma.local [hbm:s2], $0x1  }
0x93: {  	_ =	swait.eq [sflag:s15], $0x1  }
0x94: {  	[sflag:s15] =	ssyncset.done $0x0  }
0x95: {  	s16 =	sld [smem:$0x12];
	[sflag:s15] =	ssyncadd.s32 $0xFFFFFFFF  }
0x96: {  	s17 =	sld [smem:$0x13];
	(tm) =	ssettm $0x1  }
0x97: {  	s18 =	sld [smem:$0x3FFB];
	_ =	sdelay $0x3  }
0x98: {  	_ =	strace s18  }
0x99: {  	s4 =	sld [smem:$0x3FFC];
	_ =	sdelay $0x3  }
0x9a: {  	_ =	strace s4  }
0x9b: {  	s4 =	sld [smem:$0x3FFD];
	_ =	sdelay $0x3  }
0x9c: {  	_ =	strace s4  }
0x9d: {  	_ =	strace $0x8FFFFFFF  }
0x9e: {  	s19 =	sld [smem:$0x3FDB];
	_ =	sdelay $0x1  }
0x9f: {  	s5 =	simm.s32 $_scs_section_size  }
0xa0: {  	s6 =	simm.s32 $_size__tile_overlayer_lowered;
	s7 =	simm.s32 $_tile_overlayer_lowered  }
0xa1: {  	s22 =	simm.s32 $0x1BFF;
	s21 =	sshll.u32 s7, $0x1;
	s4 =	sadd.s32 s5, s19  }
0xa2: {  	s8 =	simm.s32 $0x0;
	s20 =	sshll.u32 s6, $0x1;
	s6 =	sadd.s32 s21, s4  }
0xa3: {  	[timem:s8], [sflag:s22] =	dma.local [hbm:s6], s20  }
0xa4: {  	_ =	swait.ge [sflag:s22], s20  }
0xa5: {  	s5 =	ssub.s32 $0x0, s20;
	[sflag:s22] =	ssyncset.done $0x0  }
0xa6: {  	[sflag:s22] =	ssyncadd.s32 s5;
	_ =	sdelay $0x1  }
0xa7: {  	s23 =	simm.s32 $0x1B8B  }
0xa8: {  	_ =	swait.ge [sflag:s23], $0x1  }
0xa9: {  	[sflag:s23] =	ssyncset.done $0x0  }
0xaa: {  	s25 =	simm.s32 $0x1B8E;
	s24 =	sld [smem:$0x3FFE];
	[sflag:s23] =	ssyncadd.s32 $0xFFFFFFFF  }
0xab: {  	s26 =	simm.s32 $execute0_lowered;
	[smem:$0x3FD2] =	sst s25  }
0xac: {  	s6 =	sshll.u32 s26, $0x1;
	_ =	strace $0x80000046;
	[dreg:$0x1] =	wrdreg $0xFFFFFFFF  }
0xad: {  	s28 =	simm.s32 $_size_execute0_lowered;
	s4 =	sadd.s32 s4, s6;
	[dreg:$0x0] =	wrdreg $0x0  }
0xae: {  	s6 =	sshll.u32 s28, $0x1;
	[dreg:$0x2] =	wrdreg s4  }
0xaf: {  	[dreg:$0x3] =	wrdreg s6  }
0xb0: {  	[dreg:$0x4] =	wrdreg $0xC0  }
0xb1: {  	_ =	task [dreg:s8], $0x5FFFF  }
0xb2: {  	[dreg:$0x1] =	wrdreg $0xFFFFFFFF  }
0xb3: {  	[dreg:$0x0] =	wrdreg $0x60  }
0xb4: {  	[dreg:$0x2] =	wrdreg s16  }
0xb5: {  	[dreg:$0x3] =	wrdreg s24  }
0xb6: {  	[dreg:$0x4] =	wrdreg s17  }
0xb7: {  	[dreg:$0x5] =	wrdreg $0x9  }
0xb8: {  	_ =	task.clear_ibuf [dreg:s8], $0x6FFFF;
	_ =	strace $0x90000046  }
0xb9: {  	s29 =	simm.s32 $0x9;
	_ =	strace $0x80000048  }
0xba: {  	_ =	swait.ge [sflag:s29], $0x1  }
0xbb: {  	[sflag:s29] =	ssyncadd.s32 $0xFFFFFFFF  }
0xbc: {  	_ =	strace $0x90000048  }
0xbd: {  	_ =	sfence  }
0xbe: {  	s30 =	sld [smem:$0x0];
	_ =	sdelay $0x2  }
0xbf: {  	s31 =	sshll.u32 s1, $0xD;
	s1 =	sshrl.u32 s1, $0x2  }
0xc0: {  	s3 =	sand.u32 $0x4000, s31;
	s1 =	sadd.s32 s1, s30  }
0xc1: {  	s0 =	sor.u32 s3, s0;
	s1 =	sshll.u32 s1, $0x11  }
0xc2: {  	s0 =	sor.u32 s1, s0  }
0xc3: {  	s0 =	sadd.s32 $0x8F2B, s0  }
0xc4: {  	[sflag:s0] =	ssyncadd.remote.s32 $0x1  }
0xc5: {  	_ =	sfence.sel $0xFFFF  }
0xc6: {  	[dreg:$0x0] =	wrdreg $0xFFFFFFFF;
	(pc) =	sbr.abs _section_cstart, $3  }
0xc7: {  	[dreg:$0x1] =	wrdreg $0xFFFFFFFF  }
0xc8: {  	_ =	task.clear_ibuf [dreg:s8], $0x2FFFF;
	_ =	strace $0x9FFFFFFF  }
0xc9: {  	(tm) =	ssettm $0x7FFFFFFF  }
tec
execute0_lowered:
.L_overlay_start_1:
0x0: {  	(tag) =	ssettag $0x1  }
0x1: {  	s1 =	srdreg.scid  }
0x2: {  	s3 =	sand.u32 $0x1, s1  }
0x3: {  	s8 =	stileid.u32;
	s6 =	sshll.u32 s3, $0x4  }
0x4: {  	s6 =	sor.u32 s8, s6  }
0x5: {  	p0 =	sgt.u32 s6, $0x11  }
.Ltmp0:
0x6: {  	s0 =	rddreg [dreg:$0x0];
	(pc) =	sbr.rel @p0 .LBB2_7-.Ltmp0, $4  }
0x7: {  	s5 =	rddreg [dreg:$0x1]  }
0x8: {  	s2 =	rddreg [dreg:$0x2];
	s4 =	simm.s32 $0x0  }
0x9: {  	[smem:$0x7FF] =	sst s4  }
0xa: {  	s7 =	rddreg [dreg:$0x3];
	_ =	strace $0x80000047  }
0xb: {  	s6 =	sshll.u32 s6, $0x8;
	s20 =	simm.s32 $0x880  }
0xc: {  	s3 =	ssub.s32 $0x2, s3;
	s21 =	simm.s32 $0x100;
	s23 =	simm.s32 $0x900  }
0xd: {  	s24 =	simm.s32 $0x180;
	s25 =	simm.s32 $0x980;
	s16 =	simm.s32 $0x2  }
0xe: {  	s26 =	simm.s32 $0x200;
	s19 =	simm.s32 $0x800;
	s9 =	simm.s32 $0x300  }
0xf: {  	s10 =	simm.s32 $0xB00;
	s11 =	simm.s32 $0x380;
	s12 =	simm.s32 $0xB80  }
0x10: {  	s13 =	simm.s32 $0x400;
	s14 =	simm.s32 $0xC00;
	s15 =	simm.s32 $0x480  }
0x11: {  	s17 =	simm.s32 $0xC80;
	s18 =	simm.s32 $0x500;
	s28 =	simm.s32 $0x700  }
0x12: {  	s29 =	simm.s32 $0xF00;
	s30 =	simm.s32 $0x780;
	[dreg:$0x6] =	wrdreg s20  }
0x13: {  	p0 =	por $0x0, $0x0;
	s22 =	sshrl.u32 s3, $0x1;
	[dreg:$0x7] =	wrdreg s21  }
0x14: {  	s31 =	simm.s32 $0xF80;
	[dreg:$0x8] =	wrdreg s23;
	s3 =	ssub.s32 s3, s22  }
0x15: {  	s5 =	sadd.s32 s6, s5;
	[dreg:$0x9] =	wrdreg s24;
	s3 =	smax.u32 s3, $0x1  }
0x16: {  	s0 =	sadd.s32 s0, s6;
	[dreg:$0xa] =	wrdreg s25;
	p1 =	sne.s32 s3, $0x1  }
.Ltmp1:
0x17: {  	[dreg:$0xb] =	wrdreg s26;
	s20 =	simm.s32 $0xD00;
	(pc) =	sbr.rel @!p1 .LBB2_6-.Ltmp1, $4  }
0x18: {  	s21 =	simm.s32 $0x580;
	s23 =	simm.s32 $0x600;
	s24 =	simm.s32 $0xE00  }
0x19: {  	s25 =	simm.s32 $0x680;
	s5 =	sadd.s32 $0x1E00, s5;
	[dreg:$0x5] =	wrdreg s0  }
0x1a: {  	s26 =	simm.s32 $0xE80;
	s22 =	simm.s32 $0xD80;
	[dreg:$0x4] =	wrdreg s5  }
0x1b: {  	s5 =	simm.s32 $0x80;
	s0 =	sadd.s32 $0xFFFFFFFF, s3;
	s3 =	simm.s32 $0x1  }
0x1c: {  	s1 =	rddreg [dreg:$0x5]  }
0x1d: {  	[tilespmem:s4], [sflag:$0x2] =	stream.linear.gather [hbm4b:s1+s4], $0x800, $0x38;
	[tilespmem:$0x1000] =	vst v63  }
0x1e: {  	_ =	swait.ge [sflag:s16], $0x800  }
0x1f: {  	[sflag:s16] =	ssyncset.done $0x0  }
0x20: {  	s7 =	rddreg [dreg:$0x4];
	[sflag:s16] =	ssyncadd.s32 $0xFFFFF800  }
0x21: {  	[tilespmem:s19], [sflag:$0x2] =	stream.linear.gather [hbm4b:s7+s4], $0x800, $0x38;
	[tilespmem:$0x1000] =	vst v63  }
0x22: {  	_ =	swait.ge [sflag:s16], $0x800  }
0x23: {  	s8 =	rddreg [dreg:$0x7]  }
0x24: {  	s7 =	smov.u32 s0;
	s0 =	rddreg [dreg:$0x6]  }
0x25: {  	[sflag:s16] =	ssyncset.done $0x0;
	s1 =	rddreg [dreg:$0x8]  }
0x26: {  	s6 =	rddreg [dreg:$0xa];
	[sflag:s16] =	ssyncadd.s32 $0xFFFFF800  }
0x27: {  	[hbm4b:s2+s5] =	stream.indirect.scatter [tilespmem:s19], [sflag:$0x1], $0x1, s4, s5, $0xb8;
	[tilespmem:$0x1000] =	vst v63  }
0x28: {  	[dreg:$0xc] =	wrdreg s6  }
0x29: {  	[hbm4b:s2+s5] =	stream.indirect.scatter [tilespmem:s0], [sflag:$0x1], $0x1, s5, s5, $0xb8;
	[tilespmem:$0x1000] =	vst v63  }
0x2a: {  	s6 =	rddreg [dreg:$0xc]  }
0x2b: {  	[hbm4b:s2+s5] =	stream.indirect.scatter [tilespmem:s1], [sflag:$0x1], $0x1, s8, s5, $0xb8;
	[tilespmem:$0x1000] =	vst v63  }
0x2c: {  	s0 =	rddreg [dreg:$0x9]  }
0x2d: {  	[hbm4b:s2+s5] =	stream.indirect.scatter [tilespmem:s6], [sflag:$0x1], $0x1, s0, s5, $0xb8;
	[tilespmem:$0x1000] =	vst v63  }
0x2e: {  	s1 =	rddreg [dreg:$0xb];
	s8 =	simm.s32 $0xA00  }
0x2f: {  	[hbm4b:s2+s5] =	stream.indirect.scatter [tilespmem:s8], [sflag:$0x1], $0x1, s1, s5, $0xb8;
	[tilespmem:$0x1000] =	vst v63  }
0x30: {  	s6 =	simm.s32 $0x280;
	s8 =	simm.s32 $0xA80  }
0x31: {  	[hbm4b:s2+s5] =	stream.indirect.scatter [tilespmem:s8], [sflag:$0x1], $0x1, s6, s5, $0xb8;
	[tilespmem:$0x1000] =	vst v63  }
0x32: {  	_ = 	snop  }
0x33: {  	[hbm4b:s2+s5] =	stream.indirect.scatter [tilespmem:s10], [sflag:$0x1], $0x1, s9, s5, $0xb8;
	[tilespmem:$0x1000] =	vst v63  }
0x34: {  	_ = 	snop  }
0x35: {  	[hbm4b:s2+s5] =	stream.indirect.scatter [tilespmem:s12], [sflag:$0x1], $0x1, s11, s5, $0xb8;
	[tilespmem:$0x1000] =	vst v63  }
0x36: {  	_ = 	snop  }
0x37: {  	[hbm4b:s2+s5] =	stream.indirect.scatter [tilespmem:s14], [sflag:$0x1], $0x1, s13, s5, $0xb8;
	[tilespmem:$0x1000] =	vst v63  }
0x38: {  	_ = 	snop  }
0x39: {  	[hbm4b:s2+s5] =	stream.indirect.scatter [tilespmem:s17], [sflag:$0x1], $0x1, s15, s5, $0xb8;
	[tilespmem:$0x1000] =	vst v63  }
0x3a: {  	_ = 	snop  }
0x3b: {  	[hbm4b:s2+s5] =	stream.indirect.scatter [tilespmem:s20], [sflag:$0x1], $0x1, s18, s5, $0xb8;
	[tilespmem:$0x1000] =	vst v63  }
0x3c: {  	_ = 	snop  }
0x3d: {  	[hbm4b:s2+s5] =	stream.indirect.scatter [tilespmem:s22], [sflag:$0x1], $0x1, s21, s5, $0xb8;
	[tilespmem:$0x1000] =	vst v63  }
0x3e: {  	_ = 	snop  }
0x3f: {  	[hbm4b:s2+s5] =	stream.indirect.scatter [tilespmem:s24], [sflag:$0x1], $0x1, s23, s5, $0xb8;
	[tilespmem:$0x1000] =	vst v63  }
0x40: {  	_ = 	snop  }
0x41: {  	[hbm4b:s2+s5] =	stream.indirect.scatter [tilespmem:s26], [sflag:$0x1], $0x1, s25, s5, $0xb8;
	[tilespmem:$0x1000] =	vst v63  }
0x42: {  	_ = 	snop  }
0x43: {  	[hbm4b:s2+s5] =	stream.indirect.scatter [tilespmem:s29], [sflag:$0x1], $0x1, s28, s5, $0xb8;
	[tilespmem:$0x1000] =	vst v63  }
0x44: {  	_ = 	snop  }
0x45: {  	[hbm4b:s2+s5] =	stream.indirect.scatter [tilespmem:s31], [sflag:$0x1], $0x1, s30, s5, $0xb8;
	[tilespmem:$0x1000] =	vst v63  }
0x46: {  	_ =	swait.ge [sflag:s3], $0x80  }
0x47: {  	[sflag:s3] =	ssyncset.done $0x0  }
0x48: {  	[sflag:s3] =	ssyncadd.s32 $0xFFFFFF80  }
0x49: {  	_ =	swait.ge [sflag:s3], $0x80  }
0x4a: {  	[sflag:s3] =	ssyncset.done $0x0  }
0x4b: {  	[sflag:s3] =	ssyncadd.s32 $0xFFFFFF80  }
0x4c: {  	_ =	swait.ge [sflag:s3], $0x80  }
0x4d: {  	[sflag:s3] =	ssyncset.done $0x0  }
0x4e: {  	[sflag:s3] =	ssyncadd.s32 $0xFFFFFF80  }
0x4f: {  	_ =	swait.ge [sflag:s3], $0x80  }
0x50: {  	[sflag:s3] =	ssyncset.done $0x0  }
0x51: {  	[sflag:s3] =	ssyncadd.s32 $0xFFFFFF80  }
0x52: {  	_ =	swait.ge [sflag:s3], $0x80  }
0x53: {  	[sflag:s3] =	ssyncset.done $0x0  }
0x54: {  	[sflag:s3] =	ssyncadd.s32 $0xFFFFFF80  }
0x55: {  	_ =	swait.ge [sflag:s3], $0x80  }
0x56: {  	[sflag:s3] =	ssyncset.done $0x0  }
0x57: {  	[sflag:s3] =	ssyncadd.s32 $0xFFFFFF80  }
0x58: {  	_ =	swait.ge [sflag:s3], $0x80  }
0x59: {  	[sflag:s3] =	ssyncset.done $0x0  }
0x5a: {  	[sflag:s3] =	ssyncadd.s32 $0xFFFFFF80  }
0x5b: {  	_ =	swait.ge [sflag:s3], $0x80  }
0x5c: {  	[sflag:s3] =	ssyncset.done $0x0  }
0x5d: {  	[sflag:s3] =	ssyncadd.s32 $0xFFFFFF80  }
0x5e: {  	_ =	swait.ge [sflag:s3], $0x80  }
0x5f: {  	[sflag:s3] =	ssyncset.done $0x0  }
0x60: {  	[sflag:s3] =	ssyncadd.s32 $0xFFFFFF80  }
0x61: {  	_ =	swait.ge [sflag:s3], $0x80  }
0x62: {  	[sflag:s3] =	ssyncset.done $0x0  }
0x63: {  	[sflag:s3] =	ssyncadd.s32 $0xFFFFFF80  }
0x64: {  	_ =	swait.ge [sflag:s3], $0x80  }
0x65: {  	[sflag:s3] =	ssyncset.done $0x0  }
0x66: {  	[sflag:s3] =	ssyncadd.s32 $0xFFFFFF80  }
0x67: {  	_ =	swait.ge [sflag:s3], $0x80  }
0x68: {  	[sflag:s3] =	ssyncset.done $0x0  }
0x69: {  	[sflag:s3] =	ssyncadd.s32 $0xFFFFFF80  }
0x6a: {  	_ =	swait.ge [sflag:s3], $0x80  }
0x6b: {  	[sflag:s3] =	ssyncset.done $0x0  }
0x6c: {  	[sflag:s3] =	ssyncadd.s32 $0xFFFFFF80  }
0x6d: {  	p1 =	sne.s32 s7, $0x1;
	_ =	swait.ge [sflag:s3], $0x80  }
.Ltmp2:
0x6e: {  	[sflag:s3] =	ssyncset.done $0x0;
	(pc) =	sbr.rel @!p1 .LBB2_3-.Ltmp2, $4  }
0x6f: {  	[sflag:s3] =	ssyncadd.s32 $0xFFFFFF80  }
0x70: {  	_ =	swait.ge [sflag:s3], $0x80  }
0x71: {  	[sflag:s3] =	ssyncset.done $0x0  }
0x72: {  	p0 =	por $0x1, $0x1;
	s0 =	sadd.s32 $0xFFFFFFFF, s7;
	[sflag:s3] =	ssyncadd.s32 $0xFFFFFF80  }
.LBB2_4:
0x73: {  	_ =	swait.ge [sflag:s3], $0x80  }
0x74: {  	[sflag:s3] =	ssyncset.done $0x0  }
0x75: {  	s1 =	rddreg [dreg:$0x5];
	[sflag:s3] =	ssyncadd.s32 $0xFFFFFF80  }
0x76: {  	[tilespmem:s4], [sflag:$0x2] =	stream.linear.gather [hbm4b:s1+s4], $0x800, $0x38;
	[tilespmem:$0x1000] =	vst v63  }
0x77: {  	_ =	swait.ge [sflag:s16], $0x800  }
0x78: {  	[sflag:s16] =	ssyncset.done $0x0  }
0x79: {  	s6 =	rddreg [dreg:$0x4];
	[sflag:s16] =	ssyncadd.s32 $0xFFFFF800  }
0x7a: {  	[tilespmem:s19], [sflag:$0x2] =	stream.linear.gather [hbm4b:s6+s4], $0x800, $0x38;
	[tilespmem:$0x1000] =	vst v63  }
0x7b: {  	_ =	swait.ge [sflag:s16], $0x800  }
0x7c: {  	s1 =	rddreg [dreg:$0x7];
	[sflag:s16] =	ssyncset.done $0x0  }
0x7d: {  	s6 =	rddreg [dreg:$0x6];
	[sflag:s16] =	ssyncadd.s32 $0xFFFFF800  }
0x7e: {  	[hbm4b:s2+s5] =	stream.indirect.scatter [tilespmem:s19], [sflag:$0x1], $0x1, s4, s5, $0xb8;
	[tilespmem:$0x1000] =	vst v63  }
0x7f: {  	s7 =	rddreg [dreg:$0x8]  }
0x80: {  	[hbm4b:s2+s5] =	stream.indirect.scatter [tilespmem:s6], [sflag:$0x1], $0x1, s5, s5, $0xb8;
	[tilespmem:$0x1000] =	vst v63  }
0x81: {  	s8 =	rddreg [dreg:$0xa]  }
0x82: {  	[hbm4b:s2+s5] =	stream.indirect.scatter [tilespmem:s7], [sflag:$0x1], $0x1, s1, s5, $0xb8;
	[tilespmem:$0x1000] =	vst v63  }
0x83: {  	s6 =	rddreg [dreg:$0x9]  }
0x84: {  	[hbm4b:s2+s5] =	stream.indirect.scatter [tilespmem:s8], [sflag:$0x1], $0x1, s6, s5, $0xb8;
	[tilespmem:$0x1000] =	vst v63  }
0x85: {  	s7 =	rddreg [dreg:$0xb];
	s8 =	simm.s32 $0xA00  }
0x86: {  	[hbm4b:s2+s5] =	stream.indirect.scatter [tilespmem:s8], [sflag:$0x1], $0x1, s7, s5, $0xb8;
	[tilespmem:$0x1000] =	vst v63  }
0x87: {  	s7 =	simm.s32 $0x280;
	s8 =	simm.s32 $0xA80  }
0x88: {  	[hbm4b:s2+s5] =	stream.indirect.scatter [tilespmem:s8], [sflag:$0x1], $0x1, s7, s5, $0xb8;
	[tilespmem:$0x1000] =	vst v63  }
0x89: {  	_ = 	snop  }
0x8a: {  	[hbm4b:s2+s5] =	stream.indirect.scatter [tilespmem:s10], [sflag:$0x1], $0x1, s9, s5, $0xb8;
	[tilespmem:$0x1000] =	vst v63  }
0x8b: {  	_ = 	snop  }
0x8c: {  	[hbm4b:s2+s5] =	stream.indirect.scatter [tilespmem:s12], [sflag:$0x1], $0x1, s11, s5, $0xb8;
	[tilespmem:$0x1000] =	vst v63  }
0x8d: {  	_ = 	snop  }
0x8e: {  	[hbm4b:s2+s5] =	stream.indirect.scatter [tilespmem:s14], [sflag:$0x1], $0x1, s13, s5, $0xb8;
	[tilespmem:$0x1000] =	vst v63  }
0x8f: {  	_ = 	snop  }
0x90: {  	[hbm4b:s2+s5] =	stream.indirect.scatter [tilespmem:s17], [sflag:$0x1], $0x1, s15, s5, $0xb8;
	[tilespmem:$0x1000] =	vst v63  }
0x91: {  	_ = 	snop  }
0x92: {  	[hbm4b:s2+s5] =	stream.indirect.scatter [tilespmem:s20], [sflag:$0x1], $0x1, s18, s5, $0xb8;
	[tilespmem:$0x1000] =	vst v63  }
0x93: {  	_ = 	snop  }
0x94: {  	[hbm4b:s2+s5] =	stream.indirect.scatter [tilespmem:s22], [sflag:$0x1], $0x1, s21, s5, $0xb8;
	[tilespmem:$0x1000] =	vst v63  }
0x95: {  	_ = 	snop  }
0x96: {  	[hbm4b:s2+s5] =	stream.indirect.scatter [tilespmem:s24], [sflag:$0x1], $0x1, s23, s5, $0xb8;
	[tilespmem:$0x1000] =	vst v63  }
0x97: {  	_ = 	snop  }
0x98: {  	[hbm4b:s2+s5] =	stream.indirect.scatter [tilespmem:s26], [sflag:$0x1], $0x1, s25, s5, $0xb8;
	[tilespmem:$0x1000] =	vst v63  }
0x99: {  	_ = 	snop  }
0x9a: {  	[hbm4b:s2+s5] =	stream.indirect.scatter [tilespmem:s29], [sflag:$0x1], $0x1, s28, s5, $0xb8;
	[tilespmem:$0x1000] =	vst v63  }
0x9b: {  	_ = 	snop  }
0x9c: {  	[hbm4b:s2+s5] =	stream.indirect.scatter [tilespmem:s31], [sflag:$0x1], $0x1, s30, s5, $0xb8;
	[tilespmem:$0x1000] =	vst v63  }
0x9d: {  	_ =	swait.ge [sflag:s3], $0x80  }
0x9e: {  	[sflag:s3] =	ssyncset.done $0x0  }
0x9f: {  	[sflag:s3] =	ssyncadd.s32 $0xFFFFFF80  }
0xa0: {  	_ =	swait.ge [sflag:s3], $0x80  }
0xa1: {  	[sflag:s3] =	ssyncset.done $0x0  }
0xa2: {  	[sflag:s3] =	ssyncadd.s32 $0xFFFFFF80  }
0xa3: {  	_ =	swait.ge [sflag:s3], $0x80  }
0xa4: {  	[sflag:s3] =	ssyncset.done $0x0  }
0xa5: {  	[sflag:s3] =	ssyncadd.s32 $0xFFFFFF80  }
0xa6: {  	_ =	swait.ge [sflag:s3], $0x80  }
0xa7: {  	[sflag:s3] =	ssyncset.done $0x0  }
0xa8: {  	[sflag:s3] =	ssyncadd.s32 $0xFFFFFF80  }
0xa9: {  	_ =	swait.ge [sflag:s3], $0x80  }
0xaa: {  	[sflag:s3] =	ssyncset.done $0x0  }
0xab: {  	[sflag:s3] =	ssyncadd.s32 $0xFFFFFF80  }
0xac: {  	_ =	swait.ge [sflag:s3], $0x80  }
0xad: {  	[sflag:s3] =	ssyncset.done $0x0  }
0xae: {  	[sflag:s3] =	ssyncadd.s32 $0xFFFFFF80  }
0xaf: {  	_ =	swait.ge [sflag:s3], $0x80  }
0xb0: {  	[sflag:s3] =	ssyncset.done $0x0  }
0xb1: {  	[sflag:s3] =	ssyncadd.s32 $0xFFFFFF80  }
0xb2: {  	_ =	swait.ge [sflag:s3], $0x80  }
0xb3: {  	[sflag:s3] =	ssyncset.done $0x0  }
0xb4: {  	[sflag:s3] =	ssyncadd.s32 $0xFFFFFF80  }
0xb5: {  	_ =	swait.ge [sflag:s3], $0x80  }
0xb6: {  	[sflag:s3] =	ssyncset.done $0x0  }
0xb7: {  	[sflag:s3] =	ssyncadd.s32 $0xFFFFFF80  }
0xb8: {  	_ =	swait.ge [sflag:s3], $0x80  }
0xb9: {  	[sflag:s3] =	ssyncset.done $0x0  }
0xba: {  	[sflag:s3] =	ssyncadd.s32 $0xFFFFFF80  }
0xbb: {  	_ =	swait.ge [sflag:s3], $0x80  }
0xbc: {  	[sflag:s3] =	ssyncset.done $0x0  }
0xbd: {  	[sflag:s3] =	ssyncadd.s32 $0xFFFFFF80  }
0xbe: {  	_ =	swait.ge [sflag:s3], $0x80  }
0xbf: {  	[sflag:s3] =	ssyncset.done $0x0  }
0xc0: {  	[sflag:s3] =	ssyncadd.s32 $0xFFFFFF80  }
0xc1: {  	_ =	swait.ge [sflag:s3], $0x80  }
0xc2: {  	[sflag:s3] =	ssyncset.done $0x0  }
0xc3: {  	[sflag:s3] =	ssyncadd.s32 $0xFFFFFF80  }
0xc4: {  	p1 =	sne.s32 s0, $0x1;
	_ =	swait.ge [sflag:s3], $0x80  }
.Ltmp3:
0xc5: {  	[sflag:s3] =	ssyncset.done $0x0;
	(pc) =	sbr.rel @p1 .LBB2_4-.Ltmp3, $4  }
0xc6: {  	[sflag:s3] =	ssyncadd.s32 $0xFFFFFF80  }
0xc7: {  	_ =	swait.ge [sflag:s3], $0x80  }
0xc8: {  	[sflag:s3] =	ssyncset.done $0x0  }
0xc9: {  	s0 =	sadd.s32 $0xFFFFFFFF, s0;
	[sflag:s3] =	ssyncadd.s32 $0xFFFFFF80  }
0xca: {  	s7 =	rddreg [dreg:$0x3];
	s8 =	stileid.u32  }
.LBB2_6:
0xcb: {  	_ =	swait.ge @p0 [sflag:s3], $0x80  }
0xcc: {  	[sflag:s3] =	ssyncset.done @p0 $0x0  }
0xcd: {  	s0 =	rddreg [dreg:$0x5];
	[sflag:s3] =	ssyncadd.s32 @p0 $0xFFFFFF80  }
0xce: {  	[tilespmem:s4], [sflag:$0x2] =	stream.linear.gather [hbm4b:s0+s4], $0x800, $0x38;
	[tilespmem:$0x1000] =	vst v63  }
0xcf: {  	_ =	swait.ge [sflag:s16], $0x800  }
0xd0: {  	[sflag:s16] =	ssyncset.done $0x0  }
0xd1: {  	s6 =	rddreg [dreg:$0x4];
	[sflag:s16] =	ssyncadd.s32 $0xFFFFF800  }
0xd2: {  	[tilespmem:s19], [sflag:$0x2] =	stream.linear.gather [hbm4b:s6+s4], $0x800, $0x38;
	[tilespmem:$0x1000] =	vst v63  }
0xd3: {  	_ =	swait.ge [sflag:s16], $0x800  }
0xd4: {  	[sflag:s16] =	ssyncset.done $0x0;
	s1 =	rddreg [dreg:$0x6]  }
0xd5: {  	s6 =	rddreg [dreg:$0x9];
	[sflag:s16] =	ssyncadd.s32 $0xFFFFF800  }
0xd6: {  	[hbm4b:s2+s5] =	stream.indirect.scatter [tilespmem:s19], [sflag:$0x1], $0x1, s4, s5, $0xb8;
	[tilespmem:$0x1000] =	vst v63  }
0xd7: {  	s4 =	rddreg [dreg:$0x7]  }
0xd8: {  	[hbm4b:s2+s5] =	stream.indirect.scatter [tilespmem:s1], [sflag:$0x1], $0x1, s5, s5, $0xb8;
	[tilespmem:$0x1000] =	vst v63  }
0xd9: {  	s1 =	rddreg [dreg:$0x8]  }
0xda: {  	[hbm4b:s2+s5] =	stream.indirect.scatter [tilespmem:s1], [sflag:$0x1], $0x1, s4, s5, $0xb8;
	[tilespmem:$0x1000] =	vst v63  }
0xdb: {  	s16 =	rddreg [dreg:$0xa]  }
0xdc: {  	[hbm4b:s2+s5] =	stream.indirect.scatter [tilespmem:s16], [sflag:$0x1], $0x1, s6, s5, $0xb8;
	[tilespmem:$0x1000] =	vst v63  }
0xdd: {  	s19 =	simm.s32 $0xA00;
	s1 =	rddreg [dreg:$0xb]  }
0xde: {  	[hbm4b:s2+s5] =	stream.indirect.scatter [tilespmem:s19], [sflag:$0x1], $0x1, s1, s5, $0xb8;
	[tilespmem:$0x1000] =	vst v63  }
0xdf: {  	s16 =	simm.s32 $0x280;
	s19 =	simm.s32 $0xA80  }
0xe0: {  	[hbm4b:s2+s5] =	stream.indirect.scatter [tilespmem:s19], [sflag:$0x1], $0x1, s16, s5, $0xb8;
	[tilespmem:$0x1000] =	vst v63  }
0xe1: {  	_ = 	snop  }
0xe2: {  	[hbm4b:s2+s5] =	stream.indirect.scatter [tilespmem:s10], [sflag:$0x1], $0x1, s9, s5, $0xb8;
	[tilespmem:$0x1000] =	vst v63  }
0xe3: {  	_ = 	snop  }
0xe4: {  	[hbm4b:s2+s5] =	stream.indirect.scatter [tilespmem:s12], [sflag:$0x1], $0x1, s11, s5, $0xb8;
	[tilespmem:$0x1000] =	vst v63  }
0xe5: {  	_ = 	snop  }
0xe6: {  	[hbm4b:s2+s5] =	stream.indirect.scatter [tilespmem:s14], [sflag:$0x1], $0x1, s13, s5, $0xb8;
	[tilespmem:$0x1000] =	vst v63  }
0xe7: {  	_ = 	snop  }
0xe8: {  	[hbm4b:s2+s5] =	stream.indirect.scatter [tilespmem:s17], [sflag:$0x1], $0x1, s15, s5, $0xb8;
	[tilespmem:$0x1000] =	vst v63  }
0xe9: {  	_ = 	snop  }
0xea: {  	[hbm4b:s2+s5] =	stream.indirect.scatter [tilespmem:s20], [sflag:$0x1], $0x1, s18, s5, $0xb8;
	[tilespmem:$0x1000] =	vst v63  }
0xeb: {  	_ = 	snop  }
0xec: {  	[hbm4b:s2+s5] =	stream.indirect.scatter [tilespmem:s22], [sflag:$0x1], $0x1, s21, s5, $0xb8;
	[tilespmem:$0x1000] =	vst v63  }
0xed: {  	_ = 	snop  }
0xee: {  	[hbm4b:s2+s5] =	stream.indirect.scatter [tilespmem:s24], [sflag:$0x1], $0x1, s23, s5, $0xb8;
	[tilespmem:$0x1000] =	vst v63  }
0xef: {  	_ = 	snop  }
0xf0: {  	[hbm4b:s2+s5] =	stream.indirect.scatter [tilespmem:s26], [sflag:$0x1], $0x1, s25, s5, $0xb8;
	[tilespmem:$0x1000] =	vst v63  }
0xf1: {  	_ = 	snop  }
0xf2: {  	[hbm4b:s2+s5] =	stream.indirect.scatter [tilespmem:s29], [sflag:$0x1], $0x1, s28, s5, $0xb8;
	[tilespmem:$0x1000] =	vst v63  }
0xf3: {  	_ = 	snop  }
0xf4: {  	[hbm4b:s2+s5] =	stream.indirect.scatter [tilespmem:s31], [sflag:$0x1], $0x1, s30, s5, $0xb8;
	[tilespmem:$0x1000] =	vst v63  }
0xf5: {  	_ =	swait.ge [sflag:s3], $0x80  }
0xf6: {  	[sflag:s3] =	ssyncset.done $0x0  }
0xf7: {  	[sflag:s3] =	ssyncadd.s32 $0xFFFFFF80  }
0xf8: {  	_ =	swait.ge [sflag:s3], $0x80  }
0xf9: {  	[sflag:s3] =	ssyncset.done $0x0  }
0xfa: {  	[sflag:s3] =	ssyncadd.s32 $0xFFFFFF80  }
0xfb: {  	_ =	swait.ge [sflag:s3], $0x80  }
0xfc: {  	[sflag:s3] =	ssyncset.done $0x0  }
0xfd: {  	[sflag:s3] =	ssyncadd.s32 $0xFFFFFF80  }
0xfe: {  	_ =	swait.ge [sflag:s3], $0x80  }
0xff: {  	[sflag:s3] =	ssyncset.done $0x0  }
0x100: {  	[sflag:s3] =	ssyncadd.s32 $0xFFFFFF80  }
0x101: {  	_ =	swait.ge [sflag:s3], $0x80  }
0x102: {  	[sflag:s3] =	ssyncset.done $0x0  }
0x103: {  	[sflag:s3] =	ssyncadd.s32 $0xFFFFFF80  }
0x104: {  	_ =	swait.ge [sflag:s3], $0x80  }
0x105: {  	[sflag:s3] =	ssyncset.done $0x0  }
0x106: {  	[sflag:s3] =	ssyncadd.s32 $0xFFFFFF80  }
0x107: {  	_ =	swait.ge [sflag:s3], $0x80  }
0x108: {  	[sflag:s3] =	ssyncset.done $0x0  }
0x109: {  	[sflag:s3] =	ssyncadd.s32 $0xFFFFFF80  }
0x10a: {  	_ =	swait.ge [sflag:s3], $0x80  }
0x10b: {  	[sflag:s3] =	ssyncset.done $0x0  }
0x10c: {  	[sflag:s3] =	ssyncadd.s32 $0xFFFFFF80  }
0x10d: {  	_ =	swait.ge [sflag:s3], $0x80  }
0x10e: {  	[sflag:s3] =	ssyncset.done $0x0  }
0x10f: {  	[sflag:s3] =	ssyncadd.s32 $0xFFFFFF80  }
0x110: {  	_ =	swait.ge [sflag:s3], $0x80  }
0x111: {  	[sflag:s3] =	ssyncset.done $0x0  }
0x112: {  	[sflag:s3] =	ssyncadd.s32 $0xFFFFFF80  }
0x113: {  	_ =	swait.ge [sflag:s3], $0x80  }
0x114: {  	[sflag:s3] =	ssyncset.done $0x0  }
0x115: {  	[sflag:s3] =	ssyncadd.s32 $0xFFFFFF80  }
0x116: {  	_ =	swait.ge [sflag:s3], $0x80  }
0x117: {  	[sflag:s3] =	ssyncset.done $0x0  }
0x118: {  	[sflag:s3] =	ssyncadd.s32 $0xFFFFFF80  }
0x119: {  	_ =	swait.ge [sflag:s3], $0x80  }
0x11a: {  	[sflag:s3] =	ssyncset.done $0x0  }
0x11b: {  	[sflag:s3] =	ssyncadd.s32 $0xFFFFFF80  }
0x11c: {  	_ =	swait.ge [sflag:s3], $0x80  }
0x11d: {  	[sflag:s3] =	ssyncset.done $0x0  }
0x11e: {  	[sflag:s3] =	ssyncadd.s32 $0xFFFFFF80  }
0x11f: {  	_ =	swait.ge [sflag:s3], $0x80  }
0x120: {  	[sflag:s3] =	ssyncset.done $0x0  }
0x121: {  	[sflag:s3] =	ssyncadd.s32 $0xFFFFFF80  }
0x122: {  	_ =	swait.ge [sflag:s3], $0x80  }
0x123: {  	[sflag:s3] =	ssyncset.done $0x0  }
0x124: {  	[sflag:s3] =	ssyncadd.s32 $0xFFFFFF80  }
.LBB2_7:
0x125: {  	_ =	sfence.sel $0x180000  }
0x126: {  	[bflag:$0x0] =	sbarrier.arrive $0xFFFF  }
0x127: {  	p0 =	sne.s32 s8, $0x0;
	_ =	strace $0x90000047  }
0x128: {  	s0 =	sadd.s32 @!p0 $0x100000, s7;
	[bflag:$0x2] =	sbarrier.arrive $0xFFFF  }
0x129: {  	[sflag:s0] =	ssyncadd.tile.s32 @!p0 $0x1;
	_ =	shalt  }
.LBB2_3:
.Ltmp4:
0x12a: {  	(pc) =	sbr.rel .LBB2_6-.Ltmp4, $2  }
0x12b: {  	_ =	sdelay $0x2  }
0x12c: {  	s7 =	rddreg [dreg:$0x3];
	s8 =	stileid.u32  }
.Lfunc_end2:
_tile_overlayer_lowered:
.L_overlay_start_2:
0x12d: {  	(tag) =	ssettag $0x2  }
0x12e: {  	s0 =	rddreg [dreg:$0x0];
	s2 =	stileid.u32  }
0x12f: {  	s1 =	rddreg [dreg:$0x1];
	p0 =	sne.s32 s2, $0x0  }
0x130: {  	s3 =	rddreg [dreg:$0x2];
	[bflag:$0x3] =	sbarrier.arrive $0xFFFF;
	s2 =	simm.s32 @!p0 $0x1C02  }
0x131: {  	[timem:s3], [sflag:s2] =	dma.local @!p0 [hbm:s0], s1  }
0x132: {  	s0 =	simm.s32 @!p0 $0x2  }
0x133: {  	_ =	swait.ge @!p0 [sflag:s0], s1  }
0x134: {  	s1 =	ssub.s32 @!p0 $0x0, s1;
	[sflag:s0] =	ssyncset.done @!p0 $0x0  }
0x135: {  	[sflag:s0] =	ssyncadd.s32 @!p0 s1  }
0x136: {  	[bflag:$0x3] =	sbarrier.arrive $0xFFFF  }
0x137: {  	_ =	shalt  }

</sc_bundles>
